<compile_context>
chip_gen: v7x
topology: tpu7x:2x2x1
jax: 0.10.2.dev20260603
libtpu: 0.0.44.dev20260713+nightly
codegen_flags: <defaults>
</compile_context>

<pallas_src>
import dataclasses
import functools

import jax
import jax.numpy as jnp
from jax import lax
from jax.experimental import pallas as pl
from jax.experimental.pallas import tpu as pltpu
from jax.experimental.pallas import tpu_sc as plsc

N = 10000
E = 320000
NC = 2
NS = 16
NW = NC * NS
K = 128
C = 80
EPT = C * K
TOT = NW * EPT
RPT = 632
NR = NS * RPT
_ZCH = [64] * 9 + [56]

def _mesh():
    return plsc.VectorSubcoreMesh(core_axis_name="c", subcore_axis_name="s")


def _no_layout_params():
    cp = pltpu.CompilerParams()
    if "needs_layout_passes" in pltpu.CompilerParams.__dataclass_fields__:
        cp = dataclasses.replace(cp, needs_layout_passes=False)
    return cp


def _deg_pass(srcp, dstp):

    @functools.partial(
        pl.kernel,
        out_type=(jax.ShapeDtypeStruct((NW * NR,), jnp.float32),
                  jax.ShapeDtypeStruct((NW * NR,), jnp.float32)),
        mesh=_mesh(),
        compiler_params=_no_layout_params(),
        scratch_types=[
            pltpu.VMEM((C, K), jnp.int32),
            pltpu.VMEM((C, K), jnp.int32),
            pltpu.VMEM((NR,), jnp.float32),
            pltpu.VMEM((NR,), jnp.float32),
        ],
    )
    def k(srcp_hbm, dstp_hbm, dego_hbm, degi_hbm,
          src_v, dst_v, do_v, di_v):
        core = lax.axis_index("c")
        sub = lax.axis_index("s")
        w = core * NS + sub
        pltpu.sync_copy(srcp_hbm.at[w], src_v)
        pltpu.sync_copy(dstp_hbm.at[w], dst_v)

        zeros16 = jnp.zeros((16,), jnp.float32)

        @pl.loop(0, NR, step=16)
        def _(r):
            do_v[pl.ds(r, 16)] = zeros16
            di_v[pl.ds(r, 16)] = zeros16

        ones16 = jnp.ones((16,), jnp.float32)

        @pl.loop(0, C)
        def _(j):
            for cc in range(K // 16):
                plsc.addupdate_scatter(
                    do_v, [src_v[j, pl.ds(cc * 16, 16)]], ones16)
                plsc.addupdate_scatter(
                    di_v, [dst_v[j, pl.ds(cc * 16, 16)]], ones16)

        pltpu.sync_copy(do_v, dego_hbm.at[pl.ds(w * NR, NR)])
        pltpu.sync_copy(di_v, degi_hbm.at[pl.ds(w * NR, NR)])

    return k(srcp, dstp)


K2 = 64
C2 = 160


def _agg_pass(table, srcp, dstp2, d, nb=4):

    @functools.partial(
        pl.kernel,
        out_type=jax.ShapeDtypeStruct((NC, NR, d), jnp.float32),
        mesh=_mesh(),
        scratch_types=[
            pltpu.VMEM((C, K), jnp.int32),
            pltpu.VMEM((nb, K2), jnp.int32),
        ] + [pltpu.VMEM((K2, d), jnp.float32)] * nb
          + [pltpu.VMEM_SHARED((NR, d), jnp.float32)]
          + [pltpu.SemaphoreType.DMA] * (3 * nb),
    )
    def k(table_hbm, srcp_hbm, dstp2_hbm, out_hbm, src_v, dslot, *rest):
        bufs = rest[:nb]
        acc_sh = rest[nb]
        gs = rest[nb + 1:2 * nb + 1]
        isem = rest[2 * nb + 1:3 * nb + 1]
        ss = rest[3 * nb + 1:4 * nb + 1]
        core = lax.axis_index("c")
        sub = lax.axis_index("s")
        w = core * NS + sub

        def sidx(j):
            return src_v.at[j // 2, pl.ds((j % 2) * K2, K2)]

        @pl.loop(0, K2)
        def _(r):
            for cc in range(d // 16):
                bufs[0][r, pl.ds(cc * 16, 16)] = jnp.zeros((16,), jnp.float32)

        r0 = sub * RPT
        off = 0
        for ch in _ZCH:
            pltpu.sync_copy(bufs[0].at[pl.ds(0, ch)],
                            acc_sh.at[pl.ds(r0 + off, ch)])
            off += ch
        plsc.subcore_barrier()

        pltpu.sync_copy(srcp_hbm.at[w], src_v)
        for b in range(nb):
            pltpu.async_copy(dstp2_hbm.at[w, b], dslot.at[b], isem[b])
            pltpu.async_copy(table_hbm.at[sidx(b)], bufs[b], gs[b])

        @pl.loop(0, C2 // nb - 1)
        def _(i):
            base = i * nb
            for b in range(nb):
                j = base + b
                pltpu.make_async_copy(
                    table_hbm.at[sidx(j)], bufs[b], gs[b]).wait()
                pltpu.make_async_copy(
                    dstp2_hbm.at[w, j], dslot.at[b], isem[b]).wait()
                pltpu.async_copy(bufs[b], acc_sh.at[dslot.at[b]], ss[b],
                                 add=True)
            for b in range(nb):
                j = base + b
                pltpu.make_async_copy(
                    bufs[b], acc_sh.at[dslot.at[b]], ss[b]).wait()
                pltpu.async_copy(dstp2_hbm.at[w, j + nb], dslot.at[b],
                                 isem[b])
                pltpu.async_copy(table_hbm.at[sidx(j + nb)], bufs[b], gs[b])

        for b in range(nb):
            j = C2 - nb + b
            pltpu.make_async_copy(
                table_hbm.at[sidx(j)], bufs[b], gs[b]).wait()
            pltpu.make_async_copy(
                dstp2_hbm.at[w, j], dslot.at[b], isem[b]).wait()
            pltpu.async_copy(bufs[b], acc_sh.at[dslot.at[b]], ss[b],
                             add=True)
        for b in range(nb):
            pltpu.make_async_copy(
                bufs[b], acc_sh.at[dslot.at[b]], ss[b]).wait()

        plsc.subcore_barrier()
        pltpu.sync_copy(acc_sh.at[pl.ds(r0, RPT)],
                        out_hbm.at[core, pl.ds(r0, RPT)])

    return k(table, srcp, dstp2)


def _scale_pass(x, dego, degi):

    def body(x_ref, do_ref, di_ref, xs_ref, ns_ref, nd_ref):
        do = jnp.sum(do_ref[...], axis=1, keepdims=True)
        di = jnp.sum(di_ref[...], axis=1, keepdims=True)
        ns = jnp.where(do > 0, lax.rsqrt(jnp.maximum(do, 1.0)), 0.0)
        nd = jnp.where(di > 0, lax.rsqrt(jnp.maximum(di, 1.0)), 0.0)
        ns_ref[...] = ns
        nd_ref[...] = nd
        xs_ref[...] = x_ref[...] * ns

    return pl.pallas_call(
        body,
        out_shape=(jax.ShapeDtypeStruct((N, 128), jnp.float32),
                   jax.ShapeDtypeStruct((N, 1), jnp.float32),
                   jax.ShapeDtypeStruct((N, 1), jnp.float32)),
    )(x, dego, degi)


_RB = 2000


def _mm_pass(aggp, nd, ns, w1, b1, w2):

    def body(ap_ref, nd_ref, ns_ref, w1_ref, b1_ref, w2_ref, o_ref):
        a = (ap_ref[0] + ap_ref[1]) * nd_ref[...]
        h = jnp.dot(a, w1_ref[...], preferred_element_type=jnp.float32)
        h = jnp.maximum(h + b1_ref[...], 0.0) * ns_ref[...]
        o_ref[...] = jnp.dot(h, w2_ref[...], preferred_element_type=jnp.float32)

    return pl.pallas_call(
        body,
        grid=(N // _RB,),
        in_specs=[
            pl.BlockSpec((2, _RB, 128), lambda i: (0, i, 0)),
            pl.BlockSpec((_RB, 1), lambda i: (i, 0)),
            pl.BlockSpec((_RB, 1), lambda i: (i, 0)),
            pl.BlockSpec((128, 256), lambda i: (0, 0)),
            pl.BlockSpec((1, 256), lambda i: (0, 0)),
            pl.BlockSpec((256, 64), lambda i: (0, 0)),
        ],
        out_specs=pl.BlockSpec((_RB, 64), lambda i: (i, 0)),
        out_shape=jax.ShapeDtypeStruct((N, 64), jnp.float32),
    )(aggp, nd, ns, w1, b1, w2)


def _final_pass(aggp2, nd, b2):
    def body(ap_ref, nd_ref, b2_ref, o_ref):
        o_ref[...] = jnp.maximum(
            (ap_ref[0] + ap_ref[1]) * nd_ref[...] + b2_ref[...], 0.0)

    return pl.pallas_call(
        body,
        out_shape=jax.ShapeDtypeStruct((N, 64), jnp.float32),
    )(aggp2, nd, b2)


def kernel(x, edge_index, W1, b1, W2, b2):
    src = edge_index[0].astype(jnp.int32)
    dst = edge_index[1].astype(jnp.int32)
    pad_src = jnp.full((TOT - E,), N, jnp.int32)
    pad_dst = N + (jnp.arange(TOT - E, dtype=jnp.int32) % (NR - N))
    srcp = jnp.concatenate([src, pad_src]).reshape(NW, C, K)
    dstp = jnp.concatenate([dst, pad_dst]).reshape(NW, C, K)

    degof, degif = _deg_pass(srcp, dstp)
    dego = degof.reshape(NW, NR)[:, :N].T
    degi = degif.reshape(NW, NR)[:, :N].T
    xs, ns, nd = _scale_pass(x, dego, degi)

    dstp2 = dstp.reshape(NW, C2, K2)
    zero128 = jnp.zeros((1, 128), jnp.float32)
    aggp1 = _agg_pass(jnp.concatenate([xs, zero128], axis=0),
                      srcp, dstp2, 128)[:, :N]
    m2 = _mm_pass(aggp1, nd, ns, W1, jnp.reshape(b1, (1, 256)), W2)
    m2p = jnp.concatenate(
        [m2, jnp.zeros((N, 64), jnp.float32)], axis=1)
    m2p = jnp.concatenate([m2p, jnp.zeros((1, 128), jnp.float32)], axis=0)
    aggp2 = _agg_pass(m2p, srcp, dstp2, 128)[:, :N, :64]
    return _final_pass(aggp2, nd, jnp.reshape(b2, (1, 64)))

# --- scband reference (transcript-rebuilt; emitter-appended) ---
"""Pipeline reference for scband-gcn-55757265437056 (READ-ONLY COPY).

The authoritative reference and input builder live on the scoring server;
editing this copy changes nothing except your own understanding.
"""

import jax, jax.numpy as jnp
import numpy as np

N_NODES = 10000
N_EDGES = 320000
IN_FEATS = 128
H_FEATS = 256
NUM_CLASSES = 64


def setup_inputs(seed: int = 0) -> dict:
    key = jax.random.key(seed)
    k1, k2, k3, k4, k5, k6 = jax.random.split(key, 6)
    x = jax.random.normal(k1, (N_NODES, IN_FEATS), dtype=jnp.float32)
    edge_index = jax.random.randint(k2, (2, N_EDGES), 0, N_NODES, dtype=jnp.int64)
    # GraphConv layer 1 params (Glorot init like DGL)
    s1 = (6.0 / (IN_FEATS + H_FEATS)) ** 0.5
    W1 = jax.random.uniform(k3, (IN_FEATS, H_FEATS), dtype=jnp.float32, minval=-s1, maxval=s1)
    b1 = jnp.zeros((H_FEATS,), dtype=jnp.float32)
    # GraphConv layer 2 params
    s2 = (6.0 / (H_FEATS + NUM_CLASSES)) ** 0.5
    W2 = jax.random.uniform(k4, (H_FEATS, NUM_CLASSES), dtype=jnp.float32, minval=-s2, maxval=s2)
    b2 = jnp.zeros((NUM_CLASSES,), dtype=jnp.float32)
    return {"x": x, "edge_index": edge_index, "W1": W1, "b1": b1, "W2": W2, "b2": b2}


def _graph_conv(x, W, b, src, dst, n_nodes):
    # DGL GraphConv with norm='both':
    # out = D_in^{-1/2} * A^T * (D_out^{-1/2} * (X W)) + b
    ones = jnp.ones((src.shape[0],), dtype=jnp.float32)
    deg_out = jnp.zeros((n_nodes,), dtype=jnp.float32).at[src].add(ones)
    deg_in = jnp.zeros((n_nodes,), dtype=jnp.float32).at[dst].add(ones)
    norm_src = jnp.where(deg_out > 0, jax.lax.rsqrt(jnp.maximum(deg_out, 1.0)), 0.0)
    norm_dst = jnp.where(deg_in > 0, jax.lax.rsqrt(jnp.maximum(deg_in, 1.0)), 0.0)
    h = x @ W                                   # dense compute
    msg = h[src] * norm_src[src][:, None]        # gather + scale
    agg = jnp.zeros((n_nodes, h.shape[1]), dtype=h.dtype).at[dst].add(msg)  # scatter-add
    return agg * norm_dst[:, None] + b


def reference(x, edge_index, W1, b1, W2, b2):
    src = edge_index[0]
    dst = edge_index[1]
    n = x.shape[0]
    h = _graph_conv(x, W1, b1, src, dst, n)
    h = jax.nn.relu(h)
    # dropout is identity in eval mode
    h = _graph_conv(h, W2, b2, src, dst, n)
    h = jax.nn.relu(h)
    return h

if __name__ == "__main__":
    import jax
    _d = setup_inputs()
    print(jax.jit(kernel)(*tuple(_d.values())))

</pallas_src>

<mosaic_0001>
#map = affine_map<(d0, d1) -> (0, 0)>
#map1 = affine_map<(d0, d1) -> (0, 0, 0)>
module attributes {stable_mosaic.version = 14 : i64} {
  func.func @k(%arg0: i32, %arg1: i32, %arg2: memref<10001x128xf32, #tpu.memory_space<hbm>>, %arg3: memref<32x80x128xi32, #tpu.memory_space<hbm>>, %arg4: memref<32x160x64xi32, #tpu.memory_space<hbm>>, %arg5: memref<2x10112x128xf32, #tpu.memory_space<hbm>>, %arg6: memref<80x128xi32, #tpu.memory_space<vmem>>, %arg7: memref<4x64xi32, #tpu.memory_space<vmem>>, %arg8: memref<64x128xf32, #tpu.memory_space<vmem>>, %arg9: memref<64x128xf32, #tpu.memory_space<vmem>>, %arg10: memref<64x128xf32, #tpu.memory_space<vmem>>, %arg11: memref<64x128xf32, #tpu.memory_space<vmem>>, %arg12: memref<10112x128xf32, #tpu.memory_space<vmem_shared>>, %arg13: memref<!tpu.dma_semaphore, #tpu.memory_space<semaphore_mem>>, %arg14: memref<!tpu.dma_semaphore, #tpu.memory_space<semaphore_mem>>, %arg15: memref<!tpu.dma_semaphore, #tpu.memory_space<semaphore_mem>>, %arg16: memref<!tpu.dma_semaphore, #tpu.memory_space<semaphore_mem>>, %arg17: memref<!tpu.dma_semaphore, #tpu.memory_space<semaphore_mem>>, %arg18: memref<!tpu.dma_semaphore, #tpu.memory_space<semaphore_mem>>, %arg19: memref<!tpu.dma_semaphore, #tpu.memory_space<semaphore_mem>>, %arg20: memref<!tpu.dma_semaphore, #tpu.memory_space<semaphore_mem>>, %arg21: memref<!tpu.dma_semaphore, #tpu.memory_space<semaphore_mem>>, %arg22: memref<!tpu.dma_semaphore, #tpu.memory_space<semaphore_mem>>, %arg23: memref<!tpu.dma_semaphore, #tpu.memory_space<semaphore_mem>>, %arg24: memref<!tpu.dma_semaphore, #tpu.memory_space<semaphore_mem>>) attributes {dimension_semantics = [#tpu.dimension_semantics<core_parallel>, #tpu.dimension_semantics<subcore_parallel>], iteration_bounds = array<i64: 2, 16>, scalar_prefetch = 0 : i64, scratch_operands = 19 : i64, tpu.core_type = #tpu.core_type<sc_vector_subcore>, window_params = [{transform_indices = #map}, {transform_indices = #map1}, {transform_indices = #map1}, {transform_indices = #map1}]} {
    %mul3A = arith.constant 16 : i32
    %mul3A_0 = arith.muli %arg0, %mul3A : i32
    %add3A = arith.addi %mul3A_0, %arg1 : i32
    %scan3A = arith.constant 0 : i32
    %scan3A_1 = arith.constant 64 : i32
    %scan3A_2 = arith.addi %scan3A, %scan3A_1 : i32
    %scan3A_3 = arith.constant 1 : i32
    scf.for %scan3A_255 = %scan3A to %scan3A_2 step %scan3A_3  : i32 {
      %mul3A_256 = arith.constant 1 : i32
      %mul3A_257 = arith.muli %scan3A_255, %mul3A_256 : i32
      %add3A_258 = arith.constant 0 : i32
      %add3A_259 = arith.addi %add3A_258, %mul3A_257 : i32
      %broadcast_in_dim3A = arith.constant 0.000000e+00 : f32
      %broadcast_in_dim3A_260 = vector.broadcast %broadcast_in_dim3A : f32 to vector<16xf32>
      %swap3A = arith.index_cast %add3A_259 : i32 to index
      %swap3A_261 = arith.constant 0 : index
      %swap3A_262 = tpu.vector_load %arg8[%swap3A, %swap3A_261] {strides = array<i32>} : memref<64x128xf32, #tpu.memory_space<vmem>>, vector<1x16xf32>,
      %swap3A_263 = vector.shape_cast %swap3A_262 : vector<1x16xf32> to vector<16xf32>
      %swap3A_264 = vector.shape_cast %broadcast_in_dim3A_260 : vector<16xf32> to vector<1x16xf32>
      tpu.vector_store %arg8[%swap3A, %swap3A_261], %swap3A_264 {strides = array<i32>} : memref<64x128xf32, #tpu.memory_space<vmem>>, vector<1x16xf32>,
      %broadcast_in_dim3A_265 = arith.constant 0.000000e+00 : f32
      %broadcast_in_dim3A_266 = vector.broadcast %broadcast_in_dim3A_265 : f32 to vector<16xf32>
      %swap3A_267 = arith.index_cast %add3A_259 : i32 to index
      %swap3A_268 = arith.constant 16 : index
      %swap3A_269 = tpu.vector_load %arg8[%swap3A_267, %swap3A_268] {strides = array<i32>} : memref<64x128xf32, #tpu.memory_space<vmem>>, vector<1x16xf32>,
      %swap3A_270 = vector.shape_cast %swap3A_269 : vector<1x16xf32> to vector<16xf32>
      %swap3A_271 = vector.shape_cast %broadcast_in_dim3A_266 : vector<16xf32> to vector<1x16xf32>
      tpu.vector_store %arg8[%swap3A_267, %swap3A_268], %swap3A_271 {strides = array<i32>} : memref<64x128xf32, #tpu.memory_space<vmem>>, vector<1x16xf32>,
      %broadcast_in_dim3A_272 = arith.constant 0.000000e+00 : f32
      %broadcast_in_dim3A_273 = vector.broadcast %broadcast_in_dim3A_272 : f32 to vector<16xf32>
      %swap3A_274 = arith.index_cast %add3A_259 : i32 to index
      %swap3A_275 = arith.constant 32 : index
      %swap3A_276 = tpu.vector_load %arg8[%swap3A_274, %swap3A_275] {strides = array<i32>} : memref<64x128xf32, #tpu.memory_space<vmem>>, vector<1x16xf32>,
      %swap3A_277 = vector.shape_cast %swap3A_276 : vector<1x16xf32> to vector<16xf32>
      %swap3A_278 = vector.shape_cast %broadcast_in_dim3A_273 : vector<16xf32> to vector<1x16xf32>
      tpu.vector_store %arg8[%swap3A_274, %swap3A_275], %swap3A_278 {strides = array<i32>} : memref<64x128xf32, #tpu.memory_space<vmem>>, vector<1x16xf32>,
      %broadcast_in_dim3A_279 = arith.constant 0.000000e+00 : f32
      %broadcast_in_dim3A_280 = vector.broadcast %broadcast_in_dim3A_279 : f32 to vector<16xf32>
      %swap3A_281 = arith.index_cast %add3A_259 : i32 to index
      %swap3A_282 = arith.constant 48 : index
      %swap3A_283 = tpu.vector_load %arg8[%swap3A_281, %swap3A_282] {strides = array<i32>} : memref<64x128xf32, #tpu.memory_space<vmem>>, vector<1x16xf32>,
      %swap3A_284 = vector.shape_cast %swap3A_283 : vector<1x16xf32> to vector<16xf32>
      %swap3A_285 = vector.shape_cast %broadcast_in_dim3A_280 : vector<16xf32> to vector<1x16xf32>
      tpu.vector_store %arg8[%swap3A_281, %swap3A_282], %swap3A_285 {strides = array<i32>} : memref<64x128xf32, #tpu.memory_space<vmem>>, vector<1x16xf32>,
      %broadcast_in_dim3A_286 = arith.constant 0.000000e+00 : f32
      %broadcast_in_dim3A_287 = vector.broadcast %broadcast_in_dim3A_286 : f32 to vector<16xf32>
      %swap3A_288 = arith.index_cast %add3A_259 : i32 to index
      %swap3A_289 = arith.constant 64 : index
      %swap3A_290 = tpu.vector_load %arg8[%swap3A_288, %swap3A_289] {strides = array<i32>} : memref<64x128xf32, #tpu.memory_space<vmem>>, vector<1x16xf32>,
      %swap3A_291 = vector.shape_cast %swap3A_290 : vector<1x16xf32> to vector<16xf32>
      %swap3A_292 = vector.shape_cast %broadcast_in_dim3A_287 : vector<16xf32> to vector<1x16xf32>
      tpu.vector_store %arg8[%swap3A_288, %swap3A_289], %swap3A_292 {strides = array<i32>} : memref<64x128xf32, #tpu.memory_space<vmem>>, vector<1x16xf32>,
      %broadcast_in_dim3A_293 = arith.constant 0.000000e+00 : f32
      %broadcast_in_dim3A_294 = vector.broadcast %broadcast_in_dim3A_293 : f32 to vector<16xf32>
      %swap3A_295 = arith.index_cast %add3A_259 : i32 to index
      %swap3A_296 = arith.constant 80 : index
      %swap3A_297 = tpu.vector_load %arg8[%swap3A_295, %swap3A_296] {strides = array<i32>} : memref<64x128xf32, #tpu.memory_space<vmem>>, vector<1x16xf32>,
      %swap3A_298 = vector.shape_cast %swap3A_297 : vector<1x16xf32> to vector<16xf32>
      %swap3A_299 = vector.shape_cast %broadcast_in_dim3A_294 : vector<16xf32> to vector<1x16xf32>
      tpu.vector_store %arg8[%swap3A_295, %swap3A_296], %swap3A_299 {strides = array<i32>} : memref<64x128xf32, #tpu.memory_space<vmem>>, vector<1x16xf32>,
      %broadcast_in_dim3A_300 = arith.constant 0.000000e+00 : f32
      %broadcast_in_dim3A_301 = vector.broadcast %broadcast_in_dim3A_300 : f32 to vector<16xf32>
      %swap3A_302 = arith.index_cast %add3A_259 : i32 to index
      %swap3A_303 = arith.constant 96 : index
      %swap3A_304 = tpu.vector_load %arg8[%swap3A_302, %swap3A_303] {strides = array<i32>} : memref<64x128xf32, #tpu.memory_space<vmem>>, vector<1x16xf32>,
      %swap3A_305 = vector.shape_cast %swap3A_304 : vector<1x16xf32> to vector<16xf32>
      %swap3A_306 = vector.shape_cast %broadcast_in_dim3A_301 : vector<16xf32> to vector<1x16xf32>
      tpu.vector_store %arg8[%swap3A_302, %swap3A_303], %swap3A_306 {strides = array<i32>} : memref<64x128xf32, #tpu.memory_space<vmem>>, vector<1x16xf32>,
      %broadcast_in_dim3A_307 = arith.constant 0.000000e+00 : f32
      %broadcast_in_dim3A_308 = vector.broadcast %broadcast_in_dim3A_307 : f32 to vector<16xf32>
      %swap3A_309 = arith.index_cast %add3A_259 : i32 to index
      %swap3A_310 = arith.constant 112 : index
      %swap3A_311 = tpu.vector_load %arg8[%swap3A_309, %swap3A_310] {strides = array<i32>} : memref<64x128xf32, #tpu.memory_space<vmem>>, vector<1x16xf32>,
      %swap3A_312 = vector.shape_cast %swap3A_311 : vector<1x16xf32> to vector<16xf32>
      %swap3A_313 = vector.shape_cast %broadcast_in_dim3A_308 : vector<16xf32> to vector<1x16xf32>
      tpu.vector_store %arg8[%swap3A_309, %swap3A_310], %swap3A_313 {strides = array<i32>} : memref<64x128xf32, #tpu.memory_space<vmem>>, vector<1x16xf32>,
    }
    %scan3A_4 = arith.constant 64 : i32
    %mul3A_5 = arith.constant 632 : i32
    %mul3A_6 = arith.muli %arg1, %mul3A_5 : i32
    %add3A_7 = arith.constant 0 : i32
    %add3A_8 = arith.addi %mul3A_6, %add3A_7 : i32
    "tpu.region"() ({
      %run_scoped3A = tpu.sem_alloc : memref<!tpu.dma_semaphore, #tpu.memory_space<semaphore_mem>>
      %dma_start3A_255 = arith.constant 0 : i32
      %dma_start3A_256 = arith.constant 0 : i32
      %dma_start3A_257 = tpu.memref_slice %arg8[%dma_start3A_255, %dma_start3A_256] : memref<64x128xf32, #tpu.memory_space<vmem>> -> memref<64x128xf32, #tpu.memory_space<vmem>>
      %dma_start3A_258 = arith.constant 0 : i32
      %dma_start3A_259 = tpu.memref_slice %arg12[%add3A_8, %dma_start3A_258] : memref<10112x128xf32, #tpu.memory_space<vmem_shared>> -> memref<64x128xf32, #tpu.memory_space<vmem_shared>>
      %dma_start3A_260 = arith.constant 0 : i32
      %dma_start3A_261 = tpu.memref_slice %arg12[%add3A_8, %dma_start3A_260] : memref<10112x128xf32, #tpu.memory_space<vmem_shared>> -> memref<64x128xf32, #tpu.memory_space<vmem_shared>>
      %dma_start3A_262 = arith.constant 0 : i32
      %dma_start3A_263 = arith.constant 0 : i32
      %dma_start3A_264 = tpu.memref_slice %arg8[%dma_start3A_262, %dma_start3A_263] : memref<64x128xf32, #tpu.memory_space<vmem>> -> memref<64x128xf32, #tpu.memory_space<vmem>>
      tpu.enqueue_dma source(%dma_start3A_264 : memref<64x128xf32, #tpu.memory_space<vmem>>) target(%dma_start3A_261 : memref<64x128xf32, #tpu.memory_space<vmem_shared>>) target_semaphore(%run_scoped3A : memref<!tpu.dma_semaphore, #tpu.memory_space<semaphore_mem>>)
      %dma_wait3A_265 = arith.constant 0 : i32
      %dma_wait3A_266 = arith.constant 0 : i32
      %dma_wait3A_267 = tpu.memref_slice %arg8[%dma_wait3A_265, %dma_wait3A_266] : memref<64x128xf32, #tpu.memory_space<vmem>> -> memref<64x128xf32, #tpu.memory_space<vmem>>
      %dma_wait3A_268 = arith.constant 0 : i32
      %dma_wait3A_269 = tpu.memref_slice %arg12[%add3A_8, %dma_wait3A_268] : memref<10112x128xf32, #tpu.memory_space<vmem_shared>> -> memref<64x128xf32, #tpu.memory_space<vmem_shared>>
      %dma_wait3A_270 = arith.constant 0 : i32
      %dma_wait3A_271 = tpu.memref_slice %arg12[%add3A_8, %dma_wait3A_270] : memref<10112x128xf32, #tpu.memory_space<vmem_shared>> -> memref<64x128xf32, #tpu.memory_space<vmem_shared>>
      %dma_wait3A_272 = arith.constant 0 : i32
      %dma_wait3A_273 = arith.constant 0 : i32
      %dma_wait3A_274 = tpu.memref_slice %arg8[%dma_wait3A_272, %dma_wait3A_273] : memref<64x128xf32, #tpu.memory_space<vmem>> -> memref<64x128xf32, #tpu.memory_space<vmem>>
      tpu.wait_dma2 semaphore(%run_scoped3A : memref<!tpu.dma_semaphore, #tpu.memory_space<semaphore_mem>>) src(%dma_wait3A_274 : memref<64x128xf32, #tpu.memory_space<vmem>>) dst(%dma_wait3A_271 : memref<64x128xf32, #tpu.memory_space<vmem_shared>>)
      tpu.yield
    }) : () -> ()
    %add3A_9 = arith.constant 64 : i32
    %add3A_10 = arith.addi %mul3A_6, %add3A_9 : i32
    "tpu.region"() ({
      %run_scoped3A = tpu.sem_alloc : memref<!tpu.dma_semaphore, #tpu.memory_space<semaphore_mem>>
      %dma_start3A_255 = arith.constant 0 : i32
      %dma_start3A_256 = arith.constant 0 : i32
      %dma_start3A_257 = tpu.memref_slice %arg8[%dma_start3A_255, %dma_start3A_256] : memref<64x128xf32, #tpu.memory_space<vmem>> -> memref<64x128xf32, #tpu.memory_space<vmem>>
      %dma_start3A_258 = arith.constant 0 : i32
      %dma_start3A_259 = tpu.memref_slice %arg12[%add3A_10, %dma_start3A_258] : memref<10112x128xf32, #tpu.memory_space<vmem_shared>> -> memref<64x128xf32, #tpu.memory_space<vmem_shared>>
      %dma_start3A_260 = arith.constant 0 : i32
      %dma_start3A_261 = tpu.memref_slice %arg12[%add3A_10, %dma_start3A_260] : memref<10112x128xf32, #tpu.memory_space<vmem_shared>> -> memref<64x128xf32, #tpu.memory_space<vmem_shared>>
      %dma_start3A_262 = arith.constant 0 : i32
      %dma_start3A_263 = arith.constant 0 : i32
      %dma_start3A_264 = tpu.memref_slice %arg8[%dma_start3A_262, %dma_start3A_263] : memref<64x128xf32, #tpu.memory_space<vmem>> -> memref<64x128xf32, #tpu.memory_space<vmem>>
      tpu.enqueue_dma source(%dma_start3A_264 : memref<64x128xf32, #tpu.memory_space<vmem>>) target(%dma_start3A_261 : memref<64x128xf32, #tpu.memory_space<vmem_shared>>) target_semaphore(%run_scoped3A : memref<!tpu.dma_semaphore, #tpu.memory_space<semaphore_mem>>)
      %dma_wait3A_265 = arith.constant 0 : i32
      %dma_wait3A_266 = arith.constant 0 : i32
      %dma_wait3A_267 = tpu.memref_slice %arg8[%dma_wait3A_265, %dma_wait3A_266] : memref<64x128xf32, #tpu.memory_space<vmem>> -> memref<64x128xf32, #tpu.memory_space<vmem>>
      %dma_wait3A_268 = arith.constant 0 : i32
      %dma_wait3A_269 = tpu.memref_slice %arg12[%add3A_10, %dma_wait3A_268] : memref<10112x128xf32, #tpu.memory_space<vmem_shared>> -> memref<64x128xf32, #tpu.memory_space<vmem_shared>>
      %dma_wait3A_270 = arith.constant 0 : i32
      %dma_wait3A_271 = tpu.memref_slice %arg12[%add3A_10, %dma_wait3A_270] : memref<10112x128xf32, #tpu.memory_space<vmem_shared>> -> memref<64x128xf32, #tpu.memory_space<vmem_shared>>
      %dma_wait3A_272 = arith.constant 0 : i32
      %dma_wait3A_273 = arith.constant 0 : i32
      %dma_wait3A_274 = tpu.memref_slice %arg8[%dma_wait3A_272, %dma_wait3A_273] : memref<64x128xf32, #tpu.memory_space<vmem>> -> memref<64x128xf32, #tpu.memory_space<vmem>>
      tpu.wait_dma2 semaphore(%run_scoped3A : memref<!tpu.dma_semaphore, #tpu.memory_space<semaphore_mem>>) src(%dma_wait3A_274 : memref<64x128xf32, #tpu.memory_space<vmem>>) dst(%dma_wait3A_271 : memref<64x128xf32, #tpu.memory_space<vmem_shared>>)
      tpu.yield
    }) : () -> ()
    %add3A_11 = arith.constant 128 : i32
    %add3A_12 = arith.addi %mul3A_6, %add3A_11 : i32
    "tpu.region"() ({
      %run_scoped3A = tpu.sem_alloc : memref<!tpu.dma_semaphore, #tpu.memory_space<semaphore_mem>>
      %dma_start3A_255 = arith.constant 0 : i32
      %dma_start3A_256 = arith.constant 0 : i32
      %dma_start3A_257 = tpu.memref_slice %arg8[%dma_start3A_255, %dma_start3A_256] : memref<64x128xf32, #tpu.memory_space<vmem>> -> memref<64x128xf32, #tpu.memory_space<vmem>>
      %dma_start3A_258 = arith.constant 0 : i32
      %dma_start3A_259 = tpu.memref_slice %arg12[%add3A_12, %dma_start3A_258] : memref<10112x128xf32, #tpu.memory_space<vmem_shared>> -> memref<64x128xf32, #tpu.memory_space<vmem_shared>>
      %dma_start3A_260 = arith.constant 0 : i32
      %dma_start3A_261 = tpu.memref_slice %arg12[%add3A_12, %dma_start3A_260] : memref<10112x128xf32, #tpu.memory_space<vmem_shared>> -> memref<64x128xf32, #tpu.memory_space<vmem_shared>>
      %dma_start3A_262 = arith.constant 0 : i32
      %dma_start3A_263 = arith.constant 0 : i32
      %dma_start3A_264 = tpu.memref_slice %arg8[%dma_start3A_262, %dma_start3A_263] : memref<64x128xf32, #tpu.memory_space<vmem>> -> memref<64x128xf32, #tpu.memory_space<vmem>>
      tpu.enqueue_dma source(%dma_start3A_264 : memref<64x128xf32, #tpu.memory_space<vmem>>) target(%dma_start3A_261 : memref<64x128xf32, #tpu.memory_space<vmem_shared>>) target_semaphore(%run_scoped3A : memref<!tpu.dma_semaphore, #tpu.memory_space<semaphore_mem>>)
      %dma_wait3A_265 = arith.constant 0 : i32
      %dma_wait3A_266 = arith.constant 0 : i32
      %dma_wait3A_267 = tpu.memref_slice %arg8[%dma_wait3A_265, %dma_wait3A_266] : memref<64x128xf32, #tpu.memory_space<vmem>> -> memref<64x128xf32, #tpu.memory_space<vmem>>
      %dma_wait3A_268 = arith.constant 0 : i32
      %dma_wait3A_269 = tpu.memref_slice %arg12[%add3A_12, %dma_wait3A_268] : memref<10112x128xf32, #tpu.memory_space<vmem_shared>> -> memref<64x128xf32, #tpu.memory_space<vmem_shared>>
      %dma_wait3A_270 = arith.constant 0 : i32
      %dma_wait3A_271 = tpu.memref_slice %arg12[%add3A_12, %dma_wait3A_270] : memref<10112x128xf32, #tpu.memory_space<vmem_shared>> -> memref<64x128xf32, #tpu.memory_space<vmem_shared>>
      %dma_wait3A_272 = arith.constant 0 : i32
      %dma_wait3A_273 = arith.constant 0 : i32
      %dma_wait3A_274 = tpu.memref_slice %arg8[%dma_wait3A_272, %dma_wait3A_273] : memref<64x128xf32, #tpu.memory_space<vmem>> -> memref<64x128xf32, #tpu.memory_space<vmem>>
      tpu.wait_dma2 semaphore(%run_scoped3A : memref<!tpu.dma_semaphore, #tpu.memory_space<semaphore_mem>>) src(%dma_wait3A_274 : memref<64x128xf32, #tpu.memory_space<vmem>>) dst(%dma_wait3A_271 : memref<64x128xf32, #tpu.memory_space<vmem_shared>>)
      tpu.yield
    }) : () -> ()
    %add3A_13 = arith.constant 192 : i32
    %add3A_14 = arith.addi %mul3A_6, %add3A_13 : i32
    "tpu.region"() ({
      %run_scoped3A = tpu.sem_alloc : memref<!tpu.dma_semaphore, #tpu.memory_space<semaphore_mem>>
      %dma_start3A_255 = arith.constant 0 : i32
      %dma_start3A_256 = arith.constant 0 : i32
      %dma_start3A_257 = tpu.memref_slice %arg8[%dma_start3A_255, %dma_start3A_256] : memref<64x128xf32, #tpu.memory_space<vmem>> -> memref<64x128xf32, #tpu.memory_space<vmem>>
      %dma_start3A_258 = arith.constant 0 : i32
      %dma_start3A_259 = tpu.memref_slice %arg12[%add3A_14, %dma_start3A_258] : memref<10112x128xf32, #tpu.memory_space<vmem_shared>> -> memref<64x128xf32, #tpu.memory_space<vmem_shared>>
      %dma_start3A_260 = arith.constant 0 : i32
      %dma_start3A_261 = tpu.memref_slice %arg12[%add3A_14, %dma_start3A_260] : memref<10112x128xf32, #tpu.memory_space<vmem_shared>> -> memref<64x128xf32, #tpu.memory_space<vmem_shared>>
      %dma_start3A_262 = arith.constant 0 : i32
      %dma_start3A_263 = arith.constant 0 : i32
      %dma_start3A_264 = tpu.memref_slice %arg8[%dma_start3A_262, %dma_start3A_263] : memref<64x128xf32, #tpu.memory_space<vmem>> -> memref<64x128xf32, #tpu.memory_space<vmem>>
      tpu.enqueue_dma source(%dma_start3A_264 : memref<64x128xf32, #tpu.memory_space<vmem>>) target(%dma_start3A_261 : memref<64x128xf32, #tpu.memory_space<vmem_shared>>) target_semaphore(%run_scoped3A : memref<!tpu.dma_semaphore, #tpu.memory_space<semaphore_mem>>)
      %dma_wait3A_265 = arith.constant 0 : i32
      %dma_wait3A_266 = arith.constant 0 : i32
      %dma_wait3A_267 = tpu.memref_slice %arg8[%dma_wait3A_265, %dma_wait3A_266] : memref<64x128xf32, #tpu.memory_space<vmem>> -> memref<64x128xf32, #tpu.memory_space<vmem>>
      %dma_wait3A_268 = arith.constant 0 : i32
      %dma_wait3A_269 = tpu.memref_slice %arg12[%add3A_14, %dma_wait3A_268] : memref<10112x128xf32, #tpu.memory_space<vmem_shared>> -> memref<64x128xf32, #tpu.memory_space<vmem_shared>>
      %dma_wait3A_270 = arith.constant 0 : i32
      %dma_wait3A_271 = tpu.memref_slice %arg12[%add3A_14, %dma_wait3A_270] : memref<10112x128xf32, #tpu.memory_space<vmem_shared>> -> memref<64x128xf32, #tpu.memory_space<vmem_shared>>
      %dma_wait3A_272 = arith.constant 0 : i32
      %dma_wait3A_273 = arith.constant 0 : i32
      %dma_wait3A_274 = tpu.memref_slice %arg8[%dma_wait3A_272, %dma_wait3A_273] : memref<64x128xf32, #tpu.memory_space<vmem>> -> memref<64x128xf32, #tpu.memory_space<vmem>>
      tpu.wait_dma2 semaphore(%run_scoped3A : memref<!tpu.dma_semaphore, #tpu.memory_space<semaphore_mem>>) src(%dma_wait3A_274 : memref<64x128xf32, #tpu.memory_space<vmem>>) dst(%dma_wait3A_271 : memref<64x128xf32, #tpu.memory_space<vmem_shared>>)
      tpu.yield
    }) : () -> ()
    %add3A_15 = arith.constant 256 : i32
    %add3A_16 = arith.addi %mul3A_6, %add3A_15 : i32
    "tpu.region"() ({
      %run_scoped3A = tpu.sem_alloc : memref<!tpu.dma_semaphore, #tpu.memory_space<semaphore_mem>>
      %dma_start3A_255 = arith.constant 0 : i32
      %dma_start3A_256 = arith.constant 0 : i32
      %dma_start3A_257 = tpu.memref_slice %arg8[%dma_start3A_255, %dma_start3A_256] : memref<64x128xf32, #tpu.memory_space<vmem>> -> memref<64x128xf32, #tpu.memory_space<vmem>>
      %dma_start3A_258 = arith.constant 0 : i32
      %dma_start3A_259 = tpu.memref_slice %arg12[%add3A_16, %dma_start3A_258] : memref<10112x128xf32, #tpu.memory_space<vmem_shared>> -> memref<64x128xf32, #tpu.memory_space<vmem_shared>>
      %dma_start3A_260 = arith.constant 0 : i32
      %dma_start3A_261 = tpu.memref_slice %arg12[%add3A_16, %dma_start3A_260] : memref<10112x128xf32, #tpu.memory_space<vmem_shared>> -> memref<64x128xf32, #tpu.memory_space<vmem_shared>>
      %dma_start3A_262 = arith.constant 0 : i32
      %dma_start3A_263 = arith.constant 0 : i32
      %dma_start3A_264 = tpu.memref_slice %arg8[%dma_start3A_262, %dma_start3A_263] : memref<64x128xf32, #tpu.memory_space<vmem>> -> memref<64x128xf32, #tpu.memory_space<vmem>>
      tpu.enqueue_dma source(%dma_start3A_264 : memref<64x128xf32, #tpu.memory_space<vmem>>) target(%dma_start3A_261 : memref<64x128xf32, #tpu.memory_space<vmem_shared>>) target_semaphore(%run_scoped3A : memref<!tpu.dma_semaphore, #tpu.memory_space<semaphore_mem>>)
      %dma_wait3A_265 = arith.constant 0 : i32
      %dma_wait3A_266 = arith.constant 0 : i32
      %dma_wait3A_267 = tpu.memref_slice %arg8[%dma_wait3A_265, %dma_wait3A_266] : memref<64x128xf32, #tpu.memory_space<vmem>> -> memref<64x128xf32, #tpu.memory_space<vmem>>
      %dma_wait3A_268 = arith.constant 0 : i32
      %dma_wait3A_269 = tpu.memref_slice %arg12[%add3A_16, %dma_wait3A_268] : memref<10112x128xf32, #tpu.memory_space<vmem_shared>> -> memref<64x128xf32, #tpu.memory_space<vmem_shared>>
      %dma_wait3A_270 = arith.constant 0 : i32
      %dma_wait3A_271 = tpu.memref_slice %arg12[%add3A_16, %dma_wait3A_270] : memref<10112x128xf32, #tpu.memory_space<vmem_shared>> -> memref<64x128xf32, #tpu.memory_space<vmem_shared>>
      %dma_wait3A_272 = arith.constant 0 : i32
      %dma_wait3A_273 = arith.constant 0 : i32
      %dma_wait3A_274 = tpu.memref_slice %arg8[%dma_wait3A_272, %dma_wait3A_273] : memref<64x128xf32, #tpu.memory_space<vmem>> -> memref<64x128xf32, #tpu.memory_space<vmem>>
      tpu.wait_dma2 semaphore(%run_scoped3A : memref<!tpu.dma_semaphore, #tpu.memory_space<semaphore_mem>>) src(%dma_wait3A_274 : memref<64x128xf32, #tpu.memory_space<vmem>>) dst(%dma_wait3A_271 : memref<64x128xf32, #tpu.memory_space<vmem_shared>>)
      tpu.yield
    }) : () -> ()
    %add3A_17 = arith.constant 320 : i32
    %add3A_18 = arith.addi %mul3A_6, %add3A_17 : i32
    "tpu.region"() ({
      %run_scoped3A = tpu.sem_alloc : memref<!tpu.dma_semaphore, #tpu.memory_space<semaphore_mem>>
      %dma_start3A_255 = arith.constant 0 : i32
      %dma_start3A_256 = arith.constant 0 : i32
      %dma_start3A_257 = tpu.memref_slice %arg8[%dma_start3A_255, %dma_start3A_256] : memref<64x128xf32, #tpu.memory_space<vmem>> -> memref<64x128xf32, #tpu.memory_space<vmem>>
      %dma_start3A_258 = arith.constant 0 : i32
      %dma_start3A_259 = tpu.memref_slice %arg12[%add3A_18, %dma_start3A_258] : memref<10112x128xf32, #tpu.memory_space<vmem_shared>> -> memref<64x128xf32, #tpu.memory_space<vmem_shared>>
      %dma_start3A_260 = arith.constant 0 : i32
      %dma_start3A_261 = tpu.memref_slice %arg12[%add3A_18, %dma_start3A_260] : memref<10112x128xf32, #tpu.memory_space<vmem_shared>> -> memref<64x128xf32, #tpu.memory_space<vmem_shared>>
      %dma_start3A_262 = arith.constant 0 : i32
      %dma_start3A_263 = arith.constant 0 : i32
      %dma_start3A_264 = tpu.memref_slice %arg8[%dma_start3A_262, %dma_start3A_263] : memref<64x128xf32, #tpu.memory_space<vmem>> -> memref<64x128xf32, #tpu.memory_space<vmem>>
      tpu.enqueue_dma source(%dma_start3A_264 : memref<64x128xf32, #tpu.memory_space<vmem>>) target(%dma_start3A_261 : memref<64x128xf32, #tpu.memory_space<vmem_shared>>) target_semaphore(%run_scoped3A : memref<!tpu.dma_semaphore, #tpu.memory_space<semaphore_mem>>)
      %dma_wait3A_265 = arith.constant 0 : i32
      %dma_wait3A_266 = arith.constant 0 : i32
      %dma_wait3A_267 = tpu.memref_slice %arg8[%dma_wait3A_265, %dma_wait3A_266] : memref<64x128xf32, #tpu.memory_space<vmem>> -> memref<64x128xf32, #tpu.memory_space<vmem>>
      %dma_wait3A_268 = arith.constant 0 : i32
      %dma_wait3A_269 = tpu.memref_slice %arg12[%add3A_18, %dma_wait3A_268] : memref<10112x128xf32, #tpu.memory_space<vmem_shared>> -> memref<64x128xf32, #tpu.memory_space<vmem_shared>>
      %dma_wait3A_270 = arith.constant 0 : i32
      %dma_wait3A_271 = tpu.memref_slice %arg12[%add3A_18, %dma_wait3A_270] : memref<10112x128xf32, #tpu.memory_space<vmem_shared>> -> memref<64x128xf32, #tpu.memory_space<vmem_shared>>
      %dma_wait3A_272 = arith.constant 0 : i32
      %dma_wait3A_273 = arith.constant 0 : i32
      %dma_wait3A_274 = tpu.memref_slice %arg8[%dma_wait3A_272, %dma_wait3A_273] : memref<64x128xf32, #tpu.memory_space<vmem>> -> memref<64x128xf32, #tpu.memory_space<vmem>>
      tpu.wait_dma2 semaphore(%run_scoped3A : memref<!tpu.dma_semaphore, #tpu.memory_space<semaphore_mem>>) src(%dma_wait3A_274 : memref<64x128xf32, #tpu.memory_space<vmem>>) dst(%dma_wait3A_271 : memref<64x128xf32, #tpu.memory_space<vmem_shared>>)
      tpu.yield
    }) : () -> ()
    %add3A_19 = arith.constant 384 : i32
    %add3A_20 = arith.addi %mul3A_6, %add3A_19 : i32
    "tpu.region"() ({
      %run_scoped3A = tpu.sem_alloc : memref<!tpu.dma_semaphore, #tpu.memory_space<semaphore_mem>>
      %dma_start3A_255 = arith.constant 0 : i32
      %dma_start3A_256 = arith.constant 0 : i32
      %dma_start3A_257 = tpu.memref_slice %arg8[%dma_start3A_255, %dma_start3A_256] : memref<64x128xf32, #tpu.memory_space<vmem>> -> memref<64x128xf32, #tpu.memory_space<vmem>>
      %dma_start3A_258 = arith.constant 0 : i32
      %dma_start3A_259 = tpu.memref_slice %arg12[%add3A_20, %dma_start3A_258] : memref<10112x128xf32, #tpu.memory_space<vmem_shared>> -> memref<64x128xf32, #tpu.memory_space<vmem_shared>>
      %dma_start3A_260 = arith.constant 0 : i32
      %dma_start3A_261 = tpu.memref_slice %arg12[%add3A_20, %dma_start3A_260] : memref<10112x128xf32, #tpu.memory_space<vmem_shared>> -> memref<64x128xf32, #tpu.memory_space<vmem_shared>>
      %dma_start3A_262 = arith.constant 0 : i32
      %dma_start3A_263 = arith.constant 0 : i32
      %dma_start3A_264 = tpu.memref_slice %arg8[%dma_start3A_262, %dma_start3A_263] : memref<64x128xf32, #tpu.memory_space<vmem>> -> memref<64x128xf32, #tpu.memory_space<vmem>>
      tpu.enqueue_dma source(%dma_start3A_264 : memref<64x128xf32, #tpu.memory_space<vmem>>) target(%dma_start3A_261 : memref<64x128xf32, #tpu.memory_space<vmem_shared>>) target_semaphore(%run_scoped3A : memref<!tpu.dma_semaphore, #tpu.memory_space<semaphore_mem>>)
      %dma_wait3A_265 = arith.constant 0 : i32
      %dma_wait3A_266 = arith.constant 0 : i32
      %dma_wait3A_267 = tpu.memref_slice %arg8[%dma_wait3A_265, %dma_wait3A_266] : memref<64x128xf32, #tpu.memory_space<vmem>> -> memref<64x128xf32, #tpu.memory_space<vmem>>
      %dma_wait3A_268 = arith.constant 0 : i32
      %dma_wait3A_269 = tpu.memref_slice %arg12[%add3A_20, %dma_wait3A_268] : memref<10112x128xf32, #tpu.memory_space<vmem_shared>> -> memref<64x128xf32, #tpu.memory_space<vmem_shared>>
      %dma_wait3A_270 = arith.constant 0 : i32
      %dma_wait3A_271 = tpu.memref_slice %arg12[%add3A_20, %dma_wait3A_270] : memref<10112x128xf32, #tpu.memory_space<vmem_shared>> -> memref<64x128xf32, #tpu.memory_space<vmem_shared>>
      %dma_wait3A_272 = arith.constant 0 : i32
      %dma_wait3A_273 = arith.constant 0 : i32
      %dma_wait3A_274 = tpu.memref_slice %arg8[%dma_wait3A_272, %dma_wait3A_273] : memref<64x128xf32, #tpu.memory_space<vmem>> -> memref<64x128xf32, #tpu.memory_space<vmem>>
      tpu.wait_dma2 semaphore(%run_scoped3A : memref<!tpu.dma_semaphore, #tpu.memory_space<semaphore_mem>>) src(%dma_wait3A_274 : memref<64x128xf32, #tpu.memory_space<vmem>>) dst(%dma_wait3A_271 : memref<64x128xf32, #tpu.memory_space<vmem_shared>>)
      tpu.yield
    }) : () -> ()
    %add3A_21 = arith.constant 448 : i32
    %add3A_22 = arith.addi %mul3A_6, %add3A_21 : i32
    "tpu.region"() ({
      %run_scoped3A = tpu.sem_alloc : memref<!tpu.dma_semaphore, #tpu.memory_space<semaphore_mem>>
      %dma_start3A_255 = arith.constant 0 : i32
      %dma_start3A_256 = arith.constant 0 : i32
      %dma_start3A_257 = tpu.memref_slice %arg8[%dma_start3A_255, %dma_start3A_256] : memref<64x128xf32, #tpu.memory_space<vmem>> -> memref<64x128xf32, #tpu.memory_space<vmem>>
      %dma_start3A_258 = arith.constant 0 : i32
      %dma_start3A_259 = tpu.memref_slice %arg12[%add3A_22, %dma_start3A_258] : memref<10112x128xf32, #tpu.memory_space<vmem_shared>> -> memref<64x128xf32, #tpu.memory_space<vmem_shared>>
      %dma_start3A_260 = arith.constant 0 : i32
      %dma_start3A_261 = tpu.memref_slice %arg12[%add3A_22, %dma_start3A_260] : memref<10112x128xf32, #tpu.memory_space<vmem_shared>> -> memref<64x128xf32, #tpu.memory_space<vmem_shared>>
      %dma_start3A_262 = arith.constant 0 : i32
      %dma_start3A_263 = arith.constant 0 : i32
      %dma_start3A_264 = tpu.memref_slice %arg8[%dma_start3A_262, %dma_start3A_263] : memref<64x128xf32, #tpu.memory_space<vmem>> -> memref<64x128xf32, #tpu.memory_space<vmem>>
      tpu.enqueue_dma source(%dma_start3A_264 : memref<64x128xf32, #tpu.memory_space<vmem>>) target(%dma_start3A_261 : memref<64x128xf32, #tpu.memory_space<vmem_shared>>) target_semaphore(%run_scoped3A : memref<!tpu.dma_semaphore, #tpu.memory_space<semaphore_mem>>)
      %dma_wait3A_265 = arith.constant 0 : i32
      %dma_wait3A_266 = arith.constant 0 : i32
      %dma_wait3A_267 = tpu.memref_slice %arg8[%dma_wait3A_265, %dma_wait3A_266] : memref<64x128xf32, #tpu.memory_space<vmem>> -> memref<64x128xf32, #tpu.memory_space<vmem>>
      %dma_wait3A_268 = arith.constant 0 : i32
      %dma_wait3A_269 = tpu.memref_slice %arg12[%add3A_22, %dma_wait3A_268] : memref<10112x128xf32, #tpu.memory_space<vmem_shared>> -> memref<64x128xf32, #tpu.memory_space<vmem_shared>>
      %dma_wait3A_270 = arith.constant 0 : i32
      %dma_wait3A_271 = tpu.memref_slice %arg12[%add3A_22, %dma_wait3A_270] : memref<10112x128xf32, #tpu.memory_space<vmem_shared>> -> memref<64x128xf32, #tpu.memory_space<vmem_shared>>
      %dma_wait3A_272 = arith.constant 0 : i32
      %dma_wait3A_273 = arith.constant 0 : i32
      %dma_wait3A_274 = tpu.memref_slice %arg8[%dma_wait3A_272, %dma_wait3A_273] : memref<64x128xf32, #tpu.memory_space<vmem>> -> memref<64x128xf32, #tpu.memory_space<vmem>>
      tpu.wait_dma2 semaphore(%run_scoped3A : memref<!tpu.dma_semaphore, #tpu.memory_space<semaphore_mem>>) src(%dma_wait3A_274 : memref<64x128xf32, #tpu.memory_space<vmem>>) dst(%dma_wait3A_271 : memref<64x128xf32, #tpu.memory_space<vmem_shared>>)
      tpu.yield
    }) : () -> ()
    %add3A_23 = arith.constant 512 : i32
    %add3A_24 = arith.addi %mul3A_6, %add3A_23 : i32
    "tpu.region"() ({
      %run_scoped3A = tpu.sem_alloc : memref<!tpu.dma_semaphore, #tpu.memory_space<semaphore_mem>>
      %dma_start3A_255 = arith.constant 0 : i32
      %dma_start3A_256 = arith.constant 0 : i32
      %dma_start3A_257 = tpu.memref_slice %arg8[%dma_start3A_255, %dma_start3A_256] : memref<64x128xf32, #tpu.memory_space<vmem>> -> memref<64x128xf32, #tpu.memory_space<vmem>>
      %dma_start3A_258 = arith.constant 0 : i32
      %dma_start3A_259 = tpu.memref_slice %arg12[%add3A_24, %dma_start3A_258] : memref<10112x128xf32, #tpu.memory_space<vmem_shared>> -> memref<64x128xf32, #tpu.memory_space<vmem_shared>>
      %dma_start3A_260 = arith.constant 0 : i32
      %dma_start3A_261 = tpu.memref_slice %arg12[%add3A_24, %dma_start3A_260] : memref<10112x128xf32, #tpu.memory_space<vmem_shared>> -> memref<64x128xf32, #tpu.memory_space<vmem_shared>>
      %dma_start3A_262 = arith.constant 0 : i32
      %dma_start3A_263 = arith.constant 0 : i32
      %dma_start3A_264 = tpu.memref_slice %arg8[%dma_start3A_262, %dma_start3A_263] : memref<64x128xf32, #tpu.memory_space<vmem>> -> memref<64x128xf32, #tpu.memory_space<vmem>>
      tpu.enqueue_dma source(%dma_start3A_264 : memref<64x128xf32, #tpu.memory_space<vmem>>) target(%dma_start3A_261 : memref<64x128xf32, #tpu.memory_space<vmem_shared>>) target_semaphore(%run_scoped3A : memref<!tpu.dma_semaphore, #tpu.memory_space<semaphore_mem>>)
      %dma_wait3A_265 = arith.constant 0 : i32
      %dma_wait3A_266 = arith.constant 0 : i32
      %dma_wait3A_267 = tpu.memref_slice %arg8[%dma_wait3A_265, %dma_wait3A_266] : memref<64x128xf32, #tpu.memory_space<vmem>> -> memref<64x128xf32, #tpu.memory_space<vmem>>
      %dma_wait3A_268 = arith.constant 0 : i32
      %dma_wait3A_269 = tpu.memref_slice %arg12[%add3A_24, %dma_wait3A_268] : memref<10112x128xf32, #tpu.memory_space<vmem_shared>> -> memref<64x128xf32, #tpu.memory_space<vmem_shared>>
      %dma_wait3A_270 = arith.constant 0 : i32
      %dma_wait3A_271 = tpu.memref_slice %arg12[%add3A_24, %dma_wait3A_270] : memref<10112x128xf32, #tpu.memory_space<vmem_shared>> -> memref<64x128xf32, #tpu.memory_space<vmem_shared>>
      %dma_wait3A_272 = arith.constant 0 : i32
      %dma_wait3A_273 = arith.constant 0 : i32
      %dma_wait3A_274 = tpu.memref_slice %arg8[%dma_wait3A_272, %dma_wait3A_273] : memref<64x128xf32, #tpu.memory_space<vmem>> -> memref<64x128xf32, #tpu.memory_space<vmem>>
      tpu.wait_dma2 semaphore(%run_scoped3A : memref<!tpu.dma_semaphore, #tpu.memory_space<semaphore_mem>>) src(%dma_wait3A_274 : memref<64x128xf32, #tpu.memory_space<vmem>>) dst(%dma_wait3A_271 : memref<64x128xf32, #tpu.memory_space<vmem_shared>>)
      tpu.yield
    }) : () -> ()
    %add3A_25 = arith.constant 576 : i32
    %add3A_26 = arith.addi %mul3A_6, %add3A_25 : i32
    "tpu.region"() ({
      %run_scoped3A = tpu.sem_alloc : memref<!tpu.dma_semaphore, #tpu.memory_space<semaphore_mem>>
      %dma_start3A_255 = arith.constant 0 : i32
      %dma_start3A_256 = arith.constant 0 : i32
      %dma_start3A_257 = tpu.memref_slice %arg8[%dma_start3A_255, %dma_start3A_256] : memref<64x128xf32, #tpu.memory_space<vmem>> -> memref<56x128xf32, #tpu.memory_space<vmem>>
      %dma_start3A_258 = arith.constant 0 : i32
      %dma_start3A_259 = tpu.memref_slice %arg12[%add3A_26, %dma_start3A_258] : memref<10112x128xf32, #tpu.memory_space<vmem_shared>> -> memref<56x128xf32, #tpu.memory_space<vmem_shared>>
      %dma_start3A_260 = arith.constant 0 : i32
      %dma_start3A_261 = tpu.memref_slice %arg12[%add3A_26, %dma_start3A_260] : memref<10112x128xf32, #tpu.memory_space<vmem_shared>> -> memref<56x128xf32, #tpu.memory_space<vmem_shared>>
      %dma_start3A_262 = arith.constant 0 : i32
      %dma_start3A_263 = arith.constant 0 : i32
      %dma_start3A_264 = tpu.memref_slice %arg8[%dma_start3A_262, %dma_start3A_263] : memref<64x128xf32, #tpu.memory_space<vmem>> -> memref<56x128xf32, #tpu.memory_space<vmem>>
      tpu.enqueue_dma source(%dma_start3A_264 : memref<56x128xf32, #tpu.memory_space<vmem>>) target(%dma_start3A_261 : memref<56x128xf32, #tpu.memory_space<vmem_shared>>) target_semaphore(%run_scoped3A : memref<!tpu.dma_semaphore, #tpu.memory_space<semaphore_mem>>)
      %dma_wait3A_265 = arith.constant 0 : i32
      %dma_wait3A_266 = arith.constant 0 : i32
      %dma_wait3A_267 = tpu.memref_slice %arg8[%dma_wait3A_265, %dma_wait3A_266] : memref<64x128xf32, #tpu.memory_space<vmem>> -> memref<56x128xf32, #tpu.memory_space<vmem>>
      %dma_wait3A_268 = arith.constant 0 : i32
      %dma_wait3A_269 = tpu.memref_slice %arg12[%add3A_26, %dma_wait3A_268] : memref<10112x128xf32, #tpu.memory_space<vmem_shared>> -> memref<56x128xf32, #tpu.memory_space<vmem_shared>>
      %dma_wait3A_270 = arith.constant 0 : i32
      %dma_wait3A_271 = tpu.memref_slice %arg12[%add3A_26, %dma_wait3A_270] : memref<10112x128xf32, #tpu.memory_space<vmem_shared>> -> memref<56x128xf32, #tpu.memory_space<vmem_shared>>
      %dma_wait3A_272 = arith.constant 0 : i32
      %dma_wait3A_273 = arith.constant 0 : i32
      %dma_wait3A_274 = tpu.memref_slice %arg8[%dma_wait3A_272, %dma_wait3A_273] : memref<64x128xf32, #tpu.memory_space<vmem>> -> memref<56x128xf32, #tpu.memory_space<vmem>>
      tpu.wait_dma2 semaphore(%run_scoped3A : memref<!tpu.dma_semaphore, #tpu.memory_space<semaphore_mem>>) src(%dma_wait3A_274 : memref<56x128xf32, #tpu.memory_space<vmem>>) dst(%dma_wait3A_271 : memref<56x128xf32, #tpu.memory_space<vmem_shared>>)
      tpu.yield
    }) : () -> ()
    %barrier3A = arith.constant 0 : index
    tpu.barrier barrier_id(%barrier3A)
    "tpu.region"() ({
      %run_scoped3A = tpu.sem_alloc : memref<!tpu.dma_semaphore, #tpu.memory_space<semaphore_mem>>
      %dma_start3A_255 = arith.constant 0 : i32
      %dma_start3A_256 = arith.constant 0 : i32
      %dma_start3A_257 = tpu.memref_slice %arg3[%add3A, %dma_start3A_255, %dma_start3A_256] : memref<32x80x128xi32, #tpu.memory_space<hbm>> -> memref<1x80x128xi32, #tpu.memory_space<hbm>>
      %dma_start3A_258 = tpu.memref_squeeze %dma_start3A_257 : memref<1x80x128xi32, #tpu.memory_space<hbm>> -> memref<80x128xi32, #tpu.memory_space<hbm>>
      %dma_start3A_259 = arith.constant 0 : i32
      %dma_start3A_260 = arith.constant 0 : i32
      %dma_start3A_261 = tpu.memref_slice %arg3[%add3A, %dma_start3A_259, %dma_start3A_260] : memref<32x80x128xi32, #tpu.memory_space<hbm>> -> memref<1x80x128xi32, #tpu.memory_space<hbm>>
      %dma_start3A_262 = tpu.memref_squeeze %dma_start3A_261 : memref<1x80x128xi32, #tpu.memory_space<hbm>> -> memref<80x128xi32, #tpu.memory_space<hbm>>
      tpu.enqueue_dma source(%dma_start3A_262 : memref<80x128xi32, #tpu.memory_space<hbm>>) target(%arg6 : memref<80x128xi32, #tpu.memory_space<vmem>>) target_semaphore(%run_scoped3A : memref<!tpu.dma_semaphore, #tpu.memory_space<semaphore_mem>>)
      %dma_wait3A_263 = arith.constant 0 : i32
      %dma_wait3A_264 = arith.constant 0 : i32
      %dma_wait3A_265 = tpu.memref_slice %arg3[%add3A, %dma_wait3A_263, %dma_wait3A_264] : memref<32x80x128xi32, #tpu.memory_space<hbm>> -> memref<1x80x128xi32, #tpu.memory_space<hbm>>
      %dma_wait3A_266 = tpu.memref_squeeze %dma_wait3A_265 : memref<1x80x128xi32, #tpu.memory_space<hbm>> -> memref<80x128xi32, #tpu.memory_space<hbm>>
      %dma_wait3A_267 = arith.constant 0 : i32
      %dma_wait3A_268 = arith.constant 0 : i32
      %dma_wait3A_269 = tpu.memref_slice %arg3[%add3A, %dma_wait3A_267, %dma_wait3A_268] : memref<32x80x128xi32, #tpu.memory_space<hbm>> -> memref<1x80x128xi32, #tpu.memory_space<hbm>>
      %dma_wait3A_270 = tpu.memref_squeeze %dma_wait3A_269 : memref<1x80x128xi32, #tpu.memory_space<hbm>> -> memref<80x128xi32, #tpu.memory_space<hbm>>
      tpu.wait_dma2 semaphore(%run_scoped3A : memref<!tpu.dma_semaphore, #tpu.memory_space<semaphore_mem>>) src(%dma_wait3A_270 : memref<80x128xi32, #tpu.memory_space<hbm>>) dst(%arg6 : memref<80x128xi32, #tpu.memory_space<vmem>>)
      tpu.yield
    }) : () -> ()
    %dma_start3A = arith.constant 0 : i32
    %dma_start3A_27 = arith.constant 0 : i32
    %dma_start3A_28 = arith.constant 0 : i32
    %dma_start3A_29 = tpu.memref_slice %arg7[%dma_start3A_27, %dma_start3A_28] : memref<4x64xi32, #tpu.memory_space<vmem>> -> memref<1x64xi32, #tpu.memory_space<vmem>>
    %dma_start3A_30 = tpu.memref_squeeze %dma_start3A_29 : memref<1x64xi32, #tpu.memory_space<vmem>> -> memref<64xi32, #tpu.memory_space<vmem>>
    %dma_start3A_31 = arith.constant 0 : i32
    %dma_start3A_32 = tpu.memref_slice %arg4[%add3A, %dma_start3A, %dma_start3A_31] : memref<32x160x64xi32, #tpu.memory_space<hbm>> -> memref<1x1x64xi32, #tpu.memory_space<hbm>>
    %dma_start3A_33 = tpu.memref_squeeze %dma_start3A_32 : memref<1x1x64xi32, #tpu.memory_space<hbm>> -> memref<64xi32, #tpu.memory_space<hbm>>
    %dma_start3A_34 = arith.constant 0 : i32
    %dma_start3A_35 = tpu.memref_slice %arg7[%dma_start3A_27, %dma_start3A_34] : memref<4x64xi32, #tpu.memory_space<vmem>> -> memref<1x64xi32, #tpu.memory_space<vmem>>
    %dma_start3A_36 = tpu.memref_squeeze %dma_start3A_35 : memref<1x64xi32, #tpu.memory_space<vmem>> -> memref<64xi32, #tpu.memory_space<vmem>>
    %dma_start3A_37 = arith.constant 0 : i32
    %dma_start3A_38 = tpu.memref_slice %arg4[%add3A, %dma_start3A, %dma_start3A_37] : memref<32x160x64xi32, #tpu.memory_space<hbm>> -> memref<1x1x64xi32, #tpu.memory_space<hbm>>
    %dma_start3A_39 = tpu.memref_squeeze %dma_start3A_38 : memref<1x1x64xi32, #tpu.memory_space<hbm>> -> memref<64xi32, #tpu.memory_space<hbm>>
    tpu.enqueue_dma source(%dma_start3A_39 : memref<64xi32, #tpu.memory_space<hbm>>) target(%dma_start3A_36 : memref<64xi32, #tpu.memory_space<vmem>>) target_semaphore(%arg17 : memref<!tpu.dma_semaphore, #tpu.memory_space<semaphore_mem>>)
    %dma_start3A_40 = arith.constant 0 : i32
    %dma_start3A_41 = arith.constant 0 : i32
    %dma_start3A_42 = tpu.memref_slice %arg6[%dma_start3A_40, %dma_start3A_41] : memref<80x128xi32, #tpu.memory_space<vmem>> -> memref<1x64xi32, #tpu.memory_space<vmem>>
    %dma_start3A_43 = tpu.memref_squeeze %dma_start3A_42 : memref<1x64xi32, #tpu.memory_space<vmem>> -> memref<64xi32, #tpu.memory_space<vmem>>
    %dma_start3A_44 = arith.constant 0 : i32
    %dma_start3A_45 = arith.constant 0 : i32
    %dma_start3A_46 = tpu.memref_slice %arg2[%dma_start3A_44, %dma_start3A_45] : memref<10001x128xf32, #tpu.memory_space<hbm>> -> memref<10001x128xf32, #tpu.memory_space<hbm>>
    tpu.enqueue_indirect_dma source(%dma_start3A_46 : memref<10001x128xf32, #tpu.memory_space<hbm>>) target(%arg8 : memref<64x128xf32, #tpu.memory_space<vmem>>) offsets(%dma_start3A_43 : memref<64xi32, #tpu.memory_space<vmem>>) semaphore(%arg13 : memref<!tpu.dma_semaphore, #tpu.memory_space<semaphore_mem>>)
    %dma_start3A_47 = arith.constant 1 : i32
    %dma_start3A_48 = arith.constant 1 : i32
    %dma_start3A_49 = arith.constant 0 : i32
    %dma_start3A_50 = tpu.memref_slice %arg7[%dma_start3A_48, %dma_start3A_49] : memref<4x64xi32, #tpu.memory_space<vmem>> -> memref<1x64xi32, #tpu.memory_space<vmem>>
    %dma_start3A_51 = tpu.memref_squeeze %dma_start3A_50 : memref<1x64xi32, #tpu.memory_space<vmem>> -> memref<64xi32, #tpu.memory_space<vmem>>
    %dma_start3A_52 = arith.constant 0 : i32
    %dma_start3A_53 = tpu.memref_slice %arg4[%add3A, %dma_start3A_47, %dma_start3A_52] : memref<32x160x64xi32, #tpu.memory_space<hbm>> -> memref<1x1x64xi32, #tpu.memory_space<hbm>>
    %dma_start3A_54 = tpu.memref_squeeze %dma_start3A_53 : memref<1x1x64xi32, #tpu.memory_space<hbm>> -> memref<64xi32, #tpu.memory_space<hbm>>
    %dma_start3A_55 = arith.constant 0 : i32
    %dma_start3A_56 = tpu.memref_slice %arg7[%dma_start3A_48, %dma_start3A_55] : memref<4x64xi32, #tpu.memory_space<vmem>> -> memref<1x64xi32, #tpu.memory_space<vmem>>
    %dma_start3A_57 = tpu.memref_squeeze %dma_start3A_56 : memref<1x64xi32, #tpu.memory_space<vmem>> -> memref<64xi32, #tpu.memory_space<vmem>>
    %dma_start3A_58 = arith.constant 0 : i32
    %dma_start3A_59 = tpu.memref_slice %arg4[%add3A, %dma_start3A_47, %dma_start3A_58] : memref<32x160x64xi32, #tpu.memory_space<hbm>> -> memref<1x1x64xi32, #tpu.memory_space<hbm>>
    %dma_start3A_60 = tpu.memref_squeeze %dma_start3A_59 : memref<1x1x64xi32, #tpu.memory_space<hbm>> -> memref<64xi32, #tpu.memory_space<hbm>>
    tpu.enqueue_dma source(%dma_start3A_60 : memref<64xi32, #tpu.memory_space<hbm>>) target(%dma_start3A_57 : memref<64xi32, #tpu.memory_space<vmem>>) target_semaphore(%arg18 : memref<!tpu.dma_semaphore, #tpu.memory_space<semaphore_mem>>)
    %dma_start3A_61 = arith.constant 0 : i32
    %dma_start3A_62 = arith.constant 64 : i32
    %dma_start3A_63 = tpu.memref_slice %arg6[%dma_start3A_61, %dma_start3A_62] : memref<80x128xi32, #tpu.memory_space<vmem>> -> memref<1x64xi32, #tpu.memory_space<vmem>>
    %dma_start3A_64 = tpu.memref_squeeze %dma_start3A_63 : memref<1x64xi32, #tpu.memory_space<vmem>> -> memref<64xi32, #tpu.memory_space<vmem>>
    %dma_start3A_65 = arith.constant 0 : i32
    %dma_start3A_66 = arith.constant 0 : i32
    %dma_start3A_67 = tpu.memref_slice %arg2[%dma_start3A_65, %dma_start3A_66] : memref<10001x128xf32, #tpu.memory_space<hbm>> -> memref<10001x128xf32, #tpu.memory_space<hbm>>
    tpu.enqueue_indirect_dma source(%dma_start3A_67 : memref<10001x128xf32, #tpu.memory_space<hbm>>) target(%arg9 : memref<64x128xf32, #tpu.memory_space<vmem>>) offsets(%dma_start3A_64 : memref<64xi32, #tpu.memory_space<vmem>>) semaphore(%arg14 : memref<!tpu.dma_semaphore, #tpu.memory_space<semaphore_mem>>)
    %dma_start3A_68 = arith.constant 2 : i32
    %dma_start3A_69 = arith.constant 2 : i32
    %dma_start3A_70 = arith.constant 0 : i32
    %dma_start3A_71 = tpu.memref_slice %arg7[%dma_start3A_69, %dma_start3A_70] : memref<4x64xi32, #tpu.memory_space<vmem>> -> memref<1x64xi32, #tpu.memory_space<vmem>>
    %dma_start3A_72 = tpu.memref_squeeze %dma_start3A_71 : memref<1x64xi32, #tpu.memory_space<vmem>> -> memref<64xi32, #tpu.memory_space<vmem>>
    %dma_start3A_73 = arith.constant 0 : i32
    %dma_start3A_74 = tpu.memref_slice %arg4[%add3A, %dma_start3A_68, %dma_start3A_73] : memref<32x160x64xi32, #tpu.memory_space<hbm>> -> memref<1x1x64xi32, #tpu.memory_space<hbm>>
    %dma_start3A_75 = tpu.memref_squeeze %dma_start3A_74 : memref<1x1x64xi32, #tpu.memory_space<hbm>> -> memref<64xi32, #tpu.memory_space<hbm>>
    %dma_start3A_76 = arith.constant 0 : i32
    %dma_start3A_77 = tpu.memref_slice %arg7[%dma_start3A_69, %dma_start3A_76] : memref<4x64xi32, #tpu.memory_space<vmem>> -> memref<1x64xi32, #tpu.memory_space<vmem>>
    %dma_start3A_78 = tpu.memref_squeeze %dma_start3A_77 : memref<1x64xi32, #tpu.memory_space<vmem>> -> memref<64xi32, #tpu.memory_space<vmem>>
    %dma_start3A_79 = arith.constant 0 : i32
    %dma_start3A_80 = tpu.memref_slice %arg4[%add3A, %dma_start3A_68, %dma_start3A_79] : memref<32x160x64xi32, #tpu.memory_space<hbm>> -> memref<1x1x64xi32, #tpu.memory_space<hbm>>
    %dma_start3A_81 = tpu.memref_squeeze %dma_start3A_80 : memref<1x1x64xi32, #tpu.memory_space<hbm>> -> memref<64xi32, #tpu.memory_space<hbm>>
    tpu.enqueue_dma source(%dma_start3A_81 : memref<64xi32, #tpu.memory_space<hbm>>) target(%dma_start3A_78 : memref<64xi32, #tpu.memory_space<vmem>>) target_semaphore(%arg19 : memref<!tpu.dma_semaphore, #tpu.memory_space<semaphore_mem>>)
    %dma_start3A_82 = arith.constant 1 : i32
    %dma_start3A_83 = arith.constant 0 : i32
    %dma_start3A_84 = tpu.memref_slice %arg6[%dma_start3A_82, %dma_start3A_83] : memref<80x128xi32, #tpu.memory_space<vmem>> -> memref<1x64xi32, #tpu.memory_space<vmem>>
    %dma_start3A_85 = tpu.memref_squeeze %dma_start3A_84 : memref<1x64xi32, #tpu.memory_space<vmem>> -> memref<64xi32, #tpu.memory_space<vmem>>
    %dma_start3A_86 = arith.constant 0 : i32
    %dma_start3A_87 = arith.constant 0 : i32
    %dma_start3A_88 = tpu.memref_slice %arg2[%dma_start3A_86, %dma_start3A_87] : memref<10001x128xf32, #tpu.memory_space<hbm>> -> memref<10001x128xf32, #tpu.memory_space<hbm>>
    tpu.enqueue_indirect_dma source(%dma_start3A_88 : memref<10001x128xf32, #tpu.memory_space<hbm>>) target(%arg10 : memref<64x128xf32, #tpu.memory_space<vmem>>) offsets(%dma_start3A_85 : memref<64xi32, #tpu.memory_space<vmem>>) semaphore(%arg15 : memref<!tpu.dma_semaphore, #tpu.memory_space<semaphore_mem>>)
    %dma_start3A_89 = arith.constant 3 : i32
    %dma_start3A_90 = arith.constant 3 : i32
    %dma_start3A_91 = arith.constant 0 : i32
    %dma_start3A_92 = tpu.memref_slice %arg7[%dma_start3A_90, %dma_start3A_91] : memref<4x64xi32, #tpu.memory_space<vmem>> -> memref<1x64xi32, #tpu.memory_space<vmem>>
    %dma_start3A_93 = tpu.memref_squeeze %dma_start3A_92 : memref<1x64xi32, #tpu.memory_space<vmem>> -> memref<64xi32, #tpu.memory_space<vmem>>
    %dma_start3A_94 = arith.constant 0 : i32
    %dma_start3A_95 = tpu.memref_slice %arg4[%add3A, %dma_start3A_89, %dma_start3A_94] : memref<32x160x64xi32, #tpu.memory_space<hbm>> -> memref<1x1x64xi32, #tpu.memory_space<hbm>>
    %dma_start3A_96 = tpu.memref_squeeze %dma_start3A_95 : memref<1x1x64xi32, #tpu.memory_space<hbm>> -> memref<64xi32, #tpu.memory_space<hbm>>
    %dma_start3A_97 = arith.constant 0 : i32
    %dma_start3A_98 = tpu.memref_slice %arg7[%dma_start3A_90, %dma_start3A_97] : memref<4x64xi32, #tpu.memory_space<vmem>> -> memref<1x64xi32, #tpu.memory_space<vmem>>
    %dma_start3A_99 = tpu.memref_squeeze %dma_start3A_98 : memref<1x64xi32, #tpu.memory_space<vmem>> -> memref<64xi32, #tpu.memory_space<vmem>>
    %dma_start3A_100 = arith.constant 0 : i32
    %dma_start3A_101 = tpu.memref_slice %arg4[%add3A, %dma_start3A_89, %dma_start3A_100] : memref<32x160x64xi32, #tpu.memory_space<hbm>> -> memref<1x1x64xi32, #tpu.memory_space<hbm>>
    %dma_start3A_102 = tpu.memref_squeeze %dma_start3A_101 : memref<1x1x64xi32, #tpu.memory_space<hbm>> -> memref<64xi32, #tpu.memory_space<hbm>>
    tpu.enqueue_dma source(%dma_start3A_102 : memref<64xi32, #tpu.memory_space<hbm>>) target(%dma_start3A_99 : memref<64xi32, #tpu.memory_space<vmem>>) target_semaphore(%arg20 : memref<!tpu.dma_semaphore, #tpu.memory_space<semaphore_mem>>)
    %dma_start3A_103 = arith.constant 1 : i32
    %dma_start3A_104 = arith.constant 64 : i32
    %dma_start3A_105 = tpu.memref_slice %arg6[%dma_start3A_103, %dma_start3A_104] : memref<80x128xi32, #tpu.memory_space<vmem>> -> memref<1x64xi32, #tpu.memory_space<vmem>>
    %dma_start3A_106 = tpu.memref_squeeze %dma_start3A_105 : memref<1x64xi32, #tpu.memory_space<vmem>> -> memref<64xi32, #tpu.memory_space<vmem>>
    %dma_start3A_107 = arith.constant 0 : i32
    %dma_start3A_108 = arith.constant 0 : i32
    %dma_start3A_109 = tpu.memref_slice %arg2[%dma_start3A_107, %dma_start3A_108] : memref<10001x128xf32, #tpu.memory_space<hbm>> -> memref<10001x128xf32, #tpu.memory_space<hbm>>
    tpu.enqueue_indirect_dma source(%dma_start3A_109 : memref<10001x128xf32, #tpu.memory_space<hbm>>) target(%arg11 : memref<64x128xf32, #tpu.memory_space<vmem>>) offsets(%dma_start3A_106 : memref<64xi32, #tpu.memory_space<vmem>>) semaphore(%arg16 : memref<!tpu.dma_semaphore, #tpu.memory_space<semaphore_mem>>)
    %scan3A_110 = arith.constant 0 : i32
    %scan3A_111 = arith.constant 39 : i32
    %scan3A_112 = arith.addi %scan3A_110, %scan3A_111 : i32
    %scan3A_113 = arith.constant 1 : i32
    scf.for %scan3A_255 = %scan3A_110 to %scan3A_112 step %scan3A_113  : i32 {
      %mul3A_256 = arith.constant 1 : i32
      %mul3A_257 = arith.muli %scan3A_255, %mul3A_256 : i32
      %add3A_258 = arith.constant 0 : i32
      %add3A_259 = arith.addi %add3A_258, %mul3A_257 : i32
      %mul3A_260 = arith.constant 4 : i32
      %mul3A_261 = arith.muli %add3A_259, %mul3A_260 : i32
      %add3A_262 = arith.constant 0 : i32
      %add3A_263 = arith.addi %mul3A_261, %add3A_262 : i32
      %jit3A = arith.constant 2 : i32
      %div3A = arith.divsi %add3A_263, %jit3A : i32
      %sign3A = arith.constant 0 : i32
      %sign3A_264 = arith.cmpi sgt, %add3A_263, %sign3A : i32
      %sign3A_265 = arith.extui %sign3A_264 : i1 to i32
      %sign3A_266 = arith.constant 0 : i32
      %sign3A_267 = arith.cmpi slt, %add3A_263, %sign3A_266 : i32
      %sign3A_268 = arith.extui %sign3A_267 : i1 to i32
      %sign3A_269 = arith.subi %sign3A_265, %sign3A_268 : i32
      %sign3A_270 = arith.constant 0 : i32
      %sign3A_271 = arith.cmpi sgt, %jit3A, %sign3A_270 : i32
      %sign3A_272 = arith.extui %sign3A_271 : i1 to i32
      %sign3A_273 = arith.constant 0 : i32
      %sign3A_274 = arith.cmpi slt, %jit3A, %sign3A_273 : i32
      %sign3A_275 = arith.extui %sign3A_274 : i1 to i32
      %sign3A_276 = arith.subi %sign3A_272, %sign3A_275 : i32
      %ne3A = arith.cmpi ne, %sign3A_269, %sign3A_276 : i32
      %rem3A = arith.remsi %add3A_263, %jit3A : i32
      %ne3A_277 = arith.constant 0 : i32
      %ne3A_278 = arith.cmpi ne, %rem3A, %ne3A_277 : i32
      %and3A = arith.andi %ne3A, %ne3A_278 : i1
      %sub3A = arith.constant 1 : i32
      %sub3A_279 = arith.subi %div3A, %sub3A : i32
      %select_n3A = arith.select %and3A, %sub3A_279, %div3A : i32
      %jit3A_280 = arith.constant 2 : i32
      %eq3A = arith.constant 0 : i32
      %eq3A_281 = arith.cmpi eq, %jit3A_280, %eq3A : i32
      %jit3A_282 = arith.constant 1 : i32
      %select_n3A_283 = arith.select %eq3A_281, %jit3A_282, %jit3A_280 : i32
      %rem3A_284 = arith.remsi %add3A_263, %select_n3A_283 : i32
      %ne3A_285 = arith.constant 0 : i32
      %ne3A_286 = arith.cmpi ne, %rem3A_284, %ne3A_285 : i32
      %lt3A = arith.constant 0 : i32
      %lt3A_287 = arith.cmpi slt, %rem3A_284, %lt3A : i32
      %lt3A_288 = arith.constant 0 : i32
      %lt3A_289 = arith.cmpi slt, %select_n3A_283, %lt3A_288 : i32
      %ne3A_290 = arith.xori %lt3A_287, %lt3A_289 : i1
      %and3A_291 = arith.andi %ne3A_290, %ne3A_286 : i1
      %add3A_292 = arith.addi %rem3A_284, %select_n3A_283 : i32
      %select_n3A_293 = arith.select %and3A_291, %add3A_292, %rem3A_284 : i32
      %mul3A_294 = arith.constant 64 : i32
      %mul3A_295 = arith.muli %select_n3A_293, %mul3A_294 : i32
      %dma_wait3A_296 = tpu.memref_slice %arg6[%select_n3A, %mul3A_295] : memref<80x128xi32, #tpu.memory_space<vmem>> -> memref<1x64xi32, #tpu.memory_space<vmem>>
      %dma_wait3A_297 = tpu.memref_squeeze %dma_wait3A_296 : memref<1x64xi32, #tpu.memory_space<vmem>> -> memref<64xi32, #tpu.memory_space<vmem>>
      %dma_wait3A_298 = arith.constant 0 : i32
      %dma_wait3A_299 = arith.constant 0 : i32
      %dma_wait3A_300 = tpu.memref_slice %arg2[%dma_wait3A_298, %dma_wait3A_299] : memref<10001x128xf32, #tpu.memory_space<hbm>> -> memref<10001x128xf32, #tpu.memory_space<hbm>>
      tpu.wait_indirect_dma semaphore(%arg13 : memref<!tpu.dma_semaphore, #tpu.memory_space<semaphore_mem>>) src(%dma_wait3A_300 : memref<10001x128xf32, #tpu.memory_space<hbm>>) dst(%arg8 : memref<64x128xf32, #tpu.memory_space<vmem>>)
      %dma_wait3A_301 = arith.constant 0 : i32
      %dma_wait3A_302 = arith.constant 0 : i32
      %dma_wait3A_303 = tpu.memref_slice %arg7[%dma_wait3A_301, %dma_wait3A_302] : memref<4x64xi32, #tpu.memory_space<vmem>> -> memref<1x64xi32, #tpu.memory_space<vmem>>
      %dma_wait3A_304 = tpu.memref_squeeze %dma_wait3A_303 : memref<1x64xi32, #tpu.memory_space<vmem>> -> memref<64xi32, #tpu.memory_space<vmem>>
      %dma_wait3A_305 = arith.constant 0 : i32
      %dma_wait3A_306 = tpu.memref_slice %arg4[%add3A, %add3A_263, %dma_wait3A_305] : memref<32x160x64xi32, #tpu.memory_space<hbm>> -> memref<1x1x64xi32, #tpu.memory_space<hbm>>
      %dma_wait3A_307 = tpu.memref_squeeze %dma_wait3A_306 : memref<1x1x64xi32, #tpu.memory_space<hbm>> -> memref<64xi32, #tpu.memory_space<hbm>>
      %dma_wait3A_308 = arith.constant 0 : i32
      %dma_wait3A_309 = tpu.memref_slice %arg7[%dma_wait3A_301, %dma_wait3A_308] : memref<4x64xi32, #tpu.memory_space<vmem>> -> memref<1x64xi32, #tpu.memory_space<vmem>>
      %dma_wait3A_310 = tpu.memref_squeeze %dma_wait3A_309 : memref<1x64xi32, #tpu.memory_space<vmem>> -> memref<64xi32, #tpu.memory_space<vmem>>
      %dma_wait3A_311 = arith.constant 0 : i32
      %dma_wait3A_312 = tpu.memref_slice %arg4[%add3A, %add3A_263, %dma_wait3A_311] : memref<32x160x64xi32, #tpu.memory_space<hbm>> -> memref<1x1x64xi32, #tpu.memory_space<hbm>>
      %dma_wait3A_313 = tpu.memref_squeeze %dma_wait3A_312 : memref<1x1x64xi32, #tpu.memory_space<hbm>> -> memref<64xi32, #tpu.memory_space<hbm>>
      tpu.wait_dma2 semaphore(%arg17 : memref<!tpu.dma_semaphore, #tpu.memory_space<semaphore_mem>>) src(%dma_wait3A_313 : memref<64xi32, #tpu.memory_space<hbm>>) dst(%dma_wait3A_310 : memref<64xi32, #tpu.memory_space<vmem>>)
      %dma_start3A_314 = arith.constant 0 : i32
      %dma_start3A_315 = arith.constant 0 : i32
      %dma_start3A_316 = tpu.memref_slice %arg7[%dma_start3A_314, %dma_start3A_315] : memref<4x64xi32, #tpu.memory_space<vmem>> -> memref<1x64xi32, #tpu.memory_space<vmem>>
      %dma_start3A_317 = tpu.memref_squeeze %dma_start3A_316 : memref<1x64xi32, #tpu.memory_space<vmem>> -> memref<64xi32, #tpu.memory_space<vmem>>
      %dma_start3A_318 = arith.constant 0 : i32
      %dma_start3A_319 = arith.constant 0 : i32
      %dma_start3A_320 = tpu.memref_slice %arg12[%dma_start3A_318, %dma_start3A_319] : memref<10112x128xf32, #tpu.memory_space<vmem_shared>> -> memref<10112x128xf32, #tpu.memory_space<vmem_shared>>
      tpu.enqueue_indirect_dma source(%arg8 : memref<64x128xf32, #tpu.memory_space<vmem>>) target(%dma_start3A_320 : memref<10112x128xf32, #tpu.memory_space<vmem_shared>>) offsets(%dma_start3A_317 : memref<64xi32, #tpu.memory_space<vmem>>) semaphore(%arg21 : memref<!tpu.dma_semaphore, #tpu.memory_space<semaphore_mem>>) {add = true}
      %add3A_321 = arith.constant 1 : i32
      %add3A_322 = arith.addi %mul3A_261, %add3A_321 : i32
      %jit3A_323 = arith.constant 2 : i32
      %div3A_324 = arith.divsi %add3A_322, %jit3A_323 : i32
      %sign3A_325 = arith.constant 0 : i32
      %sign3A_326 = arith.cmpi sgt, %add3A_322, %sign3A_325 : i32
      %sign3A_327 = arith.extui %sign3A_326 : i1 to i32
      %sign3A_328 = arith.constant 0 : i32
      %sign3A_329 = arith.cmpi slt, %add3A_322, %sign3A_328 : i32
      %sign3A_330 = arith.extui %sign3A_329 : i1 to i32
      %sign3A_331 = arith.subi %sign3A_327, %sign3A_330 : i32
      %sign3A_332 = arith.constant 0 : i32
      %sign3A_333 = arith.cmpi sgt, %jit3A_323, %sign3A_332 : i32
      %sign3A_334 = arith.extui %sign3A_333 : i1 to i32
      %sign3A_335 = arith.constant 0 : i32
      %sign3A_336 = arith.cmpi slt, %jit3A_323, %sign3A_335 : i32
      %sign3A_337 = arith.extui %sign3A_336 : i1 to i32
      %sign3A_338 = arith.subi %sign3A_334, %sign3A_337 : i32
      %ne3A_339 = arith.cmpi ne, %sign3A_331, %sign3A_338 : i32
      %rem3A_340 = arith.remsi %add3A_322, %jit3A_323 : i32
      %ne3A_341 = arith.constant 0 : i32
      %ne3A_342 = arith.cmpi ne, %rem3A_340, %ne3A_341 : i32
      %and3A_343 = arith.andi %ne3A_339, %ne3A_342 : i1
      %sub3A_344 = arith.constant 1 : i32
      %sub3A_345 = arith.subi %div3A_324, %sub3A_344 : i32
      %select_n3A_346 = arith.select %and3A_343, %sub3A_345, %div3A_324 : i32
      %jit3A_347 = arith.constant 2 : i32
      %eq3A_348 = arith.constant 0 : i32
      %eq3A_349 = arith.cmpi eq, %jit3A_347, %eq3A_348 : i32
      %jit3A_350 = arith.constant 1 : i32
      %select_n3A_351 = arith.select %eq3A_349, %jit3A_350, %jit3A_347 : i32
      %rem3A_352 = arith.remsi %add3A_322, %select_n3A_351 : i32
      %ne3A_353 = arith.constant 0 : i32
      %ne3A_354 = arith.cmpi ne, %rem3A_352, %ne3A_353 : i32
      %lt3A_355 = arith.constant 0 : i32
      %lt3A_356 = arith.cmpi slt, %rem3A_352, %lt3A_355 : i32
      %lt3A_357 = arith.constant 0 : i32
      %lt3A_358 = arith.cmpi slt, %select_n3A_351, %lt3A_357 : i32
      %ne3A_359 = arith.xori %lt3A_356, %lt3A_358 : i1
      %and3A_360 = arith.andi %ne3A_359, %ne3A_354 : i1
      %add3A_361 = arith.addi %rem3A_352, %select_n3A_351 : i32
      %select_n3A_362 = arith.select %and3A_360, %add3A_361, %rem3A_352 : i32
      %mul3A_363 = arith.constant 64 : i32
      %mul3A_364 = arith.muli %select_n3A_362, %mul3A_363 : i32
      %dma_wait3A_365 = tpu.memref_slice %arg6[%select_n3A_346, %mul3A_364] : memref<80x128xi32, #tpu.memory_space<vmem>> -> memref<1x64xi32, #tpu.memory_space<vmem>>
      %dma_wait3A_366 = tpu.memref_squeeze %dma_wait3A_365 : memref<1x64xi32, #tpu.memory_space<vmem>> -> memref<64xi32, #tpu.memory_space<vmem>>
      %dma_wait3A_367 = arith.constant 0 : i32
      %dma_wait3A_368 = arith.constant 0 : i32
      %dma_wait3A_369 = tpu.memref_slice %arg2[%dma_wait3A_367, %dma_wait3A_368] : memref<10001x128xf32, #tpu.memory_space<hbm>> -> memref<10001x128xf32, #tpu.memory_space<hbm>>
      tpu.wait_indirect_dma semaphore(%arg14 : memref<!tpu.dma_semaphore, #tpu.memory_space<semaphore_mem>>) src(%dma_wait3A_369 : memref<10001x128xf32, #tpu.memory_space<hbm>>) dst(%arg9 : memref<64x128xf32, #tpu.memory_space<vmem>>)
      %dma_wait3A_370 = arith.constant 1 : i32
      %dma_wait3A_371 = arith.constant 0 : i32
      %dma_wait3A_372 = tpu.memref_slice %arg7[%dma_wait3A_370, %dma_wait3A_371] : memref<4x64xi32, #tpu.memory_space<vmem>> -> memref<1x64xi32, #tpu.memory_space<vmem>>
      %dma_wait3A_373 = tpu.memref_squeeze %dma_wait3A_372 : memref<1x64xi32, #tpu.memory_space<vmem>> -> memref<64xi32, #tpu.memory_space<vmem>>
      %dma_wait3A_374 = arith.constant 0 : i32
      %dma_wait3A_375 = tpu.memref_slice %arg4[%add3A, %add3A_322, %dma_wait3A_374] : memref<32x160x64xi32, #tpu.memory_space<hbm>> -> memref<1x1x64xi32, #tpu.memory_space<hbm>>
      %dma_wait3A_376 = tpu.memref_squeeze %dma_wait3A_375 : memref<1x1x64xi32, #tpu.memory_space<hbm>> -> memref<64xi32, #tpu.memory_space<hbm>>
      %dma_wait3A_377 = arith.constant 0 : i32
      %dma_wait3A_378 = tpu.memref_slice %arg7[%dma_wait3A_370, %dma_wait3A_377] : memref<4x64xi32, #tpu.memory_space<vmem>> -> memref<1x64xi32, #tpu.memory_space<vmem>>
      %dma_wait3A_379 = tpu.memref_squeeze %dma_wait3A_378 : memref<1x64xi32, #tpu.memory_space<vmem>> -> memref<64xi32, #tpu.memory_space<vmem>>
      %dma_wait3A_380 = arith.constant 0 : i32
      %dma_wait3A_381 = tpu.memref_slice %arg4[%add3A, %add3A_322, %dma_wait3A_380] : memref<32x160x64xi32, #tpu.memory_space<hbm>> -> memref<1x1x64xi32, #tpu.memory_space<hbm>>
      %dma_wait3A_382 = tpu.memref_squeeze %dma_wait3A_381 : memref<1x1x64xi32, #tpu.memory_space<hbm>> -> memref<64xi32, #tpu.memory_space<hbm>>
      tpu.wait_dma2 semaphore(%arg18 : memref<!tpu.dma_semaphore, #tpu.memory_space<semaphore_mem>>) src(%dma_wait3A_382 : memref<64xi32, #tpu.memory_space<hbm>>) dst(%dma_wait3A_379 : memref<64xi32, #tpu.memory_space<vmem>>)
      %dma_start3A_383 = arith.constant 1 : i32
      %dma_start3A_384 = arith.constant 0 : i32
      %dma_start3A_385 = tpu.memref_slice %arg7[%dma_start3A_383, %dma_start3A_384] : memref<4x64xi32, #tpu.memory_space<vmem>> -> memref<1x64xi32, #tpu.memory_space<vmem>>
      %dma_start3A_386 = tpu.memref_squeeze %dma_start3A_385 : memref<1x64xi32, #tpu.memory_space<vmem>> -> memref<64xi32, #tpu.memory_space<vmem>>
      %dma_start3A_387 = arith.constant 0 : i32
      %dma_start3A_388 = arith.constant 0 : i32
      %dma_start3A_389 = tpu.memref_slice %arg12[%dma_start3A_387, %dma_start3A_388] : memref<10112x128xf32, #tpu.memory_space<vmem_shared>> -> memref<10112x128xf32, #tpu.memory_space<vmem_shared>>
      tpu.enqueue_indirect_dma source(%arg9 : memref<64x128xf32, #tpu.memory_space<vmem>>) target(%dma_start3A_389 : memref<10112x128xf32, #tpu.memory_space<vmem_shared>>) offsets(%dma_start3A_386 : memref<64xi32, #tpu.memory_space<vmem>>) semaphore(%arg22 : memref<!tpu.dma_semaphore, #tpu.memory_space<semaphore_mem>>) {add = true}
      %add3A_390 = arith.constant 2 : i32
      %add3A_391 = arith.addi %mul3A_261, %add3A_390 : i32
      %jit3A_392 = arith.constant 2 : i32
      %div3A_393 = arith.divsi %add3A_391, %jit3A_392 : i32
      %sign3A_394 = arith.constant 0 : i32
      %sign3A_395 = arith.cmpi sgt, %add3A_391, %sign3A_394 : i32
      %sign3A_396 = arith.extui %sign3A_395 : i1 to i32
      %sign3A_397 = arith.constant 0 : i32
      %sign3A_398 = arith.cmpi slt, %add3A_391, %sign3A_397 : i32
      %sign3A_399 = arith.extui %sign3A_398 : i1 to i32
      %sign3A_400 = arith.subi %sign3A_396, %sign3A_399 : i32
      %sign3A_401 = arith.constant 0 : i32
      %sign3A_402 = arith.cmpi sgt, %jit3A_392, %sign3A_401 : i32
      %sign3A_403 = arith.extui %sign3A_402 : i1 to i32
      %sign3A_404 = arith.constant 0 : i32
      %sign3A_405 = arith.cmpi slt, %jit3A_392, %sign3A_404 : i32
      %sign3A_406 = arith.extui %sign3A_405 : i1 to i32
      %sign3A_407 = arith.subi %sign3A_403, %sign3A_406 : i32
      %ne3A_408 = arith.cmpi ne, %sign3A_400, %sign3A_407 : i32
      %rem3A_409 = arith.remsi %add3A_391, %jit3A_392 : i32
      %ne3A_410 = arith.constant 0 : i32
      %ne3A_411 = arith.cmpi ne, %rem3A_409, %ne3A_410 : i32
      %and3A_412 = arith.andi %ne3A_408, %ne3A_411 : i1
      %sub3A_413 = arith.constant 1 : i32
      %sub3A_414 = arith.subi %div3A_393, %sub3A_413 : i32
      %select_n3A_415 = arith.select %and3A_412, %sub3A_414, %div3A_393 : i32
      %jit3A_416 = arith.constant 2 : i32
      %eq3A_417 = arith.constant 0 : i32
      %eq3A_418 = arith.cmpi eq, %jit3A_416, %eq3A_417 : i32
      %jit3A_419 = arith.constant 1 : i32
      %select_n3A_420 = arith.select %eq3A_418, %jit3A_419, %jit3A_416 : i32
      %rem3A_421 = arith.remsi %add3A_391, %select_n3A_420 : i32
      %ne3A_422 = arith.constant 0 : i32
      %ne3A_423 = arith.cmpi ne, %rem3A_421, %ne3A_422 : i32
      %lt3A_424 = arith.constant 0 : i32
      %lt3A_425 = arith.cmpi slt, %rem3A_421, %lt3A_424 : i32
      %lt3A_426 = arith.constant 0 : i32
      %lt3A_427 = arith.cmpi slt, %select_n3A_420, %lt3A_426 : i32
      %ne3A_428 = arith.xori %lt3A_425, %lt3A_427 : i1
      %and3A_429 = arith.andi %ne3A_428, %ne3A_423 : i1
      %add3A_430 = arith.addi %rem3A_421, %select_n3A_420 : i32
      %select_n3A_431 = arith.select %and3A_429, %add3A_430, %rem3A_421 : i32
      %mul3A_432 = arith.constant 64 : i32
      %mul3A_433 = arith.muli %select_n3A_431, %mul3A_432 : i32
      %dma_wait3A_434 = tpu.memref_slice %arg6[%select_n3A_415, %mul3A_433] : memref<80x128xi32, #tpu.memory_space<vmem>> -> memref<1x64xi32, #tpu.memory_space<vmem>>
      %dma_wait3A_435 = tpu.memref_squeeze %dma_wait3A_434 : memref<1x64xi32, #tpu.memory_space<vmem>> -> memref<64xi32, #tpu.memory_space<vmem>>
      %dma_wait3A_436 = arith.constant 0 : i32
      %dma_wait3A_437 = arith.constant 0 : i32
      %dma_wait3A_438 = tpu.memref_slice %arg2[%dma_wait3A_436, %dma_wait3A_437] : memref<10001x128xf32, #tpu.memory_space<hbm>> -> memref<10001x128xf32, #tpu.memory_space<hbm>>
      tpu.wait_indirect_dma semaphore(%arg15 : memref<!tpu.dma_semaphore, #tpu.memory_space<semaphore_mem>>) src(%dma_wait3A_438 : memref<10001x128xf32, #tpu.memory_space<hbm>>) dst(%arg10 : memref<64x128xf32, #tpu.memory_space<vmem>>)
      %dma_wait3A_439 = arith.constant 2 : i32
      %dma_wait3A_440 = arith.constant 0 : i32
      %dma_wait3A_441 = tpu.memref_slice %arg7[%dma_wait3A_439, %dma_wait3A_440] : memref<4x64xi32, #tpu.memory_space<vmem>> -> memref<1x64xi32, #tpu.memory_space<vmem>>
      %dma_wait3A_442 = tpu.memref_squeeze %dma_wait3A_441 : memref<1x64xi32, #tpu.memory_space<vmem>> -> memref<64xi32, #tpu.memory_space<vmem>>
      %dma_wait3A_443 = arith.constant 0 : i32
      %dma_wait3A_444 = tpu.memref_slice %arg4[%add3A, %add3A_391, %dma_wait3A_443] : memref<32x160x64xi32, #tpu.memory_space<hbm>> -> memref<1x1x64xi32, #tpu.memory_space<hbm>>
      %dma_wait3A_445 = tpu.memref_squeeze %dma_wait3A_444 : memref<1x1x64xi32, #tpu.memory_space<hbm>> -> memref<64xi32, #tpu.memory_space<hbm>>
      %dma_wait3A_446 = arith.constant 0 : i32
      %dma_wait3A_447 = tpu.memref_slice %arg7[%dma_wait3A_439, %dma_wait3A_446] : memref<4x64xi32, #tpu.memory_space<vmem>> -> memref<1x64xi32, #tpu.memory_space<vmem>>
      %dma_wait3A_448 = tpu.memref_squeeze %dma_wait3A_447 : memref<1x64xi32, #tpu.memory_space<vmem>> -> memref<64xi32, #tpu.memory_space<vmem>>
      %dma_wait3A_449 = arith.constant 0 : i32
      %dma_wait3A_450 = tpu.memref_slice %arg4[%add3A, %add3A_391, %dma_wait3A_449] : memref<32x160x64xi32, #tpu.memory_space<hbm>> -> memref<1x1x64xi32, #tpu.memory_space<hbm>>
      %dma_wait3A_451 = tpu.memref_squeeze %dma_wait3A_450 : memref<1x1x64xi32, #tpu.memory_space<hbm>> -> memref<64xi32, #tpu.memory_space<hbm>>
      tpu.wait_dma2 semaphore(%arg19 : memref<!tpu.dma_semaphore, #tpu.memory_space<semaphore_mem>>) src(%dma_wait3A_451 : memref<64xi32, #tpu.memory_space<hbm>>) dst(%dma_wait3A_448 : memref<64xi32, #tpu.memory_space<vmem>>)
      %dma_start3A_452 = arith.constant 2 : i32
      %dma_start3A_453 = arith.constant 0 : i32
      %dma_start3A_454 = tpu.memref_slice %arg7[%dma_start3A_452, %dma_start3A_453] : memref<4x64xi32, #tpu.memory_space<vmem>> -> memref<1x64xi32, #tpu.memory_space<vmem>>
      %dma_start3A_455 = tpu.memref_squeeze %dma_start3A_454 : memref<1x64xi32, #tpu.memory_space<vmem>> -> memref<64xi32, #tpu.memory_space<vmem>>
      %dma_start3A_456 = arith.constant 0 : i32
      %dma_start3A_457 = arith.constant 0 : i32
      %dma_start3A_458 = tpu.memref_slice %arg12[%dma_start3A_456, %dma_start3A_457] : memref<10112x128xf32, #tpu.memory_space<vmem_shared>> -> memref<10112x128xf32, #tpu.memory_space<vmem_shared>>
      tpu.enqueue_indirect_dma source(%arg10 : memref<64x128xf32, #tpu.memory_space<vmem>>) target(%dma_start3A_458 : memref<10112x128xf32, #tpu.memory_space<vmem_shared>>) offsets(%dma_start3A_455 : memref<64xi32, #tpu.memory_space<vmem>>) semaphore(%arg23 : memref<!tpu.dma_semaphore, #tpu.memory_space<semaphore_mem>>) {add = true}
      %add3A_459 = arith.constant 3 : i32
      %add3A_460 = arith.addi %mul3A_261, %add3A_459 : i32
      %jit3A_461 = arith.constant 2 : i32
      %div3A_462 = arith.divsi %add3A_460, %jit3A_461 : i32
      %sign3A_463 = arith.constant 0 : i32
      %sign3A_464 = arith.cmpi sgt, %add3A_460, %sign3A_463 : i32
      %sign3A_465 = arith.extui %sign3A_464 : i1 to i32
      %sign3A_466 = arith.constant 0 : i32
      %sign3A_467 = arith.cmpi slt, %add3A_460, %sign3A_466 : i32
      %sign3A_468 = arith.extui %sign3A_467 : i1 to i32
      %sign3A_469 = arith.subi %sign3A_465, %sign3A_468 : i32
      %sign3A_470 = arith.constant 0 : i32
      %sign3A_471 = arith.cmpi sgt, %jit3A_461, %sign3A_470 : i32
      %sign3A_472 = arith.extui %sign3A_471 : i1 to i32
      %sign3A_473 = arith.constant 0 : i32
      %sign3A_474 = arith.cmpi slt, %jit3A_461, %sign3A_473 : i32
      %sign3A_475 = arith.extui %sign3A_474 : i1 to i32
      %sign3A_476 = arith.subi %sign3A_472, %sign3A_475 : i32
      %ne3A_477 = arith.cmpi ne, %sign3A_469, %sign3A_476 : i32
      %rem3A_478 = arith.remsi %add3A_460, %jit3A_461 : i32
      %ne3A_479 = arith.constant 0 : i32
      %ne3A_480 = arith.cmpi ne, %rem3A_478, %ne3A_479 : i32
      %and3A_481 = arith.andi %ne3A_477, %ne3A_480 : i1
      %sub3A_482 = arith.constant 1 : i32
      %sub3A_483 = arith.subi %div3A_462, %sub3A_482 : i32
      %select_n3A_484 = arith.select %and3A_481, %sub3A_483, %div3A_462 : i32
      %jit3A_485 = arith.constant 2 : i32
      %eq3A_486 = arith.constant 0 : i32
      %eq3A_487 = arith.cmpi eq, %jit3A_485, %eq3A_486 : i32
      %jit3A_488 = arith.constant 1 : i32
      %select_n3A_489 = arith.select %eq3A_487, %jit3A_488, %jit3A_485 : i32
      %rem3A_490 = arith.remsi %add3A_460, %select_n3A_489 : i32
      %ne3A_491 = arith.constant 0 : i32
      %ne3A_492 = arith.cmpi ne, %rem3A_490, %ne3A_491 : i32
      %lt3A_493 = arith.constant 0 : i32
      %lt3A_494 = arith.cmpi slt, %rem3A_490, %lt3A_493 : i32
      %lt3A_495 = arith.constant 0 : i32
      %lt3A_496 = arith.cmpi slt, %select_n3A_489, %lt3A_495 : i32
      %ne3A_497 = arith.xori %lt3A_494, %lt3A_496 : i1
      %and3A_498 = arith.andi %ne3A_497, %ne3A_492 : i1
      %add3A_499 = arith.addi %rem3A_490, %select_n3A_489 : i32
      %select_n3A_500 = arith.select %and3A_498, %add3A_499, %rem3A_490 : i32
      %mul3A_501 = arith.constant 64 : i32
      %mul3A_502 = arith.muli %select_n3A_500, %mul3A_501 : i32
      %dma_wait3A_503 = tpu.memref_slice %arg6[%select_n3A_484, %mul3A_502] : memref<80x128xi32, #tpu.memory_space<vmem>> -> memref<1x64xi32, #tpu.memory_space<vmem>>
      %dma_wait3A_504 = tpu.memref_squeeze %dma_wait3A_503 : memref<1x64xi32, #tpu.memory_space<vmem>> -> memref<64xi32, #tpu.memory_space<vmem>>
      %dma_wait3A_505 = arith.constant 0 : i32
      %dma_wait3A_506 = arith.constant 0 : i32
      %dma_wait3A_507 = tpu.memref_slice %arg2[%dma_wait3A_505, %dma_wait3A_506] : memref<10001x128xf32, #tpu.memory_space<hbm>> -> memref<10001x128xf32, #tpu.memory_space<hbm>>
      tpu.wait_indirect_dma semaphore(%arg16 : memref<!tpu.dma_semaphore, #tpu.memory_space<semaphore_mem>>) src(%dma_wait3A_507 : memref<10001x128xf32, #tpu.memory_space<hbm>>) dst(%arg11 : memref<64x128xf32, #tpu.memory_space<vmem>>)
      %dma_wait3A_508 = arith.constant 3 : i32
      %dma_wait3A_509 = arith.constant 0 : i32
      %dma_wait3A_510 = tpu.memref_slice %arg7[%dma_wait3A_508, %dma_wait3A_509] : memref<4x64xi32, #tpu.memory_space<vmem>> -> memref<1x64xi32, #tpu.memory_space<vmem>>
      %dma_wait3A_511 = tpu.memref_squeeze %dma_wait3A_510 : memref<1x64xi32, #tpu.memory_space<vmem>> -> memref<64xi32, #tpu.memory_space<vmem>>
      %dma_wait3A_512 = arith.constant 0 : i32
      %dma_wait3A_513 = tpu.memref_slice %arg4[%add3A, %add3A_460, %dma_wait3A_512] : memref<32x160x64xi32, #tpu.memory_space<hbm>> -> memref<1x1x64xi32, #tpu.memory_space<hbm>>
      %dma_wait3A_514 = tpu.memref_squeeze %dma_wait3A_513 : memref<1x1x64xi32, #tpu.memory_space<hbm>> -> memref<64xi32, #tpu.memory_space<hbm>>
      %dma_wait3A_515 = arith.constant 0 : i32
      %dma_wait3A_516 = tpu.memref_slice %arg7[%dma_wait3A_508, %dma_wait3A_515] : memref<4x64xi32, #tpu.memory_space<vmem>> -> memref<1x64xi32, #tpu.memory_space<vmem>>
      %dma_wait3A_517 = tpu.memref_squeeze %dma_wait3A_516 : memref<1x64xi32, #tpu.memory_space<vmem>> -> memref<64xi32, #tpu.memory_space<vmem>>
      %dma_wait3A_518 = arith.constant 0 : i32
      %dma_wait3A_519 = tpu.memref_slice %arg4[%add3A, %add3A_460, %dma_wait3A_518] : memref<32x160x64xi32, #tpu.memory_space<hbm>> -> memref<1x1x64xi32, #tpu.memory_space<hbm>>
      %dma_wait3A_520 = tpu.memref_squeeze %dma_wait3A_519 : memref<1x1x64xi32, #tpu.memory_space<hbm>> -> memref<64xi32, #tpu.memory_space<hbm>>
      tpu.wait_dma2 semaphore(%arg20 : memref<!tpu.dma_semaphore, #tpu.memory_space<semaphore_mem>>) src(%dma_wait3A_520 : memref<64xi32, #tpu.memory_space<hbm>>) dst(%dma_wait3A_517 : memref<64xi32, #tpu.memory_space<vmem>>)
      %dma_start3A_521 = arith.constant 3 : i32
      %dma_start3A_522 = arith.constant 0 : i32
      %dma_start3A_523 = tpu.memref_slice %arg7[%dma_start3A_521, %dma_start3A_522] : memref<4x64xi32, #tpu.memory_space<vmem>> -> memref<1x64xi32, #tpu.memory_space<vmem>>
      %dma_start3A_524 = tpu.memref_squeeze %dma_start3A_523 : memref<1x64xi32, #tpu.memory_space<vmem>> -> memref<64xi32, #tpu.memory_space<vmem>>
      %dma_start3A_525 = arith.constant 0 : i32
      %dma_start3A_526 = arith.constant 0 : i32
      %dma_start3A_527 = tpu.memref_slice %arg12[%dma_start3A_525, %dma_start3A_526] : memref<10112x128xf32, #tpu.memory_space<vmem_shared>> -> memref<10112x128xf32, #tpu.memory_space<vmem_shared>>
      tpu.enqueue_indirect_dma source(%arg11 : memref<64x128xf32, #tpu.memory_space<vmem>>) target(%dma_start3A_527 : memref<10112x128xf32, #tpu.memory_space<vmem_shared>>) offsets(%dma_start3A_524 : memref<64xi32, #tpu.memory_space<vmem>>) semaphore(%arg24 : memref<!tpu.dma_semaphore, #tpu.memory_space<semaphore_mem>>) {add = true}
      %add3A_528 = arith.constant 0 : i32
      %add3A_529 = arith.addi %mul3A_261, %add3A_528 : i32
      %dma_wait3A_530 = arith.constant 0 : i32
      %dma_wait3A_531 = arith.constant 0 : i32
      %dma_wait3A_532 = tpu.memref_slice %arg7[%dma_wait3A_530, %dma_wait3A_531] : memref<4x64xi32, #tpu.memory_space<vmem>> -> memref<1x64xi32, #tpu.memory_space<vmem>>
      %dma_wait3A_533 = tpu.memref_squeeze %dma_wait3A_532 : memref<1x64xi32, #tpu.memory_space<vmem>> -> memref<64xi32, #tpu.memory_space<vmem>>
      %dma_wait3A_534 = arith.constant 0 : i32
      %dma_wait3A_535 = arith.constant 0 : i32
      %dma_wait3A_536 = tpu.memref_slice %arg12[%dma_wait3A_534, %dma_wait3A_535] : memref<10112x128xf32, #tpu.memory_space<vmem_shared>> -> memref<10112x128xf32, #tpu.memory_space<vmem_shared>>
      tpu.wait_indirect_dma semaphore(%arg21 : memref<!tpu.dma_semaphore, #tpu.memory_space<semaphore_mem>>) src(%arg8 : memref<64x128xf32, #tpu.memory_space<vmem>>) dst(%dma_wait3A_536 : memref<10112x128xf32, #tpu.memory_space<vmem_shared>>)
      %add3A_537 = arith.constant 4 : i32
      %add3A_538 = arith.addi %add3A_529, %add3A_537 : i32
      %dma_start3A_539 = arith.constant 0 : i32
      %dma_start3A_540 = arith.constant 0 : i32
      %dma_start3A_541 = tpu.memref_slice %arg7[%dma_start3A_539, %dma_start3A_540] : memref<4x64xi32, #tpu.memory_space<vmem>> -> memref<1x64xi32, #tpu.memory_space<vmem>>
      %dma_start3A_542 = tpu.memref_squeeze %dma_start3A_541 : memref<1x64xi32, #tpu.memory_space<vmem>> -> memref<64xi32, #tpu.memory_space<vmem>>
      %dma_start3A_543 = arith.constant 0 : i32
      %dma_start3A_544 = tpu.memref_slice %arg4[%add3A, %add3A_538, %dma_start3A_543] : memref<32x160x64xi32, #tpu.memory_space<hbm>> -> memref<1x1x64xi32, #tpu.memory_space<hbm>>
      %dma_start3A_545 = tpu.memref_squeeze %dma_start3A_544 : memref<1x1x64xi32, #tpu.memory_space<hbm>> -> memref<64xi32, #tpu.memory_space<hbm>>
      %dma_start3A_546 = arith.constant 0 : i32
      %dma_start3A_547 = tpu.memref_slice %arg7[%dma_start3A_539, %dma_start3A_546] : memref<4x64xi32, #tpu.memory_space<vmem>> -> memref<1x64xi32, #tpu.memory_space<vmem>>
      %dma_start3A_548 = tpu.memref_squeeze %dma_start3A_547 : memref<1x64xi32, #tpu.memory_space<vmem>> -> memref<64xi32, #tpu.memory_space<vmem>>
      %dma_start3A_549 = arith.constant 0 : i32
      %dma_start3A_550 = tpu.memref_slice %arg4[%add3A, %add3A_538, %dma_start3A_549] : memref<32x160x64xi32, #tpu.memory_space<hbm>> -> memref<1x1x64xi32, #tpu.memory_space<hbm>>
      %dma_start3A_551 = tpu.memref_squeeze %dma_start3A_550 : memref<1x1x64xi32, #tpu.memory_space<hbm>> -> memref<64xi32, #tpu.memory_space<hbm>>
      tpu.enqueue_dma source(%dma_start3A_551 : memref<64xi32, #tpu.memory_space<hbm>>) target(%dma_start3A_548 : memref<64xi32, #tpu.memory_space<vmem>>) target_semaphore(%arg17 : memref<!tpu.dma_semaphore, #tpu.memory_space<semaphore_mem>>)
      %add3A_552 = arith.constant 4 : i32
      %add3A_553 = arith.addi %add3A_529, %add3A_552 : i32
      %jit3A_554 = arith.constant 2 : i32
      %div3A_555 = arith.divsi %add3A_553, %jit3A_554 : i32
      %sign3A_556 = arith.constant 0 : i32
      %sign3A_557 = arith.cmpi sgt, %add3A_553, %sign3A_556 : i32
      %sign3A_558 = arith.extui %sign3A_557 : i1 to i32
      %sign3A_559 = arith.constant 0 : i32
      %sign3A_560 = arith.cmpi slt, %add3A_553, %sign3A_559 : i32
      %sign3A_561 = arith.extui %sign3A_560 : i1 to i32
      %sign3A_562 = arith.subi %sign3A_558, %sign3A_561 : i32
      %sign3A_563 = arith.constant 0 : i32
      %sign3A_564 = arith.cmpi sgt, %jit3A_554, %sign3A_563 : i32
      %sign3A_565 = arith.extui %sign3A_564 : i1 to i32
      %sign3A_566 = arith.constant 0 : i32
      %sign3A_567 = arith.cmpi slt, %jit3A_554, %sign3A_566 : i32
      %sign3A_568 = arith.extui %sign3A_567 : i1 to i32
      %sign3A_569 = arith.subi %sign3A_565, %sign3A_568 : i32
      %ne3A_570 = arith.cmpi ne, %sign3A_562, %sign3A_569 : i32
      %rem3A_571 = arith.remsi %add3A_553, %jit3A_554 : i32
      %ne3A_572 = arith.constant 0 : i32
      %ne3A_573 = arith.cmpi ne, %rem3A_571, %ne3A_572 : i32
      %and3A_574 = arith.andi %ne3A_570, %ne3A_573 : i1
      %sub3A_575 = arith.constant 1 : i32
      %sub3A_576 = arith.subi %div3A_555, %sub3A_575 : i32
      %select_n3A_577 = arith.select %and3A_574, %sub3A_576, %div3A_555 : i32
      %jit3A_578 = arith.constant 2 : i32
      %eq3A_579 = arith.constant 0 : i32
      %eq3A_580 = arith.cmpi eq, %jit3A_578, %eq3A_579 : i32
      %jit3A_581 = arith.constant 1 : i32
      %select_n3A_582 = arith.select %eq3A_580, %jit3A_581, %jit3A_578 : i32
      %rem3A_583 = arith.remsi %add3A_553, %select_n3A_582 : i32
      %ne3A_584 = arith.constant 0 : i32
      %ne3A_585 = arith.cmpi ne, %rem3A_583, %ne3A_584 : i32
      %lt3A_586 = arith.constant 0 : i32
      %lt3A_587 = arith.cmpi slt, %rem3A_583, %lt3A_586 : i32
      %lt3A_588 = arith.constant 0 : i32
      %lt3A_589 = arith.cmpi slt, %select_n3A_582, %lt3A_588 : i32
      %ne3A_590 = arith.xori %lt3A_587, %lt3A_589 : i1
      %and3A_591 = arith.andi %ne3A_590, %ne3A_585 : i1
      %add3A_592 = arith.addi %rem3A_583, %select_n3A_582 : i32
      %select_n3A_593 = arith.select %and3A_591, %add3A_592, %rem3A_583 : i32
      %mul3A_594 = arith.constant 64 : i32
      %mul3A_595 = arith.muli %select_n3A_593, %mul3A_594 : i32
      %dma_start3A_596 = tpu.memref_slice %arg6[%select_n3A_577, %mul3A_595] : memref<80x128xi32, #tpu.memory_space<vmem>> -> memref<1x64xi32, #tpu.memory_space<vmem>>
      %dma_start3A_597 = tpu.memref_squeeze %dma_start3A_596 : memref<1x64xi32, #tpu.memory_space<vmem>> -> memref<64xi32, #tpu.memory_space<vmem>>
      %dma_start3A_598 = arith.constant 0 : i32
      %dma_start3A_599 = arith.constant 0 : i32
      %dma_start3A_600 = tpu.memref_slice %arg2[%dma_start3A_598, %dma_start3A_599] : memref<10001x128xf32, #tpu.memory_space<hbm>> -> memref<10001x128xf32, #tpu.memory_space<hbm>>
      tpu.enqueue_indirect_dma source(%dma_start3A_600 : memref<10001x128xf32, #tpu.memory_space<hbm>>) target(%arg8 : memref<64x128xf32, #tpu.memory_space<vmem>>) offsets(%dma_start3A_597 : memref<64xi32, #tpu.memory_space<vmem>>) semaphore(%arg13 : memref<!tpu.dma_semaphore, #tpu.memory_space<semaphore_mem>>)
      %add3A_601 = arith.constant 1 : i32
      %add3A_602 = arith.addi %mul3A_261, %add3A_601 : i32
      %dma_wait3A_603 = arith.constant 1 : i32
      %dma_wait3A_604 = arith.constant 0 : i32
      %dma_wait3A_605 = tpu.memref_slice %arg7[%dma_wait3A_603, %dma_wait3A_604] : memref<4x64xi32, #tpu.memory_space<vmem>> -> memref<1x64xi32, #tpu.memory_space<vmem>>
      %dma_wait3A_606 = tpu.memref_squeeze %dma_wait3A_605 : memref<1x64xi32, #tpu.memory_space<vmem>> -> memref<64xi32, #tpu.memory_space<vmem>>
      %dma_wait3A_607 = arith.constant 0 : i32
      %dma_wait3A_608 = arith.constant 0 : i32
      %dma_wait3A_609 = tpu.memref_slice %arg12[%dma_wait3A_607, %dma_wait3A_608] : memref<10112x128xf32, #tpu.memory_space<vmem_shared>> -> memref<10112x128xf32, #tpu.memory_space<vmem_shared>>
      tpu.wait_indirect_dma semaphore(%arg22 : memref<!tpu.dma_semaphore, #tpu.memory_space<semaphore_mem>>) src(%arg9 : memref<64x128xf32, #tpu.memory_space<vmem>>) dst(%dma_wait3A_609 : memref<10112x128xf32, #tpu.memory_space<vmem_shared>>)
      %add3A_610 = arith.constant 4 : i32
      %add3A_611 = arith.addi %add3A_602, %add3A_610 : i32
      %dma_start3A_612 = arith.constant 1 : i32
      %dma_start3A_613 = arith.constant 0 : i32
      %dma_start3A_614 = tpu.memref_slice %arg7[%dma_start3A_612, %dma_start3A_613] : memref<4x64xi32, #tpu.memory_space<vmem>> -> memref<1x64xi32, #tpu.memory_space<vmem>>
      %dma_start3A_615 = tpu.memref_squeeze %dma_start3A_614 : memref<1x64xi32, #tpu.memory_space<vmem>> -> memref<64xi32, #tpu.memory_space<vmem>>
      %dma_start3A_616 = arith.constant 0 : i32
      %dma_start3A_617 = tpu.memref_slice %arg4[%add3A, %add3A_611, %dma_start3A_616] : memref<32x160x64xi32, #tpu.memory_space<hbm>> -> memref<1x1x64xi32, #tpu.memory_space<hbm>>
      %dma_start3A_618 = tpu.memref_squeeze %dma_start3A_617 : memref<1x1x64xi32, #tpu.memory_space<hbm>> -> memref<64xi32, #tpu.memory_space<hbm>>
      %dma_start3A_619 = arith.constant 0 : i32
      %dma_start3A_620 = tpu.memref_slice %arg7[%dma_start3A_612, %dma_start3A_619] : memref<4x64xi32, #tpu.memory_space<vmem>> -> memref<1x64xi32, #tpu.memory_space<vmem>>
      %dma_start3A_621 = tpu.memref_squeeze %dma_start3A_620 : memref<1x64xi32, #tpu.memory_space<vmem>> -> memref<64xi32, #tpu.memory_space<vmem>>
      %dma_start3A_622 = arith.constant 0 : i32
      %dma_start3A_623 = tpu.memref_slice %arg4[%add3A, %add3A_611, %dma_start3A_622] : memref<32x160x64xi32, #tpu.memory_space<hbm>> -> memref<1x1x64xi32, #tpu.memory_space<hbm>>
      %dma_start3A_624 = tpu.memref_squeeze %dma_start3A_623 : memref<1x1x64xi32, #tpu.memory_space<hbm>> -> memref<64xi32, #tpu.memory_space<hbm>>
      tpu.enqueue_dma source(%dma_start3A_624 : memref<64xi32, #tpu.memory_space<hbm>>) target(%dma_start3A_621 : memref<64xi32, #tpu.memory_space<vmem>>) target_semaphore(%arg18 : memref<!tpu.dma_semaphore, #tpu.memory_space<semaphore_mem>>)
      %add3A_625 = arith.constant 4 : i32
      %add3A_626 = arith.addi %add3A_602, %add3A_625 : i32
      %jit3A_627 = arith.constant 2 : i32
      %div3A_628 = arith.divsi %add3A_626, %jit3A_627 : i32
      %sign3A_629 = arith.constant 0 : i32
      %sign3A_630 = arith.cmpi sgt, %add3A_626, %sign3A_629 : i32
      %sign3A_631 = arith.extui %sign3A_630 : i1 to i32
      %sign3A_632 = arith.constant 0 : i32
      %sign3A_633 = arith.cmpi slt, %add3A_626, %sign3A_632 : i32
      %sign3A_634 = arith.extui %sign3A_633 : i1 to i32
      %sign3A_635 = arith.subi %sign3A_631, %sign3A_634 : i32
      %sign3A_636 = arith.constant 0 : i32
      %sign3A_637 = arith.cmpi sgt, %jit3A_627, %sign3A_636 : i32
      %sign3A_638 = arith.extui %sign3A_637 : i1 to i32
      %sign3A_639 = arith.constant 0 : i32
      %sign3A_640 = arith.cmpi slt, %jit3A_627, %sign3A_639 : i32
      %sign3A_641 = arith.extui %sign3A_640 : i1 to i32
      %sign3A_642 = arith.subi %sign3A_638, %sign3A_641 : i32
      %ne3A_643 = arith.cmpi ne, %sign3A_635, %sign3A_642 : i32
      %rem3A_644 = arith.remsi %add3A_626, %jit3A_627 : i32
      %ne3A_645 = arith.constant 0 : i32
      %ne3A_646 = arith.cmpi ne, %rem3A_644, %ne3A_645 : i32
      %and3A_647 = arith.andi %ne3A_643, %ne3A_646 : i1
      %sub3A_648 = arith.constant 1 : i32
      %sub3A_649 = arith.subi %div3A_628, %sub3A_648 : i32
      %select_n3A_650 = arith.select %and3A_647, %sub3A_649, %div3A_628 : i32
      %jit3A_651 = arith.constant 2 : i32
      %eq3A_652 = arith.constant 0 : i32
      %eq3A_653 = arith.cmpi eq, %jit3A_651, %eq3A_652 : i32
      %jit3A_654 = arith.constant 1 : i32
      %select_n3A_655 = arith.select %eq3A_653, %jit3A_654, %jit3A_651 : i32
      %rem3A_656 = arith.remsi %add3A_626, %select_n3A_655 : i32
      %ne3A_657 = arith.constant 0 : i32
      %ne3A_658 = arith.cmpi ne, %rem3A_656, %ne3A_657 : i32
      %lt3A_659 = arith.constant 0 : i32
      %lt3A_660 = arith.cmpi slt, %rem3A_656, %lt3A_659 : i32
      %lt3A_661 = arith.constant 0 : i32
      %lt3A_662 = arith.cmpi slt, %select_n3A_655, %lt3A_661 : i32
      %ne3A_663 = arith.xori %lt3A_660, %lt3A_662 : i1
      %and3A_664 = arith.andi %ne3A_663, %ne3A_658 : i1
      %add3A_665 = arith.addi %rem3A_656, %select_n3A_655 : i32
      %select_n3A_666 = arith.select %and3A_664, %add3A_665, %rem3A_656 : i32
      %mul3A_667 = arith.constant 64 : i32
      %mul3A_668 = arith.muli %select_n3A_666, %mul3A_667 : i32
      %dma_start3A_669 = tpu.memref_slice %arg6[%select_n3A_650, %mul3A_668] : memref<80x128xi32, #tpu.memory_space<vmem>> -> memref<1x64xi32, #tpu.memory_space<vmem>>
      %dma_start3A_670 = tpu.memref_squeeze %dma_start3A_669 : memref<1x64xi32, #tpu.memory_space<vmem>> -> memref<64xi32, #tpu.memory_space<vmem>>
      %dma_start3A_671 = arith.constant 0 : i32
      %dma_start3A_672 = arith.constant 0 : i32
      %dma_start3A_673 = tpu.memref_slice %arg2[%dma_start3A_671, %dma_start3A_672] : memref<10001x128xf32, #tpu.memory_space<hbm>> -> memref<10001x128xf32, #tpu.memory_space<hbm>>
      tpu.enqueue_indirect_dma source(%dma_start3A_673 : memref<10001x128xf32, #tpu.memory_space<hbm>>) target(%arg9 : memref<64x128xf32, #tpu.memory_space<vmem>>) offsets(%dma_start3A_670 : memref<64xi32, #tpu.memory_space<vmem>>) semaphore(%arg14 : memref<!tpu.dma_semaphore, #tpu.memory_space<semaphore_mem>>)
      %add3A_674 = arith.constant 2 : i32
      %add3A_675 = arith.addi %mul3A_261, %add3A_674 : i32
      %dma_wait3A_676 = arith.constant 2 : i32
      %dma_wait3A_677 = arith.constant 0 : i32
      %dma_wait3A_678 = tpu.memref_slice %arg7[%dma_wait3A_676, %dma_wait3A_677] : memref<4x64xi32, #tpu.memory_space<vmem>> -> memref<1x64xi32, #tpu.memory_space<vmem>>
      %dma_wait3A_679 = tpu.memref_squeeze %dma_wait3A_678 : memref<1x64xi32, #tpu.memory_space<vmem>> -> memref<64xi32, #tpu.memory_space<vmem>>
      %dma_wait3A_680 = arith.constant 0 : i32
      %dma_wait3A_681 = arith.constant 0 : i32
      %dma_wait3A_682 = tpu.memref_slice %arg12[%dma_wait3A_680, %dma_wait3A_681] : memref<10112x128xf32, #tpu.memory_space<vmem_shared>> -> memref<10112x128xf32, #tpu.memory_space<vmem_shared>>
      tpu.wait_indirect_dma semaphore(%arg23 : memref<!tpu.dma_semaphore, #tpu.memory_space<semaphore_mem>>) src(%arg10 : memref<64x128xf32, #tpu.memory_space<vmem>>) dst(%dma_wait3A_682 : memref<10112x128xf32, #tpu.memory_space<vmem_shared>>)
      %add3A_683 = arith.constant 4 : i32
      %add3A_684 = arith.addi %add3A_675, %add3A_683 : i32
      %dma_start3A_685 = arith.constant 2 : i32
      %dma_start3A_686 = arith.constant 0 : i32
      %dma_start3A_687 = tpu.memref_slice %arg7[%dma_start3A_685, %dma_start3A_686] : memref<4x64xi32, #tpu.memory_space<vmem>> -> memref<1x64xi32, #tpu.memory_space<vmem>>
      %dma_start3A_688 = tpu.memref_squeeze %dma_start3A_687 : memref<1x64xi32, #tpu.memory_space<vmem>> -> memref<64xi32, #tpu.memory_space<vmem>>
      %dma_start3A_689 = arith.constant 0 : i32
      %dma_start3A_690 = tpu.memref_slice %arg4[%add3A, %add3A_684, %dma_start3A_689] : memref<32x160x64xi32, #tpu.memory_space<hbm>> -> memref<1x1x64xi32, #tpu.memory_space<hbm>>
      %dma_start3A_691 = tpu.memref_squeeze %dma_start3A_690 : memref<1x1x64xi32, #tpu.memory_space<hbm>> -> memref<64xi32, #tpu.memory_space<hbm>>
      %dma_start3A_692 = arith.constant 0 : i32
      %dma_start3A_693 = tpu.memref_slice %arg7[%dma_start3A_685, %dma_start3A_692] : memref<4x64xi32, #tpu.memory_space<vmem>> -> memref<1x64xi32, #tpu.memory_space<vmem>>
      %dma_start3A_694 = tpu.memref_squeeze %dma_start3A_693 : memref<1x64xi32, #tpu.memory_space<vmem>> -> memref<64xi32, #tpu.memory_space<vmem>>
      %dma_start3A_695 = arith.constant 0 : i32
      %dma_start3A_696 = tpu.memref_slice %arg4[%add3A, %add3A_684, %dma_start3A_695] : memref<32x160x64xi32, #tpu.memory_space<hbm>> -> memref<1x1x64xi32, #tpu.memory_space<hbm>>
      %dma_start3A_697 = tpu.memref_squeeze %dma_start3A_696 : memref<1x1x64xi32, #tpu.memory_space<hbm>> -> memref<64xi32, #tpu.memory_space<hbm>>
      tpu.enqueue_dma source(%dma_start3A_697 : memref<64xi32, #tpu.memory_space<hbm>>) target(%dma_start3A_694 : memref<64xi32, #tpu.memory_space<vmem>>) target_semaphore(%arg19 : memref<!tpu.dma_semaphore, #tpu.memory_space<semaphore_mem>>)
      %add3A_698 = arith.constant 4 : i32
      %add3A_699 = arith.addi %add3A_675, %add3A_698 : i32
      %jit3A_700 = arith.constant 2 : i32
      %div3A_701 = arith.divsi %add3A_699, %jit3A_700 : i32
      %sign3A_702 = arith.constant 0 : i32
      %sign3A_703 = arith.cmpi sgt, %add3A_699, %sign3A_702 : i32
      %sign3A_704 = arith.extui %sign3A_703 : i1 to i32
      %sign3A_705 = arith.constant 0 : i32
      %sign3A_706 = arith.cmpi slt, %add3A_699, %sign3A_705 : i32
      %sign3A_707 = arith.extui %sign3A_706 : i1 to i32
      %sign3A_708 = arith.subi %sign3A_704, %sign3A_707 : i32
      %sign3A_709 = arith.constant 0 : i32
      %sign3A_710 = arith.cmpi sgt, %jit3A_700, %sign3A_709 : i32
      %sign3A_711 = arith.extui %sign3A_710 : i1 to i32
      %sign3A_712 = arith.constant 0 : i32
      %sign3A_713 = arith.cmpi slt, %jit3A_700, %sign3A_712 : i32
      %sign3A_714 = arith.extui %sign3A_713 : i1 to i32
      %sign3A_715 = arith.subi %sign3A_711, %sign3A_714 : i32
      %ne3A_716 = arith.cmpi ne, %sign3A_708, %sign3A_715 : i32
      %rem3A_717 = arith.remsi %add3A_699, %jit3A_700 : i32
      %ne3A_718 = arith.constant 0 : i32
      %ne3A_719 = arith.cmpi ne, %rem3A_717, %ne3A_718 : i32
      %and3A_720 = arith.andi %ne3A_716, %ne3A_719 : i1
      %sub3A_721 = arith.constant 1 : i32
      %sub3A_722 = arith.subi %div3A_701, %sub3A_721 : i32
      %select_n3A_723 = arith.select %and3A_720, %sub3A_722, %div3A_701 : i32
      %jit3A_724 = arith.constant 2 : i32
      %eq3A_725 = arith.constant 0 : i32
      %eq3A_726 = arith.cmpi eq, %jit3A_724, %eq3A_725 : i32
      %jit3A_727 = arith.constant 1 : i32
      %select_n3A_728 = arith.select %eq3A_726, %jit3A_727, %jit3A_724 : i32
      %rem3A_729 = arith.remsi %add3A_699, %select_n3A_728 : i32
      %ne3A_730 = arith.constant 0 : i32
      %ne3A_731 = arith.cmpi ne, %rem3A_729, %ne3A_730 : i32
      %lt3A_732 = arith.constant 0 : i32
      %lt3A_733 = arith.cmpi slt, %rem3A_729, %lt3A_732 : i32
      %lt3A_734 = arith.constant 0 : i32
      %lt3A_735 = arith.cmpi slt, %select_n3A_728, %lt3A_734 : i32
      %ne3A_736 = arith.xori %lt3A_733, %lt3A_735 : i1
      %and3A_737 = arith.andi %ne3A_736, %ne3A_731 : i1
      %add3A_738 = arith.addi %rem3A_729, %select_n3A_728 : i32
      %select_n3A_739 = arith.select %and3A_737, %add3A_738, %rem3A_729 : i32
      %mul3A_740 = arith.constant 64 : i32
      %mul3A_741 = arith.muli %select_n3A_739, %mul3A_740 : i32
      %dma_start3A_742 = tpu.memref_slice %arg6[%select_n3A_723, %mul3A_741] : memref<80x128xi32, #tpu.memory_space<vmem>> -> memref<1x64xi32, #tpu.memory_space<vmem>>
      %dma_start3A_743 = tpu.memref_squeeze %dma_start3A_742 : memref<1x64xi32, #tpu.memory_space<vmem>> -> memref<64xi32, #tpu.memory_space<vmem>>
      %dma_start3A_744 = arith.constant 0 : i32
      %dma_start3A_745 = arith.constant 0 : i32
      %dma_start3A_746 = tpu.memref_slice %arg2[%dma_start3A_744, %dma_start3A_745] : memref<10001x128xf32, #tpu.memory_space<hbm>> -> memref<10001x128xf32, #tpu.memory_space<hbm>>
      tpu.enqueue_indirect_dma source(%dma_start3A_746 : memref<10001x128xf32, #tpu.memory_space<hbm>>) target(%arg10 : memref<64x128xf32, #tpu.memory_space<vmem>>) offsets(%dma_start3A_743 : memref<64xi32, #tpu.memory_space<vmem>>) semaphore(%arg15 : memref<!tpu.dma_semaphore, #tpu.memory_space<semaphore_mem>>)
      %add3A_747 = arith.constant 3 : i32
      %add3A_748 = arith.addi %mul3A_261, %add3A_747 : i32
      %dma_wait3A_749 = arith.constant 3 : i32
      %dma_wait3A_750 = arith.constant 0 : i32
      %dma_wait3A_751 = tpu.memref_slice %arg7[%dma_wait3A_749, %dma_wait3A_750] : memref<4x64xi32, #tpu.memory_space<vmem>> -> memref<1x64xi32, #tpu.memory_space<vmem>>
      %dma_wait3A_752 = tpu.memref_squeeze %dma_wait3A_751 : memref<1x64xi32, #tpu.memory_space<vmem>> -> memref<64xi32, #tpu.memory_space<vmem>>
      %dma_wait3A_753 = arith.constant 0 : i32
      %dma_wait3A_754 = arith.constant 0 : i32
      %dma_wait3A_755 = tpu.memref_slice %arg12[%dma_wait3A_753, %dma_wait3A_754] : memref<10112x128xf32, #tpu.memory_space<vmem_shared>> -> memref<10112x128xf32, #tpu.memory_space<vmem_shared>>
      tpu.wait_indirect_dma semaphore(%arg24 : memref<!tpu.dma_semaphore, #tpu.memory_space<semaphore_mem>>) src(%arg11 : memref<64x128xf32, #tpu.memory_space<vmem>>) dst(%dma_wait3A_755 : memref<10112x128xf32, #tpu.memory_space<vmem_shared>>)
      %add3A_756 = arith.constant 4 : i32
      %add3A_757 = arith.addi %add3A_748, %add3A_756 : i32
      %dma_start3A_758 = arith.constant 3 : i32
      %dma_start3A_759 = arith.constant 0 : i32
      %dma_start3A_760 = tpu.memref_slice %arg7[%dma_start3A_758, %dma_start3A_759] : memref<4x64xi32, #tpu.memory_space<vmem>> -> memref<1x64xi32, #tpu.memory_space<vmem>>
      %dma_start3A_761 = tpu.memref_squeeze %dma_start3A_760 : memref<1x64xi32, #tpu.memory_space<vmem>> -> memref<64xi32, #tpu.memory_space<vmem>>
      %dma_start3A_762 = arith.constant 0 : i32
      %dma_start3A_763 = tpu.memref_slice %arg4[%add3A, %add3A_757, %dma_start3A_762] : memref<32x160x64xi32, #tpu.memory_space<hbm>> -> memref<1x1x64xi32, #tpu.memory_space<hbm>>
      %dma_start3A_764 = tpu.memref_squeeze %dma_start3A_763 : memref<1x1x64xi32, #tpu.memory_space<hbm>> -> memref<64xi32, #tpu.memory_space<hbm>>
      %dma_start3A_765 = arith.constant 0 : i32
      %dma_start3A_766 = tpu.memref_slice %arg7[%dma_start3A_758, %dma_start3A_765] : memref<4x64xi32, #tpu.memory_space<vmem>> -> memref<1x64xi32, #tpu.memory_space<vmem>>
      %dma_start3A_767 = tpu.memref_squeeze %dma_start3A_766 : memref<1x64xi32, #tpu.memory_space<vmem>> -> memref<64xi32, #tpu.memory_space<vmem>>
      %dma_start3A_768 = arith.constant 0 : i32
      %dma_start3A_769 = tpu.memref_slice %arg4[%add3A, %add3A_757, %dma_start3A_768] : memref<32x160x64xi32, #tpu.memory_space<hbm>> -> memref<1x1x64xi32, #tpu.memory_space<hbm>>
      %dma_start3A_770 = tpu.memref_squeeze %dma_start3A_769 : memref<1x1x64xi32, #tpu.memory_space<hbm>> -> memref<64xi32, #tpu.memory_space<hbm>>
      tpu.enqueue_dma source(%dma_start3A_770 : memref<64xi32, #tpu.memory_space<hbm>>) target(%dma_start3A_767 : memref<64xi32, #tpu.memory_space<vmem>>) target_semaphore(%arg20 : memref<!tpu.dma_semaphore, #tpu.memory_space<semaphore_mem>>)
      %add3A_771 = arith.constant 4 : i32
      %add3A_772 = arith.addi %add3A_748, %add3A_771 : i32
      %jit3A_773 = arith.constant 2 : i32
      %div3A_774 = arith.divsi %add3A_772, %jit3A_773 : i32
      %sign3A_775 = arith.constant 0 : i32
      %sign3A_776 = arith.cmpi sgt, %add3A_772, %sign3A_775 : i32
      %sign3A_777 = arith.extui %sign3A_776 : i1 to i32
      %sign3A_778 = arith.constant 0 : i32
      %sign3A_779 = arith.cmpi slt, %add3A_772, %sign3A_778 : i32
      %sign3A_780 = arith.extui %sign3A_779 : i1 to i32
      %sign3A_781 = arith.subi %sign3A_777, %sign3A_780 : i32
      %sign3A_782 = arith.constant 0 : i32
      %sign3A_783 = arith.cmpi sgt, %jit3A_773, %sign3A_782 : i32
      %sign3A_784 = arith.extui %sign3A_783 : i1 to i32
      %sign3A_785 = arith.constant 0 : i32
      %sign3A_786 = arith.cmpi slt, %jit3A_773, %sign3A_785 : i32
      %sign3A_787 = arith.extui %sign3A_786 : i1 to i32
      %sign3A_788 = arith.subi %sign3A_784, %sign3A_787 : i32
      %ne3A_789 = arith.cmpi ne, %sign3A_781, %sign3A_788 : i32
      %rem3A_790 = arith.remsi %add3A_772, %jit3A_773 : i32
      %ne3A_791 = arith.constant 0 : i32
      %ne3A_792 = arith.cmpi ne, %rem3A_790, %ne3A_791 : i32
      %and3A_793 = arith.andi %ne3A_789, %ne3A_792 : i1
      %sub3A_794 = arith.constant 1 : i32
      %sub3A_795 = arith.subi %div3A_774, %sub3A_794 : i32
      %select_n3A_796 = arith.select %and3A_793, %sub3A_795, %div3A_774 : i32
      %jit3A_797 = arith.constant 2 : i32
      %eq3A_798 = arith.constant 0 : i32
      %eq3A_799 = arith.cmpi eq, %jit3A_797, %eq3A_798 : i32
      %jit3A_800 = arith.constant 1 : i32
      %select_n3A_801 = arith.select %eq3A_799, %jit3A_800, %jit3A_797 : i32
      %rem3A_802 = arith.remsi %add3A_772, %select_n3A_801 : i32
      %ne3A_803 = arith.constant 0 : i32
      %ne3A_804 = arith.cmpi ne, %rem3A_802, %ne3A_803 : i32
      %lt3A_805 = arith.constant 0 : i32
      %lt3A_806 = arith.cmpi slt, %rem3A_802, %lt3A_805 : i32
      %lt3A_807 = arith.constant 0 : i32
      %lt3A_808 = arith.cmpi slt, %select_n3A_801, %lt3A_807 : i32
      %ne3A_809 = arith.xori %lt3A_806, %lt3A_808 : i1
      %and3A_810 = arith.andi %ne3A_809, %ne3A_804 : i1
      %add3A_811 = arith.addi %rem3A_802, %select_n3A_801 : i32
      %select_n3A_812 = arith.select %and3A_810, %add3A_811, %rem3A_802 : i32
      %mul3A_813 = arith.constant 64 : i32
      %mul3A_814 = arith.muli %select_n3A_812, %mul3A_813 : i32
      %dma_start3A_815 = tpu.memref_slice %arg6[%select_n3A_796, %mul3A_814] : memref<80x128xi32, #tpu.memory_space<vmem>> -> memref<1x64xi32, #tpu.memory_space<vmem>>
      %dma_start3A_816 = tpu.memref_squeeze %dma_start3A_815 : memref<1x64xi32, #tpu.memory_space<vmem>> -> memref<64xi32, #tpu.memory_space<vmem>>
      %dma_start3A_817 = arith.constant 0 : i32
      %dma_start3A_818 = arith.constant 0 : i32
      %dma_start3A_819 = tpu.memref_slice %arg2[%dma_start3A_817, %dma_start3A_818] : memref<10001x128xf32, #tpu.memory_space<hbm>> -> memref<10001x128xf32, #tpu.memory_space<hbm>>
      tpu.enqueue_indirect_dma source(%dma_start3A_819 : memref<10001x128xf32, #tpu.memory_space<hbm>>) target(%arg11 : memref<64x128xf32, #tpu.memory_space<vmem>>) offsets(%dma_start3A_816 : memref<64xi32, #tpu.memory_space<vmem>>) semaphore(%arg16 : memref<!tpu.dma_semaphore, #tpu.memory_space<semaphore_mem>>)
    }
    %scan3A_114 = arith.constant 39 : i32
    %dma_wait3A = arith.constant 78 : i32
    %dma_wait3A_115 = arith.constant 0 : i32
    %dma_wait3A_116 = tpu.memref_slice %arg6[%dma_wait3A, %dma_wait3A_115] : memref<80x128xi32, #tpu.memory_space<vmem>> -> memref<1x64xi32, #tpu.memory_space<vmem>>
    %dma_wait3A_117 = tpu.memref_squeeze %dma_wait3A_116 : memref<1x64xi32, #tpu.memory_space<vmem>> -> memref<64xi32, #tpu.memory_space<vmem>>
    %dma_wait3A_118 = arith.constant 0 : i32
    %dma_wait3A_119 = arith.constant 0 : i32
    %dma_wait3A_120 = tpu.memref_slice %arg2[%dma_wait3A_118, %dma_wait3A_119] : memref<10001x128xf32, #tpu.memory_space<hbm>> -> memref<10001x128xf32, #tpu.memory_space<hbm>>
    tpu.wait_indirect_dma semaphore(%arg13 : memref<!tpu.dma_semaphore, #tpu.memory_space<semaphore_mem>>) src(%dma_wait3A_120 : memref<10001x128xf32, #tpu.memory_space<hbm>>) dst(%arg8 : memref<64x128xf32, #tpu.memory_space<vmem>>)
    %dma_wait3A_121 = arith.constant 156 : i32
    %dma_wait3A_122 = arith.constant 0 : i32
    %dma_wait3A_123 = arith.constant 0 : i32
    %dma_wait3A_124 = tpu.memref_slice %arg7[%dma_wait3A_122, %dma_wait3A_123] : memref<4x64xi32, #tpu.memory_space<vmem>> -> memref<1x64xi32, #tpu.memory_space<vmem>>
    %dma_wait3A_125 = tpu.memref_squeeze %dma_wait3A_124 : memref<1x64xi32, #tpu.memory_space<vmem>> -> memref<64xi32, #tpu.memory_space<vmem>>
    %dma_wait3A_126 = arith.constant 0 : i32
    %dma_wait3A_127 = tpu.memref_slice %arg4[%add3A, %dma_wait3A_121, %dma_wait3A_126] : memref<32x160x64xi32, #tpu.memory_space<hbm>> -> memref<1x1x64xi32, #tpu.memory_space<hbm>>
    %dma_wait3A_128 = tpu.memref_squeeze %dma_wait3A_127 : memref<1x1x64xi32, #tpu.memory_space<hbm>> -> memref<64xi32, #tpu.memory_space<hbm>>
    %dma_wait3A_129 = arith.constant 0 : i32
    %dma_wait3A_130 = tpu.memref_slice %arg7[%dma_wait3A_122, %dma_wait3A_129] : memref<4x64xi32, #tpu.memory_space<vmem>> -> memref<1x64xi32, #tpu.memory_space<vmem>>
    %dma_wait3A_131 = tpu.memref_squeeze %dma_wait3A_130 : memref<1x64xi32, #tpu.memory_space<vmem>> -> memref<64xi32, #tpu.memory_space<vmem>>
    %dma_wait3A_132 = arith.constant 0 : i32
    %dma_wait3A_133 = tpu.memref_slice %arg4[%add3A, %dma_wait3A_121, %dma_wait3A_132] : memref<32x160x64xi32, #tpu.memory_space<hbm>> -> memref<1x1x64xi32, #tpu.memory_space<hbm>>
    %dma_wait3A_134 = tpu.memref_squeeze %dma_wait3A_133 : memref<1x1x64xi32, #tpu.memory_space<hbm>> -> memref<64xi32, #tpu.memory_space<hbm>>
    tpu.wait_dma2 semaphore(%arg17 : memref<!tpu.dma_semaphore, #tpu.memory_space<semaphore_mem>>) src(%dma_wait3A_134 : memref<64xi32, #tpu.memory_space<hbm>>) dst(%dma_wait3A_131 : memref<64xi32, #tpu.memory_space<vmem>>)
    %dma_start3A_135 = arith.constant 0 : i32
    %dma_start3A_136 = arith.constant 0 : i32
    %dma_start3A_137 = tpu.memref_slice %arg7[%dma_start3A_135, %dma_start3A_136] : memref<4x64xi32, #tpu.memory_space<vmem>> -> memref<1x64xi32, #tpu.memory_space<vmem>>
    %dma_start3A_138 = tpu.memref_squeeze %dma_start3A_137 : memref<1x64xi32, #tpu.memory_space<vmem>> -> memref<64xi32, #tpu.memory_space<vmem>>
    %dma_start3A_139 = arith.constant 0 : i32
    %dma_start3A_140 = arith.constant 0 : i32
    %dma_start3A_141 = tpu.memref_slice %arg12[%dma_start3A_139, %dma_start3A_140] : memref<10112x128xf32, #tpu.memory_space<vmem_shared>> -> memref<10112x128xf32, #tpu.memory_space<vmem_shared>>
    tpu.enqueue_indirect_dma source(%arg8 : memref<64x128xf32, #tpu.memory_space<vmem>>) target(%dma_start3A_141 : memref<10112x128xf32, #tpu.memory_space<vmem_shared>>) offsets(%dma_start3A_138 : memref<64xi32, #tpu.memory_space<vmem>>) semaphore(%arg21 : memref<!tpu.dma_semaphore, #tpu.memory_space<semaphore_mem>>) {add = true}
    %dma_wait3A_142 = arith.constant 78 : i32
    %dma_wait3A_143 = arith.constant 64 : i32
    %dma_wait3A_144 = tpu.memref_slice %arg6[%dma_wait3A_142, %dma_wait3A_143] : memref<80x128xi32, #tpu.memory_space<vmem>> -> memref<1x64xi32, #tpu.memory_space<vmem>>
    %dma_wait3A_145 = tpu.memref_squeeze %dma_wait3A_144 : memref<1x64xi32, #tpu.memory_space<vmem>> -> memref<64xi32, #tpu.memory_space<vmem>>
    %dma_wait3A_146 = arith.constant 0 : i32
    %dma_wait3A_147 = arith.constant 0 : i32
    %dma_wait3A_148 = tpu.memref_slice %arg2[%dma_wait3A_146, %dma_wait3A_147] : memref<10001x128xf32, #tpu.memory_space<hbm>> -> memref<10001x128xf32, #tpu.memory_space<hbm>>
    tpu.wait_indirect_dma semaphore(%arg14 : memref<!tpu.dma_semaphore, #tpu.memory_space<semaphore_mem>>) src(%dma_wait3A_148 : memref<10001x128xf32, #tpu.memory_space<hbm>>) dst(%arg9 : memref<64x128xf32, #tpu.memory_space<vmem>>)
    %dma_wait3A_149 = arith.constant 157 : i32
    %dma_wait3A_150 = arith.constant 1 : i32
    %dma_wait3A_151 = arith.constant 0 : i32
    %dma_wait3A_152 = tpu.memref_slice %arg7[%dma_wait3A_150, %dma_wait3A_151] : memref<4x64xi32, #tpu.memory_space<vmem>> -> memref<1x64xi32, #tpu.memory_space<vmem>>
    %dma_wait3A_153 = tpu.memref_squeeze %dma_wait3A_152 : memref<1x64xi32, #tpu.memory_space<vmem>> -> memref<64xi32, #tpu.memory_space<vmem>>
    %dma_wait3A_154 = arith.constant 0 : i32
    %dma_wait3A_155 = tpu.memref_slice %arg4[%add3A, %dma_wait3A_149, %dma_wait3A_154] : memref<32x160x64xi32, #tpu.memory_space<hbm>> -> memref<1x1x64xi32, #tpu.memory_space<hbm>>
    %dma_wait3A_156 = tpu.memref_squeeze %dma_wait3A_155 : memref<1x1x64xi32, #tpu.memory_space<hbm>> -> memref<64xi32, #tpu.memory_space<hbm>>
    %dma_wait3A_157 = arith.constant 0 : i32
    %dma_wait3A_158 = tpu.memref_slice %arg7[%dma_wait3A_150, %dma_wait3A_157] : memref<4x64xi32, #tpu.memory_space<vmem>> -> memref<1x64xi32, #tpu.memory_space<vmem>>
    %dma_wait3A_159 = tpu.memref_squeeze %dma_wait3A_158 : memref<1x64xi32, #tpu.memory_space<vmem>> -> memref<64xi32, #tpu.memory_space<vmem>>
    %dma_wait3A_160 = arith.constant 0 : i32
    %dma_wait3A_161 = tpu.memref_slice %arg4[%add3A, %dma_wait3A_149, %dma_wait3A_160] : memref<32x160x64xi32, #tpu.memory_space<hbm>> -> memref<1x1x64xi32, #tpu.memory_space<hbm>>
    %dma_wait3A_162 = tpu.memref_squeeze %dma_wait3A_161 : memref<1x1x64xi32, #tpu.memory_space<hbm>> -> memref<64xi32, #tpu.memory_space<hbm>>
    tpu.wait_dma2 semaphore(%arg18 : memref<!tpu.dma_semaphore, #tpu.memory_space<semaphore_mem>>) src(%dma_wait3A_162 : memref<64xi32, #tpu.memory_space<hbm>>) dst(%dma_wait3A_159 : memref<64xi32, #tpu.memory_space<vmem>>)
    %dma_start3A_163 = arith.constant 1 : i32
    %dma_start3A_164 = arith.constant 0 : i32
    %dma_start3A_165 = tpu.memref_slice %arg7[%dma_start3A_163, %dma_start3A_164] : memref<4x64xi32, #tpu.memory_space<vmem>> -> memref<1x64xi32, #tpu.memory_space<vmem>>
    %dma_start3A_166 = tpu.memref_squeeze %dma_start3A_165 : memref<1x64xi32, #tpu.memory_space<vmem>> -> memref<64xi32, #tpu.memory_space<vmem>>
    %dma_start3A_167 = arith.constant 0 : i32
    %dma_start3A_168 = arith.constant 0 : i32
    %dma_start3A_169 = tpu.memref_slice %arg12[%dma_start3A_167, %dma_start3A_168] : memref<10112x128xf32, #tpu.memory_space<vmem_shared>> -> memref<10112x128xf32, #tpu.memory_space<vmem_shared>>
    tpu.enqueue_indirect_dma source(%arg9 : memref<64x128xf32, #tpu.memory_space<vmem>>) target(%dma_start3A_169 : memref<10112x128xf32, #tpu.memory_space<vmem_shared>>) offsets(%dma_start3A_166 : memref<64xi32, #tpu.memory_space<vmem>>) semaphore(%arg22 : memref<!tpu.dma_semaphore, #tpu.memory_space<semaphore_mem>>) {add = true}
    %dma_wait3A_170 = arith.constant 79 : i32
    %dma_wait3A_171 = arith.constant 0 : i32
    %dma_wait3A_172 = tpu.memref_slice %arg6[%dma_wait3A_170, %dma_wait3A_171] : memref<80x128xi32, #tpu.memory_space<vmem>> -> memref<1x64xi32, #tpu.memory_space<vmem>>
    %dma_wait3A_173 = tpu.memref_squeeze %dma_wait3A_172 : memref<1x64xi32, #tpu.memory_space<vmem>> -> memref<64xi32, #tpu.memory_space<vmem>>
    %dma_wait3A_174 = arith.constant 0 : i32
    %dma_wait3A_175 = arith.constant 0 : i32
    %dma_wait3A_176 = tpu.memref_slice %arg2[%dma_wait3A_174, %dma_wait3A_175] : memref<10001x128xf32, #tpu.memory_space<hbm>> -> memref<10001x128xf32, #tpu.memory_space<hbm>>
    tpu.wait_indirect_dma semaphore(%arg15 : memref<!tpu.dma_semaphore, #tpu.memory_space<semaphore_mem>>) src(%dma_wait3A_176 : memref<10001x128xf32, #tpu.memory_space<hbm>>) dst(%arg10 : memref<64x128xf32, #tpu.memory_space<vmem>>)
    %dma_wait3A_177 = arith.constant 158 : i32
    %dma_wait3A_178 = arith.constant 2 : i32
    %dma_wait3A_179 = arith.constant 0 : i32
    %dma_wait3A_180 = tpu.memref_slice %arg7[%dma_wait3A_178, %dma_wait3A_179] : memref<4x64xi32, #tpu.memory_space<vmem>> -> memref<1x64xi32, #tpu.memory_space<vmem>>
    %dma_wait3A_181 = tpu.memref_squeeze %dma_wait3A_180 : memref<1x64xi32, #tpu.memory_space<vmem>> -> memref<64xi32, #tpu.memory_space<vmem>>
    %dma_wait3A_182 = arith.constant 0 : i32
    %dma_wait3A_183 = tpu.memref_slice %arg4[%add3A, %dma_wait3A_177, %dma_wait3A_182] : memref<32x160x64xi32, #tpu.memory_space<hbm>> -> memref<1x1x64xi32, #tpu.memory_space<hbm>>
    %dma_wait3A_184 = tpu.memref_squeeze %dma_wait3A_183 : memref<1x1x64xi32, #tpu.memory_space<hbm>> -> memref<64xi32, #tpu.memory_space<hbm>>
    %dma_wait3A_185 = arith.constant 0 : i32
    %dma_wait3A_186 = tpu.memref_slice %arg7[%dma_wait3A_178, %dma_wait3A_185] : memref<4x64xi32, #tpu.memory_space<vmem>> -> memref<1x64xi32, #tpu.memory_space<vmem>>
    %dma_wait3A_187 = tpu.memref_squeeze %dma_wait3A_186 : memref<1x64xi32, #tpu.memory_space<vmem>> -> memref<64xi32, #tpu.memory_space<vmem>>
    %dma_wait3A_188 = arith.constant 0 : i32
    %dma_wait3A_189 = tpu.memref_slice %arg4[%add3A, %dma_wait3A_177, %dma_wait3A_188] : memref<32x160x64xi32, #tpu.memory_space<hbm>> -> memref<1x1x64xi32, #tpu.memory_space<hbm>>
    %dma_wait3A_190 = tpu.memref_squeeze %dma_wait3A_189 : memref<1x1x64xi32, #tpu.memory_space<hbm>> -> memref<64xi32, #tpu.memory_space<hbm>>
    tpu.wait_dma2 semaphore(%arg19 : memref<!tpu.dma_semaphore, #tpu.memory_space<semaphore_mem>>) src(%dma_wait3A_190 : memref<64xi32, #tpu.memory_space<hbm>>) dst(%dma_wait3A_187 : memref<64xi32, #tpu.memory_space<vmem>>)
    %dma_start3A_191 = arith.constant 2 : i32
    %dma_start3A_192 = arith.constant 0 : i32
    %dma_start3A_193 = tpu.memref_slice %arg7[%dma_start3A_191, %dma_start3A_192] : memref<4x64xi32, #tpu.memory_space<vmem>> -> memref<1x64xi32, #tpu.memory_space<vmem>>
    %dma_start3A_194 = tpu.memref_squeeze %dma_start3A_193 : memref<1x64xi32, #tpu.memory_space<vmem>> -> memref<64xi32, #tpu.memory_space<vmem>>
    %dma_start3A_195 = arith.constant 0 : i32
    %dma_start3A_196 = arith.constant 0 : i32
    %dma_start3A_197 = tpu.memref_slice %arg12[%dma_start3A_195, %dma_start3A_196] : memref<10112x128xf32, #tpu.memory_space<vmem_shared>> -> memref<10112x128xf32, #tpu.memory_space<vmem_shared>>
    tpu.enqueue_indirect_dma source(%arg10 : memref<64x128xf32, #tpu.memory_space<vmem>>) target(%dma_start3A_197 : memref<10112x128xf32, #tpu.memory_space<vmem_shared>>) offsets(%dma_start3A_194 : memref<64xi32, #tpu.memory_space<vmem>>) semaphore(%arg23 : memref<!tpu.dma_semaphore, #tpu.memory_space<semaphore_mem>>) {add = true}
    %dma_wait3A_198 = arith.constant 79 : i32
    %dma_wait3A_199 = arith.constant 64 : i32
    %dma_wait3A_200 = tpu.memref_slice %arg6[%dma_wait3A_198, %dma_wait3A_199] : memref<80x128xi32, #tpu.memory_space<vmem>> -> memref<1x64xi32, #tpu.memory_space<vmem>>
    %dma_wait3A_201 = tpu.memref_squeeze %dma_wait3A_200 : memref<1x64xi32, #tpu.memory_space<vmem>> -> memref<64xi32, #tpu.memory_space<vmem>>
    %dma_wait3A_202 = arith.constant 0 : i32
    %dma_wait3A_203 = arith.constant 0 : i32
    %dma_wait3A_204 = tpu.memref_slice %arg2[%dma_wait3A_202, %dma_wait3A_203] : memref<10001x128xf32, #tpu.memory_space<hbm>> -> memref<10001x128xf32, #tpu.memory_space<hbm>>
    tpu.wait_indirect_dma semaphore(%arg16 : memref<!tpu.dma_semaphore, #tpu.memory_space<semaphore_mem>>) src(%dma_wait3A_204 : memref<10001x128xf32, #tpu.memory_space<hbm>>) dst(%arg11 : memref<64x128xf32, #tpu.memory_space<vmem>>)
    %dma_wait3A_205 = arith.constant 159 : i32
    %dma_wait3A_206 = arith.constant 3 : i32
    %dma_wait3A_207 = arith.constant 0 : i32
    %dma_wait3A_208 = tpu.memref_slice %arg7[%dma_wait3A_206, %dma_wait3A_207] : memref<4x64xi32, #tpu.memory_space<vmem>> -> memref<1x64xi32, #tpu.memory_space<vmem>>
    %dma_wait3A_209 = tpu.memref_squeeze %dma_wait3A_208 : memref<1x64xi32, #tpu.memory_space<vmem>> -> memref<64xi32, #tpu.memory_space<vmem>>
    %dma_wait3A_210 = arith.constant 0 : i32
    %dma_wait3A_211 = tpu.memref_slice %arg4[%add3A, %dma_wait3A_205, %dma_wait3A_210] : memref<32x160x64xi32, #tpu.memory_space<hbm>> -> memref<1x1x64xi32, #tpu.memory_space<hbm>>
    %dma_wait3A_212 = tpu.memref_squeeze %dma_wait3A_211 : memref<1x1x64xi32, #tpu.memory_space<hbm>> -> memref<64xi32, #tpu.memory_space<hbm>>
    %dma_wait3A_213 = arith.constant 0 : i32
    %dma_wait3A_214 = tpu.memref_slice %arg7[%dma_wait3A_206, %dma_wait3A_213] : memref<4x64xi32, #tpu.memory_space<vmem>> -> memref<1x64xi32, #tpu.memory_space<vmem>>
    %dma_wait3A_215 = tpu.memref_squeeze %dma_wait3A_214 : memref<1x64xi32, #tpu.memory_space<vmem>> -> memref<64xi32, #tpu.memory_space<vmem>>
    %dma_wait3A_216 = arith.constant 0 : i32
    %dma_wait3A_217 = tpu.memref_slice %arg4[%add3A, %dma_wait3A_205, %dma_wait3A_216] : memref<32x160x64xi32, #tpu.memory_space<hbm>> -> memref<1x1x64xi32, #tpu.memory_space<hbm>>
    %dma_wait3A_218 = tpu.memref_squeeze %dma_wait3A_217 : memref<1x1x64xi32, #tpu.memory_space<hbm>> -> memref<64xi32, #tpu.memory_space<hbm>>
    tpu.wait_dma2 semaphore(%arg20 : memref<!tpu.dma_semaphore, #tpu.memory_space<semaphore_mem>>) src(%dma_wait3A_218 : memref<64xi32, #tpu.memory_space<hbm>>) dst(%dma_wait3A_215 : memref<64xi32, #tpu.memory_space<vmem>>)
    %dma_start3A_219 = arith.constant 3 : i32
    %dma_start3A_220 = arith.constant 0 : i32
    %dma_start3A_221 = tpu.memref_slice %arg7[%dma_start3A_219, %dma_start3A_220] : memref<4x64xi32, #tpu.memory_space<vmem>> -> memref<1x64xi32, #tpu.memory_space<vmem>>
    %dma_start3A_222 = tpu.memref_squeeze %dma_start3A_221 : memref<1x64xi32, #tpu.memory_space<vmem>> -> memref<64xi32, #tpu.memory_space<vmem>>
    %dma_start3A_223 = arith.constant 0 : i32
    %dma_start3A_224 = arith.constant 0 : i32
    %dma_start3A_225 = tpu.memref_slice %arg12[%dma_start3A_223, %dma_start3A_224] : memref<10112x128xf32, #tpu.memory_space<vmem_shared>> -> memref<10112x128xf32, #tpu.memory_space<vmem_shared>>
    tpu.enqueue_indirect_dma source(%arg11 : memref<64x128xf32, #tpu.memory_space<vmem>>) target(%dma_start3A_225 : memref<10112x128xf32, #tpu.memory_space<vmem_shared>>) offsets(%dma_start3A_222 : memref<64xi32, #tpu.memory_space<vmem>>) semaphore(%arg24 : memref<!tpu.dma_semaphore, #tpu.memory_space<semaphore_mem>>) {add = true}
    %dma_wait3A_226 = arith.constant 0 : i32
    %dma_wait3A_227 = arith.constant 0 : i32
    %dma_wait3A_228 = tpu.memref_slice %arg7[%dma_wait3A_226, %dma_wait3A_227] : memref<4x64xi32, #tpu.memory_space<vmem>> -> memref<1x64xi32, #tpu.memory_space<vmem>>
    %dma_wait3A_229 = tpu.memref_squeeze %dma_wait3A_228 : memref<1x64xi32, #tpu.memory_space<vmem>> -> memref<64xi32, #tpu.memory_space<vmem>>
    %dma_wait3A_230 = arith.constant 0 : i32
    %dma_wait3A_231 = arith.constant 0 : i32
    %dma_wait3A_232 = tpu.memref_slice %arg12[%dma_wait3A_230, %dma_wait3A_231] : memref<10112x128xf32, #tpu.memory_space<vmem_shared>> -> memref<10112x128xf32, #tpu.memory_space<vmem_shared>>
    tpu.wait_indirect_dma semaphore(%arg21 : memref<!tpu.dma_semaphore, #tpu.memory_space<semaphore_mem>>) src(%arg8 : memref<64x128xf32, #tpu.memory_space<vmem>>) dst(%dma_wait3A_232 : memref<10112x128xf32, #tpu.memory_space<vmem_shared>>)
    %dma_wait3A_233 = arith.constant 1 : i32
    %dma_wait3A_234 = arith.constant 0 : i32
    %dma_wait3A_235 = tpu.memref_slice %arg7[%dma_wait3A_233, %dma_wait3A_234] : memref<4x64xi32, #tpu.memory_space<vmem>> -> memref<1x64xi32, #tpu.memory_space<vmem>>
    %dma_wait3A_236 = tpu.memref_squeeze %dma_wait3A_235 : memref<1x64xi32, #tpu.memory_space<vmem>> -> memref<64xi32, #tpu.memory_space<vmem>>
    %dma_wait3A_237 = arith.constant 0 : i32
    %dma_wait3A_238 = arith.constant 0 : i32
    %dma_wait3A_239 = tpu.memref_slice %arg12[%dma_wait3A_237, %dma_wait3A_238] : memref<10112x128xf32, #tpu.memory_space<vmem_shared>> -> memref<10112x128xf32, #tpu.memory_space<vmem_shared>>
    tpu.wait_indirect_dma semaphore(%arg22 : memref<!tpu.dma_semaphore, #tpu.memory_space<semaphore_mem>>) src(%arg9 : memref<64x128xf32, #tpu.memory_space<vmem>>) dst(%dma_wait3A_239 : memref<10112x128xf32, #tpu.memory_space<vmem_shared>>)
    %dma_wait3A_240 = arith.constant 2 : i32
    %dma_wait3A_241 = arith.constant 0 : i32
    %dma_wait3A_242 = tpu.memref_slice %arg7[%dma_wait3A_240, %dma_wait3A_241] : memref<4x64xi32, #tpu.memory_space<vmem>> -> memref<1x64xi32, #tpu.memory_space<vmem>>
    %dma_wait3A_243 = tpu.memref_squeeze %dma_wait3A_242 : memref<1x64xi32, #tpu.memory_space<vmem>> -> memref<64xi32, #tpu.memory_space<vmem>>
    %dma_wait3A_244 = arith.constant 0 : i32
    %dma_wait3A_245 = arith.constant 0 : i32
    %dma_wait3A_246 = tpu.memref_slice %arg12[%dma_wait3A_244, %dma_wait3A_245] : memref<10112x128xf32, #tpu.memory_space<vmem_shared>> -> memref<10112x128xf32, #tpu.memory_space<vmem_shared>>
    tpu.wait_indirect_dma semaphore(%arg23 : memref<!tpu.dma_semaphore, #tpu.memory_space<semaphore_mem>>) src(%arg10 : memref<64x128xf32, #tpu.memory_space<vmem>>) dst(%dma_wait3A_246 : memref<10112x128xf32, #tpu.memory_space<vmem_shared>>)
    %dma_wait3A_247 = arith.constant 3 : i32
    %dma_wait3A_248 = arith.constant 0 : i32
    %dma_wait3A_249 = tpu.memref_slice %arg7[%dma_wait3A_247, %dma_wait3A_248] : memref<4x64xi32, #tpu.memory_space<vmem>> -> memref<1x64xi32, #tpu.memory_space<vmem>>
    %dma_wait3A_250 = tpu.memref_squeeze %dma_wait3A_249 : memref<1x64xi32, #tpu.memory_space<vmem>> -> memref<64xi32, #tpu.memory_space<vmem>>
    %dma_wait3A_251 = arith.constant 0 : i32
    %dma_wait3A_252 = arith.constant 0 : i32
    %dma_wait3A_253 = tpu.memref_slice %arg12[%dma_wait3A_251, %dma_wait3A_252] : memref<10112x128xf32, #tpu.memory_space<vmem_shared>> -> memref<10112x128xf32, #tpu.memory_space<vmem_shared>>
    tpu.wait_indirect_dma semaphore(%arg24 : memref<!tpu.dma_semaphore, #tpu.memory_space<semaphore_mem>>) src(%arg11 : memref<64x128xf32, #tpu.memory_space<vmem>>) dst(%dma_wait3A_253 : memref<10112x128xf32, #tpu.memory_space<vmem_shared>>)
    %barrier3A_254 = arith.constant 0 : index
    tpu.barrier barrier_id(%barrier3A_254)
    "tpu.region"() ({
      %run_scoped3A = tpu.sem_alloc : memref<!tpu.dma_semaphore, #tpu.memory_space<semaphore_mem>>
      %dma_start3A_255 = arith.constant 0 : i32
      %dma_start3A_256 = tpu.memref_slice %arg5[%arg0, %mul3A_6, %dma_start3A_255] : memref<2x10112x128xf32, #tpu.memory_space<hbm>> -> memref<1x632x128xf32, #tpu.memory_space<hbm>>
      %dma_start3A_257 = tpu.memref_squeeze %dma_start3A_256 : memref<1x632x128xf32, #tpu.memory_space<hbm>> -> memref<632x128xf32, #tpu.memory_space<hbm>>
      %dma_start3A_258 = arith.constant 0 : i32
      %dma_start3A_259 = tpu.memref_slice %arg12[%mul3A_6, %dma_start3A_258] : memref<10112x128xf32, #tpu.memory_space<vmem_shared>> -> memref<632x128xf32, #tpu.memory_space<vmem_shared>>
      tpu.enqueue_dma source(%dma_start3A_259 : memref<632x128xf32, #tpu.memory_space<vmem_shared>>) target(%dma_start3A_257 : memref<632x128xf32, #tpu.memory_space<hbm>>) target_semaphore(%run_scoped3A : memref<!tpu.dma_semaphore, #tpu.memory_space<semaphore_mem>>)
      %dma_wait3A_260 = arith.constant 0 : i32
      %dma_wait3A_261 = tpu.memref_slice %arg5[%arg0, %mul3A_6, %dma_wait3A_260] : memref<2x10112x128xf32, #tpu.memory_space<hbm>> -> memref<1x632x128xf32, #tpu.memory_space<hbm>>
      %dma_wait3A_262 = tpu.memref_squeeze %dma_wait3A_261 : memref<1x632x128xf32, #tpu.memory_space<hbm>> -> memref<632x128xf32, #tpu.memory_space<hbm>>
      %dma_wait3A_263 = arith.constant 0 : i32
      %dma_wait3A_264 = tpu.memref_slice %arg12[%mul3A_6, %dma_wait3A_263] : memref<10112x128xf32, #tpu.memory_space<vmem_shared>> -> memref<632x128xf32, #tpu.memory_space<vmem_shared>>
      tpu.wait_dma2 semaphore(%run_scoped3A : memref<!tpu.dma_semaphore, #tpu.memory_space<semaphore_mem>>) src(%dma_wait3A_264 : memref<632x128xf32, #tpu.memory_space<vmem_shared>>) dst(%dma_wait3A_262 : memref<632x128xf32, #tpu.memory_space<hbm>>)
      tpu.yield
    }) : () -> ()
    return
  }
}

#map = affine_map<(d0, d1) -> (0, 0, 0)>
#map1 = affine_map<(d0, d1) -> (0)>
module attributes {stable_mosaic.version = 14 : i64} {
  func.func @k(%arg0: i32, %arg1: i32, %arg2: memref<32x80x128xi32, #tpu.memory_space<hbm>>, %arg3: memref<32x80x128xi32, #tpu.memory_space<hbm>>, %arg4: memref<323584xf32, #tpu.memory_space<hbm>>, %arg5: memref<323584xf32, #tpu.memory_space<hbm>>, %arg6: memref<80x128xi32, #tpu.memory_space<vmem>>, %arg7: memref<80x128xi32, #tpu.memory_space<vmem>>, %arg8: memref<10112xf32, #tpu.memory_space<vmem>>, %arg9: memref<10112xf32, #tpu.memory_space<vmem>>) attributes {dimension_semantics = [#tpu.dimension_semantics<core_parallel>, #tpu.dimension_semantics<subcore_parallel>], iteration_bounds = array<i64: 2, 16>, scalar_prefetch = 0 : i64, scratch_operands = 4 : i64, tpu.core_type = #tpu.core_type<sc_vector_subcore>, window_params = [{transform_indices = #map}, {transform_indices = #map}, {transform_indices = #map1}, {transform_indices = #map1}]} {
    %mul3A = arith.constant 16 : i32
    %mul3A_0 = arith.muli %arg0, %mul3A : i32
    %add3A = arith.addi %mul3A_0, %arg1 : i32
    "tpu.region"() ({
      %run_scoped3A = tpu.sem_alloc : memref<!tpu.dma_semaphore, #tpu.memory_space<semaphore_mem>>
      %dma_start3A = arith.constant 0 : i32
      %dma_start3A_17 = arith.constant 0 : i32
      %dma_start3A_18 = tpu.memref_slice %arg2[%add3A, %dma_start3A, %dma_start3A_17] : memref<32x80x128xi32, #tpu.memory_space<hbm>> -> memref<1x80x128xi32, #tpu.memory_space<hbm>>
      %dma_start3A_19 = tpu.memref_squeeze %dma_start3A_18 : memref<1x80x128xi32, #tpu.memory_space<hbm>> -> memref<80x128xi32, #tpu.memory_space<hbm>>
      %dma_start3A_20 = arith.constant 0 : i32
      %dma_start3A_21 = arith.constant 0 : i32
      %dma_start3A_22 = tpu.memref_slice %arg2[%add3A, %dma_start3A_20, %dma_start3A_21] : memref<32x80x128xi32, #tpu.memory_space<hbm>> -> memref<1x80x128xi32, #tpu.memory_space<hbm>>
      %dma_start3A_23 = tpu.memref_squeeze %dma_start3A_22 : memref<1x80x128xi32, #tpu.memory_space<hbm>> -> memref<80x128xi32, #tpu.memory_space<hbm>>
      tpu.enqueue_dma source(%dma_start3A_23 : memref<80x128xi32, #tpu.memory_space<hbm>>) target(%arg6 : memref<80x128xi32, #tpu.memory_space<vmem>>) target_semaphore(%run_scoped3A : memref<!tpu.dma_semaphore, #tpu.memory_space<semaphore_mem>>)
      %dma_wait3A = arith.constant 0 : i32
      %dma_wait3A_24 = arith.constant 0 : i32
      %dma_wait3A_25 = tpu.memref_slice %arg2[%add3A, %dma_wait3A, %dma_wait3A_24] : memref<32x80x128xi32, #tpu.memory_space<hbm>> -> memref<1x80x128xi32, #tpu.memory_space<hbm>>
      %dma_wait3A_26 = tpu.memref_squeeze %dma_wait3A_25 : memref<1x80x128xi32, #tpu.memory_space<hbm>> -> memref<80x128xi32, #tpu.memory_space<hbm>>
      %dma_wait3A_27 = arith.constant 0 : i32
      %dma_wait3A_28 = arith.constant 0 : i32
      %dma_wait3A_29 = tpu.memref_slice %arg2[%add3A, %dma_wait3A_27, %dma_wait3A_28] : memref<32x80x128xi32, #tpu.memory_space<hbm>> -> memref<1x80x128xi32, #tpu.memory_space<hbm>>
      %dma_wait3A_30 = tpu.memref_squeeze %dma_wait3A_29 : memref<1x80x128xi32, #tpu.memory_space<hbm>> -> memref<80x128xi32, #tpu.memory_space<hbm>>
      tpu.wait_dma2 semaphore(%run_scoped3A : memref<!tpu.dma_semaphore, #tpu.memory_space<semaphore_mem>>) src(%dma_wait3A_30 : memref<80x128xi32, #tpu.memory_space<hbm>>) dst(%arg6 : memref<80x128xi32, #tpu.memory_space<vmem>>)
      tpu.yield
    }) : () -> ()
    "tpu.region"() ({
      %run_scoped3A = tpu.sem_alloc : memref<!tpu.dma_semaphore, #tpu.memory_space<semaphore_mem>>
      %dma_start3A = arith.constant 0 : i32
      %dma_start3A_17 = arith.constant 0 : i32
      %dma_start3A_18 = tpu.memref_slice %arg3[%add3A, %dma_start3A, %dma_start3A_17] : memref<32x80x128xi32, #tpu.memory_space<hbm>> -> memref<1x80x128xi32, #tpu.memory_space<hbm>>
      %dma_start3A_19 = tpu.memref_squeeze %dma_start3A_18 : memref<1x80x128xi32, #tpu.memory_space<hbm>> -> memref<80x128xi32, #tpu.memory_space<hbm>>
      %dma_start3A_20 = arith.constant 0 : i32
      %dma_start3A_21 = arith.constant 0 : i32
      %dma_start3A_22 = tpu.memref_slice %arg3[%add3A, %dma_start3A_20, %dma_start3A_21] : memref<32x80x128xi32, #tpu.memory_space<hbm>> -> memref<1x80x128xi32, #tpu.memory_space<hbm>>
      %dma_start3A_23 = tpu.memref_squeeze %dma_start3A_22 : memref<1x80x128xi32, #tpu.memory_space<hbm>> -> memref<80x128xi32, #tpu.memory_space<hbm>>
      tpu.enqueue_dma source(%dma_start3A_23 : memref<80x128xi32, #tpu.memory_space<hbm>>) target(%arg7 : memref<80x128xi32, #tpu.memory_space<vmem>>) target_semaphore(%run_scoped3A : memref<!tpu.dma_semaphore, #tpu.memory_space<semaphore_mem>>)
      %dma_wait3A = arith.constant 0 : i32
      %dma_wait3A_24 = arith.constant 0 : i32
      %dma_wait3A_25 = tpu.memref_slice %arg3[%add3A, %dma_wait3A, %dma_wait3A_24] : memref<32x80x128xi32, #tpu.memory_space<hbm>> -> memref<1x80x128xi32, #tpu.memory_space<hbm>>
      %dma_wait3A_26 = tpu.memref_squeeze %dma_wait3A_25 : memref<1x80x128xi32, #tpu.memory_space<hbm>> -> memref<80x128xi32, #tpu.memory_space<hbm>>
      %dma_wait3A_27 = arith.constant 0 : i32
      %dma_wait3A_28 = arith.constant 0 : i32
      %dma_wait3A_29 = tpu.memref_slice %arg3[%add3A, %dma_wait3A_27, %dma_wait3A_28] : memref<32x80x128xi32, #tpu.memory_space<hbm>> -> memref<1x80x128xi32, #tpu.memory_space<hbm>>
      %dma_wait3A_30 = tpu.memref_squeeze %dma_wait3A_29 : memref<1x80x128xi32, #tpu.memory_space<hbm>> -> memref<80x128xi32, #tpu.memory_space<hbm>>
      tpu.wait_dma2 semaphore(%run_scoped3A : memref<!tpu.dma_semaphore, #tpu.memory_space<semaphore_mem>>) src(%dma_wait3A_30 : memref<80x128xi32, #tpu.memory_space<hbm>>) dst(%arg7 : memref<80x128xi32, #tpu.memory_space<vmem>>)
      tpu.yield
    }) : () -> ()
    %broadcast_in_dim3A = arith.constant 0.000000e+00 : f32
    %broadcast_in_dim3A_1 = vector.broadcast %broadcast_in_dim3A : f32 to vector<16xf32>
    %scan3A = arith.constant 0 : i32
    %scan3A_2 = arith.constant 632 : i32
    %scan3A_3 = arith.addi %scan3A, %scan3A_2 : i32
    %scan3A_4 = arith.constant 1 : i32
    scf.for %scan3A_17 = %scan3A to %scan3A_3 step %scan3A_4  : i32 {
      %mul3A_18 = arith.constant 16 : i32
      %mul3A_19 = arith.muli %scan3A_17, %mul3A_18 : i32
      %add3A_20 = arith.constant 0 : i32
      %add3A_21 = arith.addi %add3A_20, %mul3A_19 : i32
      %swap3A = arith.index_cast %add3A_21 : i32 to index
      %swap3A_22 = tpu.vector_load %arg8[%swap3A] {strides = array<i32>} : memref<10112xf32, #tpu.memory_space<vmem>>, vector<16xf32>,
      tpu.vector_store %arg8[%swap3A], %broadcast_in_dim3A_1 {strides = array<i32>} : memref<10112xf32, #tpu.memory_space<vmem>>, vector<16xf32>,
      %swap3A_23 = arith.index_cast %add3A_21 : i32 to index
      %swap3A_24 = tpu.vector_load %arg9[%swap3A_23] {strides = array<i32>} : memref<10112xf32, #tpu.memory_space<vmem>>, vector<16xf32>,
      tpu.vector_store %arg9[%swap3A_23], %broadcast_in_dim3A_1 {strides = array<i32>} : memref<10112xf32, #tpu.memory_space<vmem>>, vector<16xf32>,
    }
    %scan3A_5 = arith.constant 632 : i32
    %broadcast_in_dim3A_6 = arith.constant 1.000000e+00 : f32
    %broadcast_in_dim3A_7 = vector.broadcast %broadcast_in_dim3A_6 : f32 to vector<16xf32>
    %scan3A_8 = arith.constant 0 : i32
    %scan3A_9 = arith.constant 80 : i32
    %scan3A_10 = arith.addi %scan3A_8, %scan3A_9 : i32
    %scan3A_11 = arith.constant 1 : i32
    scf.for %scan3A_17 = %scan3A_8 to %scan3A_10 step %scan3A_11  : i32 {
      %mul3A_18 = arith.constant 1 : i32
      %mul3A_19 = arith.muli %scan3A_17, %mul3A_18 : i32
      %add3A_20 = arith.constant 0 : i32
      %add3A_21 = arith.addi %add3A_20, %mul3A_19 : i32
      %get3A = arith.index_cast %add3A_21 : i32 to index
      %get3A_22 = arith.constant 0 : index
      %get3A_23 = tpu.vector_load %arg6[%get3A, %get3A_22] {strides = array<i32>} : memref<80x128xi32, #tpu.memory_space<vmem>>, vector<16xi32>,
      tpu.vector_store_idx %arg8[%get3A_23], %broadcast_in_dim3A_7 {add = true} : memref<10112xf32, #tpu.memory_space<vmem>>[vector<16xi32>], vector<16xf32>,
      %get3A_24 = arith.index_cast %add3A_21 : i32 to index
      %get3A_25 = arith.constant 0 : index
      %get3A_26 = tpu.vector_load %arg7[%get3A_24, %get3A_25] {strides = array<i32>} : memref<80x128xi32, #tpu.memory_space<vmem>>, vector<16xi32>,
      tpu.vector_store_idx %arg9[%get3A_26], %broadcast_in_dim3A_7 {add = true} : memref<10112xf32, #tpu.memory_space<vmem>>[vector<16xi32>], vector<16xf32>,
      %get3A_27 = arith.index_cast %add3A_21 : i32 to index
      %get3A_28 = arith.constant 16 : index
      %get3A_29 = tpu.vector_load %arg6[%get3A_27, %get3A_28] {strides = array<i32>} : memref<80x128xi32, #tpu.memory_space<vmem>>, vector<16xi32>,
      tpu.vector_store_idx %arg8[%get3A_29], %broadcast_in_dim3A_7 {add = true} : memref<10112xf32, #tpu.memory_space<vmem>>[vector<16xi32>], vector<16xf32>,
      %get3A_30 = arith.index_cast %add3A_21 : i32 to index
      %get3A_31 = arith.constant 16 : index
      %get3A_32 = tpu.vector_load %arg7[%get3A_30, %get3A_31] {strides = array<i32>} : memref<80x128xi32, #tpu.memory_space<vmem>>, vector<16xi32>,
      tpu.vector_store_idx %arg9[%get3A_32], %broadcast_in_dim3A_7 {add = true} : memref<10112xf32, #tpu.memory_space<vmem>>[vector<16xi32>], vector<16xf32>,
      %get3A_33 = arith.index_cast %add3A_21 : i32 to index
      %get3A_34 = arith.constant 32 : index
      %get3A_35 = tpu.vector_load %arg6[%get3A_33, %get3A_34] {strides = array<i32>} : memref<80x128xi32, #tpu.memory_space<vmem>>, vector<16xi32>,
      tpu.vector_store_idx %arg8[%get3A_35], %broadcast_in_dim3A_7 {add = true} : memref<10112xf32, #tpu.memory_space<vmem>>[vector<16xi32>], vector<16xf32>,
      %get3A_36 = arith.index_cast %add3A_21 : i32 to index
      %get3A_37 = arith.constant 32 : index
      %get3A_38 = tpu.vector_load %arg7[%get3A_36, %get3A_37] {strides = array<i32>} : memref<80x128xi32, #tpu.memory_space<vmem>>, vector<16xi32>,
      tpu.vector_store_idx %arg9[%get3A_38], %broadcast_in_dim3A_7 {add = true} : memref<10112xf32, #tpu.memory_space<vmem>>[vector<16xi32>], vector<16xf32>,
      %get3A_39 = arith.index_cast %add3A_21 : i32 to index
      %get3A_40 = arith.constant 48 : index
      %get3A_41 = tpu.vector_load %arg6[%get3A_39, %get3A_40] {strides = array<i32>} : memref<80x128xi32, #tpu.memory_space<vmem>>, vector<16xi32>,
      tpu.vector_store_idx %arg8[%get3A_41], %broadcast_in_dim3A_7 {add = true} : memref<10112xf32, #tpu.memory_space<vmem>>[vector<16xi32>], vector<16xf32>,
      %get3A_42 = arith.index_cast %add3A_21 : i32 to index
      %get3A_43 = arith.constant 48 : index
      %get3A_44 = tpu.vector_load %arg7[%get3A_42, %get3A_43] {strides = array<i32>} : memref<80x128xi32, #tpu.memory_space<vmem>>, vector<16xi32>,
      tpu.vector_store_idx %arg9[%get3A_44], %broadcast_in_dim3A_7 {add = true} : memref<10112xf32, #tpu.memory_space<vmem>>[vector<16xi32>], vector<16xf32>,
      %get3A_45 = arith.index_cast %add3A_21 : i32 to index
      %get3A_46 = arith.constant 64 : index
      %get3A_47 = tpu.vector_load %arg6[%get3A_45, %get3A_46] {strides = array<i32>} : memref<80x128xi32, #tpu.memory_space<vmem>>, vector<16xi32>,
      tpu.vector_store_idx %arg8[%get3A_47], %broadcast_in_dim3A_7 {add = true} : memref<10112xf32, #tpu.memory_space<vmem>>[vector<16xi32>], vector<16xf32>,
      %get3A_48 = arith.index_cast %add3A_21 : i32 to index
      %get3A_49 = arith.constant 64 : index
      %get3A_50 = tpu.vector_load %arg7[%get3A_48, %get3A_49] {strides = array<i32>} : memref<80x128xi32, #tpu.memory_space<vmem>>, vector<16xi32>,
      tpu.vector_store_idx %arg9[%get3A_50], %broadcast_in_dim3A_7 {add = true} : memref<10112xf32, #tpu.memory_space<vmem>>[vector<16xi32>], vector<16xf32>,
      %get3A_51 = arith.index_cast %add3A_21 : i32 to index
      %get3A_52 = arith.constant 80 : index
      %get3A_53 = tpu.vector_load %arg6[%get3A_51, %get3A_52] {strides = array<i32>} : memref<80x128xi32, #tpu.memory_space<vmem>>, vector<16xi32>,
      tpu.vector_store_idx %arg8[%get3A_53], %broadcast_in_dim3A_7 {add = true} : memref<10112xf32, #tpu.memory_space<vmem>>[vector<16xi32>], vector<16xf32>,
      %get3A_54 = arith.index_cast %add3A_21 : i32 to index
      %get3A_55 = arith.constant 80 : index
      %get3A_56 = tpu.vector_load %arg7[%get3A_54, %get3A_55] {strides = array<i32>} : memref<80x128xi32, #tpu.memory_space<vmem>>, vector<16xi32>,
      tpu.vector_store_idx %arg9[%get3A_56], %broadcast_in_dim3A_7 {add = true} : memref<10112xf32, #tpu.memory_space<vmem>>[vector<16xi32>], vector<16xf32>,
      %get3A_57 = arith.index_cast %add3A_21 : i32 to index
      %get3A_58 = arith.constant 96 : index
      %get3A_59 = tpu.vector_load %arg6[%get3A_57, %get3A_58] {strides = array<i32>} : memref<80x128xi32, #tpu.memory_space<vmem>>, vector<16xi32>,
      tpu.vector_store_idx %arg8[%get3A_59], %broadcast_in_dim3A_7 {add = true} : memref<10112xf32, #tpu.memory_space<vmem>>[vector<16xi32>], vector<16xf32>,
      %get3A_60 = arith.index_cast %add3A_21 : i32 to index
      %get3A_61 = arith.constant 96 : index
      %get3A_62 = tpu.vector_load %arg7[%get3A_60, %get3A_61] {strides = array<i32>} : memref<80x128xi32, #tpu.memory_space<vmem>>, vector<16xi32>,
      tpu.vector_store_idx %arg9[%get3A_62], %broadcast_in_dim3A_7 {add = true} : memref<10112xf32, #tpu.memory_space<vmem>>[vector<16xi32>], vector<16xf32>,
      %get3A_63 = arith.index_cast %add3A_21 : i32 to index
      %get3A_64 = arith.constant 112 : index
      %get3A_65 = tpu.vector_load %arg6[%get3A_63, %get3A_64] {strides = array<i32>} : memref<80x128xi32, #tpu.memory_space<vmem>>, vector<16xi32>,
      tpu.vector_store_idx %arg8[%get3A_65], %broadcast_in_dim3A_7 {add = true} : memref<10112xf32, #tpu.memory_space<vmem>>[vector<16xi32>], vector<16xf32>,
      %get3A_66 = arith.index_cast %add3A_21 : i32 to index
      %get3A_67 = arith.constant 112 : index
      %get3A_68 = tpu.vector_load %arg7[%get3A_66, %get3A_67] {strides = array<i32>} : memref<80x128xi32, #tpu.memory_space<vmem>>, vector<16xi32>,
      tpu.vector_store_idx %arg9[%get3A_68], %broadcast_in_dim3A_7 {add = true} : memref<10112xf32, #tpu.memory_space<vmem>>[vector<16xi32>], vector<16xf32>,
    }
    %scan3A_12 = arith.constant 80 : i32
    %mul3A_13 = arith.constant 10112 : i32
    %mul3A_14 = arith.muli %add3A, %mul3A_13 : i32
    "tpu.region"() ({
      %run_scoped3A = tpu.sem_alloc : memref<!tpu.dma_semaphore, #tpu.memory_space<semaphore_mem>>
      %dma_start3A = tpu.memref_slice %arg4[%mul3A_14] : memref<323584xf32, #tpu.memory_space<hbm>> -> memref<10112xf32, #tpu.memory_space<hbm>>
      %dma_start3A_17 = tpu.memref_slice %arg4[%mul3A_14] : memref<323584xf32, #tpu.memory_space<hbm>> -> memref<10112xf32, #tpu.memory_space<hbm>>
      tpu.enqueue_dma source(%arg8 : memref<10112xf32, #tpu.memory_space<vmem>>) target(%dma_start3A_17 : memref<10112xf32, #tpu.memory_space<hbm>>) target_semaphore(%run_scoped3A : memref<!tpu.dma_semaphore, #tpu.memory_space<semaphore_mem>>)
      %dma_wait3A = tpu.memref_slice %arg4[%mul3A_14] : memref<323584xf32, #tpu.memory_space<hbm>> -> memref<10112xf32, #tpu.memory_space<hbm>>
      %dma_wait3A_18 = tpu.memref_slice %arg4[%mul3A_14] : memref<323584xf32, #tpu.memory_space<hbm>> -> memref<10112xf32, #tpu.memory_space<hbm>>
      tpu.wait_dma2 semaphore(%run_scoped3A : memref<!tpu.dma_semaphore, #tpu.memory_space<semaphore_mem>>) src(%arg8 : memref<10112xf32, #tpu.memory_space<vmem>>) dst(%dma_wait3A_18 : memref<10112xf32, #tpu.memory_space<hbm>>)
      tpu.yield
    }) : () -> ()
    %mul3A_15 = arith.constant 10112 : i32
    %mul3A_16 = arith.muli %add3A, %mul3A_15 : i32
    "tpu.region"() ({
      %run_scoped3A = tpu.sem_alloc : memref<!tpu.dma_semaphore, #tpu.memory_space<semaphore_mem>>
      %dma_start3A = tpu.memref_slice %arg5[%mul3A_16] : memref<323584xf32, #tpu.memory_space<hbm>> -> memref<10112xf32, #tpu.memory_space<hbm>>
      %dma_start3A_17 = tpu.memref_slice %arg5[%mul3A_16] : memref<323584xf32, #tpu.memory_space<hbm>> -> memref<10112xf32, #tpu.memory_space<hbm>>
      tpu.enqueue_dma source(%arg9 : memref<10112xf32, #tpu.memory_space<vmem>>) target(%dma_start3A_17 : memref<10112xf32, #tpu.memory_space<hbm>>) target_semaphore(%run_scoped3A : memref<!tpu.dma_semaphore, #tpu.memory_space<semaphore_mem>>)
      %dma_wait3A = tpu.memref_slice %arg5[%mul3A_16] : memref<323584xf32, #tpu.memory_space<hbm>> -> memref<10112xf32, #tpu.memory_space<hbm>>
      %dma_wait3A_18 = tpu.memref_slice %arg5[%mul3A_16] : memref<323584xf32, #tpu.memory_space<hbm>> -> memref<10112xf32, #tpu.memory_space<hbm>>
      tpu.wait_dma2 semaphore(%run_scoped3A : memref<!tpu.dma_semaphore, #tpu.memory_space<semaphore_mem>>) src(%arg9 : memref<10112xf32, #tpu.memory_space<vmem>>) dst(%dma_wait3A_18 : memref<10112xf32, #tpu.memory_space<hbm>>)
      tpu.yield
    }) : () -> ()
    return
  }
}

#map = affine_map<(d0, d1) -> (0, 0)>
#map1 = affine_map<(d0, d1) -> (0, 0, 0)>
module attributes {stable_mosaic.version = 14 : i64} {
  func.func @k(%arg0: i32, %arg1: i32, %arg2: memref<10001x128xf32, #tpu.memory_space<hbm>>, %arg3: memref<32x80x128xi32, #tpu.memory_space<hbm>>, %arg4: memref<32x160x64xi32, #tpu.memory_space<hbm>>, %arg5: memref<2x10112x128xf32, #tpu.memory_space<hbm>>, %arg6: memref<80x128xi32, #tpu.memory_space<vmem>>, %arg7: memref<4x64xi32, #tpu.memory_space<vmem>>, %arg8: memref<64x128xf32, #tpu.memory_space<vmem>>, %arg9: memref<64x128xf32, #tpu.memory_space<vmem>>, %arg10: memref<64x128xf32, #tpu.memory_space<vmem>>, %arg11: memref<64x128xf32, #tpu.memory_space<vmem>>, %arg12: memref<10112x128xf32, #tpu.memory_space<vmem_shared>>, %arg13: memref<!tpu.dma_semaphore, #tpu.memory_space<semaphore_mem>>, %arg14: memref<!tpu.dma_semaphore, #tpu.memory_space<semaphore_mem>>, %arg15: memref<!tpu.dma_semaphore, #tpu.memory_space<semaphore_mem>>, %arg16: memref<!tpu.dma_semaphore, #tpu.memory_space<semaphore_mem>>, %arg17: memref<!tpu.dma_semaphore, #tpu.memory_space<semaphore_mem>>, %arg18: memref<!tpu.dma_semaphore, #tpu.memory_space<semaphore_mem>>, %arg19: memref<!tpu.dma_semaphore, #tpu.memory_space<semaphore_mem>>, %arg20: memref<!tpu.dma_semaphore, #tpu.memory_space<semaphore_mem>>, %arg21: memref<!tpu.dma_semaphore, #tpu.memory_space<semaphore_mem>>, %arg22: memref<!tpu.dma_semaphore, #tpu.memory_space<semaphore_mem>>, %arg23: memref<!tpu.dma_semaphore, #tpu.memory_space<semaphore_mem>>, %arg24: memref<!tpu.dma_semaphore, #tpu.memory_space<semaphore_mem>>) attributes {dimension_semantics = [#tpu.dimension_semantics<core_parallel>, #tpu.dimension_semantics<subcore_parallel>], iteration_bounds = array<i64: 2, 16>, scalar_prefetch = 0 : i64, scratch_operands = 19 : i64, tpu.core_type = #tpu.core_type<sc_vector_subcore>, window_params = [{transform_indices = #map}, {transform_indices = #map1}, {transform_indices = #map1}, {transform_indices = #map1}]} {
    %mul3A = arith.constant 16 : i32
    %mul3A_0 = arith.muli %arg0, %mul3A : i32
    %add3A = arith.addi %mul3A_0, %arg1 : i32
    %scan3A = arith.constant 0 : i32
    %scan3A_1 = arith.constant 64 : i32
    %scan3A_2 = arith.addi %scan3A, %scan3A_1 : i32
    %scan3A_3 = arith.constant 1 : i32
    scf.for %scan3A_255 = %scan3A to %scan3A_2 step %scan3A_3  : i32 {
      %mul3A_256 = arith.constant 1 : i32
      %mul3A_257 = arith.muli %scan3A_255, %mul3A_256 : i32
      %add3A_258 = arith.constant 0 : i32
      %add3A_259 = arith.addi %add3A_258, %mul3A_257 : i32
      %broadcast_in_dim3A = arith.constant 0.000000e+00 : f32
      %broadcast_in_dim3A_260 = vector.broadcast %broadcast_in_dim3A : f32 to vector<16xf32>
      %swap3A = arith.index_cast %add3A_259 : i32 to index
      %swap3A_261 = arith.constant 0 : index
      %swap3A_262 = tpu.vector_load %arg8[%swap3A, %swap3A_261] {strides = array<i32>} : memref<64x128xf32, #tpu.memory_space<vmem>>, vector<1x16xf32>,
      %swap3A_263 = vector.shape_cast %swap3A_262 : vector<1x16xf32> to vector<16xf32>
      %swap3A_264 = vector.shape_cast %broadcast_in_dim3A_260 : vector<16xf32> to vector<1x16xf32>
      tpu.vector_store %arg8[%swap3A, %swap3A_261], %swap3A_264 {strides = array<i32>} : memref<64x128xf32, #tpu.memory_space<vmem>>, vector<1x16xf32>,
      %broadcast_in_dim3A_265 = arith.constant 0.000000e+00 : f32
      %broadcast_in_dim3A_266 = vector.broadcast %broadcast_in_dim3A_265 : f32 to vector<16xf32>
      %swap3A_267 = arith.index_cast %add3A_259 : i32 to index
      %swap3A_268 = arith.constant 16 : index
      %swap3A_269 = tpu.vector_load %arg8[%swap3A_267, %swap3A_268] {strides = array<i32>} : memref<64x128xf32, #tpu.memory_space<vmem>>, vector<1x16xf32>,
      %swap3A_270 = vector.shape_cast %swap3A_269 : vector<1x16xf32> to vector<16xf32>
      %swap3A_271 = vector.shape_cast %broadcast_in_dim3A_266 : vector<16xf32> to vector<1x16xf32>
      tpu.vector_store %arg8[%swap3A_267, %swap3A_268], %swap3A_271 {strides = array<i32>} : memref<64x128xf32, #tpu.memory_space<vmem>>, vector<1x16xf32>,
      %broadcast_in_dim3A_272 = arith.constant 0.000000e+00 : f32
      %broadcast_in_dim3A_273 = vector.broadcast %broadcast_in_dim3A_272 : f32 to vector<16xf32>
      %swap3A_274 = arith.index_cast %add3A_259 : i32 to index
      %swap3A_275 = arith.constant 32 : index
      %swap3A_276 = tpu.vector_load %arg8[%swap3A_274, %swap3A_275] {strides = array<i32>} : memref<64x128xf32, #tpu.memory_space<vmem>>, vector<1x16xf32>,
      %swap3A_277 = vector.shape_cast %swap3A_276 : vector<1x16xf32> to vector<16xf32>
      %swap3A_278 = vector.shape_cast %broadcast_in_dim3A_273 : vector<16xf32> to vector<1x16xf32>
      tpu.vector_store %arg8[%swap3A_274, %swap3A_275], %swap3A_278 {strides = array<i32>} : memref<64x128xf32, #tpu.memory_space<vmem>>, vector<1x16xf32>,
      %broadcast_in_dim3A_279 = arith.constant 0.000000e+00 : f32
      %broadcast_in_dim3A_280 = vector.broadcast %broadcast_in_dim3A_279 : f32 to vector<16xf32>
      %swap3A_281 = arith.index_cast %add3A_259 : i32 to index
      %swap3A_282 = arith.constant 48 : index
      %swap3A_283 = tpu.vector_load %arg8[%swap3A_281, %swap3A_282] {strides = array<i32>} : memref<64x128xf32, #tpu.memory_space<vmem>>, vector<1x16xf32>,
      %swap3A_284 = vector.shape_cast %swap3A_283 : vector<1x16xf32> to vector<16xf32>
      %swap3A_285 = vector.shape_cast %broadcast_in_dim3A_280 : vector<16xf32> to vector<1x16xf32>
      tpu.vector_store %arg8[%swap3A_281, %swap3A_282], %swap3A_285 {strides = array<i32>} : memref<64x128xf32, #tpu.memory_space<vmem>>, vector<1x16xf32>,
      %broadcast_in_dim3A_286 = arith.constant 0.000000e+00 : f32
      %broadcast_in_dim3A_287 = vector.broadcast %broadcast_in_dim3A_286 : f32 to vector<16xf32>
      %swap3A_288 = arith.index_cast %add3A_259 : i32 to index
      %swap3A_289 = arith.constant 64 : index
      %swap3A_290 = tpu.vector_load %arg8[%swap3A_288, %swap3A_289] {strides = array<i32>} : memref<64x128xf32, #tpu.memory_space<vmem>>, vector<1x16xf32>,
      %swap3A_291 = vector.shape_cast %swap3A_290 : vector<1x16xf32> to vector<16xf32>
      %swap3A_292 = vector.shape_cast %broadcast_in_dim3A_287 : vector<16xf32> to vector<1x16xf32>
      tpu.vector_store %arg8[%swap3A_288, %swap3A_289], %swap3A_292 {strides = array<i32>} : memref<64x128xf32, #tpu.memory_space<vmem>>, vector<1x16xf32>,
      %broadcast_in_dim3A_293 = arith.constant 0.000000e+00 : f32
      %broadcast_in_dim3A_294 = vector.broadcast %broadcast_in_dim3A_293 : f32 to vector<16xf32>
      %swap3A_295 = arith.index_cast %add3A_259 : i32 to index
      %swap3A_296 = arith.constant 80 : index
      %swap3A_297 = tpu.vector_load %arg8[%swap3A_295, %swap3A_296] {strides = array<i32>} : memref<64x128xf32, #tpu.memory_space<vmem>>, vector<1x16xf32>,
      %swap3A_298 = vector.shape_cast %swap3A_297 : vector<1x16xf32> to vector<16xf32>
      %swap3A_299 = vector.shape_cast %broadcast_in_dim3A_294 : vector<16xf32> to vector<1x16xf32>
      tpu.vector_store %arg8[%swap3A_295, %swap3A_296], %swap3A_299 {strides = array<i32>} : memref<64x128xf32, #tpu.memory_space<vmem>>, vector<1x16xf32>,
      %broadcast_in_dim3A_300 = arith.constant 0.000000e+00 : f32
      %broadcast_in_dim3A_301 = vector.broadcast %broadcast_in_dim3A_300 : f32 to vector<16xf32>
      %swap3A_302 = arith.index_cast %add3A_259 : i32 to index
      %swap3A_303 = arith.constant 96 : index
      %swap3A_304 = tpu.vector_load %arg8[%swap3A_302, %swap3A_303] {strides = array<i32>} : memref<64x128xf32, #tpu.memory_space<vmem>>, vector<1x16xf32>,
      %swap3A_305 = vector.shape_cast %swap3A_304 : vector<1x16xf32> to vector<16xf32>
      %swap3A_306 = vector.shape_cast %broadcast_in_dim3A_301 : vector<16xf32> to vector<1x16xf32>
      tpu.vector_store %arg8[%swap3A_302, %swap3A_303], %swap3A_306 {strides = array<i32>} : memref<64x128xf32, #tpu.memory_space<vmem>>, vector<1x16xf32>,
      %broadcast_in_dim3A_307 = arith.constant 0.000000e+00 : f32
      %broadcast_in_dim3A_308 = vector.broadcast %broadcast_in_dim3A_307 : f32 to vector<16xf32>
      %swap3A_309 = arith.index_cast %add3A_259 : i32 to index
      %swap3A_310 = arith.constant 112 : index
      %swap3A_311 = tpu.vector_load %arg8[%swap3A_309, %swap3A_310] {strides = array<i32>} : memref<64x128xf32, #tpu.memory_space<vmem>>, vector<1x16xf32>,
      %swap3A_312 = vector.shape_cast %swap3A_311 : vector<1x16xf32> to vector<16xf32>
      %swap3A_313 = vector.shape_cast %broadcast_in_dim3A_308 : vector<16xf32> to vector<1x16xf32>
      tpu.vector_store %arg8[%swap3A_309, %swap3A_310], %swap3A_313 {strides = array<i32>} : memref<64x128xf32, #tpu.memory_space<vmem>>, vector<1x16xf32>,
    }
    %scan3A_4 = arith.constant 64 : i32
    %mul3A_5 = arith.constant 632 : i32
    %mul3A_6 = arith.muli %arg1, %mul3A_5 : i32
    %add3A_7 = arith.constant 0 : i32
    %add3A_8 = arith.addi %mul3A_6, %add3A_7 : i32
    "tpu.region"() ({
      %run_scoped3A = tpu.sem_alloc : memref<!tpu.dma_semaphore, #tpu.memory_space<semaphore_mem>>
      %dma_start3A_255 = arith.constant 0 : i32
      %dma_start3A_256 = arith.constant 0 : i32
      %dma_start3A_257 = tpu.memref_slice %arg8[%dma_start3A_255, %dma_start3A_256] : memref<64x128xf32, #tpu.memory_space<vmem>> -> memref<64x128xf32, #tpu.memory_space<vmem>>
      %dma_start3A_258 = arith.constant 0 : i32
      %dma_start3A_259 = tpu.memref_slice %arg12[%add3A_8, %dma_start3A_258] : memref<10112x128xf32, #tpu.memory_space<vmem_shared>> -> memref<64x128xf32, #tpu.memory_space<vmem_shared>>
      %dma_start3A_260 = arith.constant 0 : i32
      %dma_start3A_261 = tpu.memref_slice %arg12[%add3A_8, %dma_start3A_260] : memref<10112x128xf32, #tpu.memory_space<vmem_shared>> -> memref<64x128xf32, #tpu.memory_space<vmem_shared>>
      %dma_start3A_262 = arith.constant 0 : i32
      %dma_start3A_263 = arith.constant 0 : i32
      %dma_start3A_264 = tpu.memref_slice %arg8[%dma_start3A_262, %dma_start3A_263] : memref<64x128xf32, #tpu.memory_space<vmem>> -> memref<64x128xf32, #tpu.memory_space<vmem>>
      tpu.enqueue_dma source(%dma_start3A_264 : memref<64x128xf32, #tpu.memory_space<vmem>>) target(%dma_start3A_261 : memref<64x128xf32, #tpu.memory_space<vmem_shared>>) target_semaphore(%run_scoped3A : memref<!tpu.dma_semaphore, #tpu.memory_space<semaphore_mem>>)
      %dma_wait3A_265 = arith.constant 0 : i32
      %dma_wait3A_266 = arith.constant 0 : i32
      %dma_wait3A_267 = tpu.memref_slice %arg8[%dma_wait3A_265, %dma_wait3A_266] : memref<64x128xf32, #tpu.memory_space<vmem>> -> memref<64x128xf32, #tpu.memory_space<vmem>>
      %dma_wait3A_268 = arith.constant 0 : i32
      %dma_wait3A_269 = tpu.memref_slice %arg12[%add3A_8, %dma_wait3A_268] : memref<10112x128xf32, #tpu.memory_space<vmem_shared>> -> memref<64x128xf32, #tpu.memory_space<vmem_shared>>
      %dma_wait3A_270 = arith.constant 0 : i32
      %dma_wait3A_271 = tpu.memref_slice %arg12[%add3A_8, %dma_wait3A_270] : memref<10112x128xf32, #tpu.memory_space<vmem_shared>> -> memref<64x128xf32, #tpu.memory_space<vmem_shared>>
      %dma_wait3A_272 = arith.constant 0 : i32
      %dma_wait3A_273 = arith.constant 0 : i32
      %dma_wait3A_274 = tpu.memref_slice %arg8[%dma_wait3A_272, %dma_wait3A_273] : memref<64x128xf32, #tpu.memory_space<vmem>> -> memref<64x128xf32, #tpu.memory_space<vmem>>
      tpu.wait_dma2 semaphore(%run_scoped3A : memref<!tpu.dma_semaphore, #tpu.memory_space<semaphore_mem>>) src(%dma_wait3A_274 : memref<64x128xf32, #tpu.memory_space<vmem>>) dst(%dma_wait3A_271 : memref<64x128xf32, #tpu.memory_space<vmem_shared>>)
      tpu.yield
    }) : () -> ()
    %add3A_9 = arith.constant 64 : i32
    %add3A_10 = arith.addi %mul3A_6, %add3A_9 : i32
    "tpu.region"() ({
      %run_scoped3A = tpu.sem_alloc : memref<!tpu.dma_semaphore, #tpu.memory_space<semaphore_mem>>
      %dma_start3A_255 = arith.constant 0 : i32
      %dma_start3A_256 = arith.constant 0 : i32
      %dma_start3A_257 = tpu.memref_slice %arg8[%dma_start3A_255, %dma_start3A_256] : memref<64x128xf32, #tpu.memory_space<vmem>> -> memref<64x128xf32, #tpu.memory_space<vmem>>
      %dma_start3A_258 = arith.constant 0 : i32
      %dma_start3A_259 = tpu.memref_slice %arg12[%add3A_10, %dma_start3A_258] : memref<10112x128xf32, #tpu.memory_space<vmem_shared>> -> memref<64x128xf32, #tpu.memory_space<vmem_shared>>
      %dma_start3A_260 = arith.constant 0 : i32
      %dma_start3A_261 = tpu.memref_slice %arg12[%add3A_10, %dma_start3A_260] : memref<10112x128xf32, #tpu.memory_space<vmem_shared>> -> memref<64x128xf32, #tpu.memory_space<vmem_shared>>
      %dma_start3A_262 = arith.constant 0 : i32
      %dma_start3A_263 = arith.constant 0 : i32
      %dma_start3A_264 = tpu.memref_slice %arg8[%dma_start3A_262, %dma_start3A_263] : memref<64x128xf32, #tpu.memory_space<vmem>> -> memref<64x128xf32, #tpu.memory_space<vmem>>
      tpu.enqueue_dma source(%dma_start3A_264 : memref<64x128xf32, #tpu.memory_space<vmem>>) target(%dma_start3A_261 : memref<64x128xf32, #tpu.memory_space<vmem_shared>>) target_semaphore(%run_scoped3A : memref<!tpu.dma_semaphore, #tpu.memory_space<semaphore_mem>>)
      %dma_wait3A_265 = arith.constant 0 : i32
      %dma_wait3A_266 = arith.constant 0 : i32
      %dma_wait3A_267 = tpu.memref_slice %arg8[%dma_wait3A_265, %dma_wait3A_266] : memref<64x128xf32, #tpu.memory_space<vmem>> -> memref<64x128xf32, #tpu.memory_space<vmem>>
      %dma_wait3A_268 = arith.constant 0 : i32
      %dma_wait3A_269 = tpu.memref_slice %arg12[%add3A_10, %dma_wait3A_268] : memref<10112x128xf32, #tpu.memory_space<vmem_shared>> -> memref<64x128xf32, #tpu.memory_space<vmem_shared>>
      %dma_wait3A_270 = arith.constant 0 : i32
      %dma_wait3A_271 = tpu.memref_slice %arg12[%add3A_10, %dma_wait3A_270] : memref<10112x128xf32, #tpu.memory_space<vmem_shared>> -> memref<64x128xf32, #tpu.memory_space<vmem_shared>>
      %dma_wait3A_272 = arith.constant 0 : i32
      %dma_wait3A_273 = arith.constant 0 : i32
      %dma_wait3A_274 = tpu.memref_slice %arg8[%dma_wait3A_272, %dma_wait3A_273] : memref<64x128xf32, #tpu.memory_space<vmem>> -> memref<64x128xf32, #tpu.memory_space<vmem>>
      tpu.wait_dma2 semaphore(%run_scoped3A : memref<!tpu.dma_semaphore, #tpu.memory_space<semaphore_mem>>) src(%dma_wait3A_274 : memref<64x128xf32, #tpu.memory_space<vmem>>) dst(%dma_wait3A_271 : memref<64x128xf32, #tpu.memory_space<vmem_shared>>)
      tpu.yield
    }) : () -> ()
    %add3A_11 = arith.constant 128 : i32
    %add3A_12 = arith.addi %mul3A_6, %add3A_11 : i32
    "tpu.region"() ({
      %run_scoped3A = tpu.sem_alloc : memref<!tpu.dma_semaphore, #tpu.memory_space<semaphore_mem>>
      %dma_start3A_255 = arith.constant 0 : i32
      %dma_start3A_256 = arith.constant 0 : i32
      %dma_start3A_257 = tpu.memref_slice %arg8[%dma_start3A_255, %dma_start3A_256] : memref<64x128xf32, #tpu.memory_space<vmem>> -> memref<64x128xf32, #tpu.memory_space<vmem>>
      %dma_start3A_258 = arith.constant 0 : i32
      %dma_start3A_259 = tpu.memref_slice %arg12[%add3A_12, %dma_start3A_258] : memref<10112x128xf32, #tpu.memory_space<vmem_shared>> -> memref<64x128xf32, #tpu.memory_space<vmem_shared>>
      %dma_start3A_260 = arith.constant 0 : i32
      %dma_start3A_261 = tpu.memref_slice %arg12[%add3A_12, %dma_start3A_260] : memref<10112x128xf32, #tpu.memory_space<vmem_shared>> -> memref<64x128xf32, #tpu.memory_space<vmem_shared>>
      %dma_start3A_262 = arith.constant 0 : i32
      %dma_start3A_263 = arith.constant 0 : i32
      %dma_start3A_264 = tpu.memref_slice %arg8[%dma_start3A_262, %dma_start3A_263] : memref<64x128xf32, #tpu.memory_space<vmem>> -> memref<64x128xf32, #tpu.memory_space<vmem>>
      tpu.enqueue_dma source(%dma_start3A_264 : memref<64x128xf32, #tpu.memory_space<vmem>>) target(%dma_start3A_261 : memref<64x128xf32, #tpu.memory_space<vmem_shared>>) target_semaphore(%run_scoped3A : memref<!tpu.dma_semaphore, #tpu.memory_space<semaphore_mem>>)
      %dma_wait3A_265 = arith.constant 0 : i32
      %dma_wait3A_266 = arith.constant 0 : i32
      %dma_wait3A_267 = tpu.memref_slice %arg8[%dma_wait3A_265, %dma_wait3A_266] : memref<64x128xf32, #tpu.memory_space<vmem>> -> memref<64x128xf32, #tpu.memory_space<vmem>>
      %dma_wait3A_268 = arith.constant 0 : i32
      %dma_wait3A_269 = tpu.memref_slice %arg12[%add3A_12, %dma_wait3A_268] : memref<10112x128xf32, #tpu.memory_space<vmem_shared>> -> memref<64x128xf32, #tpu.memory_space<vmem_shared>>
      %dma_wait3A_270 = arith.constant 0 : i32
      %dma_wait3A_271 = tpu.memref_slice %arg12[%add3A_12, %dma_wait3A_270] : memref<10112x128xf32, #tpu.memory_space<vmem_shared>> -> memref<64x128xf32, #tpu.memory_space<vmem_shared>>
      %dma_wait3A_272 = arith.constant 0 : i32
      %dma_wait3A_273 = arith.constant 0 : i32
      %dma_wait3A_274 = tpu.memref_slice %arg8[%dma_wait3A_272, %dma_wait3A_273] : memref<64x128xf32, #tpu.memory_space<vmem>> -> memref<64x128xf32, #tpu.memory_space<vmem>>
      tpu.wait_dma2 semaphore(%run_scoped3A : memref<!tpu.dma_semaphore, #tpu.memory_space<semaphore_mem>>) src(%dma_wait3A_274 : memref<64x128xf32, #tpu.memory_space<vmem>>) dst(%dma_wait3A_271 : memref<64x128xf32, #tpu.memory_space<vmem_shared>>)
      tpu.yield
    }) : () -> ()
    %add3A_13 = arith.constant 192 : i32
    %add3A_14 = arith.addi %mul3A_6, %add3A_13 : i32
    "tpu.region"() ({
      %run_scoped3A = tpu.sem_alloc : memref<!tpu.dma_semaphore, #tpu.memory_space<semaphore_mem>>
      %dma_start3A_255 = arith.constant 0 : i32
      %dma_start3A_256 = arith.constant 0 : i32
      %dma_start3A_257 = tpu.memref_slice %arg8[%dma_start3A_255, %dma_start3A_256] : memref<64x128xf32, #tpu.memory_space<vmem>> -> memref<64x128xf32, #tpu.memory_space<vmem>>
      %dma_start3A_258 = arith.constant 0 : i32
      %dma_start3A_259 = tpu.memref_slice %arg12[%add3A_14, %dma_start3A_258] : memref<10112x128xf32, #tpu.memory_space<vmem_shared>> -> memref<64x128xf32, #tpu.memory_space<vmem_shared>>
      %dma_start3A_260 = arith.constant 0 : i32
      %dma_start3A_261 = tpu.memref_slice %arg12[%add3A_14, %dma_start3A_260] : memref<10112x128xf32, #tpu.memory_space<vmem_shared>> -> memref<64x128xf32, #tpu.memory_space<vmem_shared>>
      %dma_start3A_262 = arith.constant 0 : i32
      %dma_start3A_263 = arith.constant 0 : i32
      %dma_start3A_264 = tpu.memref_slice %arg8[%dma_start3A_262, %dma_start3A_263] : memref<64x128xf32, #tpu.memory_space<vmem>> -> memref<64x128xf32, #tpu.memory_space<vmem>>
      tpu.enqueue_dma source(%dma_start3A_264 : memref<64x128xf32, #tpu.memory_space<vmem>>) target(%dma_start3A_261 : memref<64x128xf32, #tpu.memory_space<vmem_shared>>) target_semaphore(%run_scoped3A : memref<!tpu.dma_semaphore, #tpu.memory_space<semaphore_mem>>)
      %dma_wait3A_265 = arith.constant 0 : i32
      %dma_wait3A_266 = arith.constant 0 : i32
      %dma_wait3A_267 = tpu.memref_slice %arg8[%dma_wait3A_265, %dma_wait3A_266] : memref<64x128xf32, #tpu.memory_space<vmem>> -> memref<64x128xf32, #tpu.memory_space<vmem>>
      %dma_wait3A_268 = arith.constant 0 : i32
      %dma_wait3A_269 = tpu.memref_slice %arg12[%add3A_14, %dma_wait3A_268] : memref<10112x128xf32, #tpu.memory_space<vmem_shared>> -> memref<64x128xf32, #tpu.memory_space<vmem_shared>>
      %dma_wait3A_270 = arith.constant 0 : i32
      %dma_wait3A_271 = tpu.memref_slice %arg12[%add3A_14, %dma_wait3A_270] : memref<10112x128xf32, #tpu.memory_space<vmem_shared>> -> memref<64x128xf32, #tpu.memory_space<vmem_shared>>
      %dma_wait3A_272 = arith.constant 0 : i32
      %dma_wait3A_273 = arith.constant 0 : i32
      %dma_wait3A_274 = tpu.memref_slice %arg8[%dma_wait3A_272, %dma_wait3A_273] : memref<64x128xf32, #tpu.memory_space<vmem>> -> memref<64x128xf32, #tpu.memory_space<vmem>>
      tpu.wait_dma2 semaphore(%run_scoped3A : memref<!tpu.dma_semaphore, #tpu.memory_space<semaphore_mem>>) src(%dma_wait3A_274 : memref<64x128xf32, #tpu.memory_space<vmem>>) dst(%dma_wait3A_271 : memref<64x128xf32, #tpu.memory_space<vmem_shared>>)
      tpu.yield
    }) : () -> ()
    %add3A_15 = arith.constant 256 : i32
    %add3A_16 = arith.addi %mul3A_6, %add3A_15 : i32
    "tpu.region"() ({
      %run_scoped3A = tpu.sem_alloc : memref<!tpu.dma_semaphore, #tpu.memory_space<semaphore_mem>>
      %dma_start3A_255 = arith.constant 0 : i32
      %dma_start3A_256 = arith.constant 0 : i32
      %dma_start3A_257 = tpu.memref_slice %arg8[%dma_start3A_255, %dma_start3A_256] : memref<64x128xf32, #tpu.memory_space<vmem>> -> memref<64x128xf32, #tpu.memory_space<vmem>>
      %dma_start3A_258 = arith.constant 0 : i32
      %dma_start3A_259 = tpu.memref_slice %arg12[%add3A_16, %dma_start3A_258] : memref<10112x128xf32, #tpu.memory_space<vmem_shared>> -> memref<64x128xf32, #tpu.memory_space<vmem_shared>>
      %dma_start3A_260 = arith.constant 0 : i32
      %dma_start3A_261 = tpu.memref_slice %arg12[%add3A_16, %dma_start3A_260] : memref<10112x128xf32, #tpu.memory_space<vmem_shared>> -> memref<64x128xf32, #tpu.memory_space<vmem_shared>>
      %dma_start3A_262 = arith.constant 0 : i32
      %dma_start3A_263 = arith.constant 0 : i32
      %dma_start3A_264 = tpu.memref_slice %arg8[%dma_start3A_262, %dma_start3A_263] : memref<64x128xf32, #tpu.memory_space<vmem>> -> memref<64x128xf32, #tpu.memory_space<vmem>>
      tpu.enqueue_dma source(%dma_start3A_264 : memref<64x128xf32, #tpu.memory_space<vmem>>) target(%dma_start3A_261 : memref<64x128xf32, #tpu.memory_space<vmem_shared>>) target_semaphore(%run_scoped3A : memref<!tpu.dma_semaphore, #tpu.memory_space<semaphore_mem>>)
      %dma_wait3A_265 = arith.constant 0 : i32
      %dma_wait3A_266 = arith.constant 0 : i32
      %dma_wait3A_267 = tpu.memref_slice %arg8[%dma_wait3A_265, %dma_wait3A_266] : memref<64x128xf32, #tpu.memory_space<vmem>> -> memref<64x128xf32, #tpu.memory_space<vmem>>
      %dma_wait3A_268 = arith.constant 0 : i32
      %dma_wait3A_269 = tpu.memref_slice %arg12[%add3A_16, %dma_wait3A_268] : memref<10112x128xf32, #tpu.memory_space<vmem_shared>> -> memref<64x128xf32, #tpu.memory_space<vmem_shared>>
      %dma_wait3A_270 = arith.constant 0 : i32
      %dma_wait3A_271 = tpu.memref_slice %arg12[%add3A_16, %dma_wait3A_270] : memref<10112x128xf32, #tpu.memory_space<vmem_shared>> -> memref<64x128xf32, #tpu.memory_space<vmem_shared>>
      %dma_wait3A_272 = arith.constant 0 : i32
      %dma_wait3A_273 = arith.constant 0 : i32
      %dma_wait3A_274 = tpu.memref_slice %arg8[%dma_wait3A_272, %dma_wait3A_273] : memref<64x128xf32, #tpu.memory_space<vmem>> -> memref<64x128xf32, #tpu.memory_space<vmem>>
      tpu.wait_dma2 semaphore(%run_scoped3A : memref<!tpu.dma_semaphore, #tpu.memory_space<semaphore_mem>>) src(%dma_wait3A_274 : memref<64x128xf32, #tpu.memory_space<vmem>>) dst(%dma_wait3A_271 : memref<64x128xf32, #tpu.memory_space<vmem_shared>>)
      tpu.yield
    }) : () -> ()
    %add3A_17 = arith.constant 320 : i32
    %add3A_18 = arith.addi %mul3A_6, %add3A_17 : i32
    "tpu.region"() ({
      %run_scoped3A = tpu.sem_alloc : memref<!tpu.dma_semaphore, #tpu.memory_space<semaphore_mem>>
      %dma_start3A_255 = arith.constant 0 : i32
      %dma_start3A_256 = arith.constant 0 : i32
      %dma_start3A_257 = tpu.memref_slice %arg8[%dma_start3A_255, %dma_start3A_256] : memref<64x128xf32, #tpu.memory_space<vmem>> -> memref<64x128xf32, #tpu.memory_space<vmem>>
      %dma_start3A_258 = arith.constant 0 : i32
      %dma_start3A_259 = tpu.memref_slice %arg12[%add3A_18, %dma_start3A_258] : memref<10112x128xf32, #tpu.memory_space<vmem_shared>> -> memref<64x128xf32, #tpu.memory_space<vmem_shared>>
      %dma_start3A_260 = arith.constant 0 : i32
      %dma_start3A_261 = tpu.memref_slice %arg12[%add3A_18, %dma_start3A_260] : memref<10112x128xf32, #tpu.memory_space<vmem_shared>> -> memref<64x128xf32, #tpu.memory_space<vmem_shared>>
      %dma_start3A_262 = arith.constant 0 : i32
      %dma_start3A_263 = arith.constant 0 : i32
      %dma_start3A_264 = tpu.memref_slice %arg8[%dma_start3A_262, %dma_start3A_263] : memref<64x128xf32, #tpu.memory_space<vmem>> -> memref<64x128xf32, #tpu.memory_space<vmem>>
      tpu.enqueue_dma source(%dma_start3A_264 : memref<64x128xf32, #tpu.memory_space<vmem>>) target(%dma_start3A_261 : memref<64x128xf32, #tpu.memory_space<vmem_shared>>) target_semaphore(%run_scoped3A : memref<!tpu.dma_semaphore, #tpu.memory_space<semaphore_mem>>)
      %dma_wait3A_265 = arith.constant 0 : i32
      %dma_wait3A_266 = arith.constant 0 : i32
      %dma_wait3A_267 = tpu.memref_slice %arg8[%dma_wait3A_265, %dma_wait3A_266] : memref<64x128xf32, #tpu.memory_space<vmem>> -> memref<64x128xf32, #tpu.memory_space<vmem>>
      %dma_wait3A_268 = arith.constant 0 : i32
      %dma_wait3A_269 = tpu.memref_slice %arg12[%add3A_18, %dma_wait3A_268] : memref<10112x128xf32, #tpu.memory_space<vmem_shared>> -> memref<64x128xf32, #tpu.memory_space<vmem_shared>>
      %dma_wait3A_270 = arith.constant 0 : i32
      %dma_wait3A_271 = tpu.memref_slice %arg12[%add3A_18, %dma_wait3A_270] : memref<10112x128xf32, #tpu.memory_space<vmem_shared>> -> memref<64x128xf32, #tpu.memory_space<vmem_shared>>
      %dma_wait3A_272 = arith.constant 0 : i32
      %dma_wait3A_273 = arith.constant 0 : i32
      %dma_wait3A_274 = tpu.memref_slice %arg8[%dma_wait3A_272, %dma_wait3A_273] : memref<64x128xf32, #tpu.memory_space<vmem>> -> memref<64x128xf32, #tpu.memory_space<vmem>>
      tpu.wait_dma2 semaphore(%run_scoped3A : memref<!tpu.dma_semaphore, #tpu.memory_space<semaphore_mem>>) src(%dma_wait3A_274 : memref<64x128xf32, #tpu.memory_space<vmem>>) dst(%dma_wait3A_271 : memref<64x128xf32, #tpu.memory_space<vmem_shared>>)
      tpu.yield
    }) : () -> ()
    %add3A_19 = arith.constant 384 : i32
    %add3A_20 = arith.addi %mul3A_6, %add3A_19 : i32
    "tpu.region"() ({
      %run_scoped3A = tpu.sem_alloc : memref<!tpu.dma_semaphore, #tpu.memory_space<semaphore_mem>>
      %dma_start3A_255 = arith.constant 0 : i32
      %dma_start3A_256 = arith.constant 0 : i32
      %dma_start3A_257 = tpu.memref_slice %arg8[%dma_start3A_255, %dma_start3A_256] : memref<64x128xf32, #tpu.memory_space<vmem>> -> memref<64x128xf32, #tpu.memory_space<vmem>>
      %dma_start3A_258 = arith.constant 0 : i32
      %dma_start3A_259 = tpu.memref_slice %arg12[%add3A_20, %dma_start3A_258] : memref<10112x128xf32, #tpu.memory_space<vmem_shared>> -> memref<64x128xf32, #tpu.memory_space<vmem_shared>>
      %dma_start3A_260 = arith.constant 0 : i32
      %dma_start3A_261 = tpu.memref_slice %arg12[%add3A_20, %dma_start3A_260] : memref<10112x128xf32, #tpu.memory_space<vmem_shared>> -> memref<64x128xf32, #tpu.memory_space<vmem_shared>>
      %dma_start3A_262 = arith.constant 0 : i32
      %dma_start3A_263 = arith.constant 0 : i32
      %dma_start3A_264 = tpu.memref_slice %arg8[%dma_start3A_262, %dma_start3A_263] : memref<64x128xf32, #tpu.memory_space<vmem>> -> memref<64x128xf32, #tpu.memory_space<vmem>>
      tpu.enqueue_dma source(%dma_start3A_264 : memref<64x128xf32, #tpu.memory_space<vmem>>) target(%dma_start3A_261 : memref<64x128xf32, #tpu.memory_space<vmem_shared>>) target_semaphore(%run_scoped3A : memref<!tpu.dma_semaphore, #tpu.memory_space<semaphore_mem>>)
      %dma_wait3A_265 = arith.constant 0 : i32
      %dma_wait3A_266 = arith.constant 0 : i32
      %dma_wait3A_267 = tpu.memref_slice %arg8[%dma_wait3A_265, %dma_wait3A_266] : memref<64x128xf32, #tpu.memory_space<vmem>> -> memref<64x128xf32, #tpu.memory_space<vmem>>
      %dma_wait3A_268 = arith.constant 0 : i32
      %dma_wait3A_269 = tpu.memref_slice %arg12[%add3A_20, %dma_wait3A_268] : memref<10112x128xf32, #tpu.memory_space<vmem_shared>> -> memref<64x128xf32, #tpu.memory_space<vmem_shared>>
      %dma_wait3A_270 = arith.constant 0 : i32
      %dma_wait3A_271 = tpu.memref_slice %arg12[%add3A_20, %dma_wait3A_270] : memref<10112x128xf32, #tpu.memory_space<vmem_shared>> -> memref<64x128xf32, #tpu.memory_space<vmem_shared>>
      %dma_wait3A_272 = arith.constant 0 : i32
      %dma_wait3A_273 = arith.constant 0 : i32
      %dma_wait3A_274 = tpu.memref_slice %arg8[%dma_wait3A_272, %dma_wait3A_273] : memref<64x128xf32, #tpu.memory_space<vmem>> -> memref<64x128xf32, #tpu.memory_space<vmem>>
      tpu.wait_dma2 semaphore(%run_scoped3A : memref<!tpu.dma_semaphore, #tpu.memory_space<semaphore_mem>>) src(%dma_wait3A_274 : memref<64x128xf32, #tpu.memory_space<vmem>>) dst(%dma_wait3A_271 : memref<64x128xf32, #tpu.memory_space<vmem_shared>>)
      tpu.yield
    }) : () -> ()
    %add3A_21 = arith.constant 448 : i32
    %add3A_22 = arith.addi %mul3A_6, %add3A_21 : i32
    "tpu.region"() ({
      %run_scoped3A = tpu.sem_alloc : memref<!tpu.dma_semaphore, #tpu.memory_space<semaphore_mem>>
      %dma_start3A_255 = arith.constant 0 : i32
      %dma_start3A_256 = arith.constant 0 : i32
      %dma_start3A_257 = tpu.memref_slice %arg8[%dma_start3A_255, %dma_start3A_256] : memref<64x128xf32, #tpu.memory_space<vmem>> -> memref<64x128xf32, #tpu.memory_space<vmem>>
      %dma_start3A_258 = arith.constant 0 : i32
      %dma_start3A_259 = tpu.memref_slice %arg12[%add3A_22, %dma_start3A_258] : memref<10112x128xf32, #tpu.memory_space<vmem_shared>> -> memref<64x128xf32, #tpu.memory_space<vmem_shared>>
      %dma_start3A_260 = arith.constant 0 : i32
      %dma_start3A_261 = tpu.memref_slice %arg12[%add3A_22, %dma_start3A_260] : memref<10112x128xf32, #tpu.memory_space<vmem_shared>> -> memref<64x128xf32, #tpu.memory_space<vmem_shared>>
      %dma_start3A_262 = arith.constant 0 : i32
      %dma_start3A_263 = arith.constant 0 : i32
      %dma_start3A_264 = tpu.memref_slice %arg8[%dma_start3A_262, %dma_start3A_263] : memref<64x128xf32, #tpu.memory_space<vmem>> -> memref<64x128xf32, #tpu.memory_space<vmem>>
      tpu.enqueue_dma source(%dma_start3A_264 : memref<64x128xf32, #tpu.memory_space<vmem>>) target(%dma_start3A_261 : memref<64x128xf32, #tpu.memory_space<vmem_shared>>) target_semaphore(%run_scoped3A : memref<!tpu.dma_semaphore, #tpu.memory_space<semaphore_mem>>)
      %dma_wait3A_265 = arith.constant 0 : i32
      %dma_wait3A_266 = arith.constant 0 : i32
      %dma_wait3A_267 = tpu.memref_slice %arg8[%dma_wait3A_265, %dma_wait3A_266] : memref<64x128xf32, #tpu.memory_space<vmem>> -> memref<64x128xf32, #tpu.memory_space<vmem>>
      %dma_wait3A_268 = arith.constant 0 : i32
      %dma_wait3A_269 = tpu.memref_slice %arg12[%add3A_22, %dma_wait3A_268] : memref<10112x128xf32, #tpu.memory_space<vmem_shared>> -> memref<64x128xf32, #tpu.memory_space<vmem_shared>>
      %dma_wait3A_270 = arith.constant 0 : i32
      %dma_wait3A_271 = tpu.memref_slice %arg12[%add3A_22, %dma_wait3A_270] : memref<10112x128xf32, #tpu.memory_space<vmem_shared>> -> memref<64x128xf32, #tpu.memory_space<vmem_shared>>
      %dma_wait3A_272 = arith.constant 0 : i32
      %dma_wait3A_273 = arith.constant 0 : i32
      %dma_wait3A_274 = tpu.memref_slice %arg8[%dma_wait3A_272, %dma_wait3A_273] : memref<64x128xf32, #tpu.memory_space<vmem>> -> memref<64x128xf32, #tpu.memory_space<vmem>>
      tpu.wait_dma2 semaphore(%run_scoped3A : memref<!tpu.dma_semaphore, #tpu.memory_space<semaphore_mem>>) src(%dma_wait3A_274 : memref<64x128xf32, #tpu.memory_space<vmem>>) dst(%dma_wait3A_271 : memref<64x128xf32, #tpu.memory_space<vmem_shared>>)
      tpu.yield
    }) : () -> ()
    %add3A_23 = arith.constant 512 : i32
    %add3A_24 = arith.addi %mul3A_6, %add3A_23 : i32
    "tpu.region"() ({
      %run_scoped3A = tpu.sem_alloc : memref<!tpu.dma_semaphore, #tpu.memory_space<semaphore_mem>>
      %dma_start3A_255 = arith.constant 0 : i32
      %dma_start3A_256 = arith.constant 0 : i32
      %dma_start3A_257 = tpu.memref_slice %arg8[%dma_start3A_255, %dma_start3A_256] : memref<64x128xf32, #tpu.memory_space<vmem>> -> memref<64x128xf32, #tpu.memory_space<vmem>>
      %dma_start3A_258 = arith.constant 0 : i32
      %dma_start3A_259 = tpu.memref_slice %arg12[%add3A_24, %dma_start3A_258] : memref<10112x128xf32, #tpu.memory_space<vmem_shared>> -> memref<64x128xf32, #tpu.memory_space<vmem_shared>>
      %dma_start3A_260 = arith.constant 0 : i32
      %dma_start3A_261 = tpu.memref_slice %arg12[%add3A_24, %dma_start3A_260] : memref<10112x128xf32, #tpu.memory_space<vmem_shared>> -> memref<64x128xf32, #tpu.memory_space<vmem_shared>>
      %dma_start3A_262 = arith.constant 0 : i32
      %dma_start3A_263 = arith.constant 0 : i32
      %dma_start3A_264 = tpu.memref_slice %arg8[%dma_start3A_262, %dma_start3A_263] : memref<64x128xf32, #tpu.memory_space<vmem>> -> memref<64x128xf32, #tpu.memory_space<vmem>>
      tpu.enqueue_dma source(%dma_start3A_264 : memref<64x128xf32, #tpu.memory_space<vmem>>) target(%dma_start3A_261 : memref<64x128xf32, #tpu.memory_space<vmem_shared>>) target_semaphore(%run_scoped3A : memref<!tpu.dma_semaphore, #tpu.memory_space<semaphore_mem>>)
      %dma_wait3A_265 = arith.constant 0 : i32
      %dma_wait3A_266 = arith.constant 0 : i32
      %dma_wait3A_267 = tpu.memref_slice %arg8[%dma_wait3A_265, %dma_wait3A_266] : memref<64x128xf32, #tpu.memory_space<vmem>> -> memref<64x128xf32, #tpu.memory_space<vmem>>
      %dma_wait3A_268 = arith.constant 0 : i32
      %dma_wait3A_269 = tpu.memref_slice %arg12[%add3A_24, %dma_wait3A_268] : memref<10112x128xf32, #tpu.memory_space<vmem_shared>> -> memref<64x128xf32, #tpu.memory_space<vmem_shared>>
      %dma_wait3A_270 = arith.constant 0 : i32
      %dma_wait3A_271 = tpu.memref_slice %arg12[%add3A_24, %dma_wait3A_270] : memref<10112x128xf32, #tpu.memory_space<vmem_shared>> -> memref<64x128xf32, #tpu.memory_space<vmem_shared>>
      %dma_wait3A_272 = arith.constant 0 : i32
      %dma_wait3A_273 = arith.constant 0 : i32
      %dma_wait3A_274 = tpu.memref_slice %arg8[%dma_wait3A_272, %dma_wait3A_273] : memref<64x128xf32, #tpu.memory_space<vmem>> -> memref<64x128xf32, #tpu.memory_space<vmem>>
      tpu.wait_dma2 semaphore(%run_scoped3A : memref<!tpu.dma_semaphore, #tpu.memory_space<semaphore_mem>>) src(%dma_wait3A_274 : memref<64x128xf32, #tpu.memory_space<vmem>>) dst(%dma_wait3A_271 : memref<64x128xf32, #tpu.memory_space<vmem_shared>>)
      tpu.yield
    }) : () -> ()
    %add3A_25 = arith.constant 576 : i32
    %add3A_26 = arith.addi %mul3A_6, %add3A_25 : i32
    "tpu.region"() ({
      %run_scoped3A = tpu.sem_alloc : memref<!tpu.dma_semaphore, #tpu.memory_space<semaphore_mem>>
      %dma_start3A_255 = arith.constant 0 : i32
      %dma_start3A_256 = arith.constant 0 : i32
      %dma_start3A_257 = tpu.memref_slice %arg8[%dma_start3A_255, %dma_start3A_256] : memref<64x128xf32, #tpu.memory_space<vmem>> -> memref<56x128xf32, #tpu.memory_space<vmem>>
      %dma_start3A_258 = arith.constant 0 : i32
      %dma_start3A_259 = tpu.memref_slice %arg12[%add3A_26, %dma_start3A_258] : memref<10112x128xf32, #tpu.memory_space<vmem_shared>> -> memref<56x128xf32, #tpu.memory_space<vmem_shared>>
      %dma_start3A_260 = arith.constant 0 : i32
      %dma_start3A_261 = tpu.memref_slice %arg12[%add3A_26, %dma_start3A_260] : memref<10112x128xf32, #tpu.memory_space<vmem_shared>> -> memref<56x128xf32, #tpu.memory_space<vmem_shared>>
      %dma_start3A_262 = arith.constant 0 : i32
      %dma_start3A_263 = arith.constant 0 : i32
      %dma_start3A_264 = tpu.memref_slice %arg8[%dma_start3A_262, %dma_start3A_263] : memref<64x128xf32, #tpu.memory_space<vmem>> -> memref<56x128xf32, #tpu.memory_space<vmem>>
      tpu.enqueue_dma source(%dma_start3A_264 : memref<56x128xf32, #tpu.memory_space<vmem>>) target(%dma_start3A_261 : memref<56x128xf32, #tpu.memory_space<vmem_shared>>) target_semaphore(%run_scoped3A : memref<!tpu.dma_semaphore, #tpu.memory_space<semaphore_mem>>)
      %dma_wait3A_265 = arith.constant 0 : i32
      %dma_wait3A_266 = arith.constant 0 : i32
      %dma_wait3A_267 = tpu.memref_slice %arg8[%dma_wait3A_265, %dma_wait3A_266] : memref<64x128xf32, #tpu.memory_space<vmem>> -> memref<56x128xf32, #tpu.memory_space<vmem>>
      %dma_wait3A_268 = arith.constant 0 : i32
      %dma_wait3A_269 = tpu.memref_slice %arg12[%add3A_26, %dma_wait3A_268] : memref<10112x128xf32, #tpu.memory_space<vmem_shared>> -> memref<56x128xf32, #tpu.memory_space<vmem_shared>>
      %dma_wait3A_270 = arith.constant 0 : i32
      %dma_wait3A_271 = tpu.memref_slice %arg12[%add3A_26, %dma_wait3A_270] : memref<10112x128xf32, #tpu.memory_space<vmem_shared>> -> memref<56x128xf32, #tpu.memory_space<vmem_shared>>
      %dma_wait3A_272 = arith.constant 0 : i32
      %dma_wait3A_273 = arith.constant 0 : i32
      %dma_wait3A_274 = tpu.memref_slice %arg8[%dma_wait3A_272, %dma_wait3A_273] : memref<64x128xf32, #tpu.memory_space<vmem>> -> memref<56x128xf32, #tpu.memory_space<vmem>>
      tpu.wait_dma2 semaphore(%run_scoped3A : memref<!tpu.dma_semaphore, #tpu.memory_space<semaphore_mem>>) src(%dma_wait3A_274 : memref<56x128xf32, #tpu.memory_space<vmem>>) dst(%dma_wait3A_271 : memref<56x128xf32, #tpu.memory_space<vmem_shared>>)
      tpu.yield
    }) : () -> ()
    %barrier3A = arith.constant 0 : index
    tpu.barrier barrier_id(%barrier3A)
    "tpu.region"() ({
      %run_scoped3A = tpu.sem_alloc : memref<!tpu.dma_semaphore, #tpu.memory_space<semaphore_mem>>
      %dma_start3A_255 = arith.constant 0 : i32
      %dma_start3A_256 = arith.constant 0 : i32
      %dma_start3A_257 = tpu.memref_slice %arg3[%add3A, %dma_start3A_255, %dma_start3A_256] : memref<32x80x128xi32, #tpu.memory_space<hbm>> -> memref<1x80x128xi32, #tpu.memory_space<hbm>>
      %dma_start3A_258 = tpu.memref_squeeze %dma_start3A_257 : memref<1x80x128xi32, #tpu.memory_space<hbm>> -> memref<80x128xi32, #tpu.memory_space<hbm>>
      %dma_start3A_259 = arith.constant 0 : i32
      %dma_start3A_260 = arith.constant 0 : i32
      %dma_start3A_261 = tpu.memref_slice %arg3[%add3A, %dma_start3A_259, %dma_start3A_260] : memref<32x80x128xi32, #tpu.memory_space<hbm>> -> memref<1x80x128xi32, #tpu.memory_space<hbm>>
      %dma_start3A_262 = tpu.memref_squeeze %dma_start3A_261 : memref<1x80x128xi32, #tpu.memory_space<hbm>> -> memref<80x128xi32, #tpu.memory_space<hbm>>
      tpu.enqueue_dma source(%dma_start3A_262 : memref<80x128xi32, #tpu.memory_space<hbm>>) target(%arg6 : memref<80x128xi32, #tpu.memory_space<vmem>>) target_semaphore(%run_scoped3A : memref<!tpu.dma_semaphore, #tpu.memory_space<semaphore_mem>>)
      %dma_wait3A_263 = arith.constant 0 : i32
      %dma_wait3A_264 = arith.constant 0 : i32
      %dma_wait3A_265 = tpu.memref_slice %arg3[%add3A, %dma_wait3A_263, %dma_wait3A_264] : memref<32x80x128xi32, #tpu.memory_space<hbm>> -> memref<1x80x128xi32, #tpu.memory_space<hbm>>
      %dma_wait3A_266 = tpu.memref_squeeze %dma_wait3A_265 : memref<1x80x128xi32, #tpu.memory_space<hbm>> -> memref<80x128xi32, #tpu.memory_space<hbm>>
      %dma_wait3A_267 = arith.constant 0 : i32
      %dma_wait3A_268 = arith.constant 0 : i32
      %dma_wait3A_269 = tpu.memref_slice %arg3[%add3A, %dma_wait3A_267, %dma_wait3A_268] : memref<32x80x128xi32, #tpu.memory_space<hbm>> -> memref<1x80x128xi32, #tpu.memory_space<hbm>>
      %dma_wait3A_270 = tpu.memref_squeeze %dma_wait3A_269 : memref<1x80x128xi32, #tpu.memory_space<hbm>> -> memref<80x128xi32, #tpu.memory_space<hbm>>
      tpu.wait_dma2 semaphore(%run_scoped3A : memref<!tpu.dma_semaphore, #tpu.memory_space<semaphore_mem>>) src(%dma_wait3A_270 : memref<80x128xi32, #tpu.memory_space<hbm>>) dst(%arg6 : memref<80x128xi32, #tpu.memory_space<vmem>>)
      tpu.yield
    }) : () -> ()
    %dma_start3A = arith.constant 0 : i32
    %dma_start3A_27 = arith.constant 0 : i32
    %dma_start3A_28 = arith.constant 0 : i32
    %dma_start3A_29 = tpu.memref_slice %arg7[%dma_start3A_27, %dma_start3A_28] : memref<4x64xi32, #tpu.memory_space<vmem>> -> memref<1x64xi32, #tpu.memory_space<vmem>>
    %dma_start3A_30 = tpu.memref_squeeze %dma_start3A_29 : memref<1x64xi32, #tpu.memory_space<vmem>> -> memref<64xi32, #tpu.memory_space<vmem>>
    %dma_start3A_31 = arith.constant 0 : i32
    %dma_start3A_32 = tpu.memref_slice %arg4[%add3A, %dma_start3A, %dma_start3A_31] : memref<32x160x64xi32, #tpu.memory_space<hbm>> -> memref<1x1x64xi32, #tpu.memory_space<hbm>>
    %dma_start3A_33 = tpu.memref_squeeze %dma_start3A_32 : memref<1x1x64xi32, #tpu.memory_space<hbm>> -> memref<64xi32, #tpu.memory_space<hbm>>
    %dma_start3A_34 = arith.constant 0 : i32
    %dma_start3A_35 = tpu.memref_slice %arg7[%dma_start3A_27, %dma_start3A_34] : memref<4x64xi32, #tpu.memory_space<vmem>> -> memref<1x64xi32, #tpu.memory_space<vmem>>
    %dma_start3A_36 = tpu.memref_squeeze %dma_start3A_35 : memref<1x64xi32, #tpu.memory_space<vmem>> -> memref<64xi32, #tpu.memory_space<vmem>>
    %dma_start3A_37 = arith.constant 0 : i32
    %dma_start3A_38 = tpu.memref_slice %arg4[%add3A, %dma_start3A, %dma_start3A_37] : memref<32x160x64xi32, #tpu.memory_space<hbm>> -> memref<1x1x64xi32, #tpu.memory_space<hbm>>
    %dma_start3A_39 = tpu.memref_squeeze %dma_start3A_38 : memref<1x1x64xi32, #tpu.memory_space<hbm>> -> memref<64xi32, #tpu.memory_space<hbm>>
    tpu.enqueue_dma source(%dma_start3A_39 : memref<64xi32, #tpu.memory_space<hbm>>) target(%dma_start3A_36 : memref<64xi32, #tpu.memory_space<vmem>>) target_semaphore(%arg17 : memref<!tpu.dma_semaphore, #tpu.memory_space<semaphore_mem>>)
    %dma_start3A_40 = arith.constant 0 : i32
    %dma_start3A_41 = arith.constant 0 : i32
    %dma_start3A_42 = tpu.memref_slice %arg6[%dma_start3A_40, %dma_start3A_41] : memref<80x128xi32, #tpu.memory_space<vmem>> -> memref<1x64xi32, #tpu.memory_space<vmem>>
    %dma_start3A_43 = tpu.memref_squeeze %dma_start3A_42 : memref<1x64xi32, #tpu.memory_space<vmem>> -> memref<64xi32, #tpu.memory_space<vmem>>
    %dma_start3A_44 = arith.constant 0 : i32
    %dma_start3A_45 = arith.constant 0 : i32
    %dma_start3A_46 = tpu.memref_slice %arg2[%dma_start3A_44, %dma_start3A_45] : memref<10001x128xf32, #tpu.memory_space<hbm>> -> memref<10001x128xf32, #tpu.memory_space<hbm>>
    tpu.enqueue_indirect_dma source(%dma_start3A_46 : memref<10001x128xf32, #tpu.memory_space<hbm>>) target(%arg8 : memref<64x128xf32, #tpu.memory_space<vmem>>) offsets(%dma_start3A_43 : memref<64xi32, #tpu.memory_space<vmem>>) semaphore(%arg13 : memref<!tpu.dma_semaphore, #tpu.memory_space<semaphore_mem>>)
    %dma_start3A_47 = arith.constant 1 : i32
    %dma_start3A_48 = arith.constant 1 : i32
    %dma_start3A_49 = arith.constant 0 : i32
    %dma_start3A_50 = tpu.memref_slice %arg7[%dma_start3A_48, %dma_start3A_49] : memref<4x64xi32, #tpu.memory_space<vmem>> -> memref<1x64xi32, #tpu.memory_space<vmem>>
    %dma_start3A_51 = tpu.memref_squeeze %dma_start3A_50 : memref<1x64xi32, #tpu.memory_space<vmem>> -> memref<64xi32, #tpu.memory_space<vmem>>
    %dma_start3A_52 = arith.constant 0 : i32
    %dma_start3A_53 = tpu.memref_slice %arg4[%add3A, %dma_start3A_47, %dma_start3A_52] : memref<32x160x64xi32, #tpu.memory_space<hbm>> -> memref<1x1x64xi32, #tpu.memory_space<hbm>>
    %dma_start3A_54 = tpu.memref_squeeze %dma_start3A_53 : memref<1x1x64xi32, #tpu.memory_space<hbm>> -> memref<64xi32, #tpu.memory_space<hbm>>
    %dma_start3A_55 = arith.constant 0 : i32
    %dma_start3A_56 = tpu.memref_slice %arg7[%dma_start3A_48, %dma_start3A_55] : memref<4x64xi32, #tpu.memory_space<vmem>> -> memref<1x64xi32, #tpu.memory_space<vmem>>
    %dma_start3A_57 = tpu.memref_squeeze %dma_start3A_56 : memref<1x64xi32, #tpu.memory_space<vmem>> -> memref<64xi32, #tpu.memory_space<vmem>>
    %dma_start3A_58 = arith.constant 0 : i32
    %dma_start3A_59 = tpu.memref_slice %arg4[%add3A, %dma_start3A_47, %dma_start3A_58] : memref<32x160x64xi32, #tpu.memory_space<hbm>> -> memref<1x1x64xi32, #tpu.memory_space<hbm>>
    %dma_start3A_60 = tpu.memref_squeeze %dma_start3A_59 : memref<1x1x64xi32, #tpu.memory_space<hbm>> -> memref<64xi32, #tpu.memory_space<hbm>>
    tpu.enqueue_dma source(%dma_start3A_60 : memref<64xi32, #tpu.memory_space<hbm>>) target(%dma_start3A_57 : memref<64xi32, #tpu.memory_space<vmem>>) target_semaphore(%arg18 : memref<!tpu.dma_semaphore, #tpu.memory_space<semaphore_mem>>)
    %dma_start3A_61 = arith.constant 0 : i32
    %dma_start3A_62 = arith.constant 64 : i32
    %dma_start3A_63 = tpu.memref_slice %arg6[%dma_start3A_61, %dma_start3A_62] : memref<80x128xi32, #tpu.memory_space<vmem>> -> memref<1x64xi32, #tpu.memory_space<vmem>>
    %dma_start3A_64 = tpu.memref_squeeze %dma_start3A_63 : memref<1x64xi32, #tpu.memory_space<vmem>> -> memref<64xi32, #tpu.memory_space<vmem>>
    %dma_start3A_65 = arith.constant 0 : i32
    %dma_start3A_66 = arith.constant 0 : i32
    %dma_start3A_67 = tpu.memref_slice %arg2[%dma_start3A_65, %dma_start3A_66] : memref<10001x128xf32, #tpu.memory_space<hbm>> -> memref<10001x128xf32, #tpu.memory_space<hbm>>
    tpu.enqueue_indirect_dma source(%dma_start3A_67 : memref<10001x128xf32, #tpu.memory_space<hbm>>) target(%arg9 : memref<64x128xf32, #tpu.memory_space<vmem>>) offsets(%dma_start3A_64 : memref<64xi32, #tpu.memory_space<vmem>>) semaphore(%arg14 : memref<!tpu.dma_semaphore, #tpu.memory_space<semaphore_mem>>)
    %dma_start3A_68 = arith.constant 2 : i32
    %dma_start3A_69 = arith.constant 2 : i32
    %dma_start3A_70 = arith.constant 0 : i32
    %dma_start3A_71 = tpu.memref_slice %arg7[%dma_start3A_69, %dma_start3A_70] : memref<4x64xi32, #tpu.memory_space<vmem>> -> memref<1x64xi32, #tpu.memory_space<vmem>>
    %dma_start3A_72 = tpu.memref_squeeze %dma_start3A_71 : memref<1x64xi32, #tpu.memory_space<vmem>> -> memref<64xi32, #tpu.memory_space<vmem>>
    %dma_start3A_73 = arith.constant 0 : i32
    %dma_start3A_74 = tpu.memref_slice %arg4[%add3A, %dma_start3A_68, %dma_start3A_73] : memref<32x160x64xi32, #tpu.memory_space<hbm>> -> memref<1x1x64xi32, #tpu.memory_space<hbm>>
    %dma_start3A_75 = tpu.memref_squeeze %dma_start3A_74 : memref<1x1x64xi32, #tpu.memory_space<hbm>> -> memref<64xi32, #tpu.memory_space<hbm>>
    %dma_start3A_76 = arith.constant 0 : i32
    %dma_start3A_77 = tpu.memref_slice %arg7[%dma_start3A_69, %dma_start3A_76] : memref<4x64xi32, #tpu.memory_space<vmem>> -> memref<1x64xi32, #tpu.memory_space<vmem>>
    %dma_start3A_78 = tpu.memref_squeeze %dma_start3A_77 : memref<1x64xi32, #tpu.memory_space<vmem>> -> memref<64xi32, #tpu.memory_space<vmem>>
    %dma_start3A_79 = arith.constant 0 : i32
    %dma_start3A_80 = tpu.memref_slice %arg4[%add3A, %dma_start3A_68, %dma_start3A_79] : memref<32x160x64xi32, #tpu.memory_space<hbm>> -> memref<1x1x64xi32, #tpu.memory_space<hbm>>
    %dma_start3A_81 = tpu.memref_squeeze %dma_start3A_80 : memref<1x1x64xi32, #tpu.memory_space<hbm>> -> memref<64xi32, #tpu.memory_space<hbm>>
    tpu.enqueue_dma source(%dma_start3A_81 : memref<64xi32, #tpu.memory_space<hbm>>) target(%dma_start3A_78 : memref<64xi32, #tpu.memory_space<vmem>>) target_semaphore(%arg19 : memref<!tpu.dma_semaphore, #tpu.memory_space<semaphore_mem>>)
    %dma_start3A_82 = arith.constant 1 : i32
    %dma_start3A_83 = arith.constant 0 : i32
    %dma_start3A_84 = tpu.memref_slice %arg6[%dma_start3A_82, %dma_start3A_83] : memref<80x128xi32, #tpu.memory_space<vmem>> -> memref<1x64xi32, #tpu.memory_space<vmem>>
    %dma_start3A_85 = tpu.memref_squeeze %dma_start3A_84 : memref<1x64xi32, #tpu.memory_space<vmem>> -> memref<64xi32, #tpu.memory_space<vmem>>
    %dma_start3A_86 = arith.constant 0 : i32
    %dma_start3A_87 = arith.constant 0 : i32
    %dma_start3A_88 = tpu.memref_slice %arg2[%dma_start3A_86, %dma_start3A_87] : memref<10001x128xf32, #tpu.memory_space<hbm>> -> memref<10001x128xf32, #tpu.memory_space<hbm>>
    tpu.enqueue_indirect_dma source(%dma_start3A_88 : memref<10001x128xf32, #tpu.memory_space<hbm>>) target(%arg10 : memref<64x128xf32, #tpu.memory_space<vmem>>) offsets(%dma_start3A_85 : memref<64xi32, #tpu.memory_space<vmem>>) semaphore(%arg15 : memref<!tpu.dma_semaphore, #tpu.memory_space<semaphore_mem>>)
    %dma_start3A_89 = arith.constant 3 : i32
    %dma_start3A_90 = arith.constant 3 : i32
    %dma_start3A_91 = arith.constant 0 : i32
    %dma_start3A_92 = tpu.memref_slice %arg7[%dma_start3A_90, %dma_start3A_91] : memref<4x64xi32, #tpu.memory_space<vmem>> -> memref<1x64xi32, #tpu.memory_space<vmem>>
    %dma_start3A_93 = tpu.memref_squeeze %dma_start3A_92 : memref<1x64xi32, #tpu.memory_space<vmem>> -> memref<64xi32, #tpu.memory_space<vmem>>
    %dma_start3A_94 = arith.constant 0 : i32
    %dma_start3A_95 = tpu.memref_slice %arg4[%add3A, %dma_start3A_89, %dma_start3A_94] : memref<32x160x64xi32, #tpu.memory_space<hbm>> -> memref<1x1x64xi32, #tpu.memory_space<hbm>>
    %dma_start3A_96 = tpu.memref_squeeze %dma_start3A_95 : memref<1x1x64xi32, #tpu.memory_space<hbm>> -> memref<64xi32, #tpu.memory_space<hbm>>
    %dma_start3A_97 = arith.constant 0 : i32
    %dma_start3A_98 = tpu.memref_slice %arg7[%dma_start3A_90, %dma_start3A_97] : memref<4x64xi32, #tpu.memory_space<vmem>> -> memref<1x64xi32, #tpu.memory_space<vmem>>
    %dma_start3A_99 = tpu.memref_squeeze %dma_start3A_98 : memref<1x64xi32, #tpu.memory_space<vmem>> -> memref<64xi32, #tpu.memory_space<vmem>>
    %dma_start3A_100 = arith.constant 0 : i32
    %dma_start3A_101 = tpu.memref_slice %arg4[%add3A, %dma_start3A_89, %dma_start3A_100] : memref<32x160x64xi32, #tpu.memory_space<hbm>> -> memref<1x1x64xi32, #tpu.memory_space<hbm>>
    %dma_start3A_102 = tpu.memref_squeeze %dma_start3A_101 : memref<1x1x64xi32, #tpu.memory_space<hbm>> -> memref<64xi32, #tpu.memory_space<hbm>>
    tpu.enqueue_dma source(%dma_start3A_102 : memref<64xi32, #tpu.memory_space<hbm>>) target(%dma_start3A_99 : memref<64xi32, #tpu.memory_space<vmem>>) target_semaphore(%arg20 : memref<!tpu.dma_semaphore, #tpu.memory_space<semaphore_mem>>)
    %dma_start3A_103 = arith.constant 1 : i32
    %dma_start3A_104 = arith.constant 64 : i32
    %dma_start3A_105 = tpu.memref_slice %arg6[%dma_start3A_103, %dma_start3A_104] : memref<80x128xi32, #tpu.memory_space<vmem>> -> memref<1x64xi32, #tpu.memory_space<vmem>>
    %dma_start3A_106 = tpu.memref_squeeze %dma_start3A_105 : memref<1x64xi32, #tpu.memory_space<vmem>> -> memref<64xi32, #tpu.memory_space<vmem>>
    %dma_start3A_107 = arith.constant 0 : i32
    %dma_start3A_108 = arith.constant 0 : i32
    %dma_start3A_109 = tpu.memref_slice %arg2[%dma_start3A_107, %dma_start3A_108] : memref<10001x128xf32, #tpu.memory_space<hbm>> -> memref<10001x128xf32, #tpu.memory_space<hbm>>
    tpu.enqueue_indirect_dma source(%dma_start3A_109 : memref<10001x128xf32, #tpu.memory_space<hbm>>) target(%arg11 : memref<64x128xf32, #tpu.memory_space<vmem>>) offsets(%dma_start3A_106 : memref<64xi32, #tpu.memory_space<vmem>>) semaphore(%arg16 : memref<!tpu.dma_semaphore, #tpu.memory_space<semaphore_mem>>)
    %scan3A_110 = arith.constant 0 : i32
    %scan3A_111 = arith.constant 39 : i32
    %scan3A_112 = arith.addi %scan3A_110, %scan3A_111 : i32
    %scan3A_113 = arith.constant 1 : i32
    scf.for %scan3A_255 = %scan3A_110 to %scan3A_112 step %scan3A_113  : i32 {
      %mul3A_256 = arith.constant 1 : i32
      %mul3A_257 = arith.muli %scan3A_255, %mul3A_256 : i32
      %add3A_258 = arith.constant 0 : i32
      %add3A_259 = arith.addi %add3A_258, %mul3A_257 : i32
      %mul3A_260 = arith.constant 4 : i32
      %mul3A_261 = arith.muli %add3A_259, %mul3A_260 : i32
      %add3A_262 = arith.constant 0 : i32
      %add3A_263 = arith.addi %mul3A_261, %add3A_262 : i32
      %jit3A = arith.constant 2 : i32
      %div3A = arith.divsi %add3A_263, %jit3A : i32
      %sign3A = arith.constant 0 : i32
      %sign3A_264 = arith.cmpi sgt, %add3A_263, %sign3A : i32
      %sign3A_265 = arith.extui %sign3A_264 : i1 to i32
      %sign3A_266 = arith.constant 0 : i32
      %sign3A_267 = arith.cmpi slt, %add3A_263, %sign3A_266 : i32
      %sign3A_268 = arith.extui %sign3A_267 : i1 to i32
      %sign3A_269 = arith.subi %sign3A_265, %sign3A_268 : i32
      %sign3A_270 = arith.constant 0 : i32
      %sign3A_271 = arith.cmpi sgt, %jit3A, %sign3A_270 : i32
      %sign3A_272 = arith.extui %sign3A_271 : i1 to i32
      %sign3A_273 = arith.constant 0 : i32
      %sign3A_274 = arith.cmpi slt, %jit3A, %sign3A_273 : i32
      %sign3A_275 = arith.extui %sign3A_274 : i1 to i32
      %sign3A_276 = arith.subi %sign3A_272, %sign3A_275 : i32
      %ne3A = arith.cmpi ne, %sign3A_269, %sign3A_276 : i32
      %rem3A = arith.remsi %add3A_263, %jit3A : i32
      %ne3A_277 = arith.constant 0 : i32
      %ne3A_278 = arith.cmpi ne, %rem3A, %ne3A_277 : i32
      %and3A = arith.andi %ne3A, %ne3A_278 : i1
      %sub3A = arith.constant 1 : i32
      %sub3A_279 = arith.subi %div3A, %sub3A : i32
      %select_n3A = arith.select %and3A, %sub3A_279, %div3A : i32
      %jit3A_280 = arith.constant 2 : i32
      %eq3A = arith.constant 0 : i32
      %eq3A_281 = arith.cmpi eq, %jit3A_280, %eq3A : i32
      %jit3A_282 = arith.constant 1 : i32
      %select_n3A_283 = arith.select %eq3A_281, %jit3A_282, %jit3A_280 : i32
      %rem3A_284 = arith.remsi %add3A_263, %select_n3A_283 : i32
      %ne3A_285 = arith.constant 0 : i32
      %ne3A_286 = arith.cmpi ne, %rem3A_284, %ne3A_285 : i32
      %lt3A = arith.constant 0 : i32
      %lt3A_287 = arith.cmpi slt, %rem3A_284, %lt3A : i32
      %lt3A_288 = arith.constant 0 : i32
      %lt3A_289 = arith.cmpi slt, %select_n3A_283, %lt3A_288 : i32
      %ne3A_290 = arith.xori %lt3A_287, %lt3A_289 : i1
      %and3A_291 = arith.andi %ne3A_290, %ne3A_286 : i1
      %add3A_292 = arith.addi %rem3A_284, %select_n3A_283 : i32
      %select_n3A_293 = arith.select %and3A_291, %add3A_292, %rem3A_284 : i32
      %mul3A_294 = arith.constant 64 : i32
      %mul3A_295 = arith.muli %select_n3A_293, %mul3A_294 : i32
      %dma_wait3A_296 = tpu.memref_slice %arg6[%select_n3A, %mul3A_295] : memref<80x128xi32, #tpu.memory_space<vmem>> -> memref<1x64xi32, #tpu.memory_space<vmem>>
      %dma_wait3A_297 = tpu.memref_squeeze %dma_wait3A_296 : memref<1x64xi32, #tpu.memory_space<vmem>> -> memref<64xi32, #tpu.memory_space<vmem>>
      %dma_wait3A_298 = arith.constant 0 : i32
      %dma_wait3A_299 = arith.constant 0 : i32
      %dma_wait3A_300 = tpu.memref_slice %arg2[%dma_wait3A_298, %dma_wait3A_299] : memref<10001x128xf32, #tpu.memory_space<hbm>> -> memref<10001x128xf32, #tpu.memory_space<hbm>>
      tpu.wait_indirect_dma semaphore(%arg13 : memref<!tpu.dma_semaphore, #tpu.memory_space<semaphore_mem>>) src(%dma_wait3A_300 : memref<10001x128xf32, #tpu.memory_space<hbm>>) dst(%arg8 : memref<64x128xf32, #tpu.memory_space<vmem>>)
      %dma_wait3A_301 = arith.constant 0 : i32
      %dma_wait3A_302 = arith.constant 0 : i32
      %dma_wait3A_303 = tpu.memref_slice %arg7[%dma_wait3A_301, %dma_wait3A_302] : memref<4x64xi32, #tpu.memory_space<vmem>> -> memref<1x64xi32, #tpu.memory_space<vmem>>
      %dma_wait3A_304 = tpu.memref_squeeze %dma_wait3A_303 : memref<1x64xi32, #tpu.memory_space<vmem>> -> memref<64xi32, #tpu.memory_space<vmem>>
      %dma_wait3A_305 = arith.constant 0 : i32
      %dma_wait3A_306 = tpu.memref_slice %arg4[%add3A, %add3A_263, %dma_wait3A_305] : memref<32x160x64xi32, #tpu.memory_space<hbm>> -> memref<1x1x64xi32, #tpu.memory_space<hbm>>
      %dma_wait3A_307 = tpu.memref_squeeze %dma_wait3A_306 : memref<1x1x64xi32, #tpu.memory_space<hbm>> -> memref<64xi32, #tpu.memory_space<hbm>>
      %dma_wait3A_308 = arith.constant 0 : i32
      %dma_wait3A_309 = tpu.memref_slice %arg7[%dma_wait3A_301, %dma_wait3A_308] : memref<4x64xi32, #tpu.memory_space<vmem>> -> memref<1x64xi32, #tpu.memory_space<vmem>>
      %dma_wait3A_310 = tpu.memref_squeeze %dma_wait3A_309 : memref<1x64xi32, #tpu.memory_space<vmem>> -> memref<64xi32, #tpu.memory_space<vmem>>
      %dma_wait3A_311 = arith.constant 0 : i32
      %dma_wait3A_312 = tpu.memref_slice %arg4[%add3A, %add3A_263, %dma_wait3A_311] : memref<32x160x64xi32, #tpu.memory_space<hbm>> -> memref<1x1x64xi32, #tpu.memory_space<hbm>>
      %dma_wait3A_313 = tpu.memref_squeeze %dma_wait3A_312 : memref<1x1x64xi32, #tpu.memory_space<hbm>> -> memref<64xi32, #tpu.memory_space<hbm>>
      tpu.wait_dma2 semaphore(%arg17 : memref<!tpu.dma_semaphore, #tpu.memory_space<semaphore_mem>>) src(%dma_wait3A_313 : memref<64xi32, #tpu.memory_space<hbm>>) dst(%dma_wait3A_310 : memref<64xi32, #tpu.memory_space<vmem>>)
      %dma_start3A_314 = arith.constant 0 : i32
      %dma_start3A_315 = arith.constant 0 : i32
      %dma_start3A_316 = tpu.memref_slice %arg7[%dma_start3A_314, %dma_start3A_315] : memref<4x64xi32, #tpu.memory_space<vmem>> -> memref<1x64xi32, #tpu.memory_space<vmem>>
      %dma_start3A_317 = tpu.memref_squeeze %dma_start3A_316 : memref<1x64xi32, #tpu.memory_space<vmem>> -> memref<64xi32, #tpu.memory_space<vmem>>
      %dma_start3A_318 = arith.constant 0 : i32
      %dma_start3A_319 = arith.constant 0 : i32
      %dma_start3A_320 = tpu.memref_slice %arg12[%dma_start3A_318, %dma_start3A_319] : memref<10112x128xf32, #tpu.memory_space<vmem_shared>> -> memref<10112x128xf32, #tpu.memory_space<vmem_shared>>
      tpu.enqueue_indirect_dma source(%arg8 : memref<64x128xf32, #tpu.memory_space<vmem>>) target(%dma_start3A_320 : memref<10112x128xf32, #tpu.memory_space<vmem_shared>>) offsets(%dma_start3A_317 : memref<64xi32, #tpu.memory_space<vmem>>) semaphore(%arg21 : memref<!tpu.dma_semaphore, #tpu.memory_space<semaphore_mem>>) {add = true}
      %add3A_321 = arith.constant 1 : i32
      %add3A_322 = arith.addi %mul3A_261, %add3A_321 : i32
      %jit3A_323 = arith.constant 2 : i32
      %div3A_324 = arith.divsi %add3A_322, %jit3A_323 : i32
      %sign3A_325 = arith.constant 0 : i32
      %sign3A_326 = arith.cmpi sgt, %add3A_322, %sign3A_325 : i32
      %sign3A_327 = arith.extui %sign3A_326 : i1 to i32
      %sign3A_328 = arith.constant 0 : i32
      %sign3A_329 = arith.cmpi slt, %add3A_322, %sign3A_328 : i32
      %sign3A_330 = arith.extui %sign3A_329 : i1 to i32
      %sign3A_331 = arith.subi %sign3A_327, %sign3A_330 : i32
      %sign3A_332 = arith.constant 0 : i32
      %sign3A_333 = arith.cmpi sgt, %jit3A_323, %sign3A_332 : i32
      %sign3A_334 = arith.extui %sign3A_333 : i1 to i32
      %sign3A_335 = arith.constant 0 : i32
      %sign3A_336 = arith.cmpi slt, %jit3A_323, %sign3A_335 : i32
      %sign3A_337 = arith.extui %sign3A_336 : i1 to i32
      %sign3A_338 = arith.subi %sign3A_334, %sign3A_337 : i32
      %ne3A_339 = arith.cmpi ne, %sign3A_331, %sign3A_338 : i32
      %rem3A_340 = arith.remsi %add3A_322, %jit3A_323 : i32
      %ne3A_341 = arith.constant 0 : i32
      %ne3A_342 = arith.cmpi ne, %rem3A_340, %ne3A_341 : i32
      %and3A_343 = arith.andi %ne3A_339, %ne3A_342 : i1
      %sub3A_344 = arith.constant 1 : i32
      %sub3A_345 = arith.subi %div3A_324, %sub3A_344 : i32
      %select_n3A_346 = arith.select %and3A_343, %sub3A_345, %div3A_324 : i32
      %jit3A_347 = arith.constant 2 : i32
      %eq3A_348 = arith.constant 0 : i32
      %eq3A_349 = arith.cmpi eq, %jit3A_347, %eq3A_348 : i32
      %jit3A_350 = arith.constant 1 : i32
      %select_n3A_351 = arith.select %eq3A_349, %jit3A_350, %jit3A_347 : i32
      %rem3A_352 = arith.remsi %add3A_322, %select_n3A_351 : i32
      %ne3A_353 = arith.constant 0 : i32
      %ne3A_354 = arith.cmpi ne, %rem3A_352, %ne3A_353 : i32
      %lt3A_355 = arith.constant 0 : i32
      %lt3A_356 = arith.cmpi slt, %rem3A_352, %lt3A_355 : i32
      %lt3A_357 = arith.constant 0 : i32
      %lt3A_358 = arith.cmpi slt, %select_n3A_351, %lt3A_357 : i32
      %ne3A_359 = arith.xori %lt3A_356, %lt3A_358 : i1
      %and3A_360 = arith.andi %ne3A_359, %ne3A_354 : i1
      %add3A_361 = arith.addi %rem3A_352, %select_n3A_351 : i32
      %select_n3A_362 = arith.select %and3A_360, %add3A_361, %rem3A_352 : i32
      %mul3A_363 = arith.constant 64 : i32
      %mul3A_364 = arith.muli %select_n3A_362, %mul3A_363 : i32
      %dma_wait3A_365 = tpu.memref_slice %arg6[%select_n3A_346, %mul3A_364] : memref<80x128xi32, #tpu.memory_space<vmem>> -> memref<1x64xi32, #tpu.memory_space<vmem>>
      %dma_wait3A_366 = tpu.memref_squeeze %dma_wait3A_365 : memref<1x64xi32, #tpu.memory_space<vmem>> -> memref<64xi32, #tpu.memory_space<vmem>>
      %dma_wait3A_367 = arith.constant 0 : i32
      %dma_wait3A_368 = arith.constant 0 : i32
      %dma_wait3A_369 = tpu.memref_slice %arg2[%dma_wait3A_367, %dma_wait3A_368] : memref<10001x128xf32, #tpu.memory_space<hbm>> -> memref<10001x128xf32, #tpu.memory_space<hbm>>
      tpu.wait_indirect_dma semaphore(%arg14 : memref<!tpu.dma_semaphore, #tpu.memory_space<semaphore_mem>>) src(%dma_wait3A_369 : memref<10001x128xf32, #tpu.memory_space<hbm>>) dst(%arg9 : memref<64x128xf32, #tpu.memory_space<vmem>>)
      %dma_wait3A_370 = arith.constant 1 : i32
      %dma_wait3A_371 = arith.constant 0 : i32
      %dma_wait3A_372 = tpu.memref_slice %arg7[%dma_wait3A_370, %dma_wait3A_371] : memref<4x64xi32, #tpu.memory_space<vmem>> -> memref<1x64xi32, #tpu.memory_space<vmem>>
      %dma_wait3A_373 = tpu.memref_squeeze %dma_wait3A_372 : memref<1x64xi32, #tpu.memory_space<vmem>> -> memref<64xi32, #tpu.memory_space<vmem>>
      %dma_wait3A_374 = arith.constant 0 : i32
      %dma_wait3A_375 = tpu.memref_slice %arg4[%add3A, %add3A_322, %dma_wait3A_374] : memref<32x160x64xi32, #tpu.memory_space<hbm>> -> memref<1x1x64xi32, #tpu.memory_space<hbm>>
      %dma_wait3A_376 = tpu.memref_squeeze %dma_wait3A_375 : memref<1x1x64xi32, #tpu.memory_space<hbm>> -> memref<64xi32, #tpu.memory_space<hbm>>
      %dma_wait3A_377 = arith.constant 0 : i32
      %dma_wait3A_378 = tpu.memref_slice %arg7[%dma_wait3A_370, %dma_wait3A_377] : memref<4x64xi32, #tpu.memory_space<vmem>> -> memref<1x64xi32, #tpu.memory_space<vmem>>
      %dma_wait3A_379 = tpu.memref_squeeze %dma_wait3A_378 : memref<1x64xi32, #tpu.memory_space<vmem>> -> memref<64xi32, #tpu.memory_space<vmem>>
      %dma_wait3A_380 = arith.constant 0 : i32
      %dma_wait3A_381 = tpu.memref_slice %arg4[%add3A, %add3A_322, %dma_wait3A_380] : memref<32x160x64xi32, #tpu.memory_space<hbm>> -> memref<1x1x64xi32, #tpu.memory_space<hbm>>
      %dma_wait3A_382 = tpu.memref_squeeze %dma_wait3A_381 : memref<1x1x64xi32, #tpu.memory_space<hbm>> -> memref<64xi32, #tpu.memory_space<hbm>>
      tpu.wait_dma2 semaphore(%arg18 : memref<!tpu.dma_semaphore, #tpu.memory_space<semaphore_mem>>) src(%dma_wait3A_382 : memref<64xi32, #tpu.memory_space<hbm>>) dst(%dma_wait3A_379 : memref<64xi32, #tpu.memory_space<vmem>>)
      %dma_start3A_383 = arith.constant 1 : i32
      %dma_start3A_384 = arith.constant 0 : i32
      %dma_start3A_385 = tpu.memref_slice %arg7[%dma_start3A_383, %dma_start3A_384] : memref<4x64xi32, #tpu.memory_space<vmem>> -> memref<1x64xi32, #tpu.memory_space<vmem>>
      %dma_start3A_386 = tpu.memref_squeeze %dma_start3A_385 : memref<1x64xi32, #tpu.memory_space<vmem>> -> memref<64xi32, #tpu.memory_space<vmem>>
      %dma_start3A_387 = arith.constant 0 : i32
      %dma_start3A_388 = arith.constant 0 : i32
      %dma_start3A_389 = tpu.memref_slice %arg12[%dma_start3A_387, %dma_start3A_388] : memref<10112x128xf32, #tpu.memory_space<vmem_shared>> -> memref<10112x128xf32, #tpu.memory_space<vmem_shared>>
      tpu.enqueue_indirect_dma source(%arg9 : memref<64x128xf32, #tpu.memory_space<vmem>>) target(%dma_start3A_389 : memref<10112x128xf32, #tpu.memory_space<vmem_shared>>) offsets(%dma_start3A_386 : memref<64xi32, #tpu.memory_space<vmem>>) semaphore(%arg22 : memref<!tpu.dma_semaphore, #tpu.memory_space<semaphore_mem>>) {add = true}
      %add3A_390 = arith.constant 2 : i32
      %add3A_391 = arith.addi %mul3A_261, %add3A_390 : i32
      %jit3A_392 = arith.constant 2 : i32
      %div3A_393 = arith.divsi %add3A_391, %jit3A_392 : i32
      %sign3A_394 = arith.constant 0 : i32
      %sign3A_395 = arith.cmpi sgt, %add3A_391, %sign3A_394 : i32
      %sign3A_396 = arith.extui %sign3A_395 : i1 to i32
      %sign3A_397 = arith.constant 0 : i32
      %sign3A_398 = arith.cmpi slt, %add3A_391, %sign3A_397 : i32
      %sign3A_399 = arith.extui %sign3A_398 : i1 to i32
      %sign3A_400 = arith.subi %sign3A_396, %sign3A_399 : i32
      %sign3A_401 = arith.constant 0 : i32
      %sign3A_402 = arith.cmpi sgt, %jit3A_392, %sign3A_401 : i32
      %sign3A_403 = arith.extui %sign3A_402 : i1 to i32
      %sign3A_404 = arith.constant 0 : i32
      %sign3A_405 = arith.cmpi slt, %jit3A_392, %sign3A_404 : i32
      %sign3A_406 = arith.extui %sign3A_405 : i1 to i32
      %sign3A_407 = arith.subi %sign3A_403, %sign3A_406 : i32
      %ne3A_408 = arith.cmpi ne, %sign3A_400, %sign3A_407 : i32
      %rem3A_409 = arith.remsi %add3A_391, %jit3A_392 : i32
      %ne3A_410 = arith.constant 0 : i32
      %ne3A_411 = arith.cmpi ne, %rem3A_409, %ne3A_410 : i32
      %and3A_412 = arith.andi %ne3A_408, %ne3A_411 : i1
      %sub3A_413 = arith.constant 1 : i32
      %sub3A_414 = arith.subi %div3A_393, %sub3A_413 : i32
      %select_n3A_415 = arith.select %and3A_412, %sub3A_414, %div3A_393 : i32
      %jit3A_416 = arith.constant 2 : i32
      %eq3A_417 = arith.constant 0 : i32
      %eq3A_418 = arith.cmpi eq, %jit3A_416, %eq3A_417 : i32
      %jit3A_419 = arith.constant 1 : i32
      %select_n3A_420 = arith.select %eq3A_418, %jit3A_419, %jit3A_416 : i32
      %rem3A_421 = arith.remsi %add3A_391, %select_n3A_420 : i32
      %ne3A_422 = arith.constant 0 : i32
      %ne3A_423 = arith.cmpi ne, %rem3A_421, %ne3A_422 : i32
      %lt3A_424 = arith.constant 0 : i32
      %lt3A_425 = arith.cmpi slt, %rem3A_421, %lt3A_424 : i32
      %lt3A_426 = arith.constant 0 : i32
      %lt3A_427 = arith.cmpi slt, %select_n3A_420, %lt3A_426 : i32
      %ne3A_428 = arith.xori %lt3A_425, %lt3A_427 : i1
      %and3A_429 = arith.andi %ne3A_428, %ne3A_423 : i1
      %add3A_430 = arith.addi %rem3A_421, %select_n3A_420 : i32
      %select_n3A_431 = arith.select %and3A_429, %add3A_430, %rem3A_421 : i32
      %mul3A_432 = arith.constant 64 : i32
      %mul3A_433 = arith.muli %select_n3A_431, %mul3A_432 : i32
      %dma_wait3A_434 = tpu.memref_slice %arg6[%select_n3A_415, %mul3A_433] : memref<80x128xi32, #tpu.memory_space<vmem>> -> memref<1x64xi32, #tpu.memory_space<vmem>>
      %dma_wait3A_435 = tpu.memref_squeeze %dma_wait3A_434 : memref<1x64xi32, #tpu.memory_space<vmem>> -> memref<64xi32, #tpu.memory_space<vmem>>
      %dma_wait3A_436 = arith.constant 0 : i32
      %dma_wait3A_437 = arith.constant 0 : i32
      %dma_wait3A_438 = tpu.memref_slice %arg2[%dma_wait3A_436, %dma_wait3A_437] : memref<10001x128xf32, #tpu.memory_space<hbm>> -> memref<10001x128xf32, #tpu.memory_space<hbm>>
      tpu.wait_indirect_dma semaphore(%arg15 : memref<!tpu.dma_semaphore, #tpu.memory_space<semaphore_mem>>) src(%dma_wait3A_438 : memref<10001x128xf32, #tpu.memory_space<hbm>>) dst(%arg10 : memref<64x128xf32, #tpu.memory_space<vmem>>)
      %dma_wait3A_439 = arith.constant 2 : i32
      %dma_wait3A_440 = arith.constant 0 : i32
      %dma_wait3A_441 = tpu.memref_slice %arg7[%dma_wait3A_439, %dma_wait3A_440] : memref<4x64xi32, #tpu.memory_space<vmem>> -> memref<1x64xi32, #tpu.memory_space<vmem>>
      %dma_wait3A_442 = tpu.memref_squeeze %dma_wait3A_441 : memref<1x64xi32, #tpu.memory_space<vmem>> -> memref<64xi32, #tpu.memory_space<vmem>>
      %dma_wait3A_443 = arith.constant 0 : i32
      %dma_wait3A_444 = tpu.memref_slice %arg4[%add3A, %add3A_391, %dma_wait3A_443] : memref<32x160x64xi32, #tpu.memory_space<hbm>> -> memref<1x1x64xi32, #tpu.memory_space<hbm>>
      %dma_wait3A_445 = tpu.memref_squeeze %dma_wait3A_444 : memref<1x1x64xi32, #tpu.memory_space<hbm>> -> memref<64xi32, #tpu.memory_space<hbm>>
      %dma_wait3A_446 = arith.constant 0 : i32
      %dma_wait3A_447 = tpu.memref_slice %arg7[%dma_wait3A_439, %dma_wait3A_446] : memref<4x64xi32, #tpu.memory_space<vmem>> -> memref<1x64xi32, #tpu.memory_space<vmem>>
      %dma_wait3A_448 = tpu.memref_squeeze %dma_wait3A_447 : memref<1x64xi32, #tpu.memory_space<vmem>> -> memref<64xi32, #tpu.memory_space<vmem>>
      %dma_wait3A_449 = arith.constant 0 : i32
      %dma_wait3A_450 = tpu.memref_slice %arg4[%add3A, %add3A_391, %dma_wait3A_449] : memref<32x160x64xi32, #tpu.memory_space<hbm>> -> memref<1x1x64xi32, #tpu.memory_space<hbm>>
      %dma_wait3A_451 = tpu.memref_squeeze %dma_wait3A_450 : memref<1x1x64xi32, #tpu.memory_space<hbm>> -> memref<64xi32, #tpu.memory_space<hbm>>
      tpu.wait_dma2 semaphore(%arg19 : memref<!tpu.dma_semaphore, #tpu.memory_space<semaphore_mem>>) src(%dma_wait3A_451 : memref<64xi32, #tpu.memory_space<hbm>>) dst(%dma_wait3A_448 : memref<64xi32, #tpu.memory_space<vmem>>)
      %dma_start3A_452 = arith.constant 2 : i32
      %dma_start3A_453 = arith.constant 0 : i32
      %dma_start3A_454 = tpu.memref_slice %arg7[%dma_start3A_452, %dma_start3A_453] : memref<4x64xi32, #tpu.memory_space<vmem>> -> memref<1x64xi32, #tpu.memory_space<vmem>>
      %dma_start3A_455 = tpu.memref_squeeze %dma_start3A_454 : memref<1x64xi32, #tpu.memory_space<vmem>> -> memref<64xi32, #tpu.memory_space<vmem>>
      %dma_start3A_456 = arith.constant 0 : i32
      %dma_start3A_457 = arith.constant 0 : i32
      %dma_start3A_458 = tpu.memref_slice %arg12[%dma_start3A_456, %dma_start3A_457] : memref<10112x128xf32, #tpu.memory_space<vmem_shared>> -> memref<10112x128xf32, #tpu.memory_space<vmem_shared>>
      tpu.enqueue_indirect_dma source(%arg10 : memref<64x128xf32, #tpu.memory_space<vmem>>) target(%dma_start3A_458 : memref<10112x128xf32, #tpu.memory_space<vmem_shared>>) offsets(%dma_start3A_455 : memref<64xi32, #tpu.memory_space<vmem>>) semaphore(%arg23 : memref<!tpu.dma_semaphore, #tpu.memory_space<semaphore_mem>>) {add = true}
      %add3A_459 = arith.constant 3 : i32
      %add3A_460 = arith.addi %mul3A_261, %add3A_459 : i32
      %jit3A_461 = arith.constant 2 : i32
      %div3A_462 = arith.divsi %add3A_460, %jit3A_461 : i32
      %sign3A_463 = arith.constant 0 : i32
      %sign3A_464 = arith.cmpi sgt, %add3A_460, %sign3A_463 : i32
      %sign3A_465 = arith.extui %sign3A_464 : i1 to i32
      %sign3A_466 = arith.constant 0 : i32
      %sign3A_467 = arith.cmpi slt, %add3A_460, %sign3A_466 : i32
      %sign3A_468 = arith.extui %sign3A_467 : i1 to i32
      %sign3A_469 = arith.subi %sign3A_465, %sign3A_468 : i32
      %sign3A_470 = arith.constant 0 : i32
      %sign3A_471 = arith.cmpi sgt, %jit3A_461, %sign3A_470 : i32
      %sign3A_472 = arith.extui %sign3A_471 : i1 to i32
      %sign3A_473 = arith.constant 0 : i32
      %sign3A_474 = arith.cmpi slt, %jit3A_461, %sign3A_473 : i32
      %sign3A_475 = arith.extui %sign3A_474 : i1 to i32
      %sign3A_476 = arith.subi %sign3A_472, %sign3A_475 : i32
      %ne3A_477 = arith.cmpi ne, %sign3A_469, %sign3A_476 : i32
      %rem3A_478 = arith.remsi %add3A_460, %jit3A_461 : i32
      %ne3A_479 = arith.constant 0 : i32
      %ne3A_480 = arith.cmpi ne, %rem3A_478, %ne3A_479 : i32
      %and3A_481 = arith.andi %ne3A_477, %ne3A_480 : i1
      %sub3A_482 = arith.constant 1 : i32
      %sub3A_483 = arith.subi %div3A_462, %sub3A_482 : i32
      %select_n3A_484 = arith.select %and3A_481, %sub3A_483, %div3A_462 : i32
      %jit3A_485 = arith.constant 2 : i32
      %eq3A_486 = arith.constant 0 : i32
      %eq3A_487 = arith.cmpi eq, %jit3A_485, %eq3A_486 : i32
      %jit3A_488 = arith.constant 1 : i32
      %select_n3A_489 = arith.select %eq3A_487, %jit3A_488, %jit3A_485 : i32
      %rem3A_490 = arith.remsi %add3A_460, %select_n3A_489 : i32
      %ne3A_491 = arith.constant 0 : i32
      %ne3A_492 = arith.cmpi ne, %rem3A_490, %ne3A_491 : i32
      %lt3A_493 = arith.constant 0 : i32
      %lt3A_494 = arith.cmpi slt, %rem3A_490, %lt3A_493 : i32
      %lt3A_495 = arith.constant 0 : i32
      %lt3A_496 = arith.cmpi slt, %select_n3A_489, %lt3A_495 : i32
      %ne3A_497 = arith.xori %lt3A_494, %lt3A_496 : i1
      %and3A_498 = arith.andi %ne3A_497, %ne3A_492 : i1
      %add3A_499 = arith.addi %rem3A_490, %select_n3A_489 : i32
      %select_n3A_500 = arith.select %and3A_498, %add3A_499, %rem3A_490 : i32
      %mul3A_501 = arith.constant 64 : i32
      %mul3A_502 = arith.muli %select_n3A_500, %mul3A_501 : i32
      %dma_wait3A_503 = tpu.memref_slice %arg6[%select_n3A_484, %mul3A_502] : memref<80x128xi32, #tpu.memory_space<vmem>> -> memref<1x64xi32, #tpu.memory_space<vmem>>
      %dma_wait3A_504 = tpu.memref_squeeze %dma_wait3A_503 : memref<1x64xi32, #tpu.memory_space<vmem>> -> memref<64xi32, #tpu.memory_space<vmem>>
      %dma_wait3A_505 = arith.constant 0 : i32
      %dma_wait3A_506 = arith.constant 0 : i32
      %dma_wait3A_507 = tpu.memref_slice %arg2[%dma_wait3A_505, %dma_wait3A_506] : memref<10001x128xf32, #tpu.memory_space<hbm>> -> memref<10001x128xf32, #tpu.memory_space<hbm>>
      tpu.wait_indirect_dma semaphore(%arg16 : memref<!tpu.dma_semaphore, #tpu.memory_space<semaphore_mem>>) src(%dma_wait3A_507 : memref<10001x128xf32, #tpu.memory_space<hbm>>) dst(%arg11 : memref<64x128xf32, #tpu.memory_space<vmem>>)
      %dma_wait3A_508 = arith.constant 3 : i32
      %dma_wait3A_509 = arith.constant 0 : i32
      %dma_wait3A_510 = tpu.memref_slice %arg7[%dma_wait3A_508, %dma_wait3A_509] : memref<4x64xi32, #tpu.memory_space<vmem>> -> memref<1x64xi32, #tpu.memory_space<vmem>>
      %dma_wait3A_511 = tpu.memref_squeeze %dma_wait3A_510 : memref<1x64xi32, #tpu.memory_space<vmem>> -> memref<64xi32, #tpu.memory_space<vmem>>
      %dma_wait3A_512 = arith.constant 0 : i32
      %dma_wait3A_513 = tpu.memref_slice %arg4[%add3A, %add3A_460, %dma_wait3A_512] : memref<32x160x64xi32, #tpu.memory_space<hbm>> -> memref<1x1x64xi32, #tpu.memory_space<hbm>>
      %dma_wait3A_514 = tpu.memref_squeeze %dma_wait3A_513 : memref<1x1x64xi32, #tpu.memory_space<hbm>> -> memref<64xi32, #tpu.memory_space<hbm>>
      %dma_wait3A_515 = arith.constant 0 : i32
      %dma_wait3A_516 = tpu.memref_slice %arg7[%dma_wait3A_508, %dma_wait3A_515] : memref<4x64xi32, #tpu.memory_space<vmem>> -> memref<1x64xi32, #tpu.memory_space<vmem>>
      %dma_wait3A_517 = tpu.memref_squeeze %dma_wait3A_516 : memref<1x64xi32, #tpu.memory_space<vmem>> -> memref<64xi32, #tpu.memory_space<vmem>>
      %dma_wait3A_518 = arith.constant 0 : i32
      %dma_wait3A_519 = tpu.memref_slice %arg4[%add3A, %add3A_460, %dma_wait3A_518] : memref<32x160x64xi32, #tpu.memory_space<hbm>> -> memref<1x1x64xi32, #tpu.memory_space<hbm>>
      %dma_wait3A_520 = tpu.memref_squeeze %dma_wait3A_519 : memref<1x1x64xi32, #tpu.memory_space<hbm>> -> memref<64xi32, #tpu.memory_space<hbm>>
      tpu.wait_dma2 semaphore(%arg20 : memref<!tpu.dma_semaphore, #tpu.memory_space<semaphore_mem>>) src(%dma_wait3A_520 : memref<64xi32, #tpu.memory_space<hbm>>) dst(%dma_wait3A_517 : memref<64xi32, #tpu.memory_space<vmem>>)
      %dma_start3A_521 = arith.constant 3 : i32
      %dma_start3A_522 = arith.constant 0 : i32
      %dma_start3A_523 = tpu.memref_slice %arg7[%dma_start3A_521, %dma_start3A_522] : memref<4x64xi32, #tpu.memory_space<vmem>> -> memref<1x64xi32, #tpu.memory_space<vmem>>
      %dma_start3A_524 = tpu.memref_squeeze %dma_start3A_523 : memref<1x64xi32, #tpu.memory_space<vmem>> -> memref<64xi32, #tpu.memory_space<vmem>>
      %dma_start3A_525 = arith.constant 0 : i32
      %dma_start3A_526 = arith.constant 0 : i32
      %dma_start3A_527 = tpu.memref_slice %arg12[%dma_start3A_525, %dma_start3A_526] : memref<10112x128xf32, #tpu.memory_space<vmem_shared>> -> memref<10112x128xf32, #tpu.memory_space<vmem_shared>>
      tpu.enqueue_indirect_dma source(%arg11 : memref<64x128xf32, #tpu.memory_space<vmem>>) target(%dma_start3A_527 : memref<10112x128xf32, #tpu.memory_space<vmem_shared>>) offsets(%dma_start3A_524 : memref<64xi32, #tpu.memory_space<vmem>>) semaphore(%arg24 : memref<!tpu.dma_semaphore, #tpu.memory_space<semaphore_mem>>) {add = true}
      %add3A_528 = arith.constant 0 : i32
      %add3A_529 = arith.addi %mul3A_261, %add3A_528 : i32
      %dma_wait3A_530 = arith.constant 0 : i32
      %dma_wait3A_531 = arith.constant 0 : i32
      %dma_wait3A_532 = tpu.memref_slice %arg7[%dma_wait3A_530, %dma_wait3A_531] : memref<4x64xi32, #tpu.memory_space<vmem>> -> memref<1x64xi32, #tpu.memory_space<vmem>>
      %dma_wait3A_533 = tpu.memref_squeeze %dma_wait3A_532 : memref<1x64xi32, #tpu.memory_space<vmem>> -> memref<64xi32, #tpu.memory_space<vmem>>
      %dma_wait3A_534 = arith.constant 0 : i32
      %dma_wait3A_535 = arith.constant 0 : i32
      %dma_wait3A_536 = tpu.memref_slice %arg12[%dma_wait3A_534, %dma_wait3A_535] : memref<10112x128xf32, #tpu.memory_space<vmem_shared>> -> memref<10112x128xf32, #tpu.memory_space<vmem_shared>>
      tpu.wait_indirect_dma semaphore(%arg21 : memref<!tpu.dma_semaphore, #tpu.memory_space<semaphore_mem>>) src(%arg8 : memref<64x128xf32, #tpu.memory_space<vmem>>) dst(%dma_wait3A_536 : memref<10112x128xf32, #tpu.memory_space<vmem_shared>>)
      %add3A_537 = arith.constant 4 : i32
      %add3A_538 = arith.addi %add3A_529, %add3A_537 : i32
      %dma_start3A_539 = arith.constant 0 : i32
      %dma_start3A_540 = arith.constant 0 : i32
      %dma_start3A_541 = tpu.memref_slice %arg7[%dma_start3A_539, %dma_start3A_540] : memref<4x64xi32, #tpu.memory_space<vmem>> -> memref<1x64xi32, #tpu.memory_space<vmem>>
      %dma_start3A_542 = tpu.memref_squeeze %dma_start3A_541 : memref<1x64xi32, #tpu.memory_space<vmem>> -> memref<64xi32, #tpu.memory_space<vmem>>
      %dma_start3A_543 = arith.constant 0 : i32
      %dma_start3A_544 = tpu.memref_slice %arg4[%add3A, %add3A_538, %dma_start3A_543] : memref<32x160x64xi32, #tpu.memory_space<hbm>> -> memref<1x1x64xi32, #tpu.memory_space<hbm>>
      %dma_start3A_545 = tpu.memref_squeeze %dma_start3A_544 : memref<1x1x64xi32, #tpu.memory_space<hbm>> -> memref<64xi32, #tpu.memory_space<hbm>>
      %dma_start3A_546 = arith.constant 0 : i32
      %dma_start3A_547 = tpu.memref_slice %arg7[%dma_start3A_539, %dma_start3A_546] : memref<4x64xi32, #tpu.memory_space<vmem>> -> memref<1x64xi32, #tpu.memory_space<vmem>>
      %dma_start3A_548 = tpu.memref_squeeze %dma_start3A_547 : memref<1x64xi32, #tpu.memory_space<vmem>> -> memref<64xi32, #tpu.memory_space<vmem>>
      %dma_start3A_549 = arith.constant 0 : i32
      %dma_start3A_550 = tpu.memref_slice %arg4[%add3A, %add3A_538, %dma_start3A_549] : memref<32x160x64xi32, #tpu.memory_space<hbm>> -> memref<1x1x64xi32, #tpu.memory_space<hbm>>
      %dma_start3A_551 = tpu.memref_squeeze %dma_start3A_550 : memref<1x1x64xi32, #tpu.memory_space<hbm>> -> memref<64xi32, #tpu.memory_space<hbm>>
      tpu.enqueue_dma source(%dma_start3A_551 : memref<64xi32, #tpu.memory_space<hbm>>) target(%dma_start3A_548 : memref<64xi32, #tpu.memory_space<vmem>>) target_semaphore(%arg17 : memref<!tpu.dma_semaphore, #tpu.memory_space<semaphore_mem>>)
      %add3A_552 = arith.constant 4 : i32
      %add3A_553 = arith.addi %add3A_529, %add3A_552 : i32
      %jit3A_554 = arith.constant 2 : i32
      %div3A_555 = arith.divsi %add3A_553, %jit3A_554 : i32
      %sign3A_556 = arith.constant 0 : i32
      %sign3A_557 = arith.cmpi sgt, %add3A_553, %sign3A_556 : i32
      %sign3A_558 = arith.extui %sign3A_557 : i1 to i32
      %sign3A_559 = arith.constant 0 : i32
      %sign3A_560 = arith.cmpi slt, %add3A_553, %sign3A_559 : i32
      %sign3A_561 = arith.extui %sign3A_560 : i1 to i32
      %sign3A_562 = arith.subi %sign3A_558, %sign3A_561 : i32
      %sign3A_563 = arith.constant 0 : i32
      %sign3A_564 = arith.cmpi sgt, %jit3A_554, %sign3A_563 : i32
      %sign3A_565 = arith.extui %sign3A_564 : i1 to i32
      %sign3A_566 = arith.constant 0 : i32
      %sign3A_567 = arith.cmpi slt, %jit3A_554, %sign3A_566 : i32
      %sign3A_568 = arith.extui %sign3A_567 : i1 to i32
      %sign3A_569 = arith.subi %sign3A_565, %sign3A_568 : i32
      %ne3A_570 = arith.cmpi ne, %sign3A_562, %sign3A_569 : i32
      %rem3A_571 = arith.remsi %add3A_553, %jit3A_554 : i32
      %ne3A_572 = arith.constant 0 : i32
      %ne3A_573 = arith.cmpi ne, %rem3A_571, %ne3A_572 : i32
      %and3A_574 = arith.andi %ne3A_570, %ne3A_573 : i1
      %sub3A_575 = arith.constant 1 : i32
      %sub3A_576 = arith.subi %div3A_555, %sub3A_575 : i32
      %select_n3A_577 = arith.select %and3A_574, %sub3A_576, %div3A_555 : i32
      %jit3A_578 = arith.constant 2 : i32
      %eq3A_579 = arith.constant 0 : i32
      %eq3A_580 = arith.cmpi eq, %jit3A_578, %eq3A_579 : i32
      %jit3A_581 = arith.constant 1 : i32
      %select_n3A_582 = arith.select %eq3A_580, %jit3A_581, %jit3A_578 : i32
      %rem3A_583 = arith.remsi %add3A_553, %select_n3A_582 : i32
      %ne3A_584 = arith.constant 0 : i32
      %ne3A_585 = arith.cmpi ne, %rem3A_583, %ne3A_584 : i32
      %lt3A_586 = arith.constant 0 : i32
      %lt3A_587 = arith.cmpi slt, %rem3A_583, %lt3A_586 : i32
      %lt3A_588 = arith.constant 0 : i32
      %lt3A_589 = arith.cmpi slt, %select_n3A_582, %lt3A_588 : i32
      %ne3A_590 = arith.xori %lt3A_587, %lt3A_589 : i1
      %and3A_591 = arith.andi %ne3A_590, %ne3A_585 : i1
      %add3A_592 = arith.addi %rem3A_583, %select_n3A_582 : i32
      %select_n3A_593 = arith.select %and3A_591, %add3A_592, %rem3A_583 : i32
      %mul3A_594 = arith.constant 64 : i32
      %mul3A_595 = arith.muli %select_n3A_593, %mul3A_594 : i32
      %dma_start3A_596 = tpu.memref_slice %arg6[%select_n3A_577, %mul3A_595] : memref<80x128xi32, #tpu.memory_space<vmem>> -> memref<1x64xi32, #tpu.memory_space<vmem>>
      %dma_start3A_597 = tpu.memref_squeeze %dma_start3A_596 : memref<1x64xi32, #tpu.memory_space<vmem>> -> memref<64xi32, #tpu.memory_space<vmem>>
      %dma_start3A_598 = arith.constant 0 : i32
      %dma_start3A_599 = arith.constant 0 : i32
      %dma_start3A_600 = tpu.memref_slice %arg2[%dma_start3A_598, %dma_start3A_599] : memref<10001x128xf32, #tpu.memory_space<hbm>> -> memref<10001x128xf32, #tpu.memory_space<hbm>>
      tpu.enqueue_indirect_dma source(%dma_start3A_600 : memref<10001x128xf32, #tpu.memory_space<hbm>>) target(%arg8 : memref<64x128xf32, #tpu.memory_space<vmem>>) offsets(%dma_start3A_597 : memref<64xi32, #tpu.memory_space<vmem>>) semaphore(%arg13 : memref<!tpu.dma_semaphore, #tpu.memory_space<semaphore_mem>>)
      %add3A_601 = arith.constant 1 : i32
      %add3A_602 = arith.addi %mul3A_261, %add3A_601 : i32
      %dma_wait3A_603 = arith.constant 1 : i32
      %dma_wait3A_604 = arith.constant 0 : i32
      %dma_wait3A_605 = tpu.memref_slice %arg7[%dma_wait3A_603, %dma_wait3A_604] : memref<4x64xi32, #tpu.memory_space<vmem>> -> memref<1x64xi32, #tpu.memory_space<vmem>>
      %dma_wait3A_606 = tpu.memref_squeeze %dma_wait3A_605 : memref<1x64xi32, #tpu.memory_space<vmem>> -> memref<64xi32, #tpu.memory_space<vmem>>
      %dma_wait3A_607 = arith.constant 0 : i32
      %dma_wait3A_608 = arith.constant 0 : i32
      %dma_wait3A_609 = tpu.memref_slice %arg12[%dma_wait3A_607, %dma_wait3A_608] : memref<10112x128xf32, #tpu.memory_space<vmem_shared>> -> memref<10112x128xf32, #tpu.memory_space<vmem_shared>>
      tpu.wait_indirect_dma semaphore(%arg22 : memref<!tpu.dma_semaphore, #tpu.memory_space<semaphore_mem>>) src(%arg9 : memref<64x128xf32, #tpu.memory_space<vmem>>) dst(%dma_wait3A_609 : memref<10112x128xf32, #tpu.memory_space<vmem_shared>>)
      %add3A_610 = arith.constant 4 : i32
      %add3A_611 = arith.addi %add3A_602, %add3A_610 : i32
      %dma_start3A_612 = arith.constant 1 : i32
      %dma_start3A_613 = arith.constant 0 : i32
      %dma_start3A_614 = tpu.memref_slice %arg7[%dma_start3A_612, %dma_start3A_613] : memref<4x64xi32, #tpu.memory_space<vmem>> -> memref<1x64xi32, #tpu.memory_space<vmem>>
      %dma_start3A_615 = tpu.memref_squeeze %dma_start3A_614 : memref<1x64xi32, #tpu.memory_space<vmem>> -> memref<64xi32, #tpu.memory_space<vmem>>
      %dma_start3A_616 = arith.constant 0 : i32
      %dma_start3A_617 = tpu.memref_slice %arg4[%add3A, %add3A_611, %dma_start3A_616] : memref<32x160x64xi32, #tpu.memory_space<hbm>> -> memref<1x1x64xi32, #tpu.memory_space<hbm>>
      %dma_start3A_618 = tpu.memref_squeeze %dma_start3A_617 : memref<1x1x64xi32, #tpu.memory_space<hbm>> -> memref<64xi32, #tpu.memory_space<hbm>>
      %dma_start3A_619 = arith.constant 0 : i32
      %dma_start3A_620 = tpu.memref_slice %arg7[%dma_start3A_612, %dma_start3A_619] : memref<4x64xi32, #tpu.memory_space<vmem>> -> memref<1x64xi32, #tpu.memory_space<vmem>>
      %dma_start3A_621 = tpu.memref_squeeze %dma_start3A_620 : memref<1x64xi32, #tpu.memory_space<vmem>> -> memref<64xi32, #tpu.memory_space<vmem>>
      %dma_start3A_622 = arith.constant 0 : i32
      %dma_start3A_623 = tpu.memref_slice %arg4[%add3A, %add3A_611, %dma_start3A_622] : memref<32x160x64xi32, #tpu.memory_space<hbm>> -> memref<1x1x64xi32, #tpu.memory_space<hbm>>
      %dma_start3A_624 = tpu.memref_squeeze %dma_start3A_623 : memref<1x1x64xi32, #tpu.memory_space<hbm>> -> memref<64xi32, #tpu.memory_space<hbm>>
      tpu.enqueue_dma source(%dma_start3A_624 : memref<64xi32, #tpu.memory_space<hbm>>) target(%dma_start3A_621 : memref<64xi32, #tpu.memory_space<vmem>>) target_semaphore(%arg18 : memref<!tpu.dma_semaphore, #tpu.memory_space<semaphore_mem>>)
      %add3A_625 = arith.constant 4 : i32
      %add3A_626 = arith.addi %add3A_602, %add3A_625 : i32
      %jit3A_627 = arith.constant 2 : i32
      %div3A_628 = arith.divsi %add3A_626, %jit3A_627 : i32
      %sign3A_629 = arith.constant 0 : i32
      %sign3A_630 = arith.cmpi sgt, %add3A_626, %sign3A_629 : i32
      %sign3A_631 = arith.extui %sign3A_630 : i1 to i32
      %sign3A_632 = arith.constant 0 : i32
      %sign3A_633 = arith.cmpi slt, %add3A_626, %sign3A_632 : i32
      %sign3A_634 = arith.extui %sign3A_633 : i1 to i32
      %sign3A_635 = arith.subi %sign3A_631, %sign3A_634 : i32
      %sign3A_636 = arith.constant 0 : i32
      %sign3A_637 = arith.cmpi sgt, %jit3A_627, %sign3A_636 : i32
      %sign3A_638 = arith.extui %sign3A_637 : i1 to i32
      %sign3A_639 = arith.constant 0 : i32
      %sign3A_640 = arith.cmpi slt, %jit3A_627, %sign3A_639 : i32
      %sign3A_641 = arith.extui %sign3A_640 : i1 to i32
      %sign3A_642 = arith.subi %sign3A_638, %sign3A_641 : i32
      %ne3A_643 = arith.cmpi ne, %sign3A_635, %sign3A_642 : i32
      %rem3A_644 = arith.remsi %add3A_626, %jit3A_627 : i32
      %ne3A_645 = arith.constant 0 : i32
      %ne3A_646 = arith.cmpi ne, %rem3A_644, %ne3A_645 : i32
      %and3A_647 = arith.andi %ne3A_643, %ne3A_646 : i1
      %sub3A_648 = arith.constant 1 : i32
      %sub3A_649 = arith.subi %div3A_628, %sub3A_648 : i32
      %select_n3A_650 = arith.select %and3A_647, %sub3A_649, %div3A_628 : i32
      %jit3A_651 = arith.constant 2 : i32
      %eq3A_652 = arith.constant 0 : i32
      %eq3A_653 = arith.cmpi eq, %jit3A_651, %eq3A_652 : i32
      %jit3A_654 = arith.constant 1 : i32
      %select_n3A_655 = arith.select %eq3A_653, %jit3A_654, %jit3A_651 : i32
      %rem3A_656 = arith.remsi %add3A_626, %select_n3A_655 : i32
      %ne3A_657 = arith.constant 0 : i32
      %ne3A_658 = arith.cmpi ne, %rem3A_656, %ne3A_657 : i32
      %lt3A_659 = arith.constant 0 : i32
      %lt3A_660 = arith.cmpi slt, %rem3A_656, %lt3A_659 : i32
      %lt3A_661 = arith.constant 0 : i32
      %lt3A_662 = arith.cmpi slt, %select_n3A_655, %lt3A_661 : i32
      %ne3A_663 = arith.xori %lt3A_660, %lt3A_662 : i1
      %and3A_664 = arith.andi %ne3A_663, %ne3A_658 : i1
      %add3A_665 = arith.addi %rem3A_656, %select_n3A_655 : i32
      %select_n3A_666 = arith.select %and3A_664, %add3A_665, %rem3A_656 : i32
      %mul3A_667 = arith.constant 64 : i32
      %mul3A_668 = arith.muli %select_n3A_666, %mul3A_667 : i32
      %dma_start3A_669 = tpu.memref_slice %arg6[%select_n3A_650, %mul3A_668] : memref<80x128xi32, #tpu.memory_space<vmem>> -> memref<1x64xi32, #tpu.memory_space<vmem>>
      %dma_start3A_670 = tpu.memref_squeeze %dma_start3A_669 : memref<1x64xi32, #tpu.memory_space<vmem>> -> memref<64xi32, #tpu.memory_space<vmem>>
      %dma_start3A_671 = arith.constant 0 : i32
      %dma_start3A_672 = arith.constant 0 : i32
      %dma_start3A_673 = tpu.memref_slice %arg2[%dma_start3A_671, %dma_start3A_672] : memref<10001x128xf32, #tpu.memory_space<hbm>> -> memref<10001x128xf32, #tpu.memory_space<hbm>>
      tpu.enqueue_indirect_dma source(%dma_start3A_673 : memref<10001x128xf32, #tpu.memory_space<hbm>>) target(%arg9 : memref<64x128xf32, #tpu.memory_space<vmem>>) offsets(%dma_start3A_670 : memref<64xi32, #tpu.memory_space<vmem>>) semaphore(%arg14 : memref<!tpu.dma_semaphore, #tpu.memory_space<semaphore_mem>>)
      %add3A_674 = arith.constant 2 : i32
      %add3A_675 = arith.addi %mul3A_261, %add3A_674 : i32
      %dma_wait3A_676 = arith.constant 2 : i32
      %dma_wait3A_677 = arith.constant 0 : i32
      %dma_wait3A_678 = tpu.memref_slice %arg7[%dma_wait3A_676, %dma_wait3A_677] : memref<4x64xi32, #tpu.memory_space<vmem>> -> memref<1x64xi32, #tpu.memory_space<vmem>>
      %dma_wait3A_679 = tpu.memref_squeeze %dma_wait3A_678 : memref<1x64xi32, #tpu.memory_space<vmem>> -> memref<64xi32, #tpu.memory_space<vmem>>
      %dma_wait3A_680 = arith.constant 0 : i32
      %dma_wait3A_681 = arith.constant 0 : i32
      %dma_wait3A_682 = tpu.memref_slice %arg12[%dma_wait3A_680, %dma_wait3A_681] : memref<10112x128xf32, #tpu.memory_space<vmem_shared>> -> memref<10112x128xf32, #tpu.memory_space<vmem_shared>>
      tpu.wait_indirect_dma semaphore(%arg23 : memref<!tpu.dma_semaphore, #tpu.memory_space<semaphore_mem>>) src(%arg10 : memref<64x128xf32, #tpu.memory_space<vmem>>) dst(%dma_wait3A_682 : memref<10112x128xf32, #tpu.memory_space<vmem_shared>>)
      %add3A_683 = arith.constant 4 : i32
      %add3A_684 = arith.addi %add3A_675, %add3A_683 : i32
      %dma_start3A_685 = arith.constant 2 : i32
      %dma_start3A_686 = arith.constant 0 : i32
      %dma_start3A_687 = tpu.memref_slice %arg7[%dma_start3A_685, %dma_start3A_686] : memref<4x64xi32, #tpu.memory_space<vmem>> -> memref<1x64xi32, #tpu.memory_space<vmem>>
      %dma_start3A_688 = tpu.memref_squeeze %dma_start3A_687 : memref<1x64xi32, #tpu.memory_space<vmem>> -> memref<64xi32, #tpu.memory_space<vmem>>
      %dma_start3A_689 = arith.constant 0 : i32
      %dma_start3A_690 = tpu.memref_slice %arg4[%add3A, %add3A_684, %dma_start3A_689] : memref<32x160x64xi32, #tpu.memory_space<hbm>> -> memref<1x1x64xi32, #tpu.memory_space<hbm>>
      %dma_start3A_691 = tpu.memref_squeeze %dma_start3A_690 : memref<1x1x64xi32, #tpu.memory_space<hbm>> -> memref<64xi32, #tpu.memory_space<hbm>>
      %dma_start3A_692 = arith.constant 0 : i32
      %dma_start3A_693 = tpu.memref_slice %arg7[%dma_start3A_685, %dma_start3A_692] : memref<4x64xi32, #tpu.memory_space<vmem>> -> memref<1x64xi32, #tpu.memory_space<vmem>>
      %dma_start3A_694 = tpu.memref_squeeze %dma_start3A_693 : memref<1x64xi32, #tpu.memory_space<vmem>> -> memref<64xi32, #tpu.memory_space<vmem>>
      %dma_start3A_695 = arith.constant 0 : i32
      %dma_start3A_696 = tpu.memref_slice %arg4[%add3A, %add3A_684, %dma_start3A_695] : memref<32x160x64xi32, #tpu.memory_space<hbm>> -> memref<1x1x64xi32, #tpu.memory_space<hbm>>
      %dma_start3A_697 = tpu.memref_squeeze %dma_start3A_696 : memref<1x1x64xi32, #tpu.memory_space<hbm>> -> memref<64xi32, #tpu.memory_space<hbm>>
      tpu.enqueue_dma source(%dma_start3A_697 : memref<64xi32, #tpu.memory_space<hbm>>) target(%dma_start3A_694 : memref<64xi32, #tpu.memory_space<vmem>>) target_semaphore(%arg19 : memref<!tpu.dma_semaphore, #tpu.memory_space<semaphore_mem>>)
      %add3A_698 = arith.constant 4 : i32
      %add3A_699 = arith.addi %add3A_675, %add3A_698 : i32
      %jit3A_700 = arith.constant 2 : i32
      %div3A_701 = arith.divsi %add3A_699, %jit3A_700 : i32
      %sign3A_702 = arith.constant 0 : i32
      %sign3A_703 = arith.cmpi sgt, %add3A_699, %sign3A_702 : i32
      %sign3A_704 = arith.extui %sign3A_703 : i1 to i32
      %sign3A_705 = arith.constant 0 : i32
      %sign3A_706 = arith.cmpi slt, %add3A_699, %sign3A_705 : i32
      %sign3A_707 = arith.extui %sign3A_706 : i1 to i32
      %sign3A_708 = arith.subi %sign3A_704, %sign3A_707 : i32
      %sign3A_709 = arith.constant 0 : i32
      %sign3A_710 = arith.cmpi sgt, %jit3A_700, %sign3A_709 : i32
      %sign3A_711 = arith.extui %sign3A_710 : i1 to i32
      %sign3A_712 = arith.constant 0 : i32
      %sign3A_713 = arith.cmpi slt, %jit3A_700, %sign3A_712 : i32
      %sign3A_714 = arith.extui %sign3A_713 : i1 to i32
      %sign3A_715 = arith.subi %sign3A_711, %sign3A_714 : i32
      %ne3A_716 = arith.cmpi ne, %sign3A_708, %sign3A_715 : i32
      %rem3A_717 = arith.remsi %add3A_699, %jit3A_700 : i32
      %ne3A_718 = arith.constant 0 : i32
      %ne3A_719 = arith.cmpi ne, %rem3A_717, %ne3A_718 : i32
      %and3A_720 = arith.andi %ne3A_716, %ne3A_719 : i1
      %sub3A_721 = arith.constant 1 : i32
      %sub3A_722 = arith.subi %div3A_701, %sub3A_721 : i32
      %select_n3A_723 = arith.select %and3A_720, %sub3A_722, %div3A_701 : i32
      %jit3A_724 = arith.constant 2 : i32
      %eq3A_725 = arith.constant 0 : i32
      %eq3A_726 = arith.cmpi eq, %jit3A_724, %eq3A_725 : i32
      %jit3A_727 = arith.constant 1 : i32
      %select_n3A_728 = arith.select %eq3A_726, %jit3A_727, %jit3A_724 : i32
      %rem3A_729 = arith.remsi %add3A_699, %select_n3A_728 : i32
      %ne3A_730 = arith.constant 0 : i32
      %ne3A_731 = arith.cmpi ne, %rem3A_729, %ne3A_730 : i32
      %lt3A_732 = arith.constant 0 : i32
      %lt3A_733 = arith.cmpi slt, %rem3A_729, %lt3A_732 : i32
      %lt3A_734 = arith.constant 0 : i32
      %lt3A_735 = arith.cmpi slt, %select_n3A_728, %lt3A_734 : i32
      %ne3A_736 = arith.xori %lt3A_733, %lt3A_735 : i1
      %and3A_737 = arith.andi %ne3A_736, %ne3A_731 : i1
      %add3A_738 = arith.addi %rem3A_729, %select_n3A_728 : i32
      %select_n3A_739 = arith.select %and3A_737, %add3A_738, %rem3A_729 : i32
      %mul3A_740 = arith.constant 64 : i32
      %mul3A_741 = arith.muli %select_n3A_739, %mul3A_740 : i32
      %dma_start3A_742 = tpu.memref_slice %arg6[%select_n3A_723, %mul3A_741] : memref<80x128xi32, #tpu.memory_space<vmem>> -> memref<1x64xi32, #tpu.memory_space<vmem>>
      %dma_start3A_743 = tpu.memref_squeeze %dma_start3A_742 : memref<1x64xi32, #tpu.memory_space<vmem>> -> memref<64xi32, #tpu.memory_space<vmem>>
      %dma_start3A_744 = arith.constant 0 : i32
      %dma_start3A_745 = arith.constant 0 : i32
      %dma_start3A_746 = tpu.memref_slice %arg2[%dma_start3A_744, %dma_start3A_745] : memref<10001x128xf32, #tpu.memory_space<hbm>> -> memref<10001x128xf32, #tpu.memory_space<hbm>>
      tpu.enqueue_indirect_dma source(%dma_start3A_746 : memref<10001x128xf32, #tpu.memory_space<hbm>>) target(%arg10 : memref<64x128xf32, #tpu.memory_space<vmem>>) offsets(%dma_start3A_743 : memref<64xi32, #tpu.memory_space<vmem>>) semaphore(%arg15 : memref<!tpu.dma_semaphore, #tpu.memory_space<semaphore_mem>>)
      %add3A_747 = arith.constant 3 : i32
      %add3A_748 = arith.addi %mul3A_261, %add3A_747 : i32
      %dma_wait3A_749 = arith.constant 3 : i32
      %dma_wait3A_750 = arith.constant 0 : i32
      %dma_wait3A_751 = tpu.memref_slice %arg7[%dma_wait3A_749, %dma_wait3A_750] : memref<4x64xi32, #tpu.memory_space<vmem>> -> memref<1x64xi32, #tpu.memory_space<vmem>>
      %dma_wait3A_752 = tpu.memref_squeeze %dma_wait3A_751 : memref<1x64xi32, #tpu.memory_space<vmem>> -> memref<64xi32, #tpu.memory_space<vmem>>
      %dma_wait3A_753 = arith.constant 0 : i32
      %dma_wait3A_754 = arith.constant 0 : i32
      %dma_wait3A_755 = tpu.memref_slice %arg12[%dma_wait3A_753, %dma_wait3A_754] : memref<10112x128xf32, #tpu.memory_space<vmem_shared>> -> memref<10112x128xf32, #tpu.memory_space<vmem_shared>>
      tpu.wait_indirect_dma semaphore(%arg24 : memref<!tpu.dma_semaphore, #tpu.memory_space<semaphore_mem>>) src(%arg11 : memref<64x128xf32, #tpu.memory_space<vmem>>) dst(%dma_wait3A_755 : memref<10112x128xf32, #tpu.memory_space<vmem_shared>>)
      %add3A_756 = arith.constant 4 : i32
      %add3A_757 = arith.addi %add3A_748, %add3A_756 : i32
      %dma_start3A_758 = arith.constant 3 : i32
      %dma_start3A_759 = arith.constant 0 : i32
      %dma_start3A_760 = tpu.memref_slice %arg7[%dma_start3A_758, %dma_start3A_759] : memref<4x64xi32, #tpu.memory_space<vmem>> -> memref<1x64xi32, #tpu.memory_space<vmem>>
      %dma_start3A_761 = tpu.memref_squeeze %dma_start3A_760 : memref<1x64xi32, #tpu.memory_space<vmem>> -> memref<64xi32, #tpu.memory_space<vmem>>
      %dma_start3A_762 = arith.constant 0 : i32
      %dma_start3A_763 = tpu.memref_slice %arg4[%add3A, %add3A_757, %dma_start3A_762] : memref<32x160x64xi32, #tpu.memory_space<hbm>> -> memref<1x1x64xi32, #tpu.memory_space<hbm>>
      %dma_start3A_764 = tpu.memref_squeeze %dma_start3A_763 : memref<1x1x64xi32, #tpu.memory_space<hbm>> -> memref<64xi32, #tpu.memory_space<hbm>>
      %dma_start3A_765 = arith.constant 0 : i32
      %dma_start3A_766 = tpu.memref_slice %arg7[%dma_start3A_758, %dma_start3A_765] : memref<4x64xi32, #tpu.memory_space<vmem>> -> memref<1x64xi32, #tpu.memory_space<vmem>>
      %dma_start3A_767 = tpu.memref_squeeze %dma_start3A_766 : memref<1x64xi32, #tpu.memory_space<vmem>> -> memref<64xi32, #tpu.memory_space<vmem>>
      %dma_start3A_768 = arith.constant 0 : i32
      %dma_start3A_769 = tpu.memref_slice %arg4[%add3A, %add3A_757, %dma_start3A_768] : memref<32x160x64xi32, #tpu.memory_space<hbm>> -> memref<1x1x64xi32, #tpu.memory_space<hbm>>
      %dma_start3A_770 = tpu.memref_squeeze %dma_start3A_769 : memref<1x1x64xi32, #tpu.memory_space<hbm>> -> memref<64xi32, #tpu.memory_space<hbm>>
      tpu.enqueue_dma source(%dma_start3A_770 : memref<64xi32, #tpu.memory_space<hbm>>) target(%dma_start3A_767 : memref<64xi32, #tpu.memory_space<vmem>>) target_semaphore(%arg20 : memref<!tpu.dma_semaphore, #tpu.memory_space<semaphore_mem>>)
      %add3A_771 = arith.constant 4 : i32
      %add3A_772 = arith.addi %add3A_748, %add3A_771 : i32
      %jit3A_773 = arith.constant 2 : i32
      %div3A_774 = arith.divsi %add3A_772, %jit3A_773 : i32
      %sign3A_775 = arith.constant 0 : i32
      %sign3A_776 = arith.cmpi sgt, %add3A_772, %sign3A_775 : i32
      %sign3A_777 = arith.extui %sign3A_776 : i1 to i32
      %sign3A_778 = arith.constant 0 : i32
      %sign3A_779 = arith.cmpi slt, %add3A_772, %sign3A_778 : i32
      %sign3A_780 = arith.extui %sign3A_779 : i1 to i32
      %sign3A_781 = arith.subi %sign3A_777, %sign3A_780 : i32
      %sign3A_782 = arith.constant 0 : i32
      %sign3A_783 = arith.cmpi sgt, %jit3A_773, %sign3A_782 : i32
      %sign3A_784 = arith.extui %sign3A_783 : i1 to i32
      %sign3A_785 = arith.constant 0 : i32
      %sign3A_786 = arith.cmpi slt, %jit3A_773, %sign3A_785 : i32
      %sign3A_787 = arith.extui %sign3A_786 : i1 to i32
      %sign3A_788 = arith.subi %sign3A_784, %sign3A_787 : i32
      %ne3A_789 = arith.cmpi ne, %sign3A_781, %sign3A_788 : i32
      %rem3A_790 = arith.remsi %add3A_772, %jit3A_773 : i32
      %ne3A_791 = arith.constant 0 : i32
      %ne3A_792 = arith.cmpi ne, %rem3A_790, %ne3A_791 : i32
      %and3A_793 = arith.andi %ne3A_789, %ne3A_792 : i1
      %sub3A_794 = arith.constant 1 : i32
      %sub3A_795 = arith.subi %div3A_774, %sub3A_794 : i32
      %select_n3A_796 = arith.select %and3A_793, %sub3A_795, %div3A_774 : i32
      %jit3A_797 = arith.constant 2 : i32
      %eq3A_798 = arith.constant 0 : i32
      %eq3A_799 = arith.cmpi eq, %jit3A_797, %eq3A_798 : i32
      %jit3A_800 = arith.constant 1 : i32
      %select_n3A_801 = arith.select %eq3A_799, %jit3A_800, %jit3A_797 : i32
      %rem3A_802 = arith.remsi %add3A_772, %select_n3A_801 : i32
      %ne3A_803 = arith.constant 0 : i32
      %ne3A_804 = arith.cmpi ne, %rem3A_802, %ne3A_803 : i32
      %lt3A_805 = arith.constant 0 : i32
      %lt3A_806 = arith.cmpi slt, %rem3A_802, %lt3A_805 : i32
      %lt3A_807 = arith.constant 0 : i32
      %lt3A_808 = arith.cmpi slt, %select_n3A_801, %lt3A_807 : i32
      %ne3A_809 = arith.xori %lt3A_806, %lt3A_808 : i1
      %and3A_810 = arith.andi %ne3A_809, %ne3A_804 : i1
      %add3A_811 = arith.addi %rem3A_802, %select_n3A_801 : i32
      %select_n3A_812 = arith.select %and3A_810, %add3A_811, %rem3A_802 : i32
      %mul3A_813 = arith.constant 64 : i32
      %mul3A_814 = arith.muli %select_n3A_812, %mul3A_813 : i32
      %dma_start3A_815 = tpu.memref_slice %arg6[%select_n3A_796, %mul3A_814] : memref<80x128xi32, #tpu.memory_space<vmem>> -> memref<1x64xi32, #tpu.memory_space<vmem>>
      %dma_start3A_816 = tpu.memref_squeeze %dma_start3A_815 : memref<1x64xi32, #tpu.memory_space<vmem>> -> memref<64xi32, #tpu.memory_space<vmem>>
      %dma_start3A_817 = arith.constant 0 : i32
      %dma_start3A_818 = arith.constant 0 : i32
      %dma_start3A_819 = tpu.memref_slice %arg2[%dma_start3A_817, %dma_start3A_818] : memref<10001x128xf32, #tpu.memory_space<hbm>> -> memref<10001x128xf32, #tpu.memory_space<hbm>>
      tpu.enqueue_indirect_dma source(%dma_start3A_819 : memref<10001x128xf32, #tpu.memory_space<hbm>>) target(%arg11 : memref<64x128xf32, #tpu.memory_space<vmem>>) offsets(%dma_start3A_816 : memref<64xi32, #tpu.memory_space<vmem>>) semaphore(%arg16 : memref<!tpu.dma_semaphore, #tpu.memory_space<semaphore_mem>>)
    }
    %scan3A_114 = arith.constant 39 : i32
    %dma_wait3A = arith.constant 78 : i32
    %dma_wait3A_115 = arith.constant 0 : i32
    %dma_wait3A_116 = tpu.memref_slice %arg6[%dma_wait3A, %dma_wait3A_115] : memref<80x128xi32, #tpu.memory_space<vmem>> -> memref<1x64xi32, #tpu.memory_space<vmem>>
    %dma_wait3A_117 = tpu.memref_squeeze %dma_wait3A_116 : memref<1x64xi32, #tpu.memory_space<vmem>> -> memref<64xi32, #tpu.memory_space<vmem>>
    %dma_wait3A_118 = arith.constant 0 : i32
    %dma_wait3A_119 = arith.constant 0 : i32
    %dma_wait3A_120 = tpu.memref_slice %arg2[%dma_wait3A_118, %dma_wait3A_119] : memref<10001x128xf32, #tpu.memory_space<hbm>> -> memref<10001x128xf32, #tpu.memory_space<hbm>>
    tpu.wait_indirect_dma semaphore(%arg13 : memref<!tpu.dma_semaphore, #tpu.memory_space<semaphore_mem>>) src(%dma_wait3A_120 : memref<10001x128xf32, #tpu.memory_space<hbm>>) dst(%arg8 : memref<64x128xf32, #tpu.memory_space<vmem>>)
    %dma_wait3A_121 = arith.constant 156 : i32
    %dma_wait3A_122 = arith.constant 0 : i32
    %dma_wait3A_123 = arith.constant 0 : i32
    %dma_wait3A_124 = tpu.memref_slice %arg7[%dma_wait3A_122, %dma_wait3A_123] : memref<4x64xi32, #tpu.memory_space<vmem>> -> memref<1x64xi32, #tpu.memory_space<vmem>>
    %dma_wait3A_125 = tpu.memref_squeeze %dma_wait3A_124 : memref<1x64xi32, #tpu.memory_space<vmem>> -> memref<64xi32, #tpu.memory_space<vmem>>
    %dma_wait3A_126 = arith.constant 0 : i32
    %dma_wait3A_127 = tpu.memref_slice %arg4[%add3A, %dma_wait3A_121, %dma_wait3A_126] : memref<32x160x64xi32, #tpu.memory_space<hbm>> -> memref<1x1x64xi32, #tpu.memory_space<hbm>>
    %dma_wait3A_128 = tpu.memref_squeeze %dma_wait3A_127 : memref<1x1x64xi32, #tpu.memory_space<hbm>> -> memref<64xi32, #tpu.memory_space<hbm>>
    %dma_wait3A_129 = arith.constant 0 : i32
    %dma_wait3A_130 = tpu.memref_slice %arg7[%dma_wait3A_122, %dma_wait3A_129] : memref<4x64xi32, #tpu.memory_space<vmem>> -> memref<1x64xi32, #tpu.memory_space<vmem>>
    %dma_wait3A_131 = tpu.memref_squeeze %dma_wait3A_130 : memref<1x64xi32, #tpu.memory_space<vmem>> -> memref<64xi32, #tpu.memory_space<vmem>>
    %dma_wait3A_132 = arith.constant 0 : i32
    %dma_wait3A_133 = tpu.memref_slice %arg4[%add3A, %dma_wait3A_121, %dma_wait3A_132] : memref<32x160x64xi32, #tpu.memory_space<hbm>> -> memref<1x1x64xi32, #tpu.memory_space<hbm>>
    %dma_wait3A_134 = tpu.memref_squeeze %dma_wait3A_133 : memref<1x1x64xi32, #tpu.memory_space<hbm>> -> memref<64xi32, #tpu.memory_space<hbm>>
    tpu.wait_dma2 semaphore(%arg17 : memref<!tpu.dma_semaphore, #tpu.memory_space<semaphore_mem>>) src(%dma_wait3A_134 : memref<64xi32, #tpu.memory_space<hbm>>) dst(%dma_wait3A_131 : memref<64xi32, #tpu.memory_space<vmem>>)
    %dma_start3A_135 = arith.constant 0 : i32
    %dma_start3A_136 = arith.constant 0 : i32
    %dma_start3A_137 = tpu.memref_slice %arg7[%dma_start3A_135, %dma_start3A_136] : memref<4x64xi32, #tpu.memory_space<vmem>> -> memref<1x64xi32, #tpu.memory_space<vmem>>
    %dma_start3A_138 = tpu.memref_squeeze %dma_start3A_137 : memref<1x64xi32, #tpu.memory_space<vmem>> -> memref<64xi32, #tpu.memory_space<vmem>>
    %dma_start3A_139 = arith.constant 0 : i32
    %dma_start3A_140 = arith.constant 0 : i32
    %dma_start3A_141 = tpu.memref_slice %arg12[%dma_start3A_139, %dma_start3A_140] : memref<10112x128xf32, #tpu.memory_space<vmem_shared>> -> memref<10112x128xf32, #tpu.memory_space<vmem_shared>>
    tpu.enqueue_indirect_dma source(%arg8 : memref<64x128xf32, #tpu.memory_space<vmem>>) target(%dma_start3A_141 : memref<10112x128xf32, #tpu.memory_space<vmem_shared>>) offsets(%dma_start3A_138 : memref<64xi32, #tpu.memory_space<vmem>>) semaphore(%arg21 : memref<!tpu.dma_semaphore, #tpu.memory_space<semaphore_mem>>) {add = true}
    %dma_wait3A_142 = arith.constant 78 : i32
    %dma_wait3A_143 = arith.constant 64 : i32
    %dma_wait3A_144 = tpu.memref_slice %arg6[%dma_wait3A_142, %dma_wait3A_143] : memref<80x128xi32, #tpu.memory_space<vmem>> -> memref<1x64xi32, #tpu.memory_space<vmem>>
    %dma_wait3A_145 = tpu.memref_squeeze %dma_wait3A_144 : memref<1x64xi32, #tpu.memory_space<vmem>> -> memref<64xi32, #tpu.memory_space<vmem>>
    %dma_wait3A_146 = arith.constant 0 : i32
    %dma_wait3A_147 = arith.constant 0 : i32
    %dma_wait3A_148 = tpu.memref_slice %arg2[%dma_wait3A_146, %dma_wait3A_147] : memref<10001x128xf32, #tpu.memory_space<hbm>> -> memref<10001x128xf32, #tpu.memory_space<hbm>>
    tpu.wait_indirect_dma semaphore(%arg14 : memref<!tpu.dma_semaphore, #tpu.memory_space<semaphore_mem>>) src(%dma_wait3A_148 : memref<10001x128xf32, #tpu.memory_space<hbm>>) dst(%arg9 : memref<64x128xf32, #tpu.memory_space<vmem>>)
    %dma_wait3A_149 = arith.constant 157 : i32
    %dma_wait3A_150 = arith.constant 1 : i32
    %dma_wait3A_151 = arith.constant 0 : i32
    %dma_wait3A_152 = tpu.memref_slice %arg7[%dma_wait3A_150, %dma_wait3A_151] : memref<4x64xi32, #tpu.memory_space<vmem>> -> memref<1x64xi32, #tpu.memory_space<vmem>>
    %dma_wait3A_153 = tpu.memref_squeeze %dma_wait3A_152 : memref<1x64xi32, #tpu.memory_space<vmem>> -> memref<64xi32, #tpu.memory_space<vmem>>
    %dma_wait3A_154 = arith.constant 0 : i32
    %dma_wait3A_155 = tpu.memref_slice %arg4[%add3A, %dma_wait3A_149, %dma_wait3A_154] : memref<32x160x64xi32, #tpu.memory_space<hbm>> -> memref<1x1x64xi32, #tpu.memory_space<hbm>>
    %dma_wait3A_156 = tpu.memref_squeeze %dma_wait3A_155 : memref<1x1x64xi32, #tpu.memory_space<hbm>> -> memref<64xi32, #tpu.memory_space<hbm>>
    %dma_wait3A_157 = arith.constant 0 : i32
    %dma_wait3A_158 = tpu.memref_slice %arg7[%dma_wait3A_150, %dma_wait3A_157] : memref<4x64xi32, #tpu.memory_space<vmem>> -> memref<1x64xi32, #tpu.memory_space<vmem>>
    %dma_wait3A_159 = tpu.memref_squeeze %dma_wait3A_158 : memref<1x64xi32, #tpu.memory_space<vmem>> -> memref<64xi32, #tpu.memory_space<vmem>>
    %dma_wait3A_160 = arith.constant 0 : i32
    %dma_wait3A_161 = tpu.memref_slice %arg4[%add3A, %dma_wait3A_149, %dma_wait3A_160] : memref<32x160x64xi32, #tpu.memory_space<hbm>> -> memref<1x1x64xi32, #tpu.memory_space<hbm>>
    %dma_wait3A_162 = tpu.memref_squeeze %dma_wait3A_161 : memref<1x1x64xi32, #tpu.memory_space<hbm>> -> memref<64xi32, #tpu.memory_space<hbm>>
    tpu.wait_dma2 semaphore(%arg18 : memref<!tpu.dma_semaphore, #tpu.memory_space<semaphore_mem>>) src(%dma_wait3A_162 : memref<64xi32, #tpu.memory_space<hbm>>) dst(%dma_wait3A_159 : memref<64xi32, #tpu.memory_space<vmem>>)
    %dma_start3A_163 = arith.constant 1 : i32
    %dma_start3A_164 = arith.constant 0 : i32
    %dma_start3A_165 = tpu.memref_slice %arg7[%dma_start3A_163, %dma_start3A_164] : memref<4x64xi32, #tpu.memory_space<vmem>> -> memref<1x64xi32, #tpu.memory_space<vmem>>
    %dma_start3A_166 = tpu.memref_squeeze %dma_start3A_165 : memref<1x64xi32, #tpu.memory_space<vmem>> -> memref<64xi32, #tpu.memory_space<vmem>>
    %dma_start3A_167 = arith.constant 0 : i32
    %dma_start3A_168 = arith.constant 0 : i32
    %dma_start3A_169 = tpu.memref_slice %arg12[%dma_start3A_167, %dma_start3A_168] : memref<10112x128xf32, #tpu.memory_space<vmem_shared>> -> memref<10112x128xf32, #tpu.memory_space<vmem_shared>>
    tpu.enqueue_indirect_dma source(%arg9 : memref<64x128xf32, #tpu.memory_space<vmem>>) target(%dma_start3A_169 : memref<10112x128xf32, #tpu.memory_space<vmem_shared>>) offsets(%dma_start3A_166 : memref<64xi32, #tpu.memory_space<vmem>>) semaphore(%arg22 : memref<!tpu.dma_semaphore, #tpu.memory_space<semaphore_mem>>) {add = true}
    %dma_wait3A_170 = arith.constant 79 : i32
    %dma_wait3A_171 = arith.constant 0 : i32
    %dma_wait3A_172 = tpu.memref_slice %arg6[%dma_wait3A_170, %dma_wait3A_171] : memref<80x128xi32, #tpu.memory_space<vmem>> -> memref<1x64xi32, #tpu.memory_space<vmem>>
    %dma_wait3A_173 = tpu.memref_squeeze %dma_wait3A_172 : memref<1x64xi32, #tpu.memory_space<vmem>> -> memref<64xi32, #tpu.memory_space<vmem>>
    %dma_wait3A_174 = arith.constant 0 : i32
    %dma_wait3A_175 = arith.constant 0 : i32
    %dma_wait3A_176 = tpu.memref_slice %arg2[%dma_wait3A_174, %dma_wait3A_175] : memref<10001x128xf32, #tpu.memory_space<hbm>> -> memref<10001x128xf32, #tpu.memory_space<hbm>>
    tpu.wait_indirect_dma semaphore(%arg15 : memref<!tpu.dma_semaphore, #tpu.memory_space<semaphore_mem>>) src(%dma_wait3A_176 : memref<10001x128xf32, #tpu.memory_space<hbm>>) dst(%arg10 : memref<64x128xf32, #tpu.memory_space<vmem>>)
    %dma_wait3A_177 = arith.constant 158 : i32
    %dma_wait3A_178 = arith.constant 2 : i32
    %dma_wait3A_179 = arith.constant 0 : i32
    %dma_wait3A_180 = tpu.memref_slice %arg7[%dma_wait3A_178, %dma_wait3A_179] : memref<4x64xi32, #tpu.memory_space<vmem>> -> memref<1x64xi32, #tpu.memory_space<vmem>>
    %dma_wait3A_181 = tpu.memref_squeeze %dma_wait3A_180 : memref<1x64xi32, #tpu.memory_space<vmem>> -> memref<64xi32, #tpu.memory_space<vmem>>
    %dma_wait3A_182 = arith.constant 0 : i32
    %dma_wait3A_183 = tpu.memref_slice %arg4[%add3A, %dma_wait3A_177, %dma_wait3A_182] : memref<32x160x64xi32, #tpu.memory_space<hbm>> -> memref<1x1x64xi32, #tpu.memory_space<hbm>>
    %dma_wait3A_184 = tpu.memref_squeeze %dma_wait3A_183 : memref<1x1x64xi32, #tpu.memory_space<hbm>> -> memref<64xi32, #tpu.memory_space<hbm>>
    %dma_wait3A_185 = arith.constant 0 : i32
    %dma_wait3A_186 = tpu.memref_slice %arg7[%dma_wait3A_178, %dma_wait3A_185] : memref<4x64xi32, #tpu.memory_space<vmem>> -> memref<1x64xi32, #tpu.memory_space<vmem>>
    %dma_wait3A_187 = tpu.memref_squeeze %dma_wait3A_186 : memref<1x64xi32, #tpu.memory_space<vmem>> -> memref<64xi32, #tpu.memory_space<vmem>>
    %dma_wait3A_188 = arith.constant 0 : i32
    %dma_wait3A_189 = tpu.memref_slice %arg4[%add3A, %dma_wait3A_177, %dma_wait3A_188] : memref<32x160x64xi32, #tpu.memory_space<hbm>> -> memref<1x1x64xi32, #tpu.memory_space<hbm>>
    %dma_wait3A_190 = tpu.memref_squeeze %dma_wait3A_189 : memref<1x1x64xi32, #tpu.memory_space<hbm>> -> memref<64xi32, #tpu.memory_space<hbm>>
    tpu.wait_dma2 semaphore(%arg19 : memref<!tpu.dma_semaphore, #tpu.memory_space<semaphore_mem>>) src(%dma_wait3A_190 : memref<64xi32, #tpu.memory_space<hbm>>) dst(%dma_wait3A_187 : memref<64xi32, #tpu.memory_space<vmem>>)
    %dma_start3A_191 = arith.constant 2 : i32
    %dma_start3A_192 = arith.constant 0 : i32
    %dma_start3A_193 = tpu.memref_slice %arg7[%dma_start3A_191, %dma_start3A_192] : memref<4x64xi32, #tpu.memory_space<vmem>> -> memref<1x64xi32, #tpu.memory_space<vmem>>
    %dma_start3A_194 = tpu.memref_squeeze %dma_start3A_193 : memref<1x64xi32, #tpu.memory_space<vmem>> -> memref<64xi32, #tpu.memory_space<vmem>>
    %dma_start3A_195 = arith.constant 0 : i32
    %dma_start3A_196 = arith.constant 0 : i32
    %dma_start3A_197 = tpu.memref_slice %arg12[%dma_start3A_195, %dma_start3A_196] : memref<10112x128xf32, #tpu.memory_space<vmem_shared>> -> memref<10112x128xf32, #tpu.memory_space<vmem_shared>>
    tpu.enqueue_indirect_dma source(%arg10 : memref<64x128xf32, #tpu.memory_space<vmem>>) target(%dma_start3A_197 : memref<10112x128xf32, #tpu.memory_space<vmem_shared>>) offsets(%dma_start3A_194 : memref<64xi32, #tpu.memory_space<vmem>>) semaphore(%arg23 : memref<!tpu.dma_semaphore, #tpu.memory_space<semaphore_mem>>) {add = true}
    %dma_wait3A_198 = arith.constant 79 : i32
    %dma_wait3A_199 = arith.constant 64 : i32
    %dma_wait3A_200 = tpu.memref_slice %arg6[%dma_wait3A_198, %dma_wait3A_199] : memref<80x128xi32, #tpu.memory_space<vmem>> -> memref<1x64xi32, #tpu.memory_space<vmem>>
    %dma_wait3A_201 = tpu.memref_squeeze %dma_wait3A_200 : memref<1x64xi32, #tpu.memory_space<vmem>> -> memref<64xi32, #tpu.memory_space<vmem>>
    %dma_wait3A_202 = arith.constant 0 : i32
    %dma_wait3A_203 = arith.constant 0 : i32
    %dma_wait3A_204 = tpu.memref_slice %arg2[%dma_wait3A_202, %dma_wait3A_203] : memref<10001x128xf32, #tpu.memory_space<hbm>> -> memref<10001x128xf32, #tpu.memory_space<hbm>>
    tpu.wait_indirect_dma semaphore(%arg16 : memref<!tpu.dma_semaphore, #tpu.memory_space<semaphore_mem>>) src(%dma_wait3A_204 : memref<10001x128xf32, #tpu.memory_space<hbm>>) dst(%arg11 : memref<64x128xf32, #tpu.memory_space<vmem>>)
    %dma_wait3A_205 = arith.constant 159 : i32
    %dma_wait3A_206 = arith.constant 3 : i32
    %dma_wait3A_207 = arith.constant 0 : i32
    %dma_wait3A_208 = tpu.memref_slice %arg7[%dma_wait3A_206, %dma_wait3A_207] : memref<4x64xi32, #tpu.memory_space<vmem>> -> memref<1x64xi32, #tpu.memory_space<vmem>>
    %dma_wait3A_209 = tpu.memref_squeeze %dma_wait3A_208 : memref<1x64xi32, #tpu.memory_space<vmem>> -> memref<64xi32, #tpu.memory_space<vmem>>
    %dma_wait3A_210 = arith.constant 0 : i32
    %dma_wait3A_211 = tpu.memref_slice %arg4[%add3A, %dma_wait3A_205, %dma_wait3A_210] : memref<32x160x64xi32, #tpu.memory_space<hbm>> -> memref<1x1x64xi32, #tpu.memory_space<hbm>>
    %dma_wait3A_212 = tpu.memref_squeeze %dma_wait3A_211 : memref<1x1x64xi32, #tpu.memory_space<hbm>> -> memref<64xi32, #tpu.memory_space<hbm>>
    %dma_wait3A_213 = arith.constant 0 : i32
    %dma_wait3A_214 = tpu.memref_slice %arg7[%dma_wait3A_206, %dma_wait3A_213] : memref<4x64xi32, #tpu.memory_space<vmem>> -> memref<1x64xi32, #tpu.memory_space<vmem>>
    %dma_wait3A_215 = tpu.memref_squeeze %dma_wait3A_214 : memref<1x64xi32, #tpu.memory_space<vmem>> -> memref<64xi32, #tpu.memory_space<vmem>>
    %dma_wait3A_216 = arith.constant 0 : i32
    %dma_wait3A_217 = tpu.memref_slice %arg4[%add3A, %dma_wait3A_205, %dma_wait3A_216] : memref<32x160x64xi32, #tpu.memory_space<hbm>> -> memref<1x1x64xi32, #tpu.memory_space<hbm>>
    %dma_wait3A_218 = tpu.memref_squeeze %dma_wait3A_217 : memref<1x1x64xi32, #tpu.memory_space<hbm>> -> memref<64xi32, #tpu.memory_space<hbm>>
    tpu.wait_dma2 semaphore(%arg20 : memref<!tpu.dma_semaphore, #tpu.memory_space<semaphore_mem>>) src(%dma_wait3A_218 : memref<64xi32, #tpu.memory_space<hbm>>) dst(%dma_wait3A_215 : memref<64xi32, #tpu.memory_space<vmem>>)
    %dma_start3A_219 = arith.constant 3 : i32
    %dma_start3A_220 = arith.constant 0 : i32
    %dma_start3A_221 = tpu.memref_slice %arg7[%dma_start3A_219, %dma_start3A_220] : memref<4x64xi32, #tpu.memory_space<vmem>> -> memref<1x64xi32, #tpu.memory_space<vmem>>
    %dma_start3A_222 = tpu.memref_squeeze %dma_start3A_221 : memref<1x64xi32, #tpu.memory_space<vmem>> -> memref<64xi32, #tpu.memory_space<vmem>>
    %dma_start3A_223 = arith.constant 0 : i32
    %dma_start3A_224 = arith.constant 0 : i32
    %dma_start3A_225 = tpu.memref_slice %arg12[%dma_start3A_223, %dma_start3A_224] : memref<10112x128xf32, #tpu.memory_space<vmem_shared>> -> memref<10112x128xf32, #tpu.memory_space<vmem_shared>>
    tpu.enqueue_indirect_dma source(%arg11 : memref<64x128xf32, #tpu.memory_space<vmem>>) target(%dma_start3A_225 : memref<10112x128xf32, #tpu.memory_space<vmem_shared>>) offsets(%dma_start3A_222 : memref<64xi32, #tpu.memory_space<vmem>>) semaphore(%arg24 : memref<!tpu.dma_semaphore, #tpu.memory_space<semaphore_mem>>) {add = true}
    %dma_wait3A_226 = arith.constant 0 : i32
    %dma_wait3A_227 = arith.constant 0 : i32
    %dma_wait3A_228 = tpu.memref_slice %arg7[%dma_wait3A_226, %dma_wait3A_227] : memref<4x64xi32, #tpu.memory_space<vmem>> -> memref<1x64xi32, #tpu.memory_space<vmem>>
    %dma_wait3A_229 = tpu.memref_squeeze %dma_wait3A_228 : memref<1x64xi32, #tpu.memory_space<vmem>> -> memref<64xi32, #tpu.memory_space<vmem>>
    %dma_wait3A_230 = arith.constant 0 : i32
    %dma_wait3A_231 = arith.constant 0 : i32
    %dma_wait3A_232 = tpu.memref_slice %arg12[%dma_wait3A_230, %dma_wait3A_231] : memref<10112x128xf32, #tpu.memory_space<vmem_shared>> -> memref<10112x128xf32, #tpu.memory_space<vmem_shared>>
    tpu.wait_indirect_dma semaphore(%arg21 : memref<!tpu.dma_semaphore, #tpu.memory_space<semaphore_mem>>) src(%arg8 : memref<64x128xf32, #tpu.memory_space<vmem>>) dst(%dma_wait3A_232 : memref<10112x128xf32, #tpu.memory_space<vmem_shared>>)
    %dma_wait3A_233 = arith.constant 1 : i32
    %dma_wait3A_234 = arith.constant 0 : i32
    %dma_wait3A_235 = tpu.memref_slice %arg7[%dma_wait3A_233, %dma_wait3A_234] : memref<4x64xi32, #tpu.memory_space<vmem>> -> memref<1x64xi32, #tpu.memory_space<vmem>>
    %dma_wait3A_236 = tpu.memref_squeeze %dma_wait3A_235 : memref<1x64xi32, #tpu.memory_space<vmem>> -> memref<64xi32, #tpu.memory_space<vmem>>
    %dma_wait3A_237 = arith.constant 0 : i32
    %dma_wait3A_238 = arith.constant 0 : i32
    %dma_wait3A_239 = tpu.memref_slice %arg12[%dma_wait3A_237, %dma_wait3A_238] : memref<10112x128xf32, #tpu.memory_space<vmem_shared>> -> memref<10112x128xf32, #tpu.memory_space<vmem_shared>>
    tpu.wait_indirect_dma semaphore(%arg22 : memref<!tpu.dma_semaphore, #tpu.memory_space<semaphore_mem>>) src(%arg9 : memref<64x128xf32, #tpu.memory_space<vmem>>) dst(%dma_wait3A_239 : memref<10112x128xf32, #tpu.memory_space<vmem_shared>>)
    %dma_wait3A_240 = arith.constant 2 : i32
    %dma_wait3A_241 = arith.constant 0 : i32
    %dma_wait3A_242 = tpu.memref_slice %arg7[%dma_wait3A_240, %dma_wait3A_241] : memref<4x64xi32, #tpu.memory_space<vmem>> -> memref<1x64xi32, #tpu.memory_space<vmem>>
    %dma_wait3A_243 = tpu.memref_squeeze %dma_wait3A_242 : memref<1x64xi32, #tpu.memory_space<vmem>> -> memref<64xi32, #tpu.memory_space<vmem>>
    %dma_wait3A_244 = arith.constant 0 : i32
    %dma_wait3A_245 = arith.constant 0 : i32
    %dma_wait3A_246 = tpu.memref_slice %arg12[%dma_wait3A_244, %dma_wait3A_245] : memref<10112x128xf32, #tpu.memory_space<vmem_shared>> -> memref<10112x128xf32, #tpu.memory_space<vmem_shared>>
    tpu.wait_indirect_dma semaphore(%arg23 : memref<!tpu.dma_semaphore, #tpu.memory_space<semaphore_mem>>) src(%arg10 : memref<64x128xf32, #tpu.memory_space<vmem>>) dst(%dma_wait3A_246 : memref<10112x128xf32, #tpu.memory_space<vmem_shared>>)
    %dma_wait3A_247 = arith.constant 3 : i32
    %dma_wait3A_248 = arith.constant 0 : i32
    %dma_wait3A_249 = tpu.memref_slice %arg7[%dma_wait3A_247, %dma_wait3A_248] : memref<4x64xi32, #tpu.memory_space<vmem>> -> memref<1x64xi32, #tpu.memory_space<vmem>>
    %dma_wait3A_250 = tpu.memref_squeeze %dma_wait3A_249 : memref<1x64xi32, #tpu.memory_space<vmem>> -> memref<64xi32, #tpu.memory_space<vmem>>
    %dma_wait3A_251 = arith.constant 0 : i32
    %dma_wait3A_252 = arith.constant 0 : i32
    %dma_wait3A_253 = tpu.memref_slice %arg12[%dma_wait3A_251, %dma_wait3A_252] : memref<10112x128xf32, #tpu.memory_space<vmem_shared>> -> memref<10112x128xf32, #tpu.memory_space<vmem_shared>>
    tpu.wait_indirect_dma semaphore(%arg24 : memref<!tpu.dma_semaphore, #tpu.memory_space<semaphore_mem>>) src(%arg11 : memref<64x128xf32, #tpu.memory_space<vmem>>) dst(%dma_wait3A_253 : memref<10112x128xf32, #tpu.memory_space<vmem_shared>>)
    %barrier3A_254 = arith.constant 0 : index
    tpu.barrier barrier_id(%barrier3A_254)
    "tpu.region"() ({
      %run_scoped3A = tpu.sem_alloc : memref<!tpu.dma_semaphore, #tpu.memory_space<semaphore_mem>>
      %dma_start3A_255 = arith.constant 0 : i32
      %dma_start3A_256 = tpu.memref_slice %arg5[%arg0, %mul3A_6, %dma_start3A_255] : memref<2x10112x128xf32, #tpu.memory_space<hbm>> -> memref<1x632x128xf32, #tpu.memory_space<hbm>>
      %dma_start3A_257 = tpu.memref_squeeze %dma_start3A_256 : memref<1x632x128xf32, #tpu.memory_space<hbm>> -> memref<632x128xf32, #tpu.memory_space<hbm>>
      %dma_start3A_258 = arith.constant 0 : i32
      %dma_start3A_259 = tpu.memref_slice %arg12[%mul3A_6, %dma_start3A_258] : memref<10112x128xf32, #tpu.memory_space<vmem_shared>> -> memref<632x128xf32, #tpu.memory_space<vmem_shared>>
      tpu.enqueue_dma source(%dma_start3A_259 : memref<632x128xf32, #tpu.memory_space<vmem_shared>>) target(%dma_start3A_257 : memref<632x128xf32, #tpu.memory_space<hbm>>) target_semaphore(%run_scoped3A : memref<!tpu.dma_semaphore, #tpu.memory_space<semaphore_mem>>)
      %dma_wait3A_260 = arith.constant 0 : i32
      %dma_wait3A_261 = tpu.memref_slice %arg5[%arg0, %mul3A_6, %dma_wait3A_260] : memref<2x10112x128xf32, #tpu.memory_space<hbm>> -> memref<1x632x128xf32, #tpu.memory_space<hbm>>
      %dma_wait3A_262 = tpu.memref_squeeze %dma_wait3A_261 : memref<1x632x128xf32, #tpu.memory_space<hbm>> -> memref<632x128xf32, #tpu.memory_space<hbm>>
      %dma_wait3A_263 = arith.constant 0 : i32
      %dma_wait3A_264 = tpu.memref_slice %arg12[%mul3A_6, %dma_wait3A_263] : memref<10112x128xf32, #tpu.memory_space<vmem_shared>> -> memref<632x128xf32, #tpu.memory_space<vmem_shared>>
      tpu.wait_dma2 semaphore(%run_scoped3A : memref<!tpu.dma_semaphore, #tpu.memory_space<semaphore_mem>>) src(%dma_wait3A_264 : memref<632x128xf32, #tpu.memory_space<vmem_shared>>) dst(%dma_wait3A_262 : memref<632x128xf32, #tpu.memory_space<hbm>>)
      tpu.yield
    }) : () -> ()
    return
  }
}

module attributes {stable_mosaic.version = 14 : i64} {
  func.func @body(%arg0: memref<10000x128xf32, #tpu.memory_space<vmem>>, %arg1: memref<10000x32xf32, #tpu.memory_space<vmem>>, %arg2: memref<10000x32xf32, #tpu.memory_space<vmem>>, %arg3: memref<10000x128xf32, #tpu.memory_space<vmem>>, %arg4: memref<10000x1xf32, #tpu.memory_space<vmem>>, %arg5: memref<10000x1xf32, #tpu.memory_space<vmem>>) attributes {dimension_semantics = [], scalar_prefetch = 0 : i64, scratch_operands = 0 : i64, tpu.core_type = #tpu.core_type<tc>} {
    %get3A = arith.constant 0 : index
    %get3A_0 = arith.constant 0 : index
    %get3A_1 = vector.load %arg1[%get3A, %get3A_0] : memref<10000x32xf32, #tpu.memory_space<vmem>>, vector<10000x32xf32>
    %reduce_sum3A = arith.constant dense<0.000000e+00> : vector<10000xf32>
    %reduce_sum3A_2 = vector.multi_reduction <add>, %get3A_1, %reduce_sum3A [1] : vector<10000x32xf32> to vector<10000xf32>
    %broadcast_in_dim3A = vector.shape_cast %reduce_sum3A_2 : vector<10000xf32> to vector<10000x1xf32>
    %get3A_3 = arith.constant 0 : index
    %get3A_4 = arith.constant 0 : index
    %get3A_5 = vector.load %arg2[%get3A_3, %get3A_4] : memref<10000x32xf32, #tpu.memory_space<vmem>>, vector<10000x32xf32>
    %reduce_sum3A_6 = arith.constant dense<0.000000e+00> : vector<10000xf32>
    %reduce_sum3A_7 = vector.multi_reduction <add>, %get3A_5, %reduce_sum3A_6 [1] : vector<10000x32xf32> to vector<10000xf32>
    %broadcast_in_dim3A_8 = vector.shape_cast %reduce_sum3A_7 : vector<10000xf32> to vector<10000x1xf32>
    %gt3A = arith.constant 0.000000e+00 : f32
    %gt3A_9 = vector.broadcast %gt3A : f32 to vector<10000x1xf32>
    %gt3A_10 = arith.cmpf ogt, %broadcast_in_dim3A, %gt3A_9 : vector<10000x1xf32>
    %max3A = arith.constant 1.000000e+00 : f32
    %max3A_11 = vector.broadcast %max3A : f32 to vector<10000x1xf32>
    %max3A_12 = arith.maximumf %broadcast_in_dim3A, %max3A_11 : vector<10000x1xf32>
    %rsqrt3A = math.rsqrt %max3A_12 : vector<10000x1xf32>
    %jit3A = arith.constant 0.000000e+00 : f32
    %broadcast_in_dim3A_13 = vector.broadcast %jit3A : f32 to vector<10000x1xf32>
    %select_n3A = arith.select %gt3A_10, %rsqrt3A, %broadcast_in_dim3A_13 : vector<10000x1xi1>, vector<10000x1xf32>
    %gt3A_14 = arith.constant 0.000000e+00 : f32
    %gt3A_15 = vector.broadcast %gt3A_14 : f32 to vector<10000x1xf32>
    %gt3A_16 = arith.cmpf ogt, %broadcast_in_dim3A_8, %gt3A_15 : vector<10000x1xf32>
    %max3A_17 = arith.constant 1.000000e+00 : f32
    %max3A_18 = vector.broadcast %max3A_17 : f32 to vector<10000x1xf32>
    %max3A_19 = arith.maximumf %broadcast_in_dim3A_8, %max3A_18 : vector<10000x1xf32>
    %rsqrt3A_20 = math.rsqrt %max3A_19 : vector<10000x1xf32>
    %jit3A_21 = arith.constant 0.000000e+00 : f32
    %broadcast_in_dim3A_22 = vector.broadcast %jit3A_21 : f32 to vector<10000x1xf32>
    %select_n3A_23 = arith.select %gt3A_16, %rsqrt3A_20, %broadcast_in_dim3A_22 : vector<10000x1xi1>, vector<10000x1xf32>
    %swap3A = arith.constant 0 : index
    %swap3A_24 = arith.constant 0 : index
    %swap3A_25 = vector.load %arg4[%swap3A, %swap3A_24] : memref<10000x1xf32, #tpu.memory_space<vmem>>, vector<10000x1xf32>
    tpu.vector_store %arg4[%swap3A, %swap3A_24], %select_n3A {strides = array<i32>} : memref<10000x1xf32, #tpu.memory_space<vmem>>, vector<10000x1xf32>,
    %swap3A_26 = arith.constant 0 : index
    %swap3A_27 = arith.constant 0 : index
    %swap3A_28 = vector.load %arg5[%swap3A_26, %swap3A_27] : memref<10000x1xf32, #tpu.memory_space<vmem>>, vector<10000x1xf32>
    tpu.vector_store %arg5[%swap3A_26, %swap3A_27], %select_n3A_23 {strides = array<i32>} : memref<10000x1xf32, #tpu.memory_space<vmem>>, vector<10000x1xf32>,
    %get3A_29 = arith.constant 0 : index
    %get3A_30 = arith.constant 0 : index
    %get3A_31 = vector.load %arg0[%get3A_29, %get3A_30] : memref<10000x128xf32, #tpu.memory_space<vmem>>, vector<10000x128xf32>
    %mul3A = vector.broadcast %select_n3A : vector<10000x1xf32> to vector<10000x128xf32>
    %mul3A_32 = arith.mulf %get3A_31, %mul3A : vector<10000x128xf32>
    %swap3A_33 = arith.constant 0 : index
    %swap3A_34 = arith.constant 0 : index
    %swap3A_35 = vector.load %arg3[%swap3A_33, %swap3A_34] : memref<10000x128xf32, #tpu.memory_space<vmem>>, vector<10000x128xf32>
    tpu.vector_store %arg3[%swap3A_33, %swap3A_34], %mul3A_32 {strides = array<i32>} : memref<10000x128xf32, #tpu.memory_space<vmem>>, vector<10000x128xf32>,
    return
  }
}

module attributes {stable_mosaic.version = 14 : i64} {
  func.func @body(%arg0: i32, %arg1: memref<2x2000x128xf32, #tpu.memory_space<vmem>>, %arg2: memref<2000x1xf32, #tpu.memory_space<vmem>>, %arg3: memref<2000x1xf32, #tpu.memory_space<vmem>>, %arg4: memref<128x256xf32, #tpu.memory_space<vmem>>, %arg5: memref<1x256xf32, #tpu.memory_space<vmem>>, %arg6: memref<256x64xf32, #tpu.memory_space<vmem>>, %arg7: memref<2000x64xf32, #tpu.memory_space<vmem>>) attributes {dimension_semantics = [#tpu.dimension_semantics<arbitrary>], iteration_bounds = array<i64: 5>, scalar_prefetch = 0 : i64, scratch_operands = 0 : i64, tpu.core_type = #tpu.core_type<tc>, window_params = [{transform_indices = @transform_0, window_bounds = array<i64: 2, 2000, 128>}, {transform_indices = @transform_1, window_bounds = array<i64: 2000, 1>}, {transform_indices = @transform_2, window_bounds = array<i64: 2000, 1>}, {pipeline_mode = #tpu.pipeline_mode<synchronous>, transform_indices = @transform_3, window_bounds = array<i64: 128, 256>}, {pipeline_mode = #tpu.pipeline_mode<synchronous>, transform_indices = @transform_4, window_bounds = array<i64: 1, 256>}, {pipeline_mode = #tpu.pipeline_mode<synchronous>, transform_indices = @transform_5, window_bounds = array<i64: 256, 64>}, {transform_indices = @transform_6, window_bounds = array<i64: 2000, 64>}]} {
    %get3A = arith.constant 0 : index
    %get3A_0 = arith.constant 0 : index
    %get3A_1 = arith.constant 0 : index
    %get3A_2 = vector.load %arg1[%get3A, %get3A_0, %get3A_1] : memref<2x2000x128xf32, #tpu.memory_space<vmem>>, vector<1x2000x128xf32>
    %get3A_3 = vector.shape_cast %get3A_2 : vector<1x2000x128xf32> to vector<2000x128xf32>
    %get3A_4 = arith.constant 1 : index
    %get3A_5 = arith.constant 0 : index
    %get3A_6 = arith.constant 0 : index
    %get3A_7 = vector.load %arg1[%get3A_4, %get3A_5, %get3A_6] : memref<2x2000x128xf32, #tpu.memory_space<vmem>>, vector<1x2000x128xf32>
    %get3A_8 = vector.shape_cast %get3A_7 : vector<1x2000x128xf32> to vector<2000x128xf32>
    %add3A = arith.addf %get3A_3, %get3A_8 : vector<2000x128xf32>
    %get3A_9 = arith.constant 0 : index
    %get3A_10 = arith.constant 0 : index
    %get3A_11 = vector.load %arg2[%get3A_9, %get3A_10] : memref<2000x1xf32, #tpu.memory_space<vmem>>, vector<2000x1xf32>
    %mul3A = vector.broadcast %get3A_11 : vector<2000x1xf32> to vector<2000x128xf32>
    %mul3A_12 = arith.mulf %add3A, %mul3A : vector<2000x128xf32>
    %get3A_13 = arith.constant 0 : index
    %get3A_14 = arith.constant 0 : index
    %get3A_15 = vector.load %arg4[%get3A_13, %get3A_14] : memref<128x256xf32, #tpu.memory_space<vmem>>, vector<128x256xf32>
    %dot_general3A = arith.constant dense<0.000000e+00> : vector<2000x256xf32>
    %dot_general3A_16 = tpu.matmul %mul3A_12, %get3A_15, %dot_general3A {dimension_numbers = #tpu.dot_dimension_numbers<[1], [0], [0], [1], [0, 0, 1, 1], [], []>, transpose_lhs_hint = false} : vector<2000x128xf32>, vector<128x256xf32>, vector<2000x256xf32> -> vector<2000x256xf32>
    %get3A_17 = arith.constant 0 : index
    %get3A_18 = arith.constant 0 : index
    %get3A_19 = vector.load %arg5[%get3A_17, %get3A_18] : memref<1x256xf32, #tpu.memory_space<vmem>>, vector<1x256xf32>
    %add3A_20 = vector.broadcast %get3A_19 : vector<1x256xf32> to vector<2000x256xf32>
    %add3A_21 = arith.addf %dot_general3A_16, %add3A_20 : vector<2000x256xf32>
    %max3A = arith.constant 0.000000e+00 : f32
    %max3A_22 = vector.broadcast %max3A : f32 to vector<2000x256xf32>
    %max3A_23 = arith.maximumf %add3A_21, %max3A_22 : vector<2000x256xf32>
    %get3A_24 = arith.constant 0 : index
    %get3A_25 = arith.constant 0 : index
    %get3A_26 = vector.load %arg3[%get3A_24, %get3A_25] : memref<2000x1xf32, #tpu.memory_space<vmem>>, vector<2000x1xf32>
    %mul3A_27 = vector.broadcast %get3A_26 : vector<2000x1xf32> to vector<2000x256xf32>
    %mul3A_28 = arith.mulf %max3A_23, %mul3A_27 : vector<2000x256xf32>
    %get3A_29 = arith.constant 0 : index
    %get3A_30 = arith.constant 0 : index
    %get3A_31 = vector.load %arg6[%get3A_29, %get3A_30] : memref<256x64xf32, #tpu.memory_space<vmem>>, vector<256x64xf32>
    %dot_general3A_32 = arith.constant dense<0.000000e+00> : vector<2000x64xf32>
    %dot_general3A_33 = tpu.matmul %mul3A_28, %get3A_31, %dot_general3A_32 {dimension_numbers = #tpu.dot_dimension_numbers<[1], [0], [0], [1], [0, 0, 1, 1], [], []>, transpose_lhs_hint = false} : vector<2000x256xf32>, vector<256x64xf32>, vector<2000x64xf32> -> vector<2000x64xf32>
    %swap3A = arith.constant 0 : index
    %swap3A_34 = arith.constant 0 : index
    %swap3A_35 = vector.load %arg7[%swap3A, %swap3A_34] : memref<2000x64xf32, #tpu.memory_space<vmem>>, vector<2000x64xf32>
    tpu.vector_store %arg7[%swap3A, %swap3A_34], %dot_general3A_33 {strides = array<i32>} : memref<2000x64xf32, #tpu.memory_space<vmem>>, vector<2000x64xf32>,
    return
  }
  func.func @transform_0(%arg0: i32) -> (i32, i32, i32) {
    %c0_i32 = arith.constant 0 : i32
    %c0_i32_0 = arith.constant 0 : i32
    %c0_i32_1 = arith.constant 0 : i32
    return %c0_i32, %arg0, %c0_i32_0 : i32, i32, i32
  }
  func.func @transform_1(%arg0: i32) -> (i32, i32) {
    %c0_i32 = arith.constant 0 : i32
    %c0_i32_0 = arith.constant 0 : i32
    return %arg0, %c0_i32 : i32, i32
  }
  func.func @transform_2(%arg0: i32) -> (i32, i32) {
    %c0_i32 = arith.constant 0 : i32
    %c0_i32_0 = arith.constant 0 : i32
    return %arg0, %c0_i32 : i32, i32
  }
  func.func @transform_3(%arg0: i32) -> (i32, i32) {
    %c0_i32 = arith.constant 0 : i32
    %c0_i32_0 = arith.constant 0 : i32
    %c0_i32_1 = arith.constant 0 : i32
    return %c0_i32, %c0_i32_0 : i32, i32
  }
  func.func @transform_4(%arg0: i32) -> (i32, i32) {
    %c0_i32 = arith.constant 0 : i32
    %c0_i32_0 = arith.constant 0 : i32
    %c0_i32_1 = arith.constant 0 : i32
    return %c0_i32, %c0_i32_0 : i32, i32
  }
  func.func @transform_5(%arg0: i32) -> (i32, i32) {
    %c0_i32 = arith.constant 0 : i32
    %c0_i32_0 = arith.constant 0 : i32
    %c0_i32_1 = arith.constant 0 : i32
    return %c0_i32, %c0_i32_0 : i32, i32
  }
  func.func @transform_6(%arg0: i32) -> (i32, i32) {
    %c0_i32 = arith.constant 0 : i32
    %c0_i32_0 = arith.constant 0 : i32
    return %arg0, %c0_i32 : i32, i32
  }
}

module attributes {stable_mosaic.version = 14 : i64} {
  func.func @body(%arg0: memref<2x10000x64xf32, #tpu.memory_space<vmem>>, %arg1: memref<10000x1xf32, #tpu.memory_space<vmem>>, %arg2: memref<1x64xf32, #tpu.memory_space<vmem>>, %arg3: memref<10000x64xf32, #tpu.memory_space<vmem>>) attributes {dimension_semantics = [], scalar_prefetch = 0 : i64, scratch_operands = 0 : i64, tpu.core_type = #tpu.core_type<tc>} {
    %get3A = arith.constant 0 : index
    %get3A_0 = arith.constant 0 : index
    %get3A_1 = arith.constant 0 : index
    %get3A_2 = vector.load %arg0[%get3A, %get3A_0, %get3A_1] : memref<2x10000x64xf32, #tpu.memory_space<vmem>>, vector<1x10000x64xf32>
    %get3A_3 = vector.shape_cast %get3A_2 : vector<1x10000x64xf32> to vector<10000x64xf32>
    %get3A_4 = arith.constant 1 : index
    %get3A_5 = arith.constant 0 : index
    %get3A_6 = arith.constant 0 : index
    %get3A_7 = vector.load %arg0[%get3A_4, %get3A_5, %get3A_6] : memref<2x10000x64xf32, #tpu.memory_space<vmem>>, vector<1x10000x64xf32>
    %get3A_8 = vector.shape_cast %get3A_7 : vector<1x10000x64xf32> to vector<10000x64xf32>
    %add3A = arith.addf %get3A_3, %get3A_8 : vector<10000x64xf32>
    %get3A_9 = arith.constant 0 : index
    %get3A_10 = arith.constant 0 : index
    %get3A_11 = vector.load %arg1[%get3A_9, %get3A_10] : memref<10000x1xf32, #tpu.memory_space<vmem>>, vector<10000x1xf32>
    %mul3A = vector.broadcast %get3A_11 : vector<10000x1xf32> to vector<10000x64xf32>
    %mul3A_12 = arith.mulf %add3A, %mul3A : vector<10000x64xf32>
    %get3A_13 = arith.constant 0 : index
    %get3A_14 = arith.constant 0 : index
    %get3A_15 = vector.load %arg2[%get3A_13, %get3A_14] : memref<1x64xf32, #tpu.memory_space<vmem>>, vector<1x64xf32>
    %add3A_16 = vector.broadcast %get3A_15 : vector<1x64xf32> to vector<10000x64xf32>
    %add3A_17 = arith.addf %mul3A_12, %add3A_16 : vector<10000x64xf32>
    %max3A = arith.constant 0.000000e+00 : f32
    %max3A_18 = vector.broadcast %max3A : f32 to vector<10000x64xf32>
    %max3A_19 = arith.maximumf %add3A_17, %max3A_18 : vector<10000x64xf32>
    %swap3A = arith.constant 0 : index
    %swap3A_20 = arith.constant 0 : index
    %swap3A_21 = vector.load %arg3[%swap3A, %swap3A_20] : memref<10000x64xf32, #tpu.memory_space<vmem>>, vector<10000x64xf32>
    tpu.vector_store %arg3[%swap3A, %swap3A_20], %max3A_19 {strides = array<i32>} : memref<10000x64xf32, #tpu.memory_space<vmem>>, vector<10000x64xf32>,
    return
  }
}

</mosaic_0001>

<sc_bundles>
// kernel: kernel.11.cloned.1.call-start
scs
__scs_entry_jumppad:
0x0: {  	(pc) =	sbr.rel $0x88, $3  }
0x1: {  	(tag) =	ssettag $0x0;
	lr =	simm.s32 $0x1  }
0x2: {  	[smem:$0x3F9B] =	sst lr;
	_ =	strace $0xD0000000  }
0x3: {  	_ = 	snop  }
0x4: {  	_ = 	snop  }
0x5: {  	_ = 	snop  }
0x6: {  	_ = 	snop  }
0x7: {  	_ = 	snop  }
__scs_overlays_trampoline_lowered:
0x8: {  	[smem:$0x3FAA] =	sst s0  }
0x9: {  	[smem:$0x3FAB] =	sst s1  }
0xa: {  	[smem:$0x3FAC] =	sst s2  }
0xb: {  	[smem:$0x3FAD] =	sst s3  }
0xc: {  	[smem:$0x3FAE] =	sst s4  }
0xd: {  	[smem:$0x3FAF] =	sst s5  }
0xe: {  	[smem:$0x3FB0] =	sst s6  }
0xf: {  	[smem:$0x3FB1] =	sst s7  }
0x10: {  	[smem:$0x3FB2] =	sst s8  }
0x11: {  	[smem:$0x3FB3] =	sst s9;
	s0 =	simm.s32 @!p0 $0x0  }
0x12: {  	s1 =	sld [smem:$0x3F99];
	s0 =	simm.s32 @p0 $0x1  }
0x13: {  	[smem:$0x3FB4] =	sst s0;
	s0 =	simm.s32 @!p1 $0x0  }
0x14: {  	s2 =	sld [smem:$0x3F98];
	s0 =	simm.s32 @p1 $0x1  }
0x15: {  	[smem:$0x3FB5] =	sst s0;
	s0 =	simm.s32 @!p2 $0x0  }
0x16: {  	s3 =	sld [smem:$0x3FDB];
	s0 =	simm.s32 @p2 $0x1  }
0x17: {  	s4 =	simm.s32 $0x1BF5;
	[smem:$0x3FB7] =	sst s0  }
0x18: {  	s0 =	sld [smem:$0x3F9A];
	_ =	swait.ge [sflag:s4], $0x0  }
0x19: {  	s7 =	sld [smem:$0x3F9B]  }
0x1a: {  	s8 =	sadd.s32 $0xFFFFE003, lr  }
0x1b: {  	s9 =	sadd.s32 $0xFFFFFEF7, lr;
	s5 =	simm.s32 $0xFFFFFFFF;
	p2 =	slt.u32 s8, $0xFFFFF086  }
0x1c: {  	p1 =	slt.u32 s9, $0xF7A;
	s5 =	simm.s32 @!p2 $0x0  }
0x1d: {  	s5 =	simm.s32 @p1 $0x1;
	p0 =	seq.s32 s7, s2  }
0x1e: {  	s7 =	smul.u32 @!p0 $0xF7A, s2;
	p2 =	seq.s32 @!p0 s5, $0x0  }
0x1f: {  	s9 =	smul.u32 $0xF7A, s1;
	s8 =	simm.s32 @!p0 $0x1BF5;
	p2 =	por !p2, p0  }
0x20: {  	[sflag:s8] =	ssyncset.s32 @!p0 $0xFFFFF086;
	s6 =	sadd.s32 @!p0 s3, s7;
	s7 =	simm.s32 @!p0 $0x108  }
0x21: {  	s3 =	sadd.s32 s3, s9;
	s6 =	sadd.s32 @!p0 $0x88, s6;
	s7 =	simm.s32 @p2 $0x1082  }
0x22: {  	[simem:s7], [sflag:s8] =	dma.local @!p0 [hbm:s6], $0xF7A  }
0x23: {  	s9 =	sor.u32 $0xD0000000, s2;
	s6 =	simm.s32 $0x108;
	_ =	swait.ge @!p0 [sflag:s8], $0x0  }
0x24: {  	s3 =	sadd.s32 $0x88, s3;
	s6 =	simm.s32 @!p1 $0x1082;
	[sflag:s4] =	ssyncset.s32 $0xFFFFF086  }
0x25: {  	[simem:s6], [sflag:s4] =	dma.local [hbm:s3], $0xF7A  }
0x26: {  	[smem:$0x3F9B] =	sst s1;
	(tag) =	ssettag s2;
	_ =	strace s9  }
0x27: {  	s1 =	sld [smem:$0x3FAB]  }
0x28: {  	s2 =	sld [smem:$0x3FAC]  }
0x29: {  	s4 =	sld [smem:$0x3FAE]  }
0x2a: {  	p0 =	seq.s32 s5, $0x0;
	s5 =	sld [smem:$0x3FAF]  }
0x2b: {  	s6 =	sld [smem:$0x3FB0]  }
0x2c: {  	s7 =	sld [smem:$0x3FB1]  }
0x2d: {  	s3 =	simm.s32 $0x108;
	s8 =	sld [smem:$0x3FB2]  }
0x2e: {  	s3 =	simm.s32 @!p0 $0x1082;
	s9 =	sld [smem:$0x3FB3]  }
0x2f: {  	lr =	sadd.s32 s0, s3;
	s0 =	sld [smem:$0x3FAA]  }
0x30: {  	s3 =	sld [smem:$0x3FAD]  }
0x31: {  	[smem:$0x3FB6] =	sst s10  }
0x32: {  	s10 =	sld [smem:$0x3FB4];
	_ =	sdelay $0x3  }
0x33: {  	p0 =	seq.s32 s10, $0x1;
	s10 =	sld [smem:$0x3FB6];
	_ =	sdelay $0x3  }
0x34: {  	[smem:$0x3FB6] =	sst s10  }
0x35: {  	s10 =	sld [smem:$0x3FB5];
	_ =	sdelay $0x3  }
0x36: {  	p1 =	seq.s32 s10, $0x1;
	s10 =	sld [smem:$0x3FB6];
	_ =	sdelay $0x3  }
0x37: {  	[smem:$0x3FB6] =	sst s10  }
0x38: {  	s10 =	sld [smem:$0x3FB7]  }
0x39: {  	_ = 	snop;
	(pc) =	sbr.ind lr, $3  }
0x3a: {  	_ = 	snop  }
0x3b: {  	_ = 	snop  }
0x3c: {  	p2 =	seq.s32 s10, $0x1;
	s10 =	sld [smem:$0x3FB6]  }
0x3d: {  	_ =	shalt  }
0x3e: {  	_ =	shalt  }
0x3f: {  	_ =	shalt  }
0x40: {  	_ =	shalt  }
0x41: {  	_ =	shalt  }
0x42: {  	_ =	shalt  }
0x43: {  	_ =	shalt  }
0x44: {  	_ =	shalt  }
0x45: {  	_ =	shalt  }
0x46: {  	_ =	shalt  }
0x47: {  	_ =	shalt  }
0x48: {  	_ =	shalt  }
0x49: {  	_ =	shalt  }
0x4a: {  	_ =	shalt  }
0x4b: {  	_ =	shalt  }
0x4c: {  	_ =	shalt  }
0x4d: {  	_ =	shalt  }
0x4e: {  	_ =	shalt  }
0x4f: {  	_ =	shalt  }
0x50: {  	_ =	shalt  }
0x51: {  	_ =	shalt  }
0x52: {  	_ =	shalt  }
0x53: {  	_ =	shalt  }
0x54: {  	_ =	shalt  }
0x55: {  	_ =	shalt  }
0x56: {  	_ =	shalt  }
0x57: {  	_ =	shalt  }
0x58: {  	_ =	shalt  }
0x59: {  	_ =	shalt  }
0x5a: {  	_ =	shalt  }
0x5b: {  	_ =	shalt  }
0x5c: {  	_ =	shalt  }
0x5d: {  	_ =	shalt  }
0x5e: {  	_ =	shalt  }
0x5f: {  	_ =	shalt  }
0x60: {  	_ =	shalt  }
0x61: {  	_ =	shalt  }
0x62: {  	_ =	shalt  }
0x63: {  	_ =	shalt  }
0x64: {  	_ =	shalt  }
0x65: {  	_ =	shalt  }
0x66: {  	_ =	shalt  }
0x67: {  	_ =	shalt  }
0x68: {  	_ =	shalt  }
0x69: {  	_ =	shalt  }
0x6a: {  	_ =	shalt  }
0x6b: {  	_ =	shalt  }
0x6c: {  	_ =	shalt  }
0x6d: {  	_ =	shalt  }
0x6e: {  	_ =	shalt  }
0x6f: {  	_ =	shalt  }
0x70: {  	_ =	shalt  }
0x71: {  	_ =	shalt  }
0x72: {  	_ =	shalt  }
0x73: {  	_ =	shalt  }
0x74: {  	_ =	shalt  }
0x75: {  	_ =	shalt  }
0x76: {  	_ =	shalt  }
0x77: {  	_ =	shalt  }
0x78: {  	_ =	shalt  }
0x79: {  	_ =	shalt  }
0x7a: {  	_ =	shalt  }
0x7b: {  	_ =	shalt  }
0x7c: {  	_ =	shalt  }
0x7d: {  	_ =	shalt  }
0x7e: {  	_ =	shalt  }
0x7f: {  	_ =	shalt  }
0x80: {  	_ =	shalt  }
0x81: {  	_ =	shalt  }
0x82: {  	_ =	shalt  }
0x83: {  	_ =	shalt  }
0x84: {  	_ =	shalt  }
0x85: {  	_ =	shalt  }
0x86: {  	_ =	shalt  }
0x87: {  	_ =	shalt  }
.Lfunc_end0:
.L_simem_size_0:
called_computation.1_lowered:
.L_overlay_start_0:
0x88: {  	s2 =	sld [smem:$0x3FD9]  }
0x89: {  	s3 =	sld [smem:$0x3FFE];
	_ =	sdelay $0x1  }
0x8a: {  	s1 =	srdreg.scid  }
0x8b: {  	s0 =	sand.u32 $0x1, s1  }
0x8c: {  	s17 =	sshll.u32 s0, $0xA;
	s2 =	sadd.s32 s3, s2  }
0x8d: {  	s2 =	sadd.s32 s2, s17  }
0x8e: {  	[smem:$0x3FC2] =	sst s2  }
0x8f: {  	_ = 	snop  }
0x90: {  	s2 =	sld [smem:$0x3FD0];
	(tm) =	ssettm $0x1  }
0x91: {  	s18 =	sld [smem:$0x3FFB];
	_ =	sdelay $0x3  }
0x92: {  	_ =	strace s18  }
0x93: {  	s3 =	sld [smem:$0x3FFC];
	_ =	sdelay $0x3  }
0x94: {  	_ =	strace s3  }
0x95: {  	s3 =	sld [smem:$0x3FFD];
	_ =	sdelay $0x3  }
0x96: {  	_ =	strace s3  }
0x97: {  	_ =	strace $0x8FFFFFFF  }
0x98: {  	s19 =	sld [smem:$0x3FDB];
	_ =	sdelay $0x1  }
0x99: {  	s4 =	simm.s32 $_scs_section_size  }
0x9a: {  	s5 =	simm.s32 $_size__tile_overlayer_lowered;
	s6 =	simm.s32 $_tile_overlayer_lowered  }
0x9b: {  	s22 =	simm.s32 $0x1BFF;
	s21 =	sshll.u32 s6, $0x1;
	s3 =	sadd.s32 s4, s19  }
0x9c: {  	s7 =	simm.s32 $0x0;
	s20 =	sshll.u32 s5, $0x1;
	s5 =	sadd.s32 s21, s3  }
0x9d: {  	[timem:s7], [sflag:s22] =	dma.local [hbm:s5], s20  }
0x9e: {  	_ =	swait.ge [sflag:s22], s20  }
0x9f: {  	s4 =	ssub.s32 $0x0, s20;
	[sflag:s22] =	ssyncset.done $0x0  }
0xa0: {  	[sflag:s22] =	ssyncadd.s32 s4;
	_ =	sdelay $0x1  }
0xa1: {  	s23 =	simm.s32 $0x1B8B  }
0xa2: {  	_ =	swait.ge [sflag:s23], $0x1  }
0xa3: {  	[sflag:s23] =	ssyncset.done $0x0  }
0xa4: {  	s25 =	simm.s32 $0x1B8E;
	s24 =	sld [smem:$0x3FFE];
	[sflag:s23] =	ssyncadd.s32 $0xFFFFFFFF  }
0xa5: {  	s26 =	simm.s32 $execute0_lowered;
	[smem:$0x3FD2] =	sst s25  }
0xa6: {  	s5 =	sshll.u32 s26, $0x1;
	_ =	strace $0x80000049;
	[dreg:$0x1] =	wrdreg $0xFFFFFFFF  }
0xa7: {  	s28 =	simm.s32 $_size_execute0_lowered;
	s3 =	sadd.s32 s3, s5;
	[dreg:$0x0] =	wrdreg $0x0  }
0xa8: {  	s5 =	sshll.u32 s28, $0x1;
	[dreg:$0x2] =	wrdreg s3  }
0xa9: {  	[dreg:$0x3] =	wrdreg s5  }
0xaa: {  	[dreg:$0x4] =	wrdreg $0xC0  }
0xab: {  	_ =	task [dreg:s7], $0x5FFFF  }
0xac: {  	[dreg:$0x1] =	wrdreg $0xFFFFFFFF  }
0xad: {  	[dreg:$0x0] =	wrdreg $0x60  }
0xae: {  	[dreg:$0x2] =	wrdreg s24  }
0xaf: {  	[dreg:$0x3] =	wrdreg s2  }
0xb0: {  	[dreg:$0x4] =	wrdreg $0xAA000  }
0xb1: {  	[dreg:$0x5] =	wrdreg $0x9  }
0xb2: {  	_ =	task.clear_ibuf [dreg:s7], $0x6FFFF;
	_ =	strace $0x90000049  }
0xb3: {  	s29 =	simm.s32 $0x9;
	_ =	strace $0x8000004B  }
0xb4: {  	_ =	swait.ge [sflag:s29], $0x1  }
0xb5: {  	[sflag:s29] =	ssyncadd.s32 $0xFFFFFFFF  }
0xb6: {  	_ =	strace $0x9000004B  }
0xb7: {  	_ =	sfence  }
0xb8: {  	s30 =	sld [smem:$0x0];
	_ =	sdelay $0x2  }
0xb9: {  	s31 =	sshll.u32 s1, $0xD;
	s1 =	sshrl.u32 s1, $0x2  }
0xba: {  	s3 =	sand.u32 $0x4000, s31;
	s1 =	sadd.s32 s1, s30  }
0xbb: {  	s0 =	sor.u32 s3, s0;
	s1 =	sshll.u32 s1, $0x11  }
0xbc: {  	s0 =	sor.u32 s1, s0  }
0xbd: {  	s0 =	sadd.s32 $0x8F2B, s0  }
0xbe: {  	[sflag:s0] =	ssyncadd.remote.s32 $0x1  }
0xbf: {  	_ =	sfence.sel $0xFFFF  }
0xc0: {  	[dreg:$0x0] =	wrdreg $0xFFFFFFFF;
	(pc) =	sbr.abs _section_cstart, $3  }
0xc1: {  	[dreg:$0x1] =	wrdreg $0xFFFFFFFF  }
0xc2: {  	_ =	task.clear_ibuf [dreg:s7], $0x2FFFF;
	_ =	strace $0x9FFFFFFF  }
0xc3: {  	(tm) =	ssettm $0x7FFFFFFF  }
tec
execute0_lowered:
.L_overlay_start_1:
0x0: {  	(tag) =	ssettag $0x1  }
0x1: {  	s0 =	rddreg [dreg:$0x0]  }
0x2: {  	s2 =	rddreg [dreg:$0x1]  }
0x3: {  	s1 =	rddreg [dreg:$0x2]  }
0x4: {  	s3 =	srdreg.scid;
	s10 =	stileid.u32  }
0x5: {  	s28 =	simm.s32 $0x40;
	s29 =	simm.s32 $0x2880;
	s30 =	simm.s32 $0x4A00  }
0x6: {  	s31 =	simm.s32 $0x2900;
	s6 =	sand.u32 $0x1, s3;
	s7 =	smul.u32 $0x13C00, s10  }
0x7: {  	s3 =	simm.s32 $0x0;
	s4 =	sadd.s32 $0x33A00, s0;
	s8 =	smul.u32 $0x4F000, s10  }
0x8: {  	s5 =	smul.u32 $0x13C000, s6;
	[smem:$0x7FF] =	sst s3;
	s9 =	ssub.s32 $0x2, s6  }
0x9: {  	s6 =	sshll.u32 s6, $0x4;
	_ =	strace $0x8000004A;
	s8 =	sshrl.u32 s8, $0x2  }
0xa: {  	s12 =	sshrl.u32 s9, $0x1;
	s6 =	sor.u32 s10, s6;
	s22 =	sadd.s32 s8, s1  }
0xb: {  	s10 =	simm.s32 $0x2;
	s8 =	sadd.s32 $0x2000, s22;
	[dreg:$0x4] =	wrdreg s22  }
0xc: {  	s7 =	sadd.s32 s7, s5;
	s13 =	sadd.s32 $0x4000, s22;
	[dreg:$0x5] =	wrdreg s8  }
0xd: {  	s5 =	sadd.s32 $0x1FA00, s0;
	s14 =	sadd.s32 $0x6000, s22;
	[dreg:$0x6] =	wrdreg s13  }
0xe: {  	s11 =	smul.u32 $0x5000, s6;
	s15 =	sadd.s32 $0x8000, s22;
	[dreg:$0x7] =	wrdreg s14  }
0xf: {  	s6 =	smul.u32 $0x500, s6;
	s16 =	sadd.s32 $0xA000, s22;
	[dreg:$0x8] =	wrdreg s15  }
0x10: {  	s7 =	sshrl.u32 s7, $0x3;
	s17 =	sadd.s32 $0xC000, s22;
	[dreg:$0x9] =	wrdreg s16  }
0x11: {  	s18 =	sadd.s32 $0xE000, s22;
	s19 =	sadd.s32 $0x10000, s22;
	[dreg:$0xa] =	wrdreg s17  }
0x12: {  	s21 =	sadd.s32 $0x12000, s22;
	s0 =	sadd.s32 s7, s0;
	[dreg:$0xb] =	wrdreg s18  }
0x13: {  	s7 =	ssub.s32 s9, s12;
	[dreg:$0xc] =	wrdreg s19;
	s20 =	sshrl.u32 s11, $0x3  }
0x14: {  	[dreg:$0xd] =	wrdreg s21;
	s2 =	sadd.s32 s2, s6;
	s8 =	simm.s32 $0x1  }
0x15: {  	s9 =	simm.s32 $0x5;
	s12 =	simm.s32 $0x6;
	s13 =	simm.s32 $0x3  }
0x16: {  	s14 =	simm.s32 $0x7;
	s15 =	simm.s32 $0x4;
	s16 =	simm.s32 $0x8  }
0x17: {  	s17 =	simm.s32 $0x9;
	[dreg:$0xe] =	wrdreg s2;
	s23 =	sadd.s32 s5, s20  }
0x18: {  	s19 =	simm.s32 $0xA;
	s0 =	sadd.s32 $0x5AC00, s0;
	[dreg:$0xf] =	wrdreg s23  }
0x19: {  	s21 =	simm.s32 $0xC;
	s26 =	smax.u32 s7, $0x1;
	[dreg:$0x13] =	wrdreg s0  }
0x1a: {  	s18 =	simm.s32 $0x0;
	s24 =	sadd.s32 $0x10, s23;
	[dreg:$0x14] =	wrdreg s26  }
0x1b: {  	s7 =	simm.s32 $0x8A00;
	s25 =	sadd.s32 $0x20, s23;
	[dreg:$0x10] =	wrdreg s24  }
0x1c: {  	s20 =	simm.s32 $0xB;
	s2 =	sadd.s32 $0x30, s23;
	[dreg:$0x11] =	wrdreg s25  }
0x1d: {  	s23 =	simm.s32 $0xD;
	s0 =	simm.s32 $0x6A00;
	[dreg:$0x12] =	wrdreg s2  }
0x1e: {  	v0 =	vimm.f32 $0.0e+00;
	s24 =	simm.s32 $0x2A00;
	s25 =	simm.s32 $0x2800;
	s2 =	simm.s32 $0x2980  }
.LBB2_1:
0x1f: {  	[dreg:$0x15] =	wrdreg s18;
	s6 =	simm.s32 $0x0;
	s18 =	simm.s32 $0x200  }
.LBB2_2:
0x20: {  	p0 =	sne.s32 s18, $0x7E00;
	[tilespmem:s6+$0x2A70] =	vst v0  }
0x21: {  	[tilespmem:s6+$0x2A00] =	vst v0  }
0x22: {  	[tilespmem:s6+$0x2A10] =	vst v0  }
.Ltmp0:
0x23: {  	[tilespmem:s6+$0x2A20] =	vst v0;
	(pc) =	sbr.rel @p0 .LBB2_2-.Ltmp0, $4  }
0x24: {  	[tilespmem:s6+$0x2A30] =	vst v0  }
0x25: {  	[tilespmem:s6+$0x2A40] =	vst v0  }
0x26: {  	[tilespmem:s6+$0x2A50] =	vst v0  }
0x27: {  	[tilespmem:s6+$0x2A60] =	vst v0;
	s6 =	sshra.s32 s18, $0x2;
	s18 =	sadd.s32 $0x200, s18  }
0x28: {  	[tilespmem:s6+$0x2A70] =	vst v0  }
0x29: {  	[tilespmem:s6+$0x2A00] =	vst v0  }
0x2a: {  	[tilespmem:s6+$0x2A10] =	vst v0  }
0x2b: {  	[tilespmem:s6+$0x2A20] =	vst v0  }
0x2c: {  	[tilespmem:s6+$0x2A30] =	vst v0  }
0x2d: {  	[tilespmem:s6+$0x2A40] =	vst v0  }
0x2e: {  	[tilespmem:s6+$0x2A50] =	vst v0  }
0x2f: {  	[tilespmem:s6+$0x2A60] =	vst v0  }
0x30: {  	[spmem:s22] =	stream.linear.scatter [tilespmem:s24], [sflag:$0xD], $0x2000, $0x38;
	[tilespmem:$0x1E600] =	vst v63  }
0x31: {  	_ =	swait.ge [sflag:s23], $0x2000  }
0x32: {  	[sflag:s23] =	ssyncset.done $0x0  }
0x33: {  	s26 =	rddreg [dreg:$0x5];
	[sflag:s23] =	ssyncadd.s32 $0xFFFFE000  }
0x34: {  	[spmem:s26] =	stream.linear.scatter [tilespmem:s24], [sflag:$0xD], $0x2000, $0x38;
	[tilespmem:$0x1E600] =	vst v63  }
0x35: {  	_ =	swait.ge [sflag:s23], $0x2000  }
0x36: {  	[sflag:s23] =	ssyncset.done $0x0  }
0x37: {  	s18 =	rddreg [dreg:$0x6];
	[sflag:s23] =	ssyncadd.s32 $0xFFFFE000  }
0x38: {  	[spmem:s18] =	stream.linear.scatter [tilespmem:s24], [sflag:$0xD], $0x2000, $0x38;
	[tilespmem:$0x1E600] =	vst v63  }
0x39: {  	_ =	swait.ge [sflag:s23], $0x2000  }
0x3a: {  	[sflag:s23] =	ssyncset.done $0x0  }
0x3b: {  	s22 =	rddreg [dreg:$0x7];
	[sflag:s23] =	ssyncadd.s32 $0xFFFFE000  }
0x3c: {  	[spmem:s22] =	stream.linear.scatter [tilespmem:s24], [sflag:$0xD], $0x2000, $0x38;
	[tilespmem:$0x1E600] =	vst v63  }
0x3d: {  	_ =	swait.ge [sflag:s23], $0x2000  }
0x3e: {  	[sflag:s23] =	ssyncset.done $0x0  }
0x3f: {  	s26 =	rddreg [dreg:$0x8];
	[sflag:s23] =	ssyncadd.s32 $0xFFFFE000  }
0x40: {  	[spmem:s26] =	stream.linear.scatter [tilespmem:s24], [sflag:$0xD], $0x2000, $0x38;
	[tilespmem:$0x1E600] =	vst v63  }
0x41: {  	_ =	swait.ge [sflag:s23], $0x2000  }
0x42: {  	[sflag:s23] =	ssyncset.done $0x0  }
0x43: {  	s18 =	rddreg [dreg:$0x9];
	[sflag:s23] =	ssyncadd.s32 $0xFFFFE000  }
0x44: {  	[spmem:s18] =	stream.linear.scatter [tilespmem:s24], [sflag:$0xD], $0x2000, $0x38;
	[tilespmem:$0x1E600] =	vst v63  }
0x45: {  	_ =	swait.ge [sflag:s23], $0x2000  }
0x46: {  	[sflag:s23] =	ssyncset.done $0x0  }
0x47: {  	s22 =	rddreg [dreg:$0xa];
	[sflag:s23] =	ssyncadd.s32 $0xFFFFE000  }
0x48: {  	[spmem:s22] =	stream.linear.scatter [tilespmem:s24], [sflag:$0xD], $0x2000, $0x38;
	[tilespmem:$0x1E600] =	vst v63  }
0x49: {  	_ =	swait.ge [sflag:s23], $0x2000  }
0x4a: {  	[sflag:s23] =	ssyncset.done $0x0  }
0x4b: {  	s26 =	rddreg [dreg:$0xb];
	[sflag:s23] =	ssyncadd.s32 $0xFFFFE000  }
0x4c: {  	[spmem:s26] =	stream.linear.scatter [tilespmem:s24], [sflag:$0xD], $0x2000, $0x38;
	[tilespmem:$0x1E600] =	vst v63  }
0x4d: {  	_ =	swait.ge [sflag:s23], $0x2000  }
0x4e: {  	[sflag:s23] =	ssyncset.done $0x0  }
0x4f: {  	s18 =	rddreg [dreg:$0xc];
	[sflag:s23] =	ssyncadd.s32 $0xFFFFE000  }
0x50: {  	[spmem:s18] =	stream.linear.scatter [tilespmem:s24], [sflag:$0xD], $0x2000, $0x38;
	[tilespmem:$0x1E600] =	vst v63  }
0x51: {  	_ =	swait.ge [sflag:s23], $0x2000  }
0x52: {  	[sflag:s23] =	ssyncset.done $0x0  }
0x53: {  	s22 =	rddreg [dreg:$0xd];
	[sflag:s23] =	ssyncadd.s32 $0xFFFFE000  }
0x54: {  	[spmem:s22] =	stream.linear.scatter [tilespmem:s24], [sflag:$0xD], $0x1C00, $0x38;
	[tilespmem:$0x1E600] =	vst v63  }
0x55: {  	_ =	swait.ge [sflag:s23], $0x1C00  }
0x56: {  	[sflag:s23] =	ssyncset.done $0x0  }
0x57: {  	[sflag:s23] =	ssyncadd.s32 $0xFFFFE400  }
0x58: {  	[bflag:$0x0] =	sbarrier.arrive $0xFFFF  }
0x59: {  	s26 =	rddreg [dreg:$0xe]  }
0x5a: {  	[tilespmem:s3], [sflag:$0xD] =	stream.linear.gather [hbm4b:s26+s3], $0x2800, $0x38;
	[tilespmem:$0x1E600] =	vst v63  }
0x5b: {  	_ =	swait.ge [sflag:s23], $0x2800  }
0x5c: {  	[sflag:s23] =	ssyncset.done $0x0  }
0x5d: {  	s18 =	rddreg [dreg:$0xf];
	[sflag:s23] =	ssyncadd.s32 $0xFFFFD800  }
0x5e: {  	[tilespmem:s25], [sflag:$0x5] =	stream.linear.gather [hbm4b:s18+s3], $0x80, $0x38;
	[tilespmem:$0x1E600] =	vst v63  }
0x5f: {  	_ = 	snop  }
0x60: {  	[tilespmem:s24], [sflag:$0x1] =	stream.indirect.gather [hbm4b:s4+s28], $0x80, s3, s28, $0xb8;
	[tilespmem:$0x1E600] =	vst v63  }
0x61: {  	s22 =	rddreg [dreg:$0x10]  }
0x62: {  	[tilespmem:s29], [sflag:$0x6] =	stream.linear.gather [hbm4b:s22+s3], $0x80, $0x38;
	[tilespmem:$0x1E600] =	vst v63  }
0x63: {  	_ = 	snop  }
0x64: {  	[tilespmem:s30], [sflag:$0x2] =	stream.indirect.gather [hbm4b:s4+s28], $0x80, s28, s28, $0xb8;
	[tilespmem:$0x1E600] =	vst v63  }
0x65: {  	s23 =	rddreg [dreg:$0x11]  }
0x66: {  	[tilespmem:s31], [sflag:$0x7] =	stream.linear.gather [hbm4b:s23+s3], $0x80, $0x38;
	[tilespmem:$0x1E600] =	vst v63  }
0x67: {  	s26 =	simm.s32 $0x80  }
0x68: {  	[tilespmem:s0], [sflag:$0x3] =	stream.indirect.gather [hbm4b:s4+s28], $0x80, s26, s28, $0xb8;
	[tilespmem:$0x1E600] =	vst v63  }
0x69: {  	s18 =	rddreg [dreg:$0x12]  }
0x6a: {  	[tilespmem:s2], [sflag:$0x8] =	stream.linear.gather [hbm4b:s18+s3], $0x80, $0x38;
	[tilespmem:$0x1E600] =	vst v63  }
0x6b: {  	s22 =	simm.s32 $0xC0  }
0x6c: {  	[tilespmem:s7], [sflag:$0x4] =	stream.indirect.gather [hbm4b:s4+s28], $0x80, s22, s28, $0xb8;
	[tilespmem:$0x1E600] =	vst v63  }
0x6d: {  	_ =	swait.ge [sflag:s8], $0x2000  }
0x6e: {  	[sflag:s8] =	ssyncset.done $0x0  }
0x6f: {  	[sflag:s8] =	ssyncadd.s32 $0xFFFFE000  }
0x70: {  	_ =	swait.ge [sflag:s9], $0x80  }
0x71: {  	[sflag:s9] =	ssyncset.done $0x0  }
0x72: {  	[sflag:s9] =	ssyncadd.s32 $0xFFFFFF80  }
0x73: {  	[spmem:s1] =	stream.indirect.scatter.add.f32 [tilespmem:s24], [sflag:$0x9], $0x80, s25, s28, $0xb8;
	[tilespmem:$0x1E600] =	vst v63  }
0x74: {  	_ =	swait.ge [sflag:s10], $0x2000  }
0x75: {  	[sflag:s10] =	ssyncset.done $0x0  }
0x76: {  	[sflag:s10] =	ssyncadd.s32 $0xFFFFE000  }
0x77: {  	_ =	swait.ge [sflag:s12], $0x80  }
0x78: {  	[sflag:s12] =	ssyncset.done $0x0  }
0x79: {  	[sflag:s12] =	ssyncadd.s32 $0xFFFFFF80  }
0x7a: {  	[spmem:s1] =	stream.indirect.scatter.add.f32 [tilespmem:s30], [sflag:$0xA], $0x80, s29, s28, $0xb8;
	[tilespmem:$0x1E600] =	vst v63  }
0x7b: {  	_ =	swait.ge [sflag:s13], $0x2000  }
0x7c: {  	[sflag:s13] =	ssyncset.done $0x0  }
0x7d: {  	[sflag:s13] =	ssyncadd.s32 $0xFFFFE000  }
0x7e: {  	_ =	swait.ge [sflag:s14], $0x80  }
0x7f: {  	[sflag:s14] =	ssyncset.done $0x0  }
0x80: {  	[sflag:s14] =	ssyncadd.s32 $0xFFFFFF80  }
0x81: {  	[spmem:s1] =	stream.indirect.scatter.add.f32 [tilespmem:s0], [sflag:$0xB], $0x80, s31, s28, $0xb8;
	[tilespmem:$0x1E600] =	vst v63  }
0x82: {  	_ =	swait.ge [sflag:s15], $0x2000  }
0x83: {  	[sflag:s15] =	ssyncset.done $0x0  }
0x84: {  	[sflag:s15] =	ssyncadd.s32 $0xFFFFE000  }
0x85: {  	s23 =	simm.s32 $0x200;
	_ =	swait.ge [sflag:s16], $0x80  }
0x86: {  	s18 =	sand.u32 $0xFC00, s23;
	[sflag:s16] =	ssyncset.done $0x0  }
0x87: {  	s6 =	sand.u32 $0x200, s23;
	s18 =	sadd.s32 s11, s18;
	[sflag:s16] =	ssyncadd.s32 $0xFFFFFF80  }
0x88: {  	[spmem:s1] =	stream.indirect.scatter.add.f32 [tilespmem:s7], [sflag:$0xC], $0x80, s2, s28, $0xb8;
	[tilespmem:$0x1E600] =	vst v63  }
0x89: {  	s6 =	sor.u32 s6, s18;
	_ =	swait.ge [sflag:s17], $0x2000  }
0x8a: {  	s18 =	simm.s32 $0x280;
	s6 =	sshrl.u32 s6, $0x3;
	[sflag:s17] =	ssyncset.done $0x0  }
0x8b: {  	s26 =	sand.u32 $0xFC00, s18;
	s6 =	sadd.s32 s5, s6;
	[sflag:s17] =	ssyncadd.s32 $0xFFFFE000  }
0x8c: {  	[tilespmem:s25], [sflag:$0x5] =	stream.linear.gather [hbm4b:s6+s3], $0x80, $0x38;
	[tilespmem:$0x1E600] =	vst v63  }
0x8d: {  	s23 =	simm.s32 $0x100;
	s18 =	sand.u32 $0x280, s18;
	s26 =	sadd.s32 s11, s26  }
0x8e: {  	[tilespmem:s24], [sflag:$0x1] =	stream.indirect.gather [hbm4b:s4+s28], $0x80, s23, s28, $0xb8;
	[tilespmem:$0x1E600] =	vst v63  }
0x8f: {  	s6 =	sor.u32 s18, s26;
	_ =	swait.ge [sflag:s19], $0x2000  }
0x90: {  	s18 =	simm.s32 $0x300;
	s6 =	sshrl.u32 s6, $0x3;
	[sflag:s19] =	ssyncset.done $0x0  }
0x91: {  	s26 =	sand.u32 $0xFC00, s18;
	s6 =	sadd.s32 s5, s6;
	[sflag:s19] =	ssyncadd.s32 $0xFFFFE000  }
0x92: {  	[tilespmem:s29], [sflag:$0x6] =	stream.linear.gather [hbm4b:s6+s3], $0x80, $0x38;
	[tilespmem:$0x1E600] =	vst v63  }
0x93: {  	s22 =	simm.s32 $0x140;
	s18 =	sand.u32 $0x300, s18;
	s26 =	sadd.s32 s11, s26  }
0x94: {  	[tilespmem:s30], [sflag:$0x2] =	stream.indirect.gather [hbm4b:s4+s28], $0x80, s22, s28, $0xb8;
	[tilespmem:$0x1E600] =	vst v63  }
0x95: {  	s6 =	sor.u32 s18, s26;
	_ =	swait.ge [sflag:s20], $0x2000  }
0x96: {  	s18 =	simm.s32 $0x380;
	s6 =	sshrl.u32 s6, $0x3;
	[sflag:s20] =	ssyncset.done $0x0  }
0x97: {  	s6 =	sadd.s32 s5, s6;
	s22 =	sand.u32 $0xFC00, s18;
	[sflag:s20] =	ssyncadd.s32 $0xFFFFE000  }
0x98: {  	[tilespmem:s31], [sflag:$0x7] =	stream.linear.gather [hbm4b:s6+s3], $0x80, $0x38;
	[tilespmem:$0x1E600] =	vst v63  }
0x99: {  	s26 =	simm.s32 $0x180;
	s22 =	sadd.s32 s11, s22;
	s6 =	sand.u32 $0x380, s18  }
0x9a: {  	[tilespmem:s0], [sflag:$0x3] =	stream.indirect.gather [hbm4b:s4+s28], $0x80, s26, s28, $0xb8;
	[tilespmem:$0x1E600] =	vst v63  }
0x9b: {  	s18 =	simm.s32 $0x580;
	s6 =	sor.u32 s6, s22;
	_ =	swait.ge [sflag:s21], $0x2000  }
0x9c: {  	s22 =	simm.s32 $0x1C0;
	s6 =	sshrl.u32 s6, $0x3;
	[sflag:s21] =	ssyncset.done $0x0  }
.LBB2_4:
0x9d: {  	[sflag:s21] =	ssyncadd.s32 $0xFFFFE000;
	s6 =	sadd.s32 s5, s6;
	s23 =	sadd.s32 $0x100, s23  }
0x9e: {  	[tilespmem:s2], [sflag:$0x8] =	stream.linear.gather [hbm4b:s6+s3], $0x80, $0x38;
	[tilespmem:$0x1E600] =	vst v63  }
0x9f: {  	p0 =	sne.s32 s18, $0x4F80;
	s6 =	smov.u32 s18;
	s18 =	sadd.s32 $0x200, s18  }
0xa0: {  	[tilespmem:s7], [sflag:$0x4] =	stream.indirect.gather [hbm4b:s4+s28], $0x80, s22, s28, $0xb8;
	[tilespmem:$0x1E600] =	vst v63  }
0xa1: {  	_ =	swait.ge [sflag:s8], $0x2000  }
0xa2: {  	[sflag:s8] =	ssyncset.done $0x0  }
0xa3: {  	[sflag:s8] =	ssyncadd.s32 $0xFFFFE000  }
0xa4: {  	_ =	swait.ge [sflag:s9], $0x80  }
0xa5: {  	[sflag:s9] =	ssyncset.done $0x0  }
0xa6: {  	[sflag:s9] =	ssyncadd.s32 $0xFFFFFF80  }
0xa7: {  	[spmem:s1] =	stream.indirect.scatter.add.f32 [tilespmem:s24], [sflag:$0x9], $0x80, s25, s28, $0xb8;
	[tilespmem:$0x1E600] =	vst v63  }
0xa8: {  	_ =	swait.ge [sflag:s10], $0x2000  }
0xa9: {  	[sflag:s10] =	ssyncset.done $0x0  }
0xaa: {  	[sflag:s10] =	ssyncadd.s32 $0xFFFFE000  }
0xab: {  	_ =	swait.ge [sflag:s12], $0x80  }
0xac: {  	[sflag:s12] =	ssyncset.done $0x0  }
0xad: {  	[sflag:s12] =	ssyncadd.s32 $0xFFFFFF80  }
0xae: {  	[spmem:s1] =	stream.indirect.scatter.add.f32 [tilespmem:s30], [sflag:$0xA], $0x80, s29, s28, $0xb8;
	[tilespmem:$0x1E600] =	vst v63  }
0xaf: {  	_ =	swait.ge [sflag:s13], $0x2000  }
0xb0: {  	[sflag:s13] =	ssyncset.done $0x0  }
0xb1: {  	[sflag:s13] =	ssyncadd.s32 $0xFFFFE000  }
0xb2: {  	_ =	swait.ge [sflag:s14], $0x80  }
0xb3: {  	[sflag:s14] =	ssyncset.done $0x0  }
0xb4: {  	[sflag:s14] =	ssyncadd.s32 $0xFFFFFF80  }
0xb5: {  	[spmem:s1] =	stream.indirect.scatter.add.f32 [tilespmem:s0], [sflag:$0xB], $0x80, s31, s28, $0xb8;
	[tilespmem:$0x1E600] =	vst v63  }
0xb6: {  	_ =	swait.ge [sflag:s15], $0x2000  }
0xb7: {  	[sflag:s15] =	ssyncset.done $0x0  }
0xb8: {  	s22 =	sadd.s32 $0xFFFFFE80, s6;
	s24 =	simm.s32 $0x2800;
	[sflag:s15] =	ssyncadd.s32 $0xFFFFE000  }
0xb9: {  	s25 =	sand.u32 $0xFC00, s22;
	s22 =	sand.u32 $0x200, s22;
	_ =	swait.ge [sflag:s16], $0x80  }
0xba: {  	s25 =	sadd.s32 s11, s25;
	[sflag:s16] =	ssyncset.done $0x0  }
0xbb: {  	s22 =	sor.u32 s22, s25;
	[sflag:s16] =	ssyncadd.s32 $0xFFFFFF80  }
0xbc: {  	[spmem:s1] =	stream.indirect.scatter.add.f32 [tilespmem:s7], [sflag:$0xC], $0x80, s2, s28, $0xb8;
	[tilespmem:$0x1E600] =	vst v63  }
0xbd: {  	s22 =	sshrl.u32 s22, $0x3;
	_ =	swait.ge [sflag:s17], $0x2000  }
0xbe: {  	s25 =	sadd.s32 $0xFFFFFF00, s6;
	s22 =	sadd.s32 s5, s22;
	[sflag:s17] =	ssyncset.done $0x0  }
0xbf: {  	s26 =	sand.u32 $0xFC00, s25;
	[sflag:s17] =	ssyncadd.s32 $0xFFFFE000  }
0xc0: {  	[tilespmem:s24], [sflag:$0x5] =	stream.linear.gather [hbm4b:s22+s3], $0x80, $0x38;
	[tilespmem:$0x1E600] =	vst v63  }
0xc1: {  	s24 =	simm.s32 $0x2A00  }
0xc2: {  	s25 =	sand.u32 $0x280, s25;
	s22 =	sadd.s32 s11, s26  }
0xc3: {  	[tilespmem:s24], [sflag:$0x1] =	stream.indirect.gather [hbm4b:s4+s28], $0x80, s23, s28, $0xb8;
	[tilespmem:$0x1E600] =	vst v63  }
0xc4: {  	s22 =	sor.u32 s25, s22;
	_ =	swait.ge [sflag:s19], $0x2000  }
0xc5: {  	s22 =	sshrl.u32 s22, $0x3;
	[sflag:s19] =	ssyncset.done $0x0  }
0xc6: {  	s25 =	sadd.s32 $0xFFFFFF80, s6;
	s22 =	sadd.s32 s5, s22;
	[sflag:s19] =	ssyncadd.s32 $0xFFFFE000  }
0xc7: {  	[tilespmem:s29], [sflag:$0x6] =	stream.linear.gather [hbm4b:s22+s3], $0x80, $0x38;
	[tilespmem:$0x1E600] =	vst v63  }
0xc8: {  	s26 =	sand.u32 $0xFC00, s25;
	s25 =	sand.u32 $0x300, s25;
	s22 =	sadd.s32 $0x40, s23  }
0xc9: {  	[tilespmem:s30], [sflag:$0x2] =	stream.indirect.gather [hbm4b:s4+s28], $0x80, s22, s28, $0xb8;
	[tilespmem:$0x1E600] =	vst v63  }
0xca: {  	s22 =	sadd.s32 s11, s26;
	_ =	swait.ge [sflag:s20], $0x2000  }
0xcb: {  	s22 =	sor.u32 s25, s22;
	[sflag:s20] =	ssyncset.done $0x0  }
0xcc: {  	s22 =	sshrl.u32 s22, $0x3;
	[sflag:s20] =	ssyncadd.s32 $0xFFFFE000  }
0xcd: {  	s26 =	sand.u32 $0xFC00, s6;
	s25 =	sadd.s32 $0x80, s23;
	s22 =	sadd.s32 s5, s22  }
0xce: {  	[tilespmem:s31], [sflag:$0x7] =	stream.linear.gather [hbm4b:s22+s3], $0x80, $0x38;
	[tilespmem:$0x1E600] =	vst v63  }
.Ltmp1:
0xcf: {  	s6 =	sand.u32 $0x380, s6;
	s22 =	sadd.s32 s11, s26;
	(pc) =	sbr.rel @p0 .LBB2_4-.Ltmp1, $4  }
0xd0: {  	[tilespmem:s0], [sflag:$0x3] =	stream.indirect.gather [hbm4b:s4+s28], $0x80, s25, s28, $0xb8;
	[tilespmem:$0x1E600] =	vst v63  }
0xd1: {  	s25 =	simm.s32 $0x2800  }
0xd2: {  	s6 =	sor.u32 s6, s22;
	_ =	swait.ge [sflag:s21], $0x2000  }
0xd3: {  	s22 =	sadd.s32 $0xC0, s23;
	s6 =	sshrl.u32 s6, $0x3;
	[sflag:s21] =	ssyncset.done $0x0  }
0xd4: {  	[sflag:s21] =	ssyncadd.s32 $0xFFFFE000;
	s6 =	sadd.s32 s5, s6  }
0xd5: {  	[tilespmem:s2], [sflag:$0x8] =	stream.linear.gather [hbm4b:s6+s3], $0x80, $0x38;
	[tilespmem:$0x1E600] =	vst v63  }
0xd6: {  	_ = 	snop  }
0xd7: {  	[tilespmem:s7], [sflag:$0x4] =	stream.indirect.gather [hbm4b:s4+s28], $0x80, s22, s28, $0xb8;
	[tilespmem:$0x1E600] =	vst v63  }
0xd8: {  	_ =	swait.ge [sflag:s8], $0x2000  }
0xd9: {  	[sflag:s8] =	ssyncset.done $0x0  }
0xda: {  	[sflag:s8] =	ssyncadd.s32 $0xFFFFE000  }
0xdb: {  	_ =	swait.ge [sflag:s9], $0x80  }
0xdc: {  	[sflag:s9] =	ssyncset.done $0x0  }
0xdd: {  	[sflag:s9] =	ssyncadd.s32 $0xFFFFFF80  }
0xde: {  	[spmem:s1] =	stream.indirect.scatter.add.f32 [tilespmem:s24], [sflag:$0x9], $0x80, s25, s28, $0xb8;
	[tilespmem:$0x1E600] =	vst v63  }
0xdf: {  	_ =	swait.ge [sflag:s10], $0x2000  }
0xe0: {  	[sflag:s10] =	ssyncset.done $0x0  }
0xe1: {  	[sflag:s10] =	ssyncadd.s32 $0xFFFFE000  }
0xe2: {  	_ =	swait.ge [sflag:s12], $0x80  }
0xe3: {  	[sflag:s12] =	ssyncset.done $0x0  }
0xe4: {  	[sflag:s12] =	ssyncadd.s32 $0xFFFFFF80  }
0xe5: {  	[spmem:s1] =	stream.indirect.scatter.add.f32 [tilespmem:s30], [sflag:$0xA], $0x80, s29, s28, $0xb8;
	[tilespmem:$0x1E600] =	vst v63  }
0xe6: {  	_ =	swait.ge [sflag:s13], $0x2000  }
0xe7: {  	[sflag:s13] =	ssyncset.done $0x0  }
0xe8: {  	[sflag:s13] =	ssyncadd.s32 $0xFFFFE000  }
0xe9: {  	_ =	swait.ge [sflag:s14], $0x80  }
0xea: {  	[sflag:s14] =	ssyncset.done $0x0  }
0xeb: {  	[sflag:s14] =	ssyncadd.s32 $0xFFFFFF80  }
0xec: {  	[spmem:s1] =	stream.indirect.scatter.add.f32 [tilespmem:s0], [sflag:$0xB], $0x80, s31, s28, $0xb8;
	[tilespmem:$0x1E600] =	vst v63  }
0xed: {  	_ =	swait.ge [sflag:s15], $0x2000  }
0xee: {  	[sflag:s15] =	ssyncset.done $0x0  }
0xef: {  	[sflag:s15] =	ssyncadd.s32 $0xFFFFE000  }
0xf0: {  	_ =	swait.ge [sflag:s16], $0x80  }
0xf1: {  	[sflag:s16] =	ssyncset.done $0x0  }
0xf2: {  	[sflag:s16] =	ssyncadd.s32 $0xFFFFFF80  }
0xf3: {  	[spmem:s1] =	stream.indirect.scatter.add.f32 [tilespmem:s7], [sflag:$0xC], $0x80, s2, s28, $0xb8;
	[tilespmem:$0x1E600] =	vst v63  }
0xf4: {  	_ =	swait.ge [sflag:s17], $0x2000  }
0xf5: {  	[sflag:s17] =	ssyncset.done $0x0  }
0xf6: {  	[sflag:s17] =	ssyncadd.s32 $0xFFFFE000  }
0xf7: {  	_ =	swait.ge [sflag:s19], $0x2000  }
0xf8: {  	[sflag:s19] =	ssyncset.done $0x0  }
0xf9: {  	[sflag:s19] =	ssyncadd.s32 $0xFFFFE000  }
0xfa: {  	_ =	swait.ge [sflag:s20], $0x2000  }
0xfb: {  	[sflag:s20] =	ssyncset.done $0x0  }
0xfc: {  	[sflag:s20] =	ssyncadd.s32 $0xFFFFE000  }
0xfd: {  	_ =	swait.ge [sflag:s21], $0x2000  }
0xfe: {  	[sflag:s21] =	ssyncset.done $0x0  }
0xff: {  	[sflag:s21] =	ssyncadd.s32 $0xFFFFE000  }
0x100: {  	s26 =	stileid.u32;
	[bflag:$0x0] =	sbarrier.arrive $0xFFFF  }
0x101: {  	s6 =	sshll.u32 s26, $0x6;
	s22 =	rddreg [dreg:$0x4]  }
0x102: {  	s6 =	sor.u32 $0x1C0D, s6;
	s23 =	rddreg [dreg:$0x13];
	s18 =	sshrl.u32 s22, $0x3  }
0x103: {  	[hbm:s23], [sflag:s6] =	dma.local [spmem:s18], $0x2780  }
0x104: {  	s23 =	simm.s32 $0xD  }
0x105: {  	_ =	swait.ge [sflag:s23], $0x2780  }
0x106: {  	s6 =	rddreg [dreg:$0x15]  }
0x107: {  	s26 =	rddreg [dreg:$0x14];
	s18 =	sadd.s32 $0x1, s6  }
0x108: {  	p0 =	sne.s32 s18, s26  }
.Ltmp2:
0x109: {  	_ = 	snop;
	(pc) =	sbr.rel @p0 .LBB2_1-.Ltmp2, $3  }
0x10a: {  	_ =	sdelay $0x1  }
0x10b: {  	[sflag:s23] =	ssyncset.done $0x0  }
0x10c: {  	[sflag:s23] =	ssyncadd.s32 $0xFFFFD880  }
0x10d: {  	_ =	sfence.sel $0x180000  }
0x10e: {  	[bflag:$0x0] =	sbarrier.arrive $0xFFFF  }
0x10f: {  	_ =	strace $0x9000004A  }
0x110: {  	s0 =	stileid.u32;
	[bflag:$0x2] =	sbarrier.arrive $0xFFFF  }
0x111: {  	p0 =	sne.s32 s0, $0x0;
	s0 =	rddreg [dreg:$0x3]  }
0x112: {  	s0 =	sadd.s32 @!p0 $0x100000, s0  }
0x113: {  	[sflag:s0] =	ssyncadd.tile.s32 @!p0 $0x1;
	_ =	shalt  }
.Lfunc_end2:
_tile_overlayer_lowered:
.L_overlay_start_2:
0x114: {  	(tag) =	ssettag $0x2  }
0x115: {  	s0 =	rddreg [dreg:$0x0];
	s2 =	stileid.u32  }
0x116: {  	s1 =	rddreg [dreg:$0x1];
	p0 =	sne.s32 s2, $0x0  }
0x117: {  	s3 =	rddreg [dreg:$0x2];
	[bflag:$0x3] =	sbarrier.arrive $0xFFFF;
	s2 =	simm.s32 @!p0 $0x1C0D  }
0x118: {  	[timem:s3], [sflag:s2] =	dma.local @!p0 [hbm:s0], s1  }
0x119: {  	s0 =	simm.s32 @!p0 $0xD  }
0x11a: {  	_ =	swait.ge @!p0 [sflag:s0], s1  }
0x11b: {  	s1 =	ssub.s32 @!p0 $0x0, s1;
	[sflag:s0] =	ssyncset.done @!p0 $0x0  }
0x11c: {  	[sflag:s0] =	ssyncadd.s32 @!p0 s1  }
0x11d: {  	[bflag:$0x3] =	sbarrier.arrive $0xFFFF  }
0x11e: {  	_ =	shalt  }

// kernel: kernel.14.cloned.1.call-start
scs
__scs_entry_jumppad:
0x0: {  	(pc) =	sbr.rel $0x88, $3  }
0x1: {  	(tag) =	ssettag $0x0;
	lr =	simm.s32 $0x1  }
0x2: {  	[smem:$0x3F9B] =	sst lr;
	_ =	strace $0xD0000000  }
0x3: {  	_ = 	snop  }
0x4: {  	_ = 	snop  }
0x5: {  	_ = 	snop  }
0x6: {  	_ = 	snop  }
0x7: {  	_ = 	snop  }
__scs_overlays_trampoline_lowered:
0x8: {  	[smem:$0x3FAA] =	sst s0  }
0x9: {  	[smem:$0x3FAB] =	sst s1  }
0xa: {  	[smem:$0x3FAC] =	sst s2  }
0xb: {  	[smem:$0x3FAD] =	sst s3  }
0xc: {  	[smem:$0x3FAE] =	sst s4  }
0xd: {  	[smem:$0x3FAF] =	sst s5  }
0xe: {  	[smem:$0x3FB0] =	sst s6  }
0xf: {  	[smem:$0x3FB1] =	sst s7  }
0x10: {  	[smem:$0x3FB2] =	sst s8  }
0x11: {  	[smem:$0x3FB3] =	sst s9;
	s0 =	simm.s32 @!p0 $0x0  }
0x12: {  	s1 =	sld [smem:$0x3F99];
	s0 =	simm.s32 @p0 $0x1  }
0x13: {  	[smem:$0x3FB4] =	sst s0;
	s0 =	simm.s32 @!p1 $0x0  }
0x14: {  	s2 =	sld [smem:$0x3F98];
	s0 =	simm.s32 @p1 $0x1  }
0x15: {  	[smem:$0x3FB5] =	sst s0;
	s0 =	simm.s32 @!p2 $0x0  }
0x16: {  	s3 =	sld [smem:$0x3FDB];
	s0 =	simm.s32 @p2 $0x1  }
0x17: {  	s4 =	simm.s32 $0x1BF5;
	[smem:$0x3FB7] =	sst s0  }
0x18: {  	s0 =	sld [smem:$0x3F9A];
	_ =	swait.ge [sflag:s4], $0x0  }
0x19: {  	s7 =	sld [smem:$0x3F9B]  }
0x1a: {  	s8 =	sadd.s32 $0xFFFFE003, lr  }
0x1b: {  	s9 =	sadd.s32 $0xFFFFFEF7, lr;
	s5 =	simm.s32 $0xFFFFFFFF;
	p2 =	slt.u32 s8, $0xFFFFF086  }
0x1c: {  	p1 =	slt.u32 s9, $0xF7A;
	s5 =	simm.s32 @!p2 $0x0  }
0x1d: {  	s5 =	simm.s32 @p1 $0x1;
	p0 =	seq.s32 s7, s2  }
0x1e: {  	s7 =	smul.u32 @!p0 $0xF7A, s2;
	p2 =	seq.s32 @!p0 s5, $0x0  }
0x1f: {  	s9 =	smul.u32 $0xF7A, s1;
	s8 =	simm.s32 @!p0 $0x1BF5;
	p2 =	por !p2, p0  }
0x20: {  	[sflag:s8] =	ssyncset.s32 @!p0 $0xFFFFF086;
	s6 =	sadd.s32 @!p0 s3, s7;
	s7 =	simm.s32 @!p0 $0x108  }
0x21: {  	s3 =	sadd.s32 s3, s9;
	s6 =	sadd.s32 @!p0 $0x88, s6;
	s7 =	simm.s32 @p2 $0x1082  }
0x22: {  	[simem:s7], [sflag:s8] =	dma.local @!p0 [hbm:s6], $0xF7A  }
0x23: {  	s9 =	sor.u32 $0xD0000000, s2;
	s6 =	simm.s32 $0x108;
	_ =	swait.ge @!p0 [sflag:s8], $0x0  }
0x24: {  	s3 =	sadd.s32 $0x88, s3;
	s6 =	simm.s32 @!p1 $0x1082;
	[sflag:s4] =	ssyncset.s32 $0xFFFFF086  }
0x25: {  	[simem:s6], [sflag:s4] =	dma.local [hbm:s3], $0xF7A  }
0x26: {  	[smem:$0x3F9B] =	sst s1;
	(tag) =	ssettag s2;
	_ =	strace s9  }
0x27: {  	s1 =	sld [smem:$0x3FAB]  }
0x28: {  	s2 =	sld [smem:$0x3FAC]  }
0x29: {  	s4 =	sld [smem:$0x3FAE]  }
0x2a: {  	p0 =	seq.s32 s5, $0x0;
	s5 =	sld [smem:$0x3FAF]  }
0x2b: {  	s6 =	sld [smem:$0x3FB0]  }
0x2c: {  	s7 =	sld [smem:$0x3FB1]  }
0x2d: {  	s3 =	simm.s32 $0x108;
	s8 =	sld [smem:$0x3FB2]  }
0x2e: {  	s3 =	simm.s32 @!p0 $0x1082;
	s9 =	sld [smem:$0x3FB3]  }
0x2f: {  	lr =	sadd.s32 s0, s3;
	s0 =	sld [smem:$0x3FAA]  }
0x30: {  	s3 =	sld [smem:$0x3FAD]  }
0x31: {  	[smem:$0x3FB6] =	sst s10  }
0x32: {  	s10 =	sld [smem:$0x3FB4];
	_ =	sdelay $0x3  }
0x33: {  	p0 =	seq.s32 s10, $0x1;
	s10 =	sld [smem:$0x3FB6];
	_ =	sdelay $0x3  }
0x34: {  	[smem:$0x3FB6] =	sst s10  }
0x35: {  	s10 =	sld [smem:$0x3FB5];
	_ =	sdelay $0x3  }
0x36: {  	p1 =	seq.s32 s10, $0x1;
	s10 =	sld [smem:$0x3FB6];
	_ =	sdelay $0x3  }
0x37: {  	[smem:$0x3FB6] =	sst s10  }
0x38: {  	s10 =	sld [smem:$0x3FB7]  }
0x39: {  	_ = 	snop;
	(pc) =	sbr.ind lr, $3  }
0x3a: {  	_ = 	snop  }
0x3b: {  	_ = 	snop  }
0x3c: {  	p2 =	seq.s32 s10, $0x1;
	s10 =	sld [smem:$0x3FB6]  }
0x3d: {  	_ =	shalt  }
0x3e: {  	_ =	shalt  }
0x3f: {  	_ =	shalt  }
0x40: {  	_ =	shalt  }
0x41: {  	_ =	shalt  }
0x42: {  	_ =	shalt  }
0x43: {  	_ =	shalt  }
0x44: {  	_ =	shalt  }
0x45: {  	_ =	shalt  }
0x46: {  	_ =	shalt  }
0x47: {  	_ =	shalt  }
0x48: {  	_ =	shalt  }
0x49: {  	_ =	shalt  }
0x4a: {  	_ =	shalt  }
0x4b: {  	_ =	shalt  }
0x4c: {  	_ =	shalt  }
0x4d: {  	_ =	shalt  }
0x4e: {  	_ =	shalt  }
0x4f: {  	_ =	shalt  }
0x50: {  	_ =	shalt  }
0x51: {  	_ =	shalt  }
0x52: {  	_ =	shalt  }
0x53: {  	_ =	shalt  }
0x54: {  	_ =	shalt  }
0x55: {  	_ =	shalt  }
0x56: {  	_ =	shalt  }
0x57: {  	_ =	shalt  }
0x58: {  	_ =	shalt  }
0x59: {  	_ =	shalt  }
0x5a: {  	_ =	shalt  }
0x5b: {  	_ =	shalt  }
0x5c: {  	_ =	shalt  }
0x5d: {  	_ =	shalt  }
0x5e: {  	_ =	shalt  }
0x5f: {  	_ =	shalt  }
0x60: {  	_ =	shalt  }
0x61: {  	_ =	shalt  }
0x62: {  	_ =	shalt  }
0x63: {  	_ =	shalt  }
0x64: {  	_ =	shalt  }
0x65: {  	_ =	shalt  }
0x66: {  	_ =	shalt  }
0x67: {  	_ =	shalt  }
0x68: {  	_ =	shalt  }
0x69: {  	_ =	shalt  }
0x6a: {  	_ =	shalt  }
0x6b: {  	_ =	shalt  }
0x6c: {  	_ =	shalt  }
0x6d: {  	_ =	shalt  }
0x6e: {  	_ =	shalt  }
0x6f: {  	_ =	shalt  }
0x70: {  	_ =	shalt  }
0x71: {  	_ =	shalt  }
0x72: {  	_ =	shalt  }
0x73: {  	_ =	shalt  }
0x74: {  	_ =	shalt  }
0x75: {  	_ =	shalt  }
0x76: {  	_ =	shalt  }
0x77: {  	_ =	shalt  }
0x78: {  	_ =	shalt  }
0x79: {  	_ =	shalt  }
0x7a: {  	_ =	shalt  }
0x7b: {  	_ =	shalt  }
0x7c: {  	_ =	shalt  }
0x7d: {  	_ =	shalt  }
0x7e: {  	_ =	shalt  }
0x7f: {  	_ =	shalt  }
0x80: {  	_ =	shalt  }
0x81: {  	_ =	shalt  }
0x82: {  	_ =	shalt  }
0x83: {  	_ =	shalt  }
0x84: {  	_ =	shalt  }
0x85: {  	_ =	shalt  }
0x86: {  	_ =	shalt  }
0x87: {  	_ =	shalt  }
.Lfunc_end0:
.L_simem_size_0:
called_computation.2_lowered:
.L_overlay_start_0:
0x88: {  	s2 =	sld [smem:$0x3FD9]  }
0x89: {  	s3 =	sld [smem:$0x3FFE];
	_ =	sdelay $0x1  }
0x8a: {  	s1 =	srdreg.scid  }
0x8b: {  	s0 =	sand.u32 $0x1, s1  }
0x8c: {  	s17 =	sshll.u32 s0, $0xA;
	s2 =	sadd.s32 s3, s2  }
0x8d: {  	s2 =	sadd.s32 s2, s17  }
0x8e: {  	[smem:$0x3FC2] =	sst s2  }
0x8f: {  	_ = 	snop  }
0x90: {  	s2 =	sld [smem:$0x3FD0];
	(tm) =	ssettm $0x1  }
0x91: {  	s18 =	sld [smem:$0x3FFB];
	_ =	sdelay $0x3  }
0x92: {  	_ =	strace s18  }
0x93: {  	s3 =	sld [smem:$0x3FFC];
	_ =	sdelay $0x3  }
0x94: {  	_ =	strace s3  }
0x95: {  	s3 =	sld [smem:$0x3FFD];
	_ =	sdelay $0x3  }
0x96: {  	_ =	strace s3  }
0x97: {  	_ =	strace $0x8FFFFFFF  }
0x98: {  	s19 =	sld [smem:$0x3FDB];
	_ =	sdelay $0x1  }
0x99: {  	s4 =	simm.s32 $_scs_section_size  }
0x9a: {  	s5 =	simm.s32 $_size__tile_overlayer_lowered;
	s6 =	simm.s32 $_tile_overlayer_lowered  }
0x9b: {  	s22 =	simm.s32 $0x1BFF;
	s21 =	sshll.u32 s6, $0x1;
	s3 =	sadd.s32 s4, s19  }
0x9c: {  	s7 =	simm.s32 $0x0;
	s20 =	sshll.u32 s5, $0x1;
	s5 =	sadd.s32 s21, s3  }
0x9d: {  	[timem:s7], [sflag:s22] =	dma.local [hbm:s5], s20  }
0x9e: {  	_ =	swait.ge [sflag:s22], s20  }
0x9f: {  	s4 =	ssub.s32 $0x0, s20;
	[sflag:s22] =	ssyncset.done $0x0  }
0xa0: {  	[sflag:s22] =	ssyncadd.s32 s4;
	_ =	sdelay $0x1  }
0xa1: {  	s23 =	simm.s32 $0x1B8B  }
0xa2: {  	_ =	swait.ge [sflag:s23], $0x1  }
0xa3: {  	[sflag:s23] =	ssyncset.done $0x0  }
0xa4: {  	s25 =	simm.s32 $0x1B8E;
	s24 =	sld [smem:$0x3FFE];
	[sflag:s23] =	ssyncadd.s32 $0xFFFFFFFF  }
0xa5: {  	s26 =	simm.s32 $execute0_lowered;
	[smem:$0x3FD2] =	sst s25  }
0xa6: {  	s5 =	sshll.u32 s26, $0x1;
	_ =	strace $0x8000004C;
	[dreg:$0x1] =	wrdreg $0xFFFFFFFF  }
0xa7: {  	s28 =	simm.s32 $_size_execute0_lowered;
	s3 =	sadd.s32 s3, s5;
	[dreg:$0x0] =	wrdreg $0x0  }
0xa8: {  	s5 =	sshll.u32 s28, $0x1;
	[dreg:$0x2] =	wrdreg s3  }
0xa9: {  	[dreg:$0x3] =	wrdreg s5  }
0xaa: {  	[dreg:$0x4] =	wrdreg $0xC0  }
0xab: {  	_ =	task [dreg:s7], $0x5FFFF  }
0xac: {  	[dreg:$0x1] =	wrdreg $0xFFFFFFFF  }
0xad: {  	[dreg:$0x0] =	wrdreg $0x60  }
0xae: {  	[dreg:$0x2] =	wrdreg s24  }
0xaf: {  	[dreg:$0x3] =	wrdreg s2  }
0xb0: {  	[dreg:$0x4] =	wrdreg $0xAA000  }
0xb1: {  	[dreg:$0x5] =	wrdreg $0x9  }
0xb2: {  	_ =	task.clear_ibuf [dreg:s7], $0x6FFFF;
	_ =	strace $0x9000004C  }
0xb3: {  	s29 =	simm.s32 $0x9;
	_ =	strace $0x8000004E  }
0xb4: {  	_ =	swait.ge [sflag:s29], $0x1  }
0xb5: {  	[sflag:s29] =	ssyncadd.s32 $0xFFFFFFFF  }
0xb6: {  	_ =	strace $0x9000004E  }
0xb7: {  	_ =	sfence  }
0xb8: {  	s30 =	sld [smem:$0x0];
	_ =	sdelay $0x2  }
0xb9: {  	s31 =	sshll.u32 s1, $0xD;
	s1 =	sshrl.u32 s1, $0x2  }
0xba: {  	s3 =	sand.u32 $0x4000, s31;
	s1 =	sadd.s32 s1, s30  }
0xbb: {  	s0 =	sor.u32 s3, s0;
	s1 =	sshll.u32 s1, $0x11  }
0xbc: {  	s0 =	sor.u32 s1, s0  }
0xbd: {  	s0 =	sadd.s32 $0x8F2B, s0  }
0xbe: {  	[sflag:s0] =	ssyncadd.remote.s32 $0x1  }
0xbf: {  	_ =	sfence.sel $0xFFFF  }
0xc0: {  	[dreg:$0x0] =	wrdreg $0xFFFFFFFF;
	(pc) =	sbr.abs _section_cstart, $3  }
0xc1: {  	[dreg:$0x1] =	wrdreg $0xFFFFFFFF  }
0xc2: {  	_ =	task.clear_ibuf [dreg:s7], $0x2FFFF;
	_ =	strace $0x9FFFFFFF  }
0xc3: {  	(tm) =	ssettm $0x7FFFFFFF  }
tec
execute0_lowered:
.L_overlay_start_1:
0x0: {  	(tag) =	ssettag $0x1  }
0x1: {  	s0 =	rddreg [dreg:$0x0]  }
0x2: {  	s2 =	rddreg [dreg:$0x1]  }
0x3: {  	s1 =	rddreg [dreg:$0x2]  }
0x4: {  	s3 =	srdreg.scid;
	s10 =	stileid.u32  }
0x5: {  	s28 =	simm.s32 $0x40;
	s29 =	simm.s32 $0x2880;
	s30 =	simm.s32 $0x4A00  }
0x6: {  	s31 =	simm.s32 $0x2900;
	s6 =	sand.u32 $0x1, s3;
	s7 =	smul.u32 $0x13C00, s10  }
0x7: {  	s3 =	simm.s32 $0x0;
	s4 =	sadd.s32 $0x33A00, s0;
	s8 =	smul.u32 $0x4F000, s10  }
0x8: {  	s5 =	smul.u32 $0x13C000, s6;
	[smem:$0x7FF] =	sst s3;
	s9 =	ssub.s32 $0x2, s6  }
0x9: {  	s6 =	sshll.u32 s6, $0x4;
	_ =	strace $0x8000004D;
	s8 =	sshrl.u32 s8, $0x2  }
0xa: {  	s12 =	sshrl.u32 s9, $0x1;
	s6 =	sor.u32 s10, s6;
	s22 =	sadd.s32 s8, s1  }
0xb: {  	s10 =	simm.s32 $0x2;
	s8 =	sadd.s32 $0x2000, s22;
	[dreg:$0x4] =	wrdreg s22  }
0xc: {  	s7 =	sadd.s32 s7, s5;
	s13 =	sadd.s32 $0x4000, s22;
	[dreg:$0x5] =	wrdreg s8  }
0xd: {  	s5 =	sadd.s32 $0x1FA00, s0;
	s14 =	sadd.s32 $0x6000, s22;
	[dreg:$0x6] =	wrdreg s13  }
0xe: {  	s11 =	smul.u32 $0x5000, s6;
	s15 =	sadd.s32 $0x8000, s22;
	[dreg:$0x7] =	wrdreg s14  }
0xf: {  	s6 =	smul.u32 $0x500, s6;
	s16 =	sadd.s32 $0xA000, s22;
	[dreg:$0x8] =	wrdreg s15  }
0x10: {  	s7 =	sshrl.u32 s7, $0x3;
	s17 =	sadd.s32 $0xC000, s22;
	[dreg:$0x9] =	wrdreg s16  }
0x11: {  	s18 =	sadd.s32 $0xE000, s22;
	s19 =	sadd.s32 $0x10000, s22;
	[dreg:$0xa] =	wrdreg s17  }
0x12: {  	s21 =	sadd.s32 $0x12000, s22;
	s0 =	sadd.s32 s7, s0;
	[dreg:$0xb] =	wrdreg s18  }
0x13: {  	s7 =	ssub.s32 s9, s12;
	[dreg:$0xc] =	wrdreg s19;
	s20 =	sshrl.u32 s11, $0x3  }
0x14: {  	[dreg:$0xd] =	wrdreg s21;
	s2 =	sadd.s32 s2, s6;
	s8 =	simm.s32 $0x1  }
0x15: {  	s9 =	simm.s32 $0x5;
	s12 =	simm.s32 $0x6;
	s13 =	simm.s32 $0x3  }
0x16: {  	s14 =	simm.s32 $0x7;
	s15 =	simm.s32 $0x4;
	s16 =	simm.s32 $0x8  }
0x17: {  	s17 =	simm.s32 $0x9;
	[dreg:$0xe] =	wrdreg s2;
	s23 =	sadd.s32 s5, s20  }
0x18: {  	s19 =	simm.s32 $0xA;
	s0 =	sadd.s32 $0x5AC00, s0;
	[dreg:$0xf] =	wrdreg s23  }
0x19: {  	s21 =	simm.s32 $0xC;
	s26 =	smax.u32 s7, $0x1;
	[dreg:$0x13] =	wrdreg s0  }
0x1a: {  	s18 =	simm.s32 $0x0;
	s24 =	sadd.s32 $0x10, s23;
	[dreg:$0x14] =	wrdreg s26  }
0x1b: {  	s7 =	simm.s32 $0x8A00;
	s25 =	sadd.s32 $0x20, s23;
	[dreg:$0x10] =	wrdreg s24  }
0x1c: {  	s20 =	simm.s32 $0xB;
	s2 =	sadd.s32 $0x30, s23;
	[dreg:$0x11] =	wrdreg s25  }
0x1d: {  	s23 =	simm.s32 $0xD;
	s0 =	simm.s32 $0x6A00;
	[dreg:$0x12] =	wrdreg s2  }
0x1e: {  	v0 =	vimm.f32 $0.0e+00;
	s24 =	simm.s32 $0x2A00;
	s25 =	simm.s32 $0x2800;
	s2 =	simm.s32 $0x2980  }
.LBB2_1:
0x1f: {  	[dreg:$0x15] =	wrdreg s18;
	s6 =	simm.s32 $0x0;
	s18 =	simm.s32 $0x200  }
.LBB2_2:
0x20: {  	p0 =	sne.s32 s18, $0x7E00;
	[tilespmem:s6+$0x2A70] =	vst v0  }
0x21: {  	[tilespmem:s6+$0x2A00] =	vst v0  }
0x22: {  	[tilespmem:s6+$0x2A10] =	vst v0  }
.Ltmp0:
0x23: {  	[tilespmem:s6+$0x2A20] =	vst v0;
	(pc) =	sbr.rel @p0 .LBB2_2-.Ltmp0, $4  }
0x24: {  	[tilespmem:s6+$0x2A30] =	vst v0  }
0x25: {  	[tilespmem:s6+$0x2A40] =	vst v0  }
0x26: {  	[tilespmem:s6+$0x2A50] =	vst v0  }
0x27: {  	[tilespmem:s6+$0x2A60] =	vst v0;
	s6 =	sshra.s32 s18, $0x2;
	s18 =	sadd.s32 $0x200, s18  }
0x28: {  	[tilespmem:s6+$0x2A70] =	vst v0  }
0x29: {  	[tilespmem:s6+$0x2A00] =	vst v0  }
0x2a: {  	[tilespmem:s6+$0x2A10] =	vst v0  }
0x2b: {  	[tilespmem:s6+$0x2A20] =	vst v0  }
0x2c: {  	[tilespmem:s6+$0x2A30] =	vst v0  }
0x2d: {  	[tilespmem:s6+$0x2A40] =	vst v0  }
0x2e: {  	[tilespmem:s6+$0x2A50] =	vst v0  }
0x2f: {  	[tilespmem:s6+$0x2A60] =	vst v0  }
0x30: {  	[spmem:s22] =	stream.linear.scatter [tilespmem:s24], [sflag:$0xD], $0x2000, $0x38;
	[tilespmem:$0x1E600] =	vst v63  }
0x31: {  	_ =	swait.ge [sflag:s23], $0x2000  }
0x32: {  	[sflag:s23] =	ssyncset.done $0x0  }
0x33: {  	s26 =	rddreg [dreg:$0x5];
	[sflag:s23] =	ssyncadd.s32 $0xFFFFE000  }
0x34: {  	[spmem:s26] =	stream.linear.scatter [tilespmem:s24], [sflag:$0xD], $0x2000, $0x38;
	[tilespmem:$0x1E600] =	vst v63  }
0x35: {  	_ =	swait.ge [sflag:s23], $0x2000  }
0x36: {  	[sflag:s23] =	ssyncset.done $0x0  }
0x37: {  	s18 =	rddreg [dreg:$0x6];
	[sflag:s23] =	ssyncadd.s32 $0xFFFFE000  }
0x38: {  	[spmem:s18] =	stream.linear.scatter [tilespmem:s24], [sflag:$0xD], $0x2000, $0x38;
	[tilespmem:$0x1E600] =	vst v63  }
0x39: {  	_ =	swait.ge [sflag:s23], $0x2000  }
0x3a: {  	[sflag:s23] =	ssyncset.done $0x0  }
0x3b: {  	s22 =	rddreg [dreg:$0x7];
	[sflag:s23] =	ssyncadd.s32 $0xFFFFE000  }
0x3c: {  	[spmem:s22] =	stream.linear.scatter [tilespmem:s24], [sflag:$0xD], $0x2000, $0x38;
	[tilespmem:$0x1E600] =	vst v63  }
0x3d: {  	_ =	swait.ge [sflag:s23], $0x2000  }
0x3e: {  	[sflag:s23] =	ssyncset.done $0x0  }
0x3f: {  	s26 =	rddreg [dreg:$0x8];
	[sflag:s23] =	ssyncadd.s32 $0xFFFFE000  }
0x40: {  	[spmem:s26] =	stream.linear.scatter [tilespmem:s24], [sflag:$0xD], $0x2000, $0x38;
	[tilespmem:$0x1E600] =	vst v63  }
0x41: {  	_ =	swait.ge [sflag:s23], $0x2000  }
0x42: {  	[sflag:s23] =	ssyncset.done $0x0  }
0x43: {  	s18 =	rddreg [dreg:$0x9];
	[sflag:s23] =	ssyncadd.s32 $0xFFFFE000  }
0x44: {  	[spmem:s18] =	stream.linear.scatter [tilespmem:s24], [sflag:$0xD], $0x2000, $0x38;
	[tilespmem:$0x1E600] =	vst v63  }
0x45: {  	_ =	swait.ge [sflag:s23], $0x2000  }
0x46: {  	[sflag:s23] =	ssyncset.done $0x0  }
0x47: {  	s22 =	rddreg [dreg:$0xa];
	[sflag:s23] =	ssyncadd.s32 $0xFFFFE000  }
0x48: {  	[spmem:s22] =	stream.linear.scatter [tilespmem:s24], [sflag:$0xD], $0x2000, $0x38;
	[tilespmem:$0x1E600] =	vst v63  }
0x49: {  	_ =	swait.ge [sflag:s23], $0x2000  }
0x4a: {  	[sflag:s23] =	ssyncset.done $0x0  }
0x4b: {  	s26 =	rddreg [dreg:$0xb];
	[sflag:s23] =	ssyncadd.s32 $0xFFFFE000  }
0x4c: {  	[spmem:s26] =	stream.linear.scatter [tilespmem:s24], [sflag:$0xD], $0x2000, $0x38;
	[tilespmem:$0x1E600] =	vst v63  }
0x4d: {  	_ =	swait.ge [sflag:s23], $0x2000  }
0x4e: {  	[sflag:s23] =	ssyncset.done $0x0  }
0x4f: {  	s18 =	rddreg [dreg:$0xc];
	[sflag:s23] =	ssyncadd.s32 $0xFFFFE000  }
0x50: {  	[spmem:s18] =	stream.linear.scatter [tilespmem:s24], [sflag:$0xD], $0x2000, $0x38;
	[tilespmem:$0x1E600] =	vst v63  }
0x51: {  	_ =	swait.ge [sflag:s23], $0x2000  }
0x52: {  	[sflag:s23] =	ssyncset.done $0x0  }
0x53: {  	s22 =	rddreg [dreg:$0xd];
	[sflag:s23] =	ssyncadd.s32 $0xFFFFE000  }
0x54: {  	[spmem:s22] =	stream.linear.scatter [tilespmem:s24], [sflag:$0xD], $0x1C00, $0x38;
	[tilespmem:$0x1E600] =	vst v63  }
0x55: {  	_ =	swait.ge [sflag:s23], $0x1C00  }
0x56: {  	[sflag:s23] =	ssyncset.done $0x0  }
0x57: {  	[sflag:s23] =	ssyncadd.s32 $0xFFFFE400  }
0x58: {  	[bflag:$0x0] =	sbarrier.arrive $0xFFFF  }
0x59: {  	s26 =	rddreg [dreg:$0xe]  }
0x5a: {  	[tilespmem:s3], [sflag:$0xD] =	stream.linear.gather [hbm4b:s26+s3], $0x2800, $0x38;
	[tilespmem:$0x1E600] =	vst v63  }
0x5b: {  	_ =	swait.ge [sflag:s23], $0x2800  }
0x5c: {  	[sflag:s23] =	ssyncset.done $0x0  }
0x5d: {  	s18 =	rddreg [dreg:$0xf];
	[sflag:s23] =	ssyncadd.s32 $0xFFFFD800  }
0x5e: {  	[tilespmem:s25], [sflag:$0x5] =	stream.linear.gather [hbm4b:s18+s3], $0x80, $0x38;
	[tilespmem:$0x1E600] =	vst v63  }
0x5f: {  	_ = 	snop  }
0x60: {  	[tilespmem:s24], [sflag:$0x1] =	stream.indirect.gather [hbm4b:s4+s28], $0x80, s3, s28, $0xb8;
	[tilespmem:$0x1E600] =	vst v63  }
0x61: {  	s22 =	rddreg [dreg:$0x10]  }
0x62: {  	[tilespmem:s29], [sflag:$0x6] =	stream.linear.gather [hbm4b:s22+s3], $0x80, $0x38;
	[tilespmem:$0x1E600] =	vst v63  }
0x63: {  	_ = 	snop  }
0x64: {  	[tilespmem:s30], [sflag:$0x2] =	stream.indirect.gather [hbm4b:s4+s28], $0x80, s28, s28, $0xb8;
	[tilespmem:$0x1E600] =	vst v63  }
0x65: {  	s23 =	rddreg [dreg:$0x11]  }
0x66: {  	[tilespmem:s31], [sflag:$0x7] =	stream.linear.gather [hbm4b:s23+s3], $0x80, $0x38;
	[tilespmem:$0x1E600] =	vst v63  }
0x67: {  	s26 =	simm.s32 $0x80  }
0x68: {  	[tilespmem:s0], [sflag:$0x3] =	stream.indirect.gather [hbm4b:s4+s28], $0x80, s26, s28, $0xb8;
	[tilespmem:$0x1E600] =	vst v63  }
0x69: {  	s18 =	rddreg [dreg:$0x12]  }
0x6a: {  	[tilespmem:s2], [sflag:$0x8] =	stream.linear.gather [hbm4b:s18+s3], $0x80, $0x38;
	[tilespmem:$0x1E600] =	vst v63  }
0x6b: {  	s22 =	simm.s32 $0xC0  }
0x6c: {  	[tilespmem:s7], [sflag:$0x4] =	stream.indirect.gather [hbm4b:s4+s28], $0x80, s22, s28, $0xb8;
	[tilespmem:$0x1E600] =	vst v63  }
0x6d: {  	_ =	swait.ge [sflag:s8], $0x2000  }
0x6e: {  	[sflag:s8] =	ssyncset.done $0x0  }
0x6f: {  	[sflag:s8] =	ssyncadd.s32 $0xFFFFE000  }
0x70: {  	_ =	swait.ge [sflag:s9], $0x80  }
0x71: {  	[sflag:s9] =	ssyncset.done $0x0  }
0x72: {  	[sflag:s9] =	ssyncadd.s32 $0xFFFFFF80  }
0x73: {  	[spmem:s1] =	stream.indirect.scatter.add.f32 [tilespmem:s24], [sflag:$0x9], $0x80, s25, s28, $0xb8;
	[tilespmem:$0x1E600] =	vst v63  }
0x74: {  	_ =	swait.ge [sflag:s10], $0x2000  }
0x75: {  	[sflag:s10] =	ssyncset.done $0x0  }
0x76: {  	[sflag:s10] =	ssyncadd.s32 $0xFFFFE000  }
0x77: {  	_ =	swait.ge [sflag:s12], $0x80  }
0x78: {  	[sflag:s12] =	ssyncset.done $0x0  }
0x79: {  	[sflag:s12] =	ssyncadd.s32 $0xFFFFFF80  }
0x7a: {  	[spmem:s1] =	stream.indirect.scatter.add.f32 [tilespmem:s30], [sflag:$0xA], $0x80, s29, s28, $0xb8;
	[tilespmem:$0x1E600] =	vst v63  }
0x7b: {  	_ =	swait.ge [sflag:s13], $0x2000  }
0x7c: {  	[sflag:s13] =	ssyncset.done $0x0  }
0x7d: {  	[sflag:s13] =	ssyncadd.s32 $0xFFFFE000  }
0x7e: {  	_ =	swait.ge [sflag:s14], $0x80  }
0x7f: {  	[sflag:s14] =	ssyncset.done $0x0  }
0x80: {  	[sflag:s14] =	ssyncadd.s32 $0xFFFFFF80  }
0x81: {  	[spmem:s1] =	stream.indirect.scatter.add.f32 [tilespmem:s0], [sflag:$0xB], $0x80, s31, s28, $0xb8;
	[tilespmem:$0x1E600] =	vst v63  }
0x82: {  	_ =	swait.ge [sflag:s15], $0x2000  }
0x83: {  	[sflag:s15] =	ssyncset.done $0x0  }
0x84: {  	[sflag:s15] =	ssyncadd.s32 $0xFFFFE000  }
0x85: {  	s23 =	simm.s32 $0x200;
	_ =	swait.ge [sflag:s16], $0x80  }
0x86: {  	s18 =	sand.u32 $0xFC00, s23;
	[sflag:s16] =	ssyncset.done $0x0  }
0x87: {  	s6 =	sand.u32 $0x200, s23;
	s18 =	sadd.s32 s11, s18;
	[sflag:s16] =	ssyncadd.s32 $0xFFFFFF80  }
0x88: {  	[spmem:s1] =	stream.indirect.scatter.add.f32 [tilespmem:s7], [sflag:$0xC], $0x80, s2, s28, $0xb8;
	[tilespmem:$0x1E600] =	vst v63  }
0x89: {  	s6 =	sor.u32 s6, s18;
	_ =	swait.ge [sflag:s17], $0x2000  }
0x8a: {  	s18 =	simm.s32 $0x280;
	s6 =	sshrl.u32 s6, $0x3;
	[sflag:s17] =	ssyncset.done $0x0  }
0x8b: {  	s26 =	sand.u32 $0xFC00, s18;
	s6 =	sadd.s32 s5, s6;
	[sflag:s17] =	ssyncadd.s32 $0xFFFFE000  }
0x8c: {  	[tilespmem:s25], [sflag:$0x5] =	stream.linear.gather [hbm4b:s6+s3], $0x80, $0x38;
	[tilespmem:$0x1E600] =	vst v63  }
0x8d: {  	s23 =	simm.s32 $0x100;
	s18 =	sand.u32 $0x280, s18;
	s26 =	sadd.s32 s11, s26  }
0x8e: {  	[tilespmem:s24], [sflag:$0x1] =	stream.indirect.gather [hbm4b:s4+s28], $0x80, s23, s28, $0xb8;
	[tilespmem:$0x1E600] =	vst v63  }
0x8f: {  	s6 =	sor.u32 s18, s26;
	_ =	swait.ge [sflag:s19], $0x2000  }
0x90: {  	s18 =	simm.s32 $0x300;
	s6 =	sshrl.u32 s6, $0x3;
	[sflag:s19] =	ssyncset.done $0x0  }
0x91: {  	s26 =	sand.u32 $0xFC00, s18;
	s6 =	sadd.s32 s5, s6;
	[sflag:s19] =	ssyncadd.s32 $0xFFFFE000  }
0x92: {  	[tilespmem:s29], [sflag:$0x6] =	stream.linear.gather [hbm4b:s6+s3], $0x80, $0x38;
	[tilespmem:$0x1E600] =	vst v63  }
0x93: {  	s22 =	simm.s32 $0x140;
	s18 =	sand.u32 $0x300, s18;
	s26 =	sadd.s32 s11, s26  }
0x94: {  	[tilespmem:s30], [sflag:$0x2] =	stream.indirect.gather [hbm4b:s4+s28], $0x80, s22, s28, $0xb8;
	[tilespmem:$0x1E600] =	vst v63  }
0x95: {  	s6 =	sor.u32 s18, s26;
	_ =	swait.ge [sflag:s20], $0x2000  }
0x96: {  	s18 =	simm.s32 $0x380;
	s6 =	sshrl.u32 s6, $0x3;
	[sflag:s20] =	ssyncset.done $0x0  }
0x97: {  	s6 =	sadd.s32 s5, s6;
	s22 =	sand.u32 $0xFC00, s18;
	[sflag:s20] =	ssyncadd.s32 $0xFFFFE000  }
0x98: {  	[tilespmem:s31], [sflag:$0x7] =	stream.linear.gather [hbm4b:s6+s3], $0x80, $0x38;
	[tilespmem:$0x1E600] =	vst v63  }
0x99: {  	s26 =	simm.s32 $0x180;
	s22 =	sadd.s32 s11, s22;
	s6 =	sand.u32 $0x380, s18  }
0x9a: {  	[tilespmem:s0], [sflag:$0x3] =	stream.indirect.gather [hbm4b:s4+s28], $0x80, s26, s28, $0xb8;
	[tilespmem:$0x1E600] =	vst v63  }
0x9b: {  	s18 =	simm.s32 $0x580;
	s6 =	sor.u32 s6, s22;
	_ =	swait.ge [sflag:s21], $0x2000  }
0x9c: {  	s22 =	simm.s32 $0x1C0;
	s6 =	sshrl.u32 s6, $0x3;
	[sflag:s21] =	ssyncset.done $0x0  }
.LBB2_4:
0x9d: {  	[sflag:s21] =	ssyncadd.s32 $0xFFFFE000;
	s6 =	sadd.s32 s5, s6;
	s23 =	sadd.s32 $0x100, s23  }
0x9e: {  	[tilespmem:s2], [sflag:$0x8] =	stream.linear.gather [hbm4b:s6+s3], $0x80, $0x38;
	[tilespmem:$0x1E600] =	vst v63  }
0x9f: {  	p0 =	sne.s32 s18, $0x4F80;
	s6 =	smov.u32 s18;
	s18 =	sadd.s32 $0x200, s18  }
0xa0: {  	[tilespmem:s7], [sflag:$0x4] =	stream.indirect.gather [hbm4b:s4+s28], $0x80, s22, s28, $0xb8;
	[tilespmem:$0x1E600] =	vst v63  }
0xa1: {  	_ =	swait.ge [sflag:s8], $0x2000  }
0xa2: {  	[sflag:s8] =	ssyncset.done $0x0  }
0xa3: {  	[sflag:s8] =	ssyncadd.s32 $0xFFFFE000  }
0xa4: {  	_ =	swait.ge [sflag:s9], $0x80  }
0xa5: {  	[sflag:s9] =	ssyncset.done $0x0  }
0xa6: {  	[sflag:s9] =	ssyncadd.s32 $0xFFFFFF80  }
0xa7: {  	[spmem:s1] =	stream.indirect.scatter.add.f32 [tilespmem:s24], [sflag:$0x9], $0x80, s25, s28, $0xb8;
	[tilespmem:$0x1E600] =	vst v63  }
0xa8: {  	_ =	swait.ge [sflag:s10], $0x2000  }
0xa9: {  	[sflag:s10] =	ssyncset.done $0x0  }
0xaa: {  	[sflag:s10] =	ssyncadd.s32 $0xFFFFE000  }
0xab: {  	_ =	swait.ge [sflag:s12], $0x80  }
0xac: {  	[sflag:s12] =	ssyncset.done $0x0  }
0xad: {  	[sflag:s12] =	ssyncadd.s32 $0xFFFFFF80  }
0xae: {  	[spmem:s1] =	stream.indirect.scatter.add.f32 [tilespmem:s30], [sflag:$0xA], $0x80, s29, s28, $0xb8;
	[tilespmem:$0x1E600] =	vst v63  }
0xaf: {  	_ =	swait.ge [sflag:s13], $0x2000  }
0xb0: {  	[sflag:s13] =	ssyncset.done $0x0  }
0xb1: {  	[sflag:s13] =	ssyncadd.s32 $0xFFFFE000  }
0xb2: {  	_ =	swait.ge [sflag:s14], $0x80  }
0xb3: {  	[sflag:s14] =	ssyncset.done $0x0  }
0xb4: {  	[sflag:s14] =	ssyncadd.s32 $0xFFFFFF80  }
0xb5: {  	[spmem:s1] =	stream.indirect.scatter.add.f32 [tilespmem:s0], [sflag:$0xB], $0x80, s31, s28, $0xb8;
	[tilespmem:$0x1E600] =	vst v63  }
0xb6: {  	_ =	swait.ge [sflag:s15], $0x2000  }
0xb7: {  	[sflag:s15] =	ssyncset.done $0x0  }
0xb8: {  	s22 =	sadd.s32 $0xFFFFFE80, s6;
	s24 =	simm.s32 $0x2800;
	[sflag:s15] =	ssyncadd.s32 $0xFFFFE000  }
0xb9: {  	s25 =	sand.u32 $0xFC00, s22;
	s22 =	sand.u32 $0x200, s22;
	_ =	swait.ge [sflag:s16], $0x80  }
0xba: {  	s25 =	sadd.s32 s11, s25;
	[sflag:s16] =	ssyncset.done $0x0  }
0xbb: {  	s22 =	sor.u32 s22, s25;
	[sflag:s16] =	ssyncadd.s32 $0xFFFFFF80  }
0xbc: {  	[spmem:s1] =	stream.indirect.scatter.add.f32 [tilespmem:s7], [sflag:$0xC], $0x80, s2, s28, $0xb8;
	[tilespmem:$0x1E600] =	vst v63  }
0xbd: {  	s22 =	sshrl.u32 s22, $0x3;
	_ =	swait.ge [sflag:s17], $0x2000  }
0xbe: {  	s25 =	sadd.s32 $0xFFFFFF00, s6;
	s22 =	sadd.s32 s5, s22;
	[sflag:s17] =	ssyncset.done $0x0  }
0xbf: {  	s26 =	sand.u32 $0xFC00, s25;
	[sflag:s17] =	ssyncadd.s32 $0xFFFFE000  }
0xc0: {  	[tilespmem:s24], [sflag:$0x5] =	stream.linear.gather [hbm4b:s22+s3], $0x80, $0x38;
	[tilespmem:$0x1E600] =	vst v63  }
0xc1: {  	s24 =	simm.s32 $0x2A00  }
0xc2: {  	s25 =	sand.u32 $0x280, s25;
	s22 =	sadd.s32 s11, s26  }
0xc3: {  	[tilespmem:s24], [sflag:$0x1] =	stream.indirect.gather [hbm4b:s4+s28], $0x80, s23, s28, $0xb8;
	[tilespmem:$0x1E600] =	vst v63  }
0xc4: {  	s22 =	sor.u32 s25, s22;
	_ =	swait.ge [sflag:s19], $0x2000  }
0xc5: {  	s22 =	sshrl.u32 s22, $0x3;
	[sflag:s19] =	ssyncset.done $0x0  }
0xc6: {  	s25 =	sadd.s32 $0xFFFFFF80, s6;
	s22 =	sadd.s32 s5, s22;
	[sflag:s19] =	ssyncadd.s32 $0xFFFFE000  }
0xc7: {  	[tilespmem:s29], [sflag:$0x6] =	stream.linear.gather [hbm4b:s22+s3], $0x80, $0x38;
	[tilespmem:$0x1E600] =	vst v63  }
0xc8: {  	s26 =	sand.u32 $0xFC00, s25;
	s25 =	sand.u32 $0x300, s25;
	s22 =	sadd.s32 $0x40, s23  }
0xc9: {  	[tilespmem:s30], [sflag:$0x2] =	stream.indirect.gather [hbm4b:s4+s28], $0x80, s22, s28, $0xb8;
	[tilespmem:$0x1E600] =	vst v63  }
0xca: {  	s22 =	sadd.s32 s11, s26;
	_ =	swait.ge [sflag:s20], $0x2000  }
0xcb: {  	s22 =	sor.u32 s25, s22;
	[sflag:s20] =	ssyncset.done $0x0  }
0xcc: {  	s22 =	sshrl.u32 s22, $0x3;
	[sflag:s20] =	ssyncadd.s32 $0xFFFFE000  }
0xcd: {  	s26 =	sand.u32 $0xFC00, s6;
	s25 =	sadd.s32 $0x80, s23;
	s22 =	sadd.s32 s5, s22  }
0xce: {  	[tilespmem:s31], [sflag:$0x7] =	stream.linear.gather [hbm4b:s22+s3], $0x80, $0x38;
	[tilespmem:$0x1E600] =	vst v63  }
.Ltmp1:
0xcf: {  	s6 =	sand.u32 $0x380, s6;
	s22 =	sadd.s32 s11, s26;
	(pc) =	sbr.rel @p0 .LBB2_4-.Ltmp1, $4  }
0xd0: {  	[tilespmem:s0], [sflag:$0x3] =	stream.indirect.gather [hbm4b:s4+s28], $0x80, s25, s28, $0xb8;
	[tilespmem:$0x1E600] =	vst v63  }
0xd1: {  	s25 =	simm.s32 $0x2800  }
0xd2: {  	s6 =	sor.u32 s6, s22;
	_ =	swait.ge [sflag:s21], $0x2000  }
0xd3: {  	s22 =	sadd.s32 $0xC0, s23;
	s6 =	sshrl.u32 s6, $0x3;
	[sflag:s21] =	ssyncset.done $0x0  }
0xd4: {  	[sflag:s21] =	ssyncadd.s32 $0xFFFFE000;
	s6 =	sadd.s32 s5, s6  }
0xd5: {  	[tilespmem:s2], [sflag:$0x8] =	stream.linear.gather [hbm4b:s6+s3], $0x80, $0x38;
	[tilespmem:$0x1E600] =	vst v63  }
0xd6: {  	_ = 	snop  }
0xd7: {  	[tilespmem:s7], [sflag:$0x4] =	stream.indirect.gather [hbm4b:s4+s28], $0x80, s22, s28, $0xb8;
	[tilespmem:$0x1E600] =	vst v63  }
0xd8: {  	_ =	swait.ge [sflag:s8], $0x2000  }
0xd9: {  	[sflag:s8] =	ssyncset.done $0x0  }
0xda: {  	[sflag:s8] =	ssyncadd.s32 $0xFFFFE000  }
0xdb: {  	_ =	swait.ge [sflag:s9], $0x80  }
0xdc: {  	[sflag:s9] =	ssyncset.done $0x0  }
0xdd: {  	[sflag:s9] =	ssyncadd.s32 $0xFFFFFF80  }
0xde: {  	[spmem:s1] =	stream.indirect.scatter.add.f32 [tilespmem:s24], [sflag:$0x9], $0x80, s25, s28, $0xb8;
	[tilespmem:$0x1E600] =	vst v63  }
0xdf: {  	_ =	swait.ge [sflag:s10], $0x2000  }
0xe0: {  	[sflag:s10] =	ssyncset.done $0x0  }
0xe1: {  	[sflag:s10] =	ssyncadd.s32 $0xFFFFE000  }
0xe2: {  	_ =	swait.ge [sflag:s12], $0x80  }
0xe3: {  	[sflag:s12] =	ssyncset.done $0x0  }
0xe4: {  	[sflag:s12] =	ssyncadd.s32 $0xFFFFFF80  }
0xe5: {  	[spmem:s1] =	stream.indirect.scatter.add.f32 [tilespmem:s30], [sflag:$0xA], $0x80, s29, s28, $0xb8;
	[tilespmem:$0x1E600] =	vst v63  }
0xe6: {  	_ =	swait.ge [sflag:s13], $0x2000  }
0xe7: {  	[sflag:s13] =	ssyncset.done $0x0  }
0xe8: {  	[sflag:s13] =	ssyncadd.s32 $0xFFFFE000  }
0xe9: {  	_ =	swait.ge [sflag:s14], $0x80  }
0xea: {  	[sflag:s14] =	ssyncset.done $0x0  }
0xeb: {  	[sflag:s14] =	ssyncadd.s32 $0xFFFFFF80  }
0xec: {  	[spmem:s1] =	stream.indirect.scatter.add.f32 [tilespmem:s0], [sflag:$0xB], $0x80, s31, s28, $0xb8;
	[tilespmem:$0x1E600] =	vst v63  }
0xed: {  	_ =	swait.ge [sflag:s15], $0x2000  }
0xee: {  	[sflag:s15] =	ssyncset.done $0x0  }
0xef: {  	[sflag:s15] =	ssyncadd.s32 $0xFFFFE000  }
0xf0: {  	_ =	swait.ge [sflag:s16], $0x80  }
0xf1: {  	[sflag:s16] =	ssyncset.done $0x0  }
0xf2: {  	[sflag:s16] =	ssyncadd.s32 $0xFFFFFF80  }
0xf3: {  	[spmem:s1] =	stream.indirect.scatter.add.f32 [tilespmem:s7], [sflag:$0xC], $0x80, s2, s28, $0xb8;
	[tilespmem:$0x1E600] =	vst v63  }
0xf4: {  	_ =	swait.ge [sflag:s17], $0x2000  }
0xf5: {  	[sflag:s17] =	ssyncset.done $0x0  }
0xf6: {  	[sflag:s17] =	ssyncadd.s32 $0xFFFFE000  }
0xf7: {  	_ =	swait.ge [sflag:s19], $0x2000  }
0xf8: {  	[sflag:s19] =	ssyncset.done $0x0  }
0xf9: {  	[sflag:s19] =	ssyncadd.s32 $0xFFFFE000  }
0xfa: {  	_ =	swait.ge [sflag:s20], $0x2000  }
0xfb: {  	[sflag:s20] =	ssyncset.done $0x0  }
0xfc: {  	[sflag:s20] =	ssyncadd.s32 $0xFFFFE000  }
0xfd: {  	_ =	swait.ge [sflag:s21], $0x2000  }
0xfe: {  	[sflag:s21] =	ssyncset.done $0x0  }
0xff: {  	[sflag:s21] =	ssyncadd.s32 $0xFFFFE000  }
0x100: {  	s26 =	stileid.u32;
	[bflag:$0x0] =	sbarrier.arrive $0xFFFF  }
0x101: {  	s6 =	sshll.u32 s26, $0x6;
	s22 =	rddreg [dreg:$0x4]  }
0x102: {  	s6 =	sor.u32 $0x1C0D, s6;
	s23 =	rddreg [dreg:$0x13];
	s18 =	sshrl.u32 s22, $0x3  }
0x103: {  	[hbm:s23], [sflag:s6] =	dma.local [spmem:s18], $0x2780  }
0x104: {  	s23 =	simm.s32 $0xD  }
0x105: {  	_ =	swait.ge [sflag:s23], $0x2780  }
0x106: {  	s6 =	rddreg [dreg:$0x15]  }
0x107: {  	s26 =	rddreg [dreg:$0x14];
	s18 =	sadd.s32 $0x1, s6  }
0x108: {  	p0 =	sne.s32 s18, s26  }
.Ltmp2:
0x109: {  	_ = 	snop;
	(pc) =	sbr.rel @p0 .LBB2_1-.Ltmp2, $3  }
0x10a: {  	_ =	sdelay $0x1  }
0x10b: {  	[sflag:s23] =	ssyncset.done $0x0  }
0x10c: {  	[sflag:s23] =	ssyncadd.s32 $0xFFFFD880  }
0x10d: {  	_ =	sfence.sel $0x180000  }
0x10e: {  	[bflag:$0x0] =	sbarrier.arrive $0xFFFF  }
0x10f: {  	_ =	strace $0x9000004D  }
0x110: {  	s0 =	stileid.u32;
	[bflag:$0x2] =	sbarrier.arrive $0xFFFF  }
0x111: {  	p0 =	sne.s32 s0, $0x0;
	s0 =	rddreg [dreg:$0x3]  }
0x112: {  	s0 =	sadd.s32 @!p0 $0x100000, s0  }
0x113: {  	[sflag:s0] =	ssyncadd.tile.s32 @!p0 $0x1;
	_ =	shalt  }
.Lfunc_end2:
_tile_overlayer_lowered:
.L_overlay_start_2:
0x114: {  	(tag) =	ssettag $0x2  }
0x115: {  	s0 =	rddreg [dreg:$0x0];
	s2 =	stileid.u32  }
0x116: {  	s1 =	rddreg [dreg:$0x1];
	p0 =	sne.s32 s2, $0x0  }
0x117: {  	s3 =	rddreg [dreg:$0x2];
	[bflag:$0x3] =	sbarrier.arrive $0xFFFF;
	s2 =	simm.s32 @!p0 $0x1C0D  }
0x118: {  	[timem:s3], [sflag:s2] =	dma.local @!p0 [hbm:s0], s1  }
0x119: {  	s0 =	simm.s32 @!p0 $0xD  }
0x11a: {  	_ =	swait.ge @!p0 [sflag:s0], s1  }
0x11b: {  	s1 =	ssub.s32 @!p0 $0x0, s1;
	[sflag:s0] =	ssyncset.done @!p0 $0x0  }
0x11c: {  	[sflag:s0] =	ssyncadd.s32 @!p0 s1  }
0x11d: {  	[bflag:$0x3] =	sbarrier.arrive $0xFFFF  }
0x11e: {  	_ =	shalt  }

// kernel: kernel.8.cloned.1.call-start
scs
__scs_entry_jumppad:
0x0: {  	(pc) =	sbr.rel $0x88, $3  }
0x1: {  	(tag) =	ssettag $0x0;
	lr =	simm.s32 $0x1  }
0x2: {  	[smem:$0x3F9B] =	sst lr;
	_ =	strace $0xD0000000  }
0x3: {  	_ = 	snop  }
0x4: {  	_ = 	snop  }
0x5: {  	_ = 	snop  }
0x6: {  	_ = 	snop  }
0x7: {  	_ = 	snop  }
__scs_overlays_trampoline_lowered:
0x8: {  	[smem:$0x3FAA] =	sst s0  }
0x9: {  	[smem:$0x3FAB] =	sst s1  }
0xa: {  	[smem:$0x3FAC] =	sst s2  }
0xb: {  	[smem:$0x3FAD] =	sst s3  }
0xc: {  	[smem:$0x3FAE] =	sst s4  }
0xd: {  	[smem:$0x3FAF] =	sst s5  }
0xe: {  	[smem:$0x3FB0] =	sst s6  }
0xf: {  	[smem:$0x3FB1] =	sst s7  }
0x10: {  	[smem:$0x3FB2] =	sst s8  }
0x11: {  	[smem:$0x3FB3] =	sst s9;
	s0 =	simm.s32 @!p0 $0x0  }
0x12: {  	s1 =	sld [smem:$0x3F99];
	s0 =	simm.s32 @p0 $0x1  }
0x13: {  	[smem:$0x3FB4] =	sst s0;
	s0 =	simm.s32 @!p1 $0x0  }
0x14: {  	s2 =	sld [smem:$0x3F98];
	s0 =	simm.s32 @p1 $0x1  }
0x15: {  	[smem:$0x3FB5] =	sst s0;
	s0 =	simm.s32 @!p2 $0x0  }
0x16: {  	s3 =	sld [smem:$0x3FDB];
	s0 =	simm.s32 @p2 $0x1  }
0x17: {  	s4 =	simm.s32 $0x1BF5;
	[smem:$0x3FB7] =	sst s0  }
0x18: {  	s0 =	sld [smem:$0x3F9A];
	_ =	swait.ge [sflag:s4], $0x0  }
0x19: {  	s7 =	sld [smem:$0x3F9B]  }
0x1a: {  	s8 =	sadd.s32 $0xFFFFE003, lr  }
0x1b: {  	s9 =	sadd.s32 $0xFFFFFEF7, lr;
	s5 =	simm.s32 $0xFFFFFFFF;
	p2 =	slt.u32 s8, $0xFFFFF086  }
0x1c: {  	p1 =	slt.u32 s9, $0xF7A;
	s5 =	simm.s32 @!p2 $0x0  }
0x1d: {  	s5 =	simm.s32 @p1 $0x1;
	p0 =	seq.s32 s7, s2  }
0x1e: {  	s7 =	smul.u32 @!p0 $0xF7A, s2;
	p2 =	seq.s32 @!p0 s5, $0x0  }
0x1f: {  	s9 =	smul.u32 $0xF7A, s1;
	s8 =	simm.s32 @!p0 $0x1BF5;
	p2 =	por !p2, p0  }
0x20: {  	[sflag:s8] =	ssyncset.s32 @!p0 $0xFFFFF086;
	s6 =	sadd.s32 @!p0 s3, s7;
	s7 =	simm.s32 @!p0 $0x108  }
0x21: {  	s3 =	sadd.s32 s3, s9;
	s6 =	sadd.s32 @!p0 $0x88, s6;
	s7 =	simm.s32 @p2 $0x1082  }
0x22: {  	[simem:s7], [sflag:s8] =	dma.local @!p0 [hbm:s6], $0xF7A  }
0x23: {  	s9 =	sor.u32 $0xD0000000, s2;
	s6 =	simm.s32 $0x108;
	_ =	swait.ge @!p0 [sflag:s8], $0x0  }
0x24: {  	s3 =	sadd.s32 $0x88, s3;
	s6 =	simm.s32 @!p1 $0x1082;
	[sflag:s4] =	ssyncset.s32 $0xFFFFF086  }
0x25: {  	[simem:s6], [sflag:s4] =	dma.local [hbm:s3], $0xF7A  }
0x26: {  	[smem:$0x3F9B] =	sst s1;
	(tag) =	ssettag s2;
	_ =	strace s9  }
0x27: {  	s1 =	sld [smem:$0x3FAB]  }
0x28: {  	s2 =	sld [smem:$0x3FAC]  }
0x29: {  	s4 =	sld [smem:$0x3FAE]  }
0x2a: {  	p0 =	seq.s32 s5, $0x0;
	s5 =	sld [smem:$0x3FAF]  }
0x2b: {  	s6 =	sld [smem:$0x3FB0]  }
0x2c: {  	s7 =	sld [smem:$0x3FB1]  }
0x2d: {  	s3 =	simm.s32 $0x108;
	s8 =	sld [smem:$0x3FB2]  }
0x2e: {  	s3 =	simm.s32 @!p0 $0x1082;
	s9 =	sld [smem:$0x3FB3]  }
0x2f: {  	lr =	sadd.s32 s0, s3;
	s0 =	sld [smem:$0x3FAA]  }
0x30: {  	s3 =	sld [smem:$0x3FAD]  }
0x31: {  	[smem:$0x3FB6] =	sst s10  }
0x32: {  	s10 =	sld [smem:$0x3FB4];
	_ =	sdelay $0x3  }
0x33: {  	p0 =	seq.s32 s10, $0x1;
	s10 =	sld [smem:$0x3FB6];
	_ =	sdelay $0x3  }
0x34: {  	[smem:$0x3FB6] =	sst s10  }
0x35: {  	s10 =	sld [smem:$0x3FB5];
	_ =	sdelay $0x3  }
0x36: {  	p1 =	seq.s32 s10, $0x1;
	s10 =	sld [smem:$0x3FB6];
	_ =	sdelay $0x3  }
0x37: {  	[smem:$0x3FB6] =	sst s10  }
0x38: {  	s10 =	sld [smem:$0x3FB7]  }
0x39: {  	_ = 	snop;
	(pc) =	sbr.ind lr, $3  }
0x3a: {  	_ = 	snop  }
0x3b: {  	_ = 	snop  }
0x3c: {  	p2 =	seq.s32 s10, $0x1;
	s10 =	sld [smem:$0x3FB6]  }
0x3d: {  	_ =	shalt  }
0x3e: {  	_ =	shalt  }
0x3f: {  	_ =	shalt  }
0x40: {  	_ =	shalt  }
0x41: {  	_ =	shalt  }
0x42: {  	_ =	shalt  }
0x43: {  	_ =	shalt  }
0x44: {  	_ =	shalt  }
0x45: {  	_ =	shalt  }
0x46: {  	_ =	shalt  }
0x47: {  	_ =	shalt  }
0x48: {  	_ =	shalt  }
0x49: {  	_ =	shalt  }
0x4a: {  	_ =	shalt  }
0x4b: {  	_ =	shalt  }
0x4c: {  	_ =	shalt  }
0x4d: {  	_ =	shalt  }
0x4e: {  	_ =	shalt  }
0x4f: {  	_ =	shalt  }
0x50: {  	_ =	shalt  }
0x51: {  	_ =	shalt  }
0x52: {  	_ =	shalt  }
0x53: {  	_ =	shalt  }
0x54: {  	_ =	shalt  }
0x55: {  	_ =	shalt  }
0x56: {  	_ =	shalt  }
0x57: {  	_ =	shalt  }
0x58: {  	_ =	shalt  }
0x59: {  	_ =	shalt  }
0x5a: {  	_ =	shalt  }
0x5b: {  	_ =	shalt  }
0x5c: {  	_ =	shalt  }
0x5d: {  	_ =	shalt  }
0x5e: {  	_ =	shalt  }
0x5f: {  	_ =	shalt  }
0x60: {  	_ =	shalt  }
0x61: {  	_ =	shalt  }
0x62: {  	_ =	shalt  }
0x63: {  	_ =	shalt  }
0x64: {  	_ =	shalt  }
0x65: {  	_ =	shalt  }
0x66: {  	_ =	shalt  }
0x67: {  	_ =	shalt  }
0x68: {  	_ =	shalt  }
0x69: {  	_ =	shalt  }
0x6a: {  	_ =	shalt  }
0x6b: {  	_ =	shalt  }
0x6c: {  	_ =	shalt  }
0x6d: {  	_ =	shalt  }
0x6e: {  	_ =	shalt  }
0x6f: {  	_ =	shalt  }
0x70: {  	_ =	shalt  }
0x71: {  	_ =	shalt  }
0x72: {  	_ =	shalt  }
0x73: {  	_ =	shalt  }
0x74: {  	_ =	shalt  }
0x75: {  	_ =	shalt  }
0x76: {  	_ =	shalt  }
0x77: {  	_ =	shalt  }
0x78: {  	_ =	shalt  }
0x79: {  	_ =	shalt  }
0x7a: {  	_ =	shalt  }
0x7b: {  	_ =	shalt  }
0x7c: {  	_ =	shalt  }
0x7d: {  	_ =	shalt  }
0x7e: {  	_ =	shalt  }
0x7f: {  	_ =	shalt  }
0x80: {  	_ =	shalt  }
0x81: {  	_ =	shalt  }
0x82: {  	_ =	shalt  }
0x83: {  	_ =	shalt  }
0x84: {  	_ =	shalt  }
0x85: {  	_ =	shalt  }
0x86: {  	_ =	shalt  }
0x87: {  	_ =	shalt  }
.Lfunc_end0:
.L_simem_size_0:
called_computation_lowered:
.L_overlay_start_0:
0x88: {  	s2 =	sld [smem:$0x3FD9]  }
0x89: {  	s3 =	sld [smem:$0x3FFE];
	_ =	sdelay $0x1  }
0x8a: {  	s1 =	srdreg.scid  }
0x8b: {  	s0 =	sand.u32 $0x1, s1  }
0x8c: {  	s17 =	sshll.u32 s0, $0xA;
	s2 =	sadd.s32 s3, s2  }
0x8d: {  	s2 =	sadd.s32 s2, s17  }
0x8e: {  	[smem:$0x3FC2] =	sst s2  }
0x8f: {  	_ = 	snop  }
0x90: {  	s2 =	sld [smem:$0x3FD0];
	(tm) =	ssettm $0x1  }
0x91: {  	s18 =	sld [smem:$0x3FFB];
	_ =	sdelay $0x3  }
0x92: {  	_ =	strace s18  }
0x93: {  	s3 =	sld [smem:$0x3FFC];
	_ =	sdelay $0x3  }
0x94: {  	_ =	strace s3  }
0x95: {  	s3 =	sld [smem:$0x3FFD];
	_ =	sdelay $0x3  }
0x96: {  	_ =	strace s3  }
0x97: {  	_ =	strace $0x8FFFFFFF  }
0x98: {  	s19 =	sld [smem:$0x3FDB];
	_ =	sdelay $0x1  }
0x99: {  	s4 =	simm.s32 $_scs_section_size  }
0x9a: {  	s5 =	simm.s32 $_size__tile_overlayer_lowered;
	s6 =	simm.s32 $_tile_overlayer_lowered  }
0x9b: {  	s22 =	simm.s32 $0x1BFF;
	s21 =	sshll.u32 s6, $0x1;
	s3 =	sadd.s32 s4, s19  }
0x9c: {  	s7 =	simm.s32 $0x0;
	s20 =	sshll.u32 s5, $0x1;
	s5 =	sadd.s32 s21, s3  }
0x9d: {  	[timem:s7], [sflag:s22] =	dma.local [hbm:s5], s20  }
0x9e: {  	_ =	swait.ge [sflag:s22], s20  }
0x9f: {  	s4 =	ssub.s32 $0x0, s20;
	[sflag:s22] =	ssyncset.done $0x0  }
0xa0: {  	[sflag:s22] =	ssyncadd.s32 s4;
	_ =	sdelay $0x1  }
0xa1: {  	s23 =	simm.s32 $0x1B8B  }
0xa2: {  	_ =	swait.ge [sflag:s23], $0x1  }
0xa3: {  	[sflag:s23] =	ssyncset.done $0x0  }
0xa4: {  	s25 =	simm.s32 $0x1B8E;
	s24 =	sld [smem:$0x3FFE];
	[sflag:s23] =	ssyncadd.s32 $0xFFFFFFFF  }
0xa5: {  	s26 =	simm.s32 $execute0_lowered;
	[smem:$0x3FD2] =	sst s25  }
0xa6: {  	s5 =	sshll.u32 s26, $0x1;
	_ =	strace $0x80000046;
	[dreg:$0x1] =	wrdreg $0xFFFFFFFF  }
0xa7: {  	s28 =	simm.s32 $_size_execute0_lowered;
	s3 =	sadd.s32 s3, s5;
	[dreg:$0x0] =	wrdreg $0x0  }
0xa8: {  	s5 =	sshll.u32 s28, $0x1;
	[dreg:$0x2] =	wrdreg s3  }
0xa9: {  	[dreg:$0x3] =	wrdreg s5  }
0xaa: {  	[dreg:$0x4] =	wrdreg $0xC0  }
0xab: {  	_ =	task [dreg:s7], $0x5FFFF  }
0xac: {  	[dreg:$0x1] =	wrdreg $0xFFFFFFFF  }
0xad: {  	[dreg:$0x0] =	wrdreg $0x60  }
0xae: {  	[dreg:$0x2] =	wrdreg s2  }
0xaf: {  	[dreg:$0x3] =	wrdreg s24  }
0xb0: {  	[dreg:$0x4] =	wrdreg $0x9  }
0xb1: {  	_ =	task.clear_ibuf [dreg:s7], $0x5FFFF;
	_ =	strace $0x90000046  }
0xb2: {  	s29 =	simm.s32 $0x9;
	_ =	strace $0x80000048  }
0xb3: {  	_ =	swait.ge [sflag:s29], $0x1  }
0xb4: {  	[sflag:s29] =	ssyncadd.s32 $0xFFFFFFFF  }
0xb5: {  	_ =	strace $0x90000048  }
0xb6: {  	_ =	sfence  }
0xb7: {  	s30 =	sld [smem:$0x0];
	_ =	sdelay $0x2  }
0xb8: {  	s31 =	sshll.u32 s1, $0xD;
	s1 =	sshrl.u32 s1, $0x2  }
0xb9: {  	s3 =	sand.u32 $0x4000, s31;
	s1 =	sadd.s32 s1, s30  }
0xba: {  	s0 =	sor.u32 s3, s0;
	s1 =	sshll.u32 s1, $0x11  }
0xbb: {  	s0 =	sor.u32 s1, s0  }
0xbc: {  	s0 =	sadd.s32 $0x8F2B, s0  }
0xbd: {  	[sflag:s0] =	ssyncadd.remote.s32 $0x1  }
0xbe: {  	_ =	sfence.sel $0xFFFF  }
0xbf: {  	[dreg:$0x0] =	wrdreg $0xFFFFFFFF;
	(pc) =	sbr.abs _section_cstart, $3  }
0xc0: {  	[dreg:$0x1] =	wrdreg $0xFFFFFFFF  }
0xc1: {  	_ =	task.clear_ibuf [dreg:s7], $0x2FFFF;
	_ =	strace $0x9FFFFFFF  }
0xc2: {  	(tm) =	ssettm $0x7FFFFFFF  }
0xc3: {  	_ =	shalt  }
tec
execute0_lowered:
.L_overlay_start_1:
0x0: {  	(tag) =	ssettag $0x1  }
0x1: {  	s0 =	srdreg.scid;
	s4 =	rddreg [dreg:$0x0]  }
0x2: {  	s5 =	rddreg [dreg:$0x1];
	s3 =	sand.u32 $0x1, s0  }
0x3: {  	s2 =	simm.s32 $0x0;
	s0 =	stileid.u32;
	s1 =	sshll.u32 s3, $0x4  }
0x4: {  	s10 =	simm.s32 $0x5000;
	s11 =	simm.s32 $0x7780;
	s6 =	sor.u32 s0, s1  }
0x5: {  	s12 =	simm.s32 $0x0;
	s3 =	ssub.s32 $0x2, s3;
	s7 =	smul.u32 $0x500, s6  }
0x6: {  	[smem:$0x7FF] =	sst s2;
	s9 =	sshrl.u32 s3, $0x1;
	s6 =	smul.u32 $0x4F0, s6  }
0x7: {  	s1 =	rddreg [dreg:$0x2];
	_ =	strace $0x80000047;
	s9 =	ssub.s32 s3, s9  }
0x8: {  	s8 =	sadd.s32 s7, s5;
	s6 =	sadd.s32 s6, s5;
	s3 =	sadd.s32 s4, s7  }
0x9: {  	s7 =	smax.u32 s9, $0x1;
	s9 =	simm.s32 $0x2800;
	s4 =	sadd.s32 $0x1E00, s8  }
0xa: {  	v0 =	vimm.f32 $0.0e+00;
	v1 =	vimm.f32 $1.000000000e+00;
	s5 =	sadd.s32 $0xBE00, s6;
	s6 =	sadd.s32 $0x15C00, s6;
	s8 =	simm.s32 $0x1  }
.LBB2_1:
0xb: {  	[tilespmem:s2], [sflag:$0x1] =	stream.linear.gather [hbm4b:s3+s2], $0x2800, $0x38;
	[tilespmem:$0x9F00] =	vst v63  }
0xc: {  	_ =	swait.ge [sflag:s8], $0x2800  }
0xd: {  	[sflag:s8] =	ssyncset.done $0x0  }
0xe: {  	[sflag:s8] =	ssyncadd.s32 $0xFFFFD800  }
0xf: {  	[tilespmem:s9], [sflag:$0x1] =	stream.linear.gather [hbm4b:s4+s2], $0x2800, $0x38;
	[tilespmem:$0x9F00] =	vst v63  }
0x10: {  	_ =	swait.ge [sflag:s8], $0x2800  }
0x11: {  	[sflag:s8] =	ssyncset.done $0x0  }
0x12: {  	s13 =	simm.s32 $0x0;
	[sflag:s8] =	ssyncadd.s32 $0xFFFFD800  }
.LBB2_2:
0x13: {  	p0 =	sne.s32 s13, $0x9DC0  }
.Ltmp0:
0x14: {  	_ = 	snop;
	(pc) =	sbr.rel @p0 .LBB2_2-.Ltmp0, $4  }
0x15: {  	_ = 	snop  }
0x16: {  	s14 =	sshra.s32 s13, $0x2  }
0x17: {  	[tilespmem:s14+$0x5000] =	vst v0  }
0x18: {  	s13 =	sadd.s32 $0x40, s13;
	[tilespmem:s14+$0x7780] =	vst v0  }
0x19: {  	s13 =	simm.s32 $0x0  }
.LBB2_4:
0x1a: {  	s14 =	sshra.s32 s13, $0x2  }
0x1b: {  	v2 =	vld [tilespmem:s14+$0x0];
	_ =	sdelay $0x7  }
0x1c: {  	[tilespmem:v2+s10+$0x0] =	vst.idx.add.f32.msk $0xffff, v1  }
0x1d: {  	v2 =	vld [tilespmem:s14+$0x2800];
	_ =	sdelay $0x7  }
0x1e: {  	[tilespmem:v2+s11+$0x0] =	vst.idx.add.f32.msk $0xffff, v1  }
0x1f: {  	v2 =	vld [tilespmem:s14+$0x10];
	_ =	sdelay $0x7  }
0x20: {  	[tilespmem:v2+s10+$0x0] =	vst.idx.add.f32.msk $0xffff, v1  }
0x21: {  	v2 =	vld [tilespmem:s14+$0x2810];
	_ =	sdelay $0x7  }
0x22: {  	[tilespmem:v2+s11+$0x0] =	vst.idx.add.f32.msk $0xffff, v1  }
0x23: {  	v2 =	vld [tilespmem:s14+$0x20];
	_ =	sdelay $0x7  }
0x24: {  	[tilespmem:v2+s10+$0x0] =	vst.idx.add.f32.msk $0xffff, v1  }
0x25: {  	v2 =	vld [tilespmem:s14+$0x2820];
	_ =	sdelay $0x7  }
0x26: {  	[tilespmem:v2+s11+$0x0] =	vst.idx.add.f32.msk $0xffff, v1  }
0x27: {  	v2 =	vld [tilespmem:s14+$0x30];
	_ =	sdelay $0x7  }
0x28: {  	[tilespmem:v2+s10+$0x0] =	vst.idx.add.f32.msk $0xffff, v1  }
0x29: {  	v2 =	vld [tilespmem:s14+$0x2830];
	_ =	sdelay $0x7  }
0x2a: {  	[tilespmem:v2+s11+$0x0] =	vst.idx.add.f32.msk $0xffff, v1  }
0x2b: {  	v2 =	vld [tilespmem:s14+$0x40];
	_ =	sdelay $0x7  }
0x2c: {  	[tilespmem:v2+s10+$0x0] =	vst.idx.add.f32.msk $0xffff, v1  }
0x2d: {  	v2 =	vld [tilespmem:s14+$0x2840];
	_ =	sdelay $0x7  }
0x2e: {  	[tilespmem:v2+s11+$0x0] =	vst.idx.add.f32.msk $0xffff, v1  }
0x2f: {  	v2 =	vld [tilespmem:s14+$0x50];
	_ =	sdelay $0x7  }
0x30: {  	[tilespmem:v2+s10+$0x0] =	vst.idx.add.f32.msk $0xffff, v1  }
0x31: {  	v2 =	vld [tilespmem:s14+$0x2850];
	_ =	sdelay $0x7  }
0x32: {  	[tilespmem:v2+s11+$0x0] =	vst.idx.add.f32.msk $0xffff, v1  }
0x33: {  	v2 =	vld [tilespmem:s14+$0x60];
	_ =	sdelay $0x7  }
0x34: {  	[tilespmem:v2+s10+$0x0] =	vst.idx.add.f32.msk $0xffff, v1  }
0x35: {  	v2 =	vld [tilespmem:s14+$0x2860];
	_ =	sdelay $0x7  }
0x36: {  	[tilespmem:v2+s11+$0x0] =	vst.idx.add.f32.msk $0xffff, v1  }
0x37: {  	v2 =	vld [tilespmem:s14+$0x70];
	_ =	sdelay $0x7  }
0x38: {  	[tilespmem:v2+s10+$0x0] =	vst.idx.add.f32.msk $0xffff, v1  }
0x39: {  	v2 =	vld [tilespmem:s14+$0x2870];
	_ =	sdelay $0x2  }
0x3a: {  	p0 =	sne.s32 s13, $0x9E00  }
.Ltmp1:
0x3b: {  	_ = 	snop;
	(pc) =	sbr.rel @p0 .LBB2_4-.Ltmp1, $2  }
0x3c: {  	_ =	sdelay $0x2  }
0x3d: {  	s13 =	sadd.s32 $0x200, s13;
	[tilespmem:v2+s11+$0x0] =	vst.idx.add.f32.msk $0xffff, v1  }
0x3e: {  	[hbm4b:s5+s2] =	stream.linear.scatter [tilespmem:s10], [sflag:$0x1], $0x2780, $0x38;
	[tilespmem:$0x9F00] =	vst v63  }
0x3f: {  	s12 =	sadd.s32 $0x1, s12;
	_ =	swait.ge [sflag:s8], $0x2780  }
0x40: {  	p0 =	sne.s32 s12, s7;
	[sflag:s8] =	ssyncset.done $0x0  }
.Ltmp2:
0x41: {  	[sflag:s8] =	ssyncadd.s32 $0xFFFFD880;
	(pc) =	sbr.rel @p0 .LBB2_1-.Ltmp2, $4  }
0x42: {  	[hbm4b:s6+s2] =	stream.linear.scatter [tilespmem:s11], [sflag:$0x1], $0x2780, $0x38;
	[tilespmem:$0x9F00] =	vst v63  }
0x43: {  	_ =	swait.ge [sflag:s8], $0x2780  }
0x44: {  	[sflag:s8] =	ssyncset.done $0x0  }
0x45: {  	[sflag:s8] =	ssyncadd.s32 $0xFFFFD880  }
0x46: {  	_ =	sfence.sel $0x180000  }
0x47: {  	[bflag:$0x0] =	sbarrier.arrive $0xFFFF  }
0x48: {  	p0 =	sne.s32 s0, $0x0;
	_ =	strace $0x90000047  }
0x49: {  	s0 =	sadd.s32 @!p0 $0x100000, s1;
	[bflag:$0x2] =	sbarrier.arrive $0xFFFF  }
0x4a: {  	[sflag:s0] =	ssyncadd.tile.s32 @!p0 $0x1;
	_ =	shalt  }
.Lfunc_end2:
_tile_overlayer_lowered:
.L_overlay_start_2:
0x4b: {  	(tag) =	ssettag $0x2  }
0x4c: {  	s0 =	rddreg [dreg:$0x0];
	s2 =	stileid.u32  }
0x4d: {  	s1 =	rddreg [dreg:$0x1];
	p0 =	sne.s32 s2, $0x0  }
0x4e: {  	s3 =	rddreg [dreg:$0x2];
	[bflag:$0x3] =	sbarrier.arrive $0xFFFF;
	s2 =	simm.s32 @!p0 $0x1C01  }
0x4f: {  	[timem:s3], [sflag:s2] =	dma.local @!p0 [hbm:s0], s1  }
0x50: {  	s0 =	simm.s32 @!p0 $0x1  }
0x51: {  	_ =	swait.ge @!p0 [sflag:s0], s1  }
0x52: {  	s1 =	ssub.s32 @!p0 $0x0, s1;
	[sflag:s0] =	ssyncset.done @!p0 $0x0  }
0x53: {  	[sflag:s0] =	ssyncadd.s32 @!p0 s1  }
0x54: {  	[bflag:$0x3] =	sbarrier.arrive $0xFFFF  }
0x55: {  	_ =	shalt  }

</sc_bundles>
